<compile_context>
chip_gen: v7x
topology: tpu7x:2x2x1
jax: 0.10.2.dev20260603
libtpu: 0.0.44.dev20260713+nightly
codegen_flags: <defaults>
</compile_context>

<pallas_src>
import functools

import jax
import jax.numpy as jnp
from jax import lax
from jax.experimental import pallas as pl
from jax.experimental.pallas import tpu as pltpu
from jax.experimental.pallas import tpu_sc as plsc

N = 50000
E = 800000
D = 64
Q = 16
BN = 1000
GRID = N // BN
EP = 819200
CH = 320
NCHUNK = 160
TEDGE = CH * NCHUNK
TRASH = N
RACC = 50016
ZCH = RACC // 16
WB = N // 16
EPS = 1e-5



def _sc_body(x0_hbm, x1_hbm, x2_hbm, x3_hbm, col_hbm, row_hbm, z_hbm,
             a0_hbm, a1_hbm, a2_hbm, a3_hbm,
             colb0, rowb0, colb1, rowb1, rows0, rows1,
             acc, tbl, ic0, ir0, ic1, ir1, gs0, gs1):
    c = lax.axis_index("c")
    s = lax.axis_index("s")
    tb = s * TEDGE

    def idx_slice(j):
        return pl.ds(jnp.minimum(tb + j * CH, EP - CH), CH)

    def issue_idx(j, cb, rb, csem, rsem):
        pltpu.async_copy(col_hbm.at[idx_slice(j)], cb, csem)
        pltpu.async_copy(row_hbm.at[idx_slice(j)], rb, rsem)

    def wait_idx(j, cb, rb, csem, rsem):
        pltpu.make_async_copy(col_hbm.at[idx_slice(j)], cb, csem).wait()
        pltpu.make_async_copy(row_hbm.at[idx_slice(j)], rb, rsem).wait()

    def one_pass(table_hbm, out):
        zslc = pl.ds(s * ZCH, ZCH)
        pltpu.sync_copy(z_hbm.at[zslc], acc.at[zslc])
        tslc = pl.ds(s * WB, WB)
        pltpu.sync_copy(table_hbm.at[tslc], tbl.at[tslc])
        plsc.subcore_barrier()

        issue_idx(0, colb0, rowb0, ic0, ir0)
        issue_idx(1, colb1, rowb1, ic1, ir1)

        def pair(k, carry):
            j0 = 2 * k
            j1 = 2 * k + 1
            wait_idx(j0, colb0, rowb0, ic0, ir0)
            g0 = pltpu.async_copy(tbl.at[colb0], rows0, gs0)
            wait_idx(j1, colb1, rowb1, ic1, ir1)
            g0.wait()
            g1 = pltpu.async_copy(tbl.at[colb1], rows1, gs1)
            pltpu.sync_copy(rows0, acc.at[rowb0], add=True)
            issue_idx(j0 + 2, colb0, rowb0, ic0, ir0)
            g1.wait()
            pltpu.sync_copy(rows1, acc.at[rowb1], add=True)
            issue_idx(j1 + 2, colb1, rowb1, ic1, ir1)
            return carry
        lax.fori_loop(0, NCHUNK // 2, pair, 0)
        wait_idx(NCHUNK, colb0, rowb0, ic0, ir0)
        wait_idx(NCHUNK + 1, colb1, rowb1, ic1, ir1)

        plsc.subcore_barrier()
        oslc = pl.ds(s * WB, WB)
        pltpu.sync_copy(acc.at[oslc], out.at[oslc])
        plsc.subcore_barrier()

    @pl.when(c == 0)
    def _():
        one_pass(x0_hbm, a0_hbm)
        one_pass(x1_hbm, a1_hbm)

    @pl.when(c == 1)
    def _():
        one_pass(x2_hbm, a2_hbm)
        one_pass(x3_hbm, a3_hbm)


@functools.cache
def _get_sc_msgpass():
    qshape = jax.ShapeDtypeStruct((N, Q), jnp.float32)
    return functools.partial(
        pl.kernel,
        mesh=plsc.VectorSubcoreMesh(core_axis_name="c", subcore_axis_name="s"),
        compiler_params=pltpu.CompilerParams(use_tc_tiling_on_sc=False),
        out_type=(qshape, qshape, qshape, qshape),
        scratch_types=[
            pltpu.VMEM((CH,), jnp.int32),
            pltpu.VMEM((CH,), jnp.int32),
            pltpu.VMEM((CH,), jnp.int32),
            pltpu.VMEM((CH,), jnp.int32),
            pltpu.VMEM((CH, Q), jnp.float32),
            pltpu.VMEM((CH, Q), jnp.float32),
            pltpu.VMEM_SHARED((RACC, Q), jnp.float32),
            pltpu.VMEM_SHARED((N, Q), jnp.float32),
            pltpu.SemaphoreType.DMA,
            pltpu.SemaphoreType.DMA,
            pltpu.SemaphoreType.DMA,
            pltpu.SemaphoreType.DMA,
            pltpu.SemaphoreType.DMA,
            pltpu.SemaphoreType.DMA,
        ],
    )(_sc_body)



def _store_quarters(t, orefs):
    for q, o in enumerate(orefs):
        o[...] = t[:, q * Q:(q + 1) * Q]


def _cat_quarters(xrefs, arefs):
    return jnp.concatenate(
        [x[...] + a[...] for x, a in zip(xrefs, arefs)], axis=-1)


def _ln(h, g, b):
    mu = jnp.mean(h, axis=-1, keepdims=True)
    d = h - mu
    var = jnp.mean(d * d, axis=-1, keepdims=True)
    return d * lax.rsqrt(var + EPS) * g + b


def _mm1_body(x_ref, w_ref, b_ref, o0, o1, o2, o3):
    t = jnp.dot(x_ref[...], w_ref[...],
                preferred_element_type=jnp.float32) + b_ref[...]
    _store_quarters(t, (o0, o1, o2, o3))


def _fuse_body(x0, x1, x2, x3, a0, a1, a2, a3, g, bb, w, b, o0, o1, o2, o3):
    h = jnp.maximum(_cat_quarters((x0, x1, x2, x3), (a0, a1, a2, a3)), 0.0)
    y = _ln(h, g[...], bb[...])
    t = jnp.dot(y, w[...], preferred_element_type=jnp.float32) + b[...]
    _store_quarters(t, (o0, o1, o2, o3))


def _final_body(x0, x1, x2, x3, a0, a1, a2, a3, g, bb, og, ob, o):
    h = jnp.maximum(_cat_quarters((x0, x1, x2, x3), (a0, a1, a2, a3)), 0.0)
    y = _ln(h, g[...], bb[...])
    o[...] = _ln(y, og[...], ob[...])


_full = lambda i: (0, 0)
_rowblk_q = pl.BlockSpec((BN, Q), lambda i: (i, 0))
_qshape = jax.ShapeDtypeStruct((N, Q), jnp.float32)
_param = pl.BlockSpec((1, D), _full)

_mm1 = pl.pallas_call(
    _mm1_body,
    grid=(GRID,),
    in_specs=[
        pl.BlockSpec((BN, D), lambda i: (i % 10, 0)),
        pl.BlockSpec((D, D), _full),
        _param,
    ],
    out_specs=[_rowblk_q] * 4,
    out_shape=(_qshape,) * 4,
)

_fuse = pl.pallas_call(
    _fuse_body,
    grid=(GRID,),
    in_specs=[_rowblk_q] * 8 + [_param, _param, pl.BlockSpec((D, D), _full), _param],
    out_specs=[_rowblk_q] * 4,
    out_shape=(_qshape,) * 4,
)

_final = pl.pallas_call(
    _final_body,
    grid=(GRID,),
    in_specs=[_rowblk_q] * 8 + [_param] * 4,
    out_specs=pl.BlockSpec((BN, D), lambda i: (i, 0)),
    out_shape=jax.ShapeDtypeStruct((N, D), jnp.float32),
)


def kernel(edge_index, emb, W1, b1, W2, b2, W3, b3, ln_g, ln_b, out_g, out_b):
    row = edge_index[0]
    col = edge_index[1]
    colp = jnp.concatenate([col, jnp.zeros((EP - E,), jnp.int32)])
    rowp = jnp.concatenate([row, jnp.full((EP - E,), TRASH, jnp.int32)])
    zacc = jnp.zeros((RACC, Q), jnp.float32)
    b1r, b2r, b3r = b1.reshape(1, D), b2.reshape(1, D), b3.reshape(1, D)
    gr, br = ln_g.reshape(1, D), ln_b.reshape(1, D)
    ogr, obr = out_g.reshape(1, D), out_b.reshape(1, D)

    sc_msgpass = _get_sc_msgpass()
    xs = _mm1(emb, W1, b1r)
    aa = sc_msgpass(*xs, colp, rowp, zacc)
    xs = _fuse(*xs, *aa, gr, br, W2, b2r)
    aa = sc_msgpass(*xs, colp, rowp, zacc)
    xs = _fuse(*xs, *aa, gr, br, W3, b3r)
    aa = sc_msgpass(*xs, colp, rowp, zacc)
    return _final(*xs, *aa, gr, br, ogr, obr)

# --- scband reference (transcript-rebuilt; emitter-appended) ---
"""Pipeline reference for scband-rpearladapter-54769422959143 (READ-ONLY COPY).

The authoritative reference and input builder live on the scoring server;
editing this copy changes nothing except your own understanding.
"""

import jax, jax.numpy as jnp
import numpy as np

N = 50000
E = 800000
D = 64
VOCAB = 10000


def layer_norm(x, g, b, eps=1e-5):
    mu = jnp.mean(x, axis=-1, keepdims=True)
    var = jnp.var(x, axis=-1, keepdims=True)
    return (x - mu) / jnp.sqrt(var + eps) * g + b


def setup_inputs(seed: int = 0):
    key = jax.random.key(seed)
    ks = jax.random.split(key, 12)
    edge_index = jax.random.randint(ks[0], (2, E), 0, N, dtype=jnp.int32)
    emb = jax.random.normal(ks[1], (VOCAB, D), dtype=jnp.float32) * 0.1
    W1 = jax.random.normal(ks[2], (D, D), dtype=jnp.float32) * 0.1
    b1 = jnp.zeros((D,), dtype=jnp.float32)
    W2 = jax.random.normal(ks[3], (D, D), dtype=jnp.float32) * 0.1
    b2 = jnp.zeros((D,), dtype=jnp.float32)
    W3 = jax.random.normal(ks[4], (D, D), dtype=jnp.float32) * 0.1
    b3 = jnp.zeros((D,), dtype=jnp.float32)
    ln_g = jnp.ones((D,), dtype=jnp.float32)
    ln_b = jnp.zeros((D,), dtype=jnp.float32)
    out_g = jnp.ones((D,), dtype=jnp.float32)
    out_b = jnp.zeros((D,), dtype=jnp.float32)
    return {
        'edge_index': edge_index,
        'emb': emb,
        'W1': W1, 'b1': b1,
        'W2': W2, 'b2': b2,
        'W3': W3, 'b3': b3,
        'ln_g': ln_g, 'ln_b': ln_b,
        'out_g': out_g, 'out_b': out_b,
    }


def reference(edge_index, emb, W1, b1, W2, b2, W3, b3, ln_g, ln_b, out_g, out_b):
    # FallbackSpatialEncoder path (PEARL not available).
    # num_nodes resolved to N (dict supplies proper batch/num_nodes).
    node_ids = jnp.arange(N, dtype=jnp.int32) % VOCAB
    x = jnp.take(emb, node_ids, axis=0)
    row = edge_index[0]
    col = edge_index[1]
    for (W, b) in ((W1, b1), (W2, b2), (W3, b3)):
        x_new = x @ W + b
        x_agg = jnp.zeros_like(x_new).at[row].add(jnp.take(x_new, col, axis=0))
        x = jax.nn.relu(x_new + x_agg)
        x = layer_norm(x, ln_g, ln_b)
    # output_projection is Identity (pe_out_dim == output_dim in fallback path)
    # final output LayerNorm
    out = layer_norm(x, out_g, out_b)
    return out

if __name__ == "__main__":
    import jax
    _d = setup_inputs()
    print(jax.jit(kernel)(*tuple(_d.values())))

</pallas_src>

<mosaic_0001>
#map = affine_map<(d0, d1) -> (0, 0)>
#map1 = affine_map<(d0, d1) -> (0)>
module attributes {stable_mosaic.version = 14 : i64} {
  func.func @_sc_body(%arg0: i32, %arg1: i32, %arg2: memref<50000x16xf32, #tpu.memory_space<hbm>>, %arg3: memref<50000x16xf32, #tpu.memory_space<hbm>>, %arg4: memref<50000x16xf32, #tpu.memory_space<hbm>>, %arg5: memref<50000x16xf32, #tpu.memory_space<hbm>>, %arg6: memref<819200xi32, #tpu.memory_space<hbm>>, %arg7: memref<819200xi32, #tpu.memory_space<hbm>>, %arg8: memref<50016x16xf32, #tpu.memory_space<hbm>>, %arg9: memref<50000x16xf32, #tpu.memory_space<hbm>>, %arg10: memref<50000x16xf32, #tpu.memory_space<hbm>>, %arg11: memref<50000x16xf32, #tpu.memory_space<hbm>>, %arg12: memref<50000x16xf32, #tpu.memory_space<hbm>>, %arg13: memref<320xi32, #tpu.memory_space<vmem>>, %arg14: memref<320xi32, #tpu.memory_space<vmem>>, %arg15: memref<320xi32, #tpu.memory_space<vmem>>, %arg16: memref<320xi32, #tpu.memory_space<vmem>>, %arg17: memref<320x16xf32, #tpu.memory_space<vmem>>, %arg18: memref<320x16xf32, #tpu.memory_space<vmem>>, %arg19: memref<50016x16xf32, #tpu.memory_space<vmem_shared>>, %arg20: memref<50000x16xf32, #tpu.memory_space<vmem_shared>>, %arg21: memref<!tpu.dma_semaphore, #tpu.memory_space<semaphore_mem>>, %arg22: memref<!tpu.dma_semaphore, #tpu.memory_space<semaphore_mem>>, %arg23: memref<!tpu.dma_semaphore, #tpu.memory_space<semaphore_mem>>, %arg24: memref<!tpu.dma_semaphore, #tpu.memory_space<semaphore_mem>>, %arg25: memref<!tpu.dma_semaphore, #tpu.memory_space<semaphore_mem>>, %arg26: memref<!tpu.dma_semaphore, #tpu.memory_space<semaphore_mem>>) attributes {dimension_semantics = [#tpu.dimension_semantics<core_parallel>, #tpu.dimension_semantics<subcore_parallel>], iteration_bounds = array<i64: 2, 16>, scalar_prefetch = 0 : i64, scratch_operands = 14 : i64, tpu.core_type = #tpu.core_type<sc_vector_subcore>, window_params = [{transform_indices = #map}, {transform_indices = #map}, {transform_indices = #map}, {transform_indices = #map}, {transform_indices = #map1}, {transform_indices = #map1}, {transform_indices = #map}, {transform_indices = #map}, {transform_indices = #map}, {transform_indices = #map}, {transform_indices = #map}]} {
    %mul3A = arith.constant 51200 : i32
    %mul3A_0 = arith.muli %arg1, %mul3A : i32
    %eq3A = arith.constant 0 : i32
    %eq3A_1 = arith.cmpi eq, %arg0, %eq3A : i32
    %convert_element_type3A = arith.extui %eq3A_1 : i1 to i32
    %cond3A = arith.constant 0 : i32
    %cond3A_2 = arith.cmpi ne, %convert_element_type3A, %cond3A : i32
    scf.if %cond3A_2 {
      %mul3A_8 = arith.constant 3126 : i32
      %mul3A_9 = arith.muli %arg1, %mul3A_8 : i32
      "tpu.region"() ({
        %run_scoped3A = tpu.sem_alloc : memref<!tpu.dma_semaphore, #tpu.memory_space<semaphore_mem>>
        %dma_start3A_128 = arith.constant 0 : i32
        %dma_start3A_129 = tpu.memref_slice %arg19[%mul3A_9, %dma_start3A_128] : memref<50016x16xf32, #tpu.memory_space<vmem_shared>> -> memref<3126x16xf32, #tpu.memory_space<vmem_shared>>
        %dma_start3A_130 = arith.constant 0 : i32
        %dma_start3A_131 = tpu.memref_slice %arg8[%mul3A_9, %dma_start3A_130] : memref<50016x16xf32, #tpu.memory_space<hbm>> -> memref<3126x16xf32, #tpu.memory_space<hbm>>
        tpu.enqueue_dma source(%dma_start3A_131 : memref<3126x16xf32, #tpu.memory_space<hbm>>) target(%dma_start3A_129 : memref<3126x16xf32, #tpu.memory_space<vmem_shared>>) target_semaphore(%run_scoped3A : memref<!tpu.dma_semaphore, #tpu.memory_space<semaphore_mem>>)
        %dma_wait3A_132 = arith.constant 0 : i32
        %dma_wait3A_133 = tpu.memref_slice %arg19[%mul3A_9, %dma_wait3A_132] : memref<50016x16xf32, #tpu.memory_space<vmem_shared>> -> memref<3126x16xf32, #tpu.memory_space<vmem_shared>>
        %dma_wait3A_134 = arith.constant 0 : i32
        %dma_wait3A_135 = tpu.memref_slice %arg8[%mul3A_9, %dma_wait3A_134] : memref<50016x16xf32, #tpu.memory_space<hbm>> -> memref<3126x16xf32, #tpu.memory_space<hbm>>
        tpu.wait_dma2 semaphore(%run_scoped3A : memref<!tpu.dma_semaphore, #tpu.memory_space<semaphore_mem>>) src(%dma_wait3A_135 : memref<3126x16xf32, #tpu.memory_space<hbm>>) dst(%dma_wait3A_133 : memref<3126x16xf32, #tpu.memory_space<vmem_shared>>)
        tpu.yield
      }) : () -> ()
      %mul3A_10 = arith.constant 3125 : i32
      %mul3A_11 = arith.muli %arg1, %mul3A_10 : i32
      "tpu.region"() ({
        %run_scoped3A = tpu.sem_alloc : memref<!tpu.dma_semaphore, #tpu.memory_space<semaphore_mem>>
        %dma_start3A_128 = arith.constant 0 : i32
        %dma_start3A_129 = tpu.memref_slice %arg20[%mul3A_11, %dma_start3A_128] : memref<50000x16xf32, #tpu.memory_space<vmem_shared>> -> memref<3125x16xf32, #tpu.memory_space<vmem_shared>>
        %dma_start3A_130 = arith.constant 0 : i32
        %dma_start3A_131 = tpu.memref_slice %arg2[%mul3A_11, %dma_start3A_130] : memref<50000x16xf32, #tpu.memory_space<hbm>> -> memref<3125x16xf32, #tpu.memory_space<hbm>>
        tpu.enqueue_dma source(%dma_start3A_131 : memref<3125x16xf32, #tpu.memory_space<hbm>>) target(%dma_start3A_129 : memref<3125x16xf32, #tpu.memory_space<vmem_shared>>) target_semaphore(%run_scoped3A : memref<!tpu.dma_semaphore, #tpu.memory_space<semaphore_mem>>)
        %dma_wait3A_132 = arith.constant 0 : i32
        %dma_wait3A_133 = tpu.memref_slice %arg20[%mul3A_11, %dma_wait3A_132] : memref<50000x16xf32, #tpu.memory_space<vmem_shared>> -> memref<3125x16xf32, #tpu.memory_space<vmem_shared>>
        %dma_wait3A_134 = arith.constant 0 : i32
        %dma_wait3A_135 = tpu.memref_slice %arg2[%mul3A_11, %dma_wait3A_134] : memref<50000x16xf32, #tpu.memory_space<hbm>> -> memref<3125x16xf32, #tpu.memory_space<hbm>>
        tpu.wait_dma2 semaphore(%run_scoped3A : memref<!tpu.dma_semaphore, #tpu.memory_space<semaphore_mem>>) src(%dma_wait3A_135 : memref<3125x16xf32, #tpu.memory_space<hbm>>) dst(%dma_wait3A_133 : memref<3125x16xf32, #tpu.memory_space<vmem_shared>>)
        tpu.yield
      }) : () -> ()
      %barrier3A = arith.constant 0 : index
      tpu.barrier barrier_id(%barrier3A)
      %add3A = arith.constant 0 : i32
      %add3A_12 = arith.addi %mul3A_0, %add3A : i32
      %min3A = arith.constant 818880 : i32
      %min3A_13 = arith.minsi %add3A_12, %min3A : i32
      %dma_start3A = tpu.memref_slice %arg6[%min3A_13] : memref<819200xi32, #tpu.memory_space<hbm>> -> memref<320xi32, #tpu.memory_space<hbm>>
      %dma_start3A_14 = tpu.memref_slice %arg6[%min3A_13] : memref<819200xi32, #tpu.memory_space<hbm>> -> memref<320xi32, #tpu.memory_space<hbm>>
      tpu.enqueue_dma source(%dma_start3A_14 : memref<320xi32, #tpu.memory_space<hbm>>) target(%arg13 : memref<320xi32, #tpu.memory_space<vmem>>) target_semaphore(%arg21 : memref<!tpu.dma_semaphore, #tpu.memory_space<semaphore_mem>>)
      %add3A_15 = arith.constant 0 : i32
      %add3A_16 = arith.addi %mul3A_0, %add3A_15 : i32
      %min3A_17 = arith.constant 818880 : i32
      %min3A_18 = arith.minsi %add3A_16, %min3A_17 : i32
      %dma_start3A_19 = tpu.memref_slice %arg7[%min3A_18] : memref<819200xi32, #tpu.memory_space<hbm>> -> memref<320xi32, #tpu.memory_space<hbm>>
      %dma_start3A_20 = tpu.memref_slice %arg7[%min3A_18] : memref<819200xi32, #tpu.memory_space<hbm>> -> memref<320xi32, #tpu.memory_space<hbm>>
      tpu.enqueue_dma source(%dma_start3A_20 : memref<320xi32, #tpu.memory_space<hbm>>) target(%arg14 : memref<320xi32, #tpu.memory_space<vmem>>) target_semaphore(%arg22 : memref<!tpu.dma_semaphore, #tpu.memory_space<semaphore_mem>>)
      %add3A_21 = arith.constant 320 : i32
      %add3A_22 = arith.addi %mul3A_0, %add3A_21 : i32
      %min3A_23 = arith.constant 818880 : i32
      %min3A_24 = arith.minsi %add3A_22, %min3A_23 : i32
      %dma_start3A_25 = tpu.memref_slice %arg6[%min3A_24] : memref<819200xi32, #tpu.memory_space<hbm>> -> memref<320xi32, #tpu.memory_space<hbm>>
      %dma_start3A_26 = tpu.memref_slice %arg6[%min3A_24] : memref<819200xi32, #tpu.memory_space<hbm>> -> memref<320xi32, #tpu.memory_space<hbm>>
      tpu.enqueue_dma source(%dma_start3A_26 : memref<320xi32, #tpu.memory_space<hbm>>) target(%arg15 : memref<320xi32, #tpu.memory_space<vmem>>) target_semaphore(%arg23 : memref<!tpu.dma_semaphore, #tpu.memory_space<semaphore_mem>>)
      %add3A_27 = arith.constant 320 : i32
      %add3A_28 = arith.addi %mul3A_0, %add3A_27 : i32
      %min3A_29 = arith.constant 818880 : i32
      %min3A_30 = arith.minsi %add3A_28, %min3A_29 : i32
      %dma_start3A_31 = tpu.memref_slice %arg7[%min3A_30] : memref<819200xi32, #tpu.memory_space<hbm>> -> memref<320xi32, #tpu.memory_space<hbm>>
      %dma_start3A_32 = tpu.memref_slice %arg7[%min3A_30] : memref<819200xi32, #tpu.memory_space<hbm>> -> memref<320xi32, #tpu.memory_space<hbm>>
      tpu.enqueue_dma source(%dma_start3A_32 : memref<320xi32, #tpu.memory_space<hbm>>) target(%arg16 : memref<320xi32, #tpu.memory_space<vmem>>) target_semaphore(%arg24 : memref<!tpu.dma_semaphore, #tpu.memory_space<semaphore_mem>>)
      %scan3A = arith.constant 0 : i32
      %scan3A_33 = arith.constant 0 : i32
      %scan3A_34 = arith.constant 80 : i32
      %scan3A_35 = arith.addi %scan3A_33, %scan3A_34 : i32
      %scan3A_36 = arith.constant 1 : i32
      scf.for %scan3A_128 = %scan3A_33 to %scan3A_35 step %scan3A_36  : i32 {
        %mul3A_129 = arith.constant 2 : i32
        %mul3A_130 = arith.muli %mul3A_129, %scan3A_128 : i32
        %mul3A_131 = arith.constant 2 : i32
        %mul3A_132 = arith.muli %mul3A_131, %scan3A_128 : i32
        %add3A_133 = arith.constant 1 : i32
        %add3A_134 = arith.addi %mul3A_132, %add3A_133 : i32
        %mul3A_135 = arith.constant 320 : i32
        %mul3A_136 = arith.muli %mul3A_130, %mul3A_135 : i32
        %add3A_137 = arith.addi %mul3A_0, %mul3A_136 : i32
        %min3A_138 = arith.constant 818880 : i32
        %min3A_139 = arith.minsi %add3A_137, %min3A_138 : i32
        %dma_wait3A_140 = tpu.memref_slice %arg6[%min3A_139] : memref<819200xi32, #tpu.memory_space<hbm>> -> memref<320xi32, #tpu.memory_space<hbm>>
        %dma_wait3A_141 = tpu.memref_slice %arg6[%min3A_139] : memref<819200xi32, #tpu.memory_space<hbm>> -> memref<320xi32, #tpu.memory_space<hbm>>
        tpu.wait_dma2 semaphore(%arg21 : memref<!tpu.dma_semaphore, #tpu.memory_space<semaphore_mem>>) src(%dma_wait3A_141 : memref<320xi32, #tpu.memory_space<hbm>>) dst(%arg13 : memref<320xi32, #tpu.memory_space<vmem>>)
        %mul3A_142 = arith.constant 320 : i32
        %mul3A_143 = arith.muli %mul3A_130, %mul3A_142 : i32
        %add3A_144 = arith.addi %mul3A_0, %mul3A_143 : i32
        %min3A_145 = arith.constant 818880 : i32
        %min3A_146 = arith.minsi %add3A_144, %min3A_145 : i32
        %dma_wait3A_147 = tpu.memref_slice %arg7[%min3A_146] : memref<819200xi32, #tpu.memory_space<hbm>> -> memref<320xi32, #tpu.memory_space<hbm>>
        %dma_wait3A_148 = tpu.memref_slice %arg7[%min3A_146] : memref<819200xi32, #tpu.memory_space<hbm>> -> memref<320xi32, #tpu.memory_space<hbm>>
        tpu.wait_dma2 semaphore(%arg22 : memref<!tpu.dma_semaphore, #tpu.memory_space<semaphore_mem>>) src(%dma_wait3A_148 : memref<320xi32, #tpu.memory_space<hbm>>) dst(%arg14 : memref<320xi32, #tpu.memory_space<vmem>>)
        %dma_start3A_149 = arith.constant 0 : i32
        %dma_start3A_150 = arith.constant 0 : i32
        %dma_start3A_151 = tpu.memref_slice %arg20[%dma_start3A_149, %dma_start3A_150] : memref<50000x16xf32, #tpu.memory_space<vmem_shared>> -> memref<50000x16xf32, #tpu.memory_space<vmem_shared>>
        tpu.enqueue_indirect_dma source(%dma_start3A_151 : memref<50000x16xf32, #tpu.memory_space<vmem_shared>>) target(%arg17 : memref<320x16xf32, #tpu.memory_space<vmem>>) offsets(%arg13 : memref<320xi32, #tpu.memory_space<vmem>>) semaphore(%arg25 : memref<!tpu.dma_semaphore, #tpu.memory_space<semaphore_mem>>)
        %mul3A_152 = arith.constant 320 : i32
        %mul3A_153 = arith.muli %add3A_134, %mul3A_152 : i32
        %add3A_154 = arith.addi %mul3A_0, %mul3A_153 : i32
        %min3A_155 = arith.constant 818880 : i32
        %min3A_156 = arith.minsi %add3A_154, %min3A_155 : i32
        %dma_wait3A_157 = tpu.memref_slice %arg6[%min3A_156] : memref<819200xi32, #tpu.memory_space<hbm>> -> memref<320xi32, #tpu.memory_space<hbm>>
        %dma_wait3A_158 = tpu.memref_slice %arg6[%min3A_156] : memref<819200xi32, #tpu.memory_space<hbm>> -> memref<320xi32, #tpu.memory_space<hbm>>
        tpu.wait_dma2 semaphore(%arg23 : memref<!tpu.dma_semaphore, #tpu.memory_space<semaphore_mem>>) src(%dma_wait3A_158 : memref<320xi32, #tpu.memory_space<hbm>>) dst(%arg15 : memref<320xi32, #tpu.memory_space<vmem>>)
        %mul3A_159 = arith.constant 320 : i32
        %mul3A_160 = arith.muli %add3A_134, %mul3A_159 : i32
        %add3A_161 = arith.addi %mul3A_0, %mul3A_160 : i32
        %min3A_162 = arith.constant 818880 : i32
        %min3A_163 = arith.minsi %add3A_161, %min3A_162 : i32
        %dma_wait3A_164 = tpu.memref_slice %arg7[%min3A_163] : memref<819200xi32, #tpu.memory_space<hbm>> -> memref<320xi32, #tpu.memory_space<hbm>>
        %dma_wait3A_165 = tpu.memref_slice %arg7[%min3A_163] : memref<819200xi32, #tpu.memory_space<hbm>> -> memref<320xi32, #tpu.memory_space<hbm>>
        tpu.wait_dma2 semaphore(%arg24 : memref<!tpu.dma_semaphore, #tpu.memory_space<semaphore_mem>>) src(%dma_wait3A_165 : memref<320xi32, #tpu.memory_space<hbm>>) dst(%arg16 : memref<320xi32, #tpu.memory_space<vmem>>)
        %dma_wait3A_166 = arith.constant 0 : i32
        %dma_wait3A_167 = arith.constant 0 : i32
        %dma_wait3A_168 = tpu.memref_slice %arg20[%dma_wait3A_166, %dma_wait3A_167] : memref<50000x16xf32, #tpu.memory_space<vmem_shared>> -> memref<50000x16xf32, #tpu.memory_space<vmem_shared>>
        tpu.wait_indirect_dma semaphore(%arg25 : memref<!tpu.dma_semaphore, #tpu.memory_space<semaphore_mem>>) src(%dma_wait3A_168 : memref<50000x16xf32, #tpu.memory_space<vmem_shared>>) dst(%arg17 : memref<320x16xf32, #tpu.memory_space<vmem>>)
        %dma_start3A_169 = arith.constant 0 : i32
        %dma_start3A_170 = arith.constant 0 : i32
        %dma_start3A_171 = tpu.memref_slice %arg20[%dma_start3A_169, %dma_start3A_170] : memref<50000x16xf32, #tpu.memory_space<vmem_shared>> -> memref<50000x16xf32, #tpu.memory_space<vmem_shared>>
        tpu.enqueue_indirect_dma source(%dma_start3A_171 : memref<50000x16xf32, #tpu.memory_space<vmem_shared>>) target(%arg18 : memref<320x16xf32, #tpu.memory_space<vmem>>) offsets(%arg15 : memref<320xi32, #tpu.memory_space<vmem>>) semaphore(%arg26 : memref<!tpu.dma_semaphore, #tpu.memory_space<semaphore_mem>>)
        "tpu.region"() ({
          %run_scoped3A = tpu.sem_alloc : memref<!tpu.dma_semaphore, #tpu.memory_space<semaphore_mem>>
          %dma_start3A_207 = arith.constant 0 : i32
          %dma_start3A_208 = arith.constant 0 : i32
          %dma_start3A_209 = tpu.memref_slice %arg19[%dma_start3A_207, %dma_start3A_208] : memref<50016x16xf32, #tpu.memory_space<vmem_shared>> -> memref<50016x16xf32, #tpu.memory_space<vmem_shared>>
          tpu.enqueue_indirect_dma source(%arg17 : memref<320x16xf32, #tpu.memory_space<vmem>>) target(%dma_start3A_209 : memref<50016x16xf32, #tpu.memory_space<vmem_shared>>) offsets(%arg14 : memref<320xi32, #tpu.memory_space<vmem>>) semaphore(%run_scoped3A : memref<!tpu.dma_semaphore, #tpu.memory_space<semaphore_mem>>) {add = true}
          %dma_wait3A_210 = arith.constant 0 : i32
          %dma_wait3A_211 = arith.constant 0 : i32
          %dma_wait3A_212 = tpu.memref_slice %arg19[%dma_wait3A_210, %dma_wait3A_211] : memref<50016x16xf32, #tpu.memory_space<vmem_shared>> -> memref<50016x16xf32, #tpu.memory_space<vmem_shared>>
          tpu.wait_indirect_dma semaphore(%run_scoped3A : memref<!tpu.dma_semaphore, #tpu.memory_space<semaphore_mem>>) src(%arg17 : memref<320x16xf32, #tpu.memory_space<vmem>>) dst(%dma_wait3A_212 : memref<50016x16xf32, #tpu.memory_space<vmem_shared>>)
          tpu.yield
        }) : () -> ()
        %add3A_172 = arith.constant 2 : i32
        %add3A_173 = arith.addi %mul3A_130, %add3A_172 : i32
        %mul3A_174 = arith.constant 320 : i32
        %mul3A_175 = arith.muli %add3A_173, %mul3A_174 : i32
        %add3A_176 = arith.addi %mul3A_0, %mul3A_175 : i32
        %min3A_177 = arith.constant 818880 : i32
        %min3A_178 = arith.minsi %add3A_176, %min3A_177 : i32
        %dma_start3A_179 = tpu.memref_slice %arg6[%min3A_178] : memref<819200xi32, #tpu.memory_space<hbm>> -> memref<320xi32, #tpu.memory_space<hbm>>
        %dma_start3A_180 = tpu.memref_slice %arg6[%min3A_178] : memref<819200xi32, #tpu.memory_space<hbm>> -> memref<320xi32, #tpu.memory_space<hbm>>
        tpu.enqueue_dma source(%dma_start3A_180 : memref<320xi32, #tpu.memory_space<hbm>>) target(%arg13 : memref<320xi32, #tpu.memory_space<vmem>>) target_semaphore(%arg21 : memref<!tpu.dma_semaphore, #tpu.memory_space<semaphore_mem>>)
        %mul3A_181 = arith.constant 320 : i32
        %mul3A_182 = arith.muli %add3A_173, %mul3A_181 : i32
        %add3A_183 = arith.addi %mul3A_0, %mul3A_182 : i32
        %min3A_184 = arith.constant 818880 : i32
        %min3A_185 = arith.minsi %add3A_183, %min3A_184 : i32
        %dma_start3A_186 = tpu.memref_slice %arg7[%min3A_185] : memref<819200xi32, #tpu.memory_space<hbm>> -> memref<320xi32, #tpu.memory_space<hbm>>
        %dma_start3A_187 = tpu.memref_slice %arg7[%min3A_185] : memref<819200xi32, #tpu.memory_space<hbm>> -> memref<320xi32, #tpu.memory_space<hbm>>
        tpu.enqueue_dma source(%dma_start3A_187 : memref<320xi32, #tpu.memory_space<hbm>>) target(%arg14 : memref<320xi32, #tpu.memory_space<vmem>>) target_semaphore(%arg22 : memref<!tpu.dma_semaphore, #tpu.memory_space<semaphore_mem>>)
        %dma_wait3A_188 = arith.constant 0 : i32
        %dma_wait3A_189 = arith.constant 0 : i32
        %dma_wait3A_190 = tpu.memref_slice %arg20[%dma_wait3A_188, %dma_wait3A_189] : memref<50000x16xf32, #tpu.memory_space<vmem_shared>> -> memref<50000x16xf32, #tpu.memory_space<vmem_shared>>
        tpu.wait_indirect_dma semaphore(%arg26 : memref<!tpu.dma_semaphore, #tpu.memory_space<semaphore_mem>>) src(%dma_wait3A_190 : memref<50000x16xf32, #tpu.memory_space<vmem_shared>>) dst(%arg18 : memref<320x16xf32, #tpu.memory_space<vmem>>)
        "tpu.region"() ({
          %run_scoped3A = tpu.sem_alloc : memref<!tpu.dma_semaphore, #tpu.memory_space<semaphore_mem>>
          %dma_start3A_207 = arith.constant 0 : i32
          %dma_start3A_208 = arith.constant 0 : i32
          %dma_start3A_209 = tpu.memref_slice %arg19[%dma_start3A_207, %dma_start3A_208] : memref<50016x16xf32, #tpu.memory_space<vmem_shared>> -> memref<50016x16xf32, #tpu.memory_space<vmem_shared>>
          tpu.enqueue_indirect_dma source(%arg18 : memref<320x16xf32, #tpu.memory_space<vmem>>) target(%dma_start3A_209 : memref<50016x16xf32, #tpu.memory_space<vmem_shared>>) offsets(%arg16 : memref<320xi32, #tpu.memory_space<vmem>>) semaphore(%run_scoped3A : memref<!tpu.dma_semaphore, #tpu.memory_space<semaphore_mem>>) {add = true}
          %dma_wait3A_210 = arith.constant 0 : i32
          %dma_wait3A_211 = arith.constant 0 : i32
          %dma_wait3A_212 = tpu.memref_slice %arg19[%dma_wait3A_210, %dma_wait3A_211] : memref<50016x16xf32, #tpu.memory_space<vmem_shared>> -> memref<50016x16xf32, #tpu.memory_space<vmem_shared>>
          tpu.wait_indirect_dma semaphore(%run_scoped3A : memref<!tpu.dma_semaphore, #tpu.memory_space<semaphore_mem>>) src(%arg18 : memref<320x16xf32, #tpu.memory_space<vmem>>) dst(%dma_wait3A_212 : memref<50016x16xf32, #tpu.memory_space<vmem_shared>>)
          tpu.yield
        }) : () -> ()
        %add3A_191 = arith.constant 2 : i32
        %add3A_192 = arith.addi %add3A_134, %add3A_191 : i32
        %mul3A_193 = arith.constant 320 : i32
        %mul3A_194 = arith.muli %add3A_192, %mul3A_193 : i32
        %add3A_195 = arith.addi %mul3A_0, %mul3A_194 : i32
        %min3A_196 = arith.constant 818880 : i32
        %min3A_197 = arith.minsi %add3A_195, %min3A_196 : i32
        %dma_start3A_198 = tpu.memref_slice %arg6[%min3A_197] : memref<819200xi32, #tpu.memory_space<hbm>> -> memref<320xi32, #tpu.memory_space<hbm>>
        %dma_start3A_199 = tpu.memref_slice %arg6[%min3A_197] : memref<819200xi32, #tpu.memory_space<hbm>> -> memref<320xi32, #tpu.memory_space<hbm>>
        tpu.enqueue_dma source(%dma_start3A_199 : memref<320xi32, #tpu.memory_space<hbm>>) target(%arg15 : memref<320xi32, #tpu.memory_space<vmem>>) target_semaphore(%arg23 : memref<!tpu.dma_semaphore, #tpu.memory_space<semaphore_mem>>)
        %mul3A_200 = arith.constant 320 : i32
        %mul3A_201 = arith.muli %add3A_192, %mul3A_200 : i32
        %add3A_202 = arith.addi %mul3A_0, %mul3A_201 : i32
        %min3A_203 = arith.constant 818880 : i32
        %min3A_204 = arith.minsi %add3A_202, %min3A_203 : i32
        %dma_start3A_205 = tpu.memref_slice %arg7[%min3A_204] : memref<819200xi32, #tpu.memory_space<hbm>> -> memref<320xi32, #tpu.memory_space<hbm>>
        %dma_start3A_206 = tpu.memref_slice %arg7[%min3A_204] : memref<819200xi32, #tpu.memory_space<hbm>> -> memref<320xi32, #tpu.memory_space<hbm>>
        tpu.enqueue_dma source(%dma_start3A_206 : memref<320xi32, #tpu.memory_space<hbm>>) target(%arg16 : memref<320xi32, #tpu.memory_space<vmem>>) target_semaphore(%arg24 : memref<!tpu.dma_semaphore, #tpu.memory_space<semaphore_mem>>)
      }
      %scan3A_37 = arith.constant 80 : i32
      %add3A_38 = arith.constant 51200 : i32
      %add3A_39 = arith.addi %mul3A_0, %add3A_38 : i32
      %min3A_40 = arith.constant 818880 : i32
      %min3A_41 = arith.minsi %add3A_39, %min3A_40 : i32
      %dma_wait3A = tpu.memref_slice %arg6[%min3A_41] : memref<819200xi32, #tpu.memory_space<hbm>> -> memref<320xi32, #tpu.memory_space<hbm>>
      %dma_wait3A_42 = tpu.memref_slice %arg6[%min3A_41] : memref<819200xi32, #tpu.memory_space<hbm>> -> memref<320xi32, #tpu.memory_space<hbm>>
      tpu.wait_dma2 semaphore(%arg21 : memref<!tpu.dma_semaphore, #tpu.memory_space<semaphore_mem>>) src(%dma_wait3A_42 : memref<320xi32, #tpu.memory_space<hbm>>) dst(%arg13 : memref<320xi32, #tpu.memory_space<vmem>>)
      %add3A_43 = arith.constant 51200 : i32
      %add3A_44 = arith.addi %mul3A_0, %add3A_43 : i32
      %min3A_45 = arith.constant 818880 : i32
      %min3A_46 = arith.minsi %add3A_44, %min3A_45 : i32
      %dma_wait3A_47 = tpu.memref_slice %arg7[%min3A_46] : memref<819200xi32, #tpu.memory_space<hbm>> -> memref<320xi32, #tpu.memory_space<hbm>>
      %dma_wait3A_48 = tpu.memref_slice %arg7[%min3A_46] : memref<819200xi32, #tpu.memory_space<hbm>> -> memref<320xi32, #tpu.memory_space<hbm>>
      tpu.wait_dma2 semaphore(%arg22 : memref<!tpu.dma_semaphore, #tpu.memory_space<semaphore_mem>>) src(%dma_wait3A_48 : memref<320xi32, #tpu.memory_space<hbm>>) dst(%arg14 : memref<320xi32, #tpu.memory_space<vmem>>)
      %add3A_49 = arith.constant 51520 : i32
      %add3A_50 = arith.addi %mul3A_0, %add3A_49 : i32
      %min3A_51 = arith.constant 818880 : i32
      %min3A_52 = arith.minsi %add3A_50, %min3A_51 : i32
      %dma_wait3A_53 = tpu.memref_slice %arg6[%min3A_52] : memref<819200xi32, #tpu.memory_space<hbm>> -> memref<320xi32, #tpu.memory_space<hbm>>
      %dma_wait3A_54 = tpu.memref_slice %arg6[%min3A_52] : memref<819200xi32, #tpu.memory_space<hbm>> -> memref<320xi32, #tpu.memory_space<hbm>>
      tpu.wait_dma2 semaphore(%arg23 : memref<!tpu.dma_semaphore, #tpu.memory_space<semaphore_mem>>) src(%dma_wait3A_54 : memref<320xi32, #tpu.memory_space<hbm>>) dst(%arg15 : memref<320xi32, #tpu.memory_space<vmem>>)
      %add3A_55 = arith.constant 51520 : i32
      %add3A_56 = arith.addi %mul3A_0, %add3A_55 : i32
      %min3A_57 = arith.constant 818880 : i32
      %min3A_58 = arith.minsi %add3A_56, %min3A_57 : i32
      %dma_wait3A_59 = tpu.memref_slice %arg7[%min3A_58] : memref<819200xi32, #tpu.memory_space<hbm>> -> memref<320xi32, #tpu.memory_space<hbm>>
      %dma_wait3A_60 = tpu.memref_slice %arg7[%min3A_58] : memref<819200xi32, #tpu.memory_space<hbm>> -> memref<320xi32, #tpu.memory_space<hbm>>
      tpu.wait_dma2 semaphore(%arg24 : memref<!tpu.dma_semaphore, #tpu.memory_space<semaphore_mem>>) src(%dma_wait3A_60 : memref<320xi32, #tpu.memory_space<hbm>>) dst(%arg16 : memref<320xi32, #tpu.memory_space<vmem>>)
      %barrier3A_61 = arith.constant 0 : index
      tpu.barrier barrier_id(%barrier3A_61)
      %mul3A_62 = arith.constant 3125 : i32
      %mul3A_63 = arith.muli %arg1, %mul3A_62 : i32
      "tpu.region"() ({
        %run_scoped3A = tpu.sem_alloc : memref<!tpu.dma_semaphore, #tpu.memory_space<semaphore_mem>>
        %dma_start3A_128 = arith.constant 0 : i32
        %dma_start3A_129 = tpu.memref_slice %arg9[%mul3A_63, %dma_start3A_128] : memref<50000x16xf32, #tpu.memory_space<hbm>> -> memref<3125x16xf32, #tpu.memory_space<hbm>>
        %dma_start3A_130 = arith.constant 0 : i32
        %dma_start3A_131 = tpu.memref_slice %arg19[%mul3A_63, %dma_start3A_130] : memref<50016x16xf32, #tpu.memory_space<vmem_shared>> -> memref<3125x16xf32, #tpu.memory_space<vmem_shared>>
        tpu.enqueue_dma source(%dma_start3A_131 : memref<3125x16xf32, #tpu.memory_space<vmem_shared>>) target(%dma_start3A_129 : memref<3125x16xf32, #tpu.memory_space<hbm>>) target_semaphore(%run_scoped3A : memref<!tpu.dma_semaphore, #tpu.memory_space<semaphore_mem>>)
        %dma_wait3A_132 = arith.constant 0 : i32
        %dma_wait3A_133 = tpu.memref_slice %arg9[%mul3A_63, %dma_wait3A_132] : memref<50000x16xf32, #tpu.memory_space<hbm>> -> memref<3125x16xf32, #tpu.memory_space<hbm>>
        %dma_wait3A_134 = arith.constant 0 : i32
        %dma_wait3A_135 = tpu.memref_slice %arg19[%mul3A_63, %dma_wait3A_134] : memref<50016x16xf32, #tpu.memory_space<vmem_shared>> -> memref<3125x16xf32, #tpu.memory_space<vmem_shared>>
        tpu.wait_dma2 semaphore(%run_scoped3A : memref<!tpu.dma_semaphore, #tpu.memory_space<semaphore_mem>>) src(%dma_wait3A_135 : memref<3125x16xf32, #tpu.memory_space<vmem_shared>>) dst(%dma_wait3A_133 : memref<3125x16xf32, #tpu.memory_space<hbm>>)
        tpu.yield
      }) : () -> ()
      %barrier3A_64 = arith.constant 0 : index
      tpu.barrier barrier_id(%barrier3A_64)
      %mul3A_65 = arith.constant 3126 : i32
      %mul3A_66 = arith.muli %arg1, %mul3A_65 : i32
      "tpu.region"() ({
        %run_scoped3A = tpu.sem_alloc : memref<!tpu.dma_semaphore, #tpu.memory_space<semaphore_mem>>
        %dma_start3A_128 = arith.constant 0 : i32
        %dma_start3A_129 = tpu.memref_slice %arg19[%mul3A_66, %dma_start3A_128] : memref<50016x16xf32, #tpu.memory_space<vmem_shared>> -> memref<3126x16xf32, #tpu.memory_space<vmem_shared>>
        %dma_start3A_130 = arith.constant 0 : i32
        %dma_start3A_131 = tpu.memref_slice %arg8[%mul3A_66, %dma_start3A_130] : memref<50016x16xf32, #tpu.memory_space<hbm>> -> memref<3126x16xf32, #tpu.memory_space<hbm>>
        tpu.enqueue_dma source(%dma_start3A_131 : memref<3126x16xf32, #tpu.memory_space<hbm>>) target(%dma_start3A_129 : memref<3126x16xf32, #tpu.memory_space<vmem_shared>>) target_semaphore(%run_scoped3A : memref<!tpu.dma_semaphore, #tpu.memory_space<semaphore_mem>>)
        %dma_wait3A_132 = arith.constant 0 : i32
        %dma_wait3A_133 = tpu.memref_slice %arg19[%mul3A_66, %dma_wait3A_132] : memref<50016x16xf32, #tpu.memory_space<vmem_shared>> -> memref<3126x16xf32, #tpu.memory_space<vmem_shared>>
        %dma_wait3A_134 = arith.constant 0 : i32
        %dma_wait3A_135 = tpu.memref_slice %arg8[%mul3A_66, %dma_wait3A_134] : memref<50016x16xf32, #tpu.memory_space<hbm>> -> memref<3126x16xf32, #tpu.memory_space<hbm>>
        tpu.wait_dma2 semaphore(%run_scoped3A : memref<!tpu.dma_semaphore, #tpu.memory_space<semaphore_mem>>) src(%dma_wait3A_135 : memref<3126x16xf32, #tpu.memory_space<hbm>>) dst(%dma_wait3A_133 : memref<3126x16xf32, #tpu.memory_space<vmem_shared>>)
        tpu.yield
      }) : () -> ()
      %mul3A_67 = arith.constant 3125 : i32
      %mul3A_68 = arith.muli %arg1, %mul3A_67 : i32
      "tpu.region"() ({
        %run_scoped3A = tpu.sem_alloc : memref<!tpu.dma_semaphore, #tpu.memory_space<semaphore_mem>>
        %dma_start3A_128 = arith.constant 0 : i32
        %dma_start3A_129 = tpu.memref_slice %arg20[%mul3A_68, %dma_start3A_128] : memref<50000x16xf32, #tpu.memory_space<vmem_shared>> -> memref<3125x16xf32, #tpu.memory_space<vmem_shared>>
        %dma_start3A_130 = arith.constant 0 : i32
        %dma_start3A_131 = tpu.memref_slice %arg3[%mul3A_68, %dma_start3A_130] : memref<50000x16xf32, #tpu.memory_space<hbm>> -> memref<3125x16xf32, #tpu.memory_space<hbm>>
        tpu.enqueue_dma source(%dma_start3A_131 : memref<3125x16xf32, #tpu.memory_space<hbm>>) target(%dma_start3A_129 : memref<3125x16xf32, #tpu.memory_space<vmem_shared>>) target_semaphore(%run_scoped3A : memref<!tpu.dma_semaphore, #tpu.memory_space<semaphore_mem>>)
        %dma_wait3A_132 = arith.constant 0 : i32
        %dma_wait3A_133 = tpu.memref_slice %arg20[%mul3A_68, %dma_wait3A_132] : memref<50000x16xf32, #tpu.memory_space<vmem_shared>> -> memref<3125x16xf32, #tpu.memory_space<vmem_shared>>
        %dma_wait3A_134 = arith.constant 0 : i32
        %dma_wait3A_135 = tpu.memref_slice %arg3[%mul3A_68, %dma_wait3A_134] : memref<50000x16xf32, #tpu.memory_space<hbm>> -> memref<3125x16xf32, #tpu.memory_space<hbm>>
        tpu.wait_dma2 semaphore(%run_scoped3A : memref<!tpu.dma_semaphore, #tpu.memory_space<semaphore_mem>>) src(%dma_wait3A_135 : memref<3125x16xf32, #tpu.memory_space<hbm>>) dst(%dma_wait3A_133 : memref<3125x16xf32, #tpu.memory_space<vmem_shared>>)
        tpu.yield
      }) : () -> ()
      %barrier3A_69 = arith.constant 0 : index
      tpu.barrier barrier_id(%barrier3A_69)
      %add3A_70 = arith.constant 0 : i32
      %add3A_71 = arith.addi %mul3A_0, %add3A_70 : i32
      %min3A_72 = arith.constant 818880 : i32
      %min3A_73 = arith.minsi %add3A_71, %min3A_72 : i32
      %dma_start3A_74 = tpu.memref_slice %arg6[%min3A_73] : memref<819200xi32, #tpu.memory_space<hbm>> -> memref<320xi32, #tpu.memory_space<hbm>>
      %dma_start3A_75 = tpu.memref_slice %arg6[%min3A_73] : memref<819200xi32, #tpu.memory_space<hbm>> -> memref<320xi32, #tpu.memory_space<hbm>>
      tpu.enqueue_dma source(%dma_start3A_75 : memref<320xi32, #tpu.memory_space<hbm>>) target(%arg13 : memref<320xi32, #tpu.memory_space<vmem>>) target_semaphore(%arg21 : memref<!tpu.dma_semaphore, #tpu.memory_space<semaphore_mem>>)
      %add3A_76 = arith.constant 0 : i32
      %add3A_77 = arith.addi %mul3A_0, %add3A_76 : i32
      %min3A_78 = arith.constant 818880 : i32
      %min3A_79 = arith.minsi %add3A_77, %min3A_78 : i32
      %dma_start3A_80 = tpu.memref_slice %arg7[%min3A_79] : memref<819200xi32, #tpu.memory_space<hbm>> -> memref<320xi32, #tpu.memory_space<hbm>>
      %dma_start3A_81 = tpu.memref_slice %arg7[%min3A_79] : memref<819200xi32, #tpu.memory_space<hbm>> -> memref<320xi32, #tpu.memory_space<hbm>>
      tpu.enqueue_dma source(%dma_start3A_81 : memref<320xi32, #tpu.memory_space<hbm>>) target(%arg14 : memref<320xi32, #tpu.memory_space<vmem>>) target_semaphore(%arg22 : memref<!tpu.dma_semaphore, #tpu.memory_space<semaphore_mem>>)
      %add3A_82 = arith.constant 320 : i32
      %add3A_83 = arith.addi %mul3A_0, %add3A_82 : i32
      %min3A_84 = arith.constant 818880 : i32
      %min3A_85 = arith.minsi %add3A_83, %min3A_84 : i32
      %dma_start3A_86 = tpu.memref_slice %arg6[%min3A_85] : memref<819200xi32, #tpu.memory_space<hbm>> -> memref<320xi32, #tpu.memory_space<hbm>>
      %dma_start3A_87 = tpu.memref_slice %arg6[%min3A_85] : memref<819200xi32, #tpu.memory_space<hbm>> -> memref<320xi32, #tpu.memory_space<hbm>>
      tpu.enqueue_dma source(%dma_start3A_87 : memref<320xi32, #tpu.memory_space<hbm>>) target(%arg15 : memref<320xi32, #tpu.memory_space<vmem>>) target_semaphore(%arg23 : memref<!tpu.dma_semaphore, #tpu.memory_space<semaphore_mem>>)
      %add3A_88 = arith.constant 320 : i32
      %add3A_89 = arith.addi %mul3A_0, %add3A_88 : i32
      %min3A_90 = arith.constant 818880 : i32
      %min3A_91 = arith.minsi %add3A_89, %min3A_90 : i32
      %dma_start3A_92 = tpu.memref_slice %arg7[%min3A_91] : memref<819200xi32, #tpu.memory_space<hbm>> -> memref<320xi32, #tpu.memory_space<hbm>>
      %dma_start3A_93 = tpu.memref_slice %arg7[%min3A_91] : memref<819200xi32, #tpu.memory_space<hbm>> -> memref<320xi32, #tpu.memory_space<hbm>>
      tpu.enqueue_dma source(%dma_start3A_93 : memref<320xi32, #tpu.memory_space<hbm>>) target(%arg16 : memref<320xi32, #tpu.memory_space<vmem>>) target_semaphore(%arg24 : memref<!tpu.dma_semaphore, #tpu.memory_space<semaphore_mem>>)
      %scan3A_94 = arith.constant 0 : i32
      %scan3A_95 = arith.constant 0 : i32
      %scan3A_96 = arith.constant 80 : i32
      %scan3A_97 = arith.addi %scan3A_95, %scan3A_96 : i32
      %scan3A_98 = arith.constant 1 : i32
      scf.for %scan3A_128 = %scan3A_95 to %scan3A_97 step %scan3A_98  : i32 {
        %mul3A_129 = arith.constant 2 : i32
        %mul3A_130 = arith.muli %mul3A_129, %scan3A_128 : i32
        %mul3A_131 = arith.constant 2 : i32
        %mul3A_132 = arith.muli %mul3A_131, %scan3A_128 : i32
        %add3A_133 = arith.constant 1 : i32
        %add3A_134 = arith.addi %mul3A_132, %add3A_133 : i32
        %mul3A_135 = arith.constant 320 : i32
        %mul3A_136 = arith.muli %mul3A_130, %mul3A_135 : i32
        %add3A_137 = arith.addi %mul3A_0, %mul3A_136 : i32
        %min3A_138 = arith.constant 818880 : i32
        %min3A_139 = arith.minsi %add3A_137, %min3A_138 : i32
        %dma_wait3A_140 = tpu.memref_slice %arg6[%min3A_139] : memref<819200xi32, #tpu.memory_space<hbm>> -> memref<320xi32, #tpu.memory_space<hbm>>
        %dma_wait3A_141 = tpu.memref_slice %arg6[%min3A_139] : memref<819200xi32, #tpu.memory_space<hbm>> -> memref<320xi32, #tpu.memory_space<hbm>>
        tpu.wait_dma2 semaphore(%arg21 : memref<!tpu.dma_semaphore, #tpu.memory_space<semaphore_mem>>) src(%dma_wait3A_141 : memref<320xi32, #tpu.memory_space<hbm>>) dst(%arg13 : memref<320xi32, #tpu.memory_space<vmem>>)
        %mul3A_142 = arith.constant 320 : i32
        %mul3A_143 = arith.muli %mul3A_130, %mul3A_142 : i32
        %add3A_144 = arith.addi %mul3A_0, %mul3A_143 : i32
        %min3A_145 = arith.constant 818880 : i32
        %min3A_146 = arith.minsi %add3A_144, %min3A_145 : i32
        %dma_wait3A_147 = tpu.memref_slice %arg7[%min3A_146] : memref<819200xi32, #tpu.memory_space<hbm>> -> memref<320xi32, #tpu.memory_space<hbm>>
        %dma_wait3A_148 = tpu.memref_slice %arg7[%min3A_146] : memref<819200xi32, #tpu.memory_space<hbm>> -> memref<320xi32, #tpu.memory_space<hbm>>
        tpu.wait_dma2 semaphore(%arg22 : memref<!tpu.dma_semaphore, #tpu.memory_space<semaphore_mem>>) src(%dma_wait3A_148 : memref<320xi32, #tpu.memory_space<hbm>>) dst(%arg14 : memref<320xi32, #tpu.memory_space<vmem>>)
        %dma_start3A_149 = arith.constant 0 : i32
        %dma_start3A_150 = arith.constant 0 : i32
        %dma_start3A_151 = tpu.memref_slice %arg20[%dma_start3A_149, %dma_start3A_150] : memref<50000x16xf32, #tpu.memory_space<vmem_shared>> -> memref<50000x16xf32, #tpu.memory_space<vmem_shared>>
        tpu.enqueue_indirect_dma source(%dma_start3A_151 : memref<50000x16xf32, #tpu.memory_space<vmem_shared>>) target(%arg17 : memref<320x16xf32, #tpu.memory_space<vmem>>) offsets(%arg13 : memref<320xi32, #tpu.memory_space<vmem>>) semaphore(%arg25 : memref<!tpu.dma_semaphore, #tpu.memory_space<semaphore_mem>>)
        %mul3A_152 = arith.constant 320 : i32
        %mul3A_153 = arith.muli %add3A_134, %mul3A_152 : i32
        %add3A_154 = arith.addi %mul3A_0, %mul3A_153 : i32
        %min3A_155 = arith.constant 818880 : i32
        %min3A_156 = arith.minsi %add3A_154, %min3A_155 : i32
        %dma_wait3A_157 = tpu.memref_slice %arg6[%min3A_156] : memref<819200xi32, #tpu.memory_space<hbm>> -> memref<320xi32, #tpu.memory_space<hbm>>
        %dma_wait3A_158 = tpu.memref_slice %arg6[%min3A_156] : memref<819200xi32, #tpu.memory_space<hbm>> -> memref<320xi32, #tpu.memory_space<hbm>>
        tpu.wait_dma2 semaphore(%arg23 : memref<!tpu.dma_semaphore, #tpu.memory_space<semaphore_mem>>) src(%dma_wait3A_158 : memref<320xi32, #tpu.memory_space<hbm>>) dst(%arg15 : memref<320xi32, #tpu.memory_space<vmem>>)
        %mul3A_159 = arith.constant 320 : i32
        %mul3A_160 = arith.muli %add3A_134, %mul3A_159 : i32
        %add3A_161 = arith.addi %mul3A_0, %mul3A_160 : i32
        %min3A_162 = arith.constant 818880 : i32
        %min3A_163 = arith.minsi %add3A_161, %min3A_162 : i32
        %dma_wait3A_164 = tpu.memref_slice %arg7[%min3A_163] : memref<819200xi32, #tpu.memory_space<hbm>> -> memref<320xi32, #tpu.memory_space<hbm>>
        %dma_wait3A_165 = tpu.memref_slice %arg7[%min3A_163] : memref<819200xi32, #tpu.memory_space<hbm>> -> memref<320xi32, #tpu.memory_space<hbm>>
        tpu.wait_dma2 semaphore(%arg24 : memref<!tpu.dma_semaphore, #tpu.memory_space<semaphore_mem>>) src(%dma_wait3A_165 : memref<320xi32, #tpu.memory_space<hbm>>) dst(%arg16 : memref<320xi32, #tpu.memory_space<vmem>>)
        %dma_wait3A_166 = arith.constant 0 : i32
        %dma_wait3A_167 = arith.constant 0 : i32
        %dma_wait3A_168 = tpu.memref_slice %arg20[%dma_wait3A_166, %dma_wait3A_167] : memref<50000x16xf32, #tpu.memory_space<vmem_shared>> -> memref<50000x16xf32, #tpu.memory_space<vmem_shared>>
        tpu.wait_indirect_dma semaphore(%arg25 : memref<!tpu.dma_semaphore, #tpu.memory_space<semaphore_mem>>) src(%dma_wait3A_168 : memref<50000x16xf32, #tpu.memory_space<vmem_shared>>) dst(%arg17 : memref<320x16xf32, #tpu.memory_space<vmem>>)
        %dma_start3A_169 = arith.constant 0 : i32
        %dma_start3A_170 = arith.constant 0 : i32
        %dma_start3A_171 = tpu.memref_slice %arg20[%dma_start3A_169, %dma_start3A_170] : memref<50000x16xf32, #tpu.memory_space<vmem_shared>> -> memref<50000x16xf32, #tpu.memory_space<vmem_shared>>
        tpu.enqueue_indirect_dma source(%dma_start3A_171 : memref<50000x16xf32, #tpu.memory_space<vmem_shared>>) target(%arg18 : memref<320x16xf32, #tpu.memory_space<vmem>>) offsets(%arg15 : memref<320xi32, #tpu.memory_space<vmem>>) semaphore(%arg26 : memref<!tpu.dma_semaphore, #tpu.memory_space<semaphore_mem>>)
        "tpu.region"() ({
          %run_scoped3A = tpu.sem_alloc : memref<!tpu.dma_semaphore, #tpu.memory_space<semaphore_mem>>
          %dma_start3A_207 = arith.constant 0 : i32
          %dma_start3A_208 = arith.constant 0 : i32
          %dma_start3A_209 = tpu.memref_slice %arg19[%dma_start3A_207, %dma_start3A_208] : memref<50016x16xf32, #tpu.memory_space<vmem_shared>> -> memref<50016x16xf32, #tpu.memory_space<vmem_shared>>
          tpu.enqueue_indirect_dma source(%arg17 : memref<320x16xf32, #tpu.memory_space<vmem>>) target(%dma_start3A_209 : memref<50016x16xf32, #tpu.memory_space<vmem_shared>>) offsets(%arg14 : memref<320xi32, #tpu.memory_space<vmem>>) semaphore(%run_scoped3A : memref<!tpu.dma_semaphore, #tpu.memory_space<semaphore_mem>>) {add = true}
          %dma_wait3A_210 = arith.constant 0 : i32
          %dma_wait3A_211 = arith.constant 0 : i32
          %dma_wait3A_212 = tpu.memref_slice %arg19[%dma_wait3A_210, %dma_wait3A_211] : memref<50016x16xf32, #tpu.memory_space<vmem_shared>> -> memref<50016x16xf32, #tpu.memory_space<vmem_shared>>
          tpu.wait_indirect_dma semaphore(%run_scoped3A : memref<!tpu.dma_semaphore, #tpu.memory_space<semaphore_mem>>) src(%arg17 : memref<320x16xf32, #tpu.memory_space<vmem>>) dst(%dma_wait3A_212 : memref<50016x16xf32, #tpu.memory_space<vmem_shared>>)
          tpu.yield
        }) : () -> ()
        %add3A_172 = arith.constant 2 : i32
        %add3A_173 = arith.addi %mul3A_130, %add3A_172 : i32
        %mul3A_174 = arith.constant 320 : i32
        %mul3A_175 = arith.muli %add3A_173, %mul3A_174 : i32
        %add3A_176 = arith.addi %mul3A_0, %mul3A_175 : i32
        %min3A_177 = arith.constant 818880 : i32
        %min3A_178 = arith.minsi %add3A_176, %min3A_177 : i32
        %dma_start3A_179 = tpu.memref_slice %arg6[%min3A_178] : memref<819200xi32, #tpu.memory_space<hbm>> -> memref<320xi32, #tpu.memory_space<hbm>>
        %dma_start3A_180 = tpu.memref_slice %arg6[%min3A_178] : memref<819200xi32, #tpu.memory_space<hbm>> -> memref<320xi32, #tpu.memory_space<hbm>>
        tpu.enqueue_dma source(%dma_start3A_180 : memref<320xi32, #tpu.memory_space<hbm>>) target(%arg13 : memref<320xi32, #tpu.memory_space<vmem>>) target_semaphore(%arg21 : memref<!tpu.dma_semaphore, #tpu.memory_space<semaphore_mem>>)
        %mul3A_181 = arith.constant 320 : i32
        %mul3A_182 = arith.muli %add3A_173, %mul3A_181 : i32
        %add3A_183 = arith.addi %mul3A_0, %mul3A_182 : i32
        %min3A_184 = arith.constant 818880 : i32
        %min3A_185 = arith.minsi %add3A_183, %min3A_184 : i32
        %dma_start3A_186 = tpu.memref_slice %arg7[%min3A_185] : memref<819200xi32, #tpu.memory_space<hbm>> -> memref<320xi32, #tpu.memory_space<hbm>>
        %dma_start3A_187 = tpu.memref_slice %arg7[%min3A_185] : memref<819200xi32, #tpu.memory_space<hbm>> -> memref<320xi32, #tpu.memory_space<hbm>>
        tpu.enqueue_dma source(%dma_start3A_187 : memref<320xi32, #tpu.memory_space<hbm>>) target(%arg14 : memref<320xi32, #tpu.memory_space<vmem>>) target_semaphore(%arg22 : memref<!tpu.dma_semaphore, #tpu.memory_space<semaphore_mem>>)
        %dma_wait3A_188 = arith.constant 0 : i32
        %dma_wait3A_189 = arith.constant 0 : i32
        %dma_wait3A_190 = tpu.memref_slice %arg20[%dma_wait3A_188, %dma_wait3A_189] : memref<50000x16xf32, #tpu.memory_space<vmem_shared>> -> memref<50000x16xf32, #tpu.memory_space<vmem_shared>>
        tpu.wait_indirect_dma semaphore(%arg26 : memref<!tpu.dma_semaphore, #tpu.memory_space<semaphore_mem>>) src(%dma_wait3A_190 : memref<50000x16xf32, #tpu.memory_space<vmem_shared>>) dst(%arg18 : memref<320x16xf32, #tpu.memory_space<vmem>>)
        "tpu.region"() ({
          %run_scoped3A = tpu.sem_alloc : memref<!tpu.dma_semaphore, #tpu.memory_space<semaphore_mem>>
          %dma_start3A_207 = arith.constant 0 : i32
          %dma_start3A_208 = arith.constant 0 : i32
          %dma_start3A_209 = tpu.memref_slice %arg19[%dma_start3A_207, %dma_start3A_208] : memref<50016x16xf32, #tpu.memory_space<vmem_shared>> -> memref<50016x16xf32, #tpu.memory_space<vmem_shared>>
          tpu.enqueue_indirect_dma source(%arg18 : memref<320x16xf32, #tpu.memory_space<vmem>>) target(%dma_start3A_209 : memref<50016x16xf32, #tpu.memory_space<vmem_shared>>) offsets(%arg16 : memref<320xi32, #tpu.memory_space<vmem>>) semaphore(%run_scoped3A : memref<!tpu.dma_semaphore, #tpu.memory_space<semaphore_mem>>) {add = true}
          %dma_wait3A_210 = arith.constant 0 : i32
          %dma_wait3A_211 = arith.constant 0 : i32
          %dma_wait3A_212 = tpu.memref_slice %arg19[%dma_wait3A_210, %dma_wait3A_211] : memref<50016x16xf32, #tpu.memory_space<vmem_shared>> -> memref<50016x16xf32, #tpu.memory_space<vmem_shared>>
          tpu.wait_indirect_dma semaphore(%run_scoped3A : memref<!tpu.dma_semaphore, #tpu.memory_space<semaphore_mem>>) src(%arg18 : memref<320x16xf32, #tpu.memory_space<vmem>>) dst(%dma_wait3A_212 : memref<50016x16xf32, #tpu.memory_space<vmem_shared>>)
          tpu.yield
        }) : () -> ()
        %add3A_191 = arith.constant 2 : i32
        %add3A_192 = arith.addi %add3A_134, %add3A_191 : i32
        %mul3A_193 = arith.constant 320 : i32
        %mul3A_194 = arith.muli %add3A_192, %mul3A_193 : i32
        %add3A_195 = arith.addi %mul3A_0, %mul3A_194 : i32
        %min3A_196 = arith.constant 818880 : i32
        %min3A_197 = arith.minsi %add3A_195, %min3A_196 : i32
        %dma_start3A_198 = tpu.memref_slice %arg6[%min3A_197] : memref<819200xi32, #tpu.memory_space<hbm>> -> memref<320xi32, #tpu.memory_space<hbm>>
        %dma_start3A_199 = tpu.memref_slice %arg6[%min3A_197] : memref<819200xi32, #tpu.memory_space<hbm>> -> memref<320xi32, #tpu.memory_space<hbm>>
        tpu.enqueue_dma source(%dma_start3A_199 : memref<320xi32, #tpu.memory_space<hbm>>) target(%arg15 : memref<320xi32, #tpu.memory_space<vmem>>) target_semaphore(%arg23 : memref<!tpu.dma_semaphore, #tpu.memory_space<semaphore_mem>>)
        %mul3A_200 = arith.constant 320 : i32
        %mul3A_201 = arith.muli %add3A_192, %mul3A_200 : i32
        %add3A_202 = arith.addi %mul3A_0, %mul3A_201 : i32
        %min3A_203 = arith.constant 818880 : i32
        %min3A_204 = arith.minsi %add3A_202, %min3A_203 : i32
        %dma_start3A_205 = tpu.memref_slice %arg7[%min3A_204] : memref<819200xi32, #tpu.memory_space<hbm>> -> memref<320xi32, #tpu.memory_space<hbm>>
        %dma_start3A_206 = tpu.memref_slice %arg7[%min3A_204] : memref<819200xi32, #tpu.memory_space<hbm>> -> memref<320xi32, #tpu.memory_space<hbm>>
        tpu.enqueue_dma source(%dma_start3A_206 : memref<320xi32, #tpu.memory_space<hbm>>) target(%arg16 : memref<320xi32, #tpu.memory_space<vmem>>) target_semaphore(%arg24 : memref<!tpu.dma_semaphore, #tpu.memory_space<semaphore_mem>>)
      }
      %scan3A_99 = arith.constant 80 : i32
      %add3A_100 = arith.constant 51200 : i32
      %add3A_101 = arith.addi %mul3A_0, %add3A_100 : i32
      %min3A_102 = arith.constant 818880 : i32
      %min3A_103 = arith.minsi %add3A_101, %min3A_102 : i32
      %dma_wait3A_104 = tpu.memref_slice %arg6[%min3A_103] : memref<819200xi32, #tpu.memory_space<hbm>> -> memref<320xi32, #tpu.memory_space<hbm>>
      %dma_wait3A_105 = tpu.memref_slice %arg6[%min3A_103] : memref<819200xi32, #tpu.memory_space<hbm>> -> memref<320xi32, #tpu.memory_space<hbm>>
      tpu.wait_dma2 semaphore(%arg21 : memref<!tpu.dma_semaphore, #tpu.memory_space<semaphore_mem>>) src(%dma_wait3A_105 : memref<320xi32, #tpu.memory_space<hbm>>) dst(%arg13 : memref<320xi32, #tpu.memory_space<vmem>>)
      %add3A_106 = arith.constant 51200 : i32
      %add3A_107 = arith.addi %mul3A_0, %add3A_106 : i32
      %min3A_108 = arith.constant 818880 : i32
      %min3A_109 = arith.minsi %add3A_107, %min3A_108 : i32
      %dma_wait3A_110 = tpu.memref_slice %arg7[%min3A_109] : memref<819200xi32, #tpu.memory_space<hbm>> -> memref<320xi32, #tpu.memory_space<hbm>>
      %dma_wait3A_111 = tpu.memref_slice %arg7[%min3A_109] : memref<819200xi32, #tpu.memory_space<hbm>> -> memref<320xi32, #tpu.memory_space<hbm>>
      tpu.wait_dma2 semaphore(%arg22 : memref<!tpu.dma_semaphore, #tpu.memory_space<semaphore_mem>>) src(%dma_wait3A_111 : memref<320xi32, #tpu.memory_space<hbm>>) dst(%arg14 : memref<320xi32, #tpu.memory_space<vmem>>)
      %add3A_112 = arith.constant 51520 : i32
      %add3A_113 = arith.addi %mul3A_0, %add3A_112 : i32
      %min3A_114 = arith.constant 818880 : i32
      %min3A_115 = arith.minsi %add3A_113, %min3A_114 : i32
      %dma_wait3A_116 = tpu.memref_slice %arg6[%min3A_115] : memref<819200xi32, #tpu.memory_space<hbm>> -> memref<320xi32, #tpu.memory_space<hbm>>
      %dma_wait3A_117 = tpu.memref_slice %arg6[%min3A_115] : memref<819200xi32, #tpu.memory_space<hbm>> -> memref<320xi32, #tpu.memory_space<hbm>>
      tpu.wait_dma2 semaphore(%arg23 : memref<!tpu.dma_semaphore, #tpu.memory_space<semaphore_mem>>) src(%dma_wait3A_117 : memref<320xi32, #tpu.memory_space<hbm>>) dst(%arg15 : memref<320xi32, #tpu.memory_space<vmem>>)
      %add3A_118 = arith.constant 51520 : i32
      %add3A_119 = arith.addi %mul3A_0, %add3A_118 : i32
      %min3A_120 = arith.constant 818880 : i32
      %min3A_121 = arith.minsi %add3A_119, %min3A_120 : i32
      %dma_wait3A_122 = tpu.memref_slice %arg7[%min3A_121] : memref<819200xi32, #tpu.memory_space<hbm>> -> memref<320xi32, #tpu.memory_space<hbm>>
      %dma_wait3A_123 = tpu.memref_slice %arg7[%min3A_121] : memref<819200xi32, #tpu.memory_space<hbm>> -> memref<320xi32, #tpu.memory_space<hbm>>
      tpu.wait_dma2 semaphore(%arg24 : memref<!tpu.dma_semaphore, #tpu.memory_space<semaphore_mem>>) src(%dma_wait3A_123 : memref<320xi32, #tpu.memory_space<hbm>>) dst(%arg16 : memref<320xi32, #tpu.memory_space<vmem>>)
      %barrier3A_124 = arith.constant 0 : index
      tpu.barrier barrier_id(%barrier3A_124)
      %mul3A_125 = arith.constant 3125 : i32
      %mul3A_126 = arith.muli %arg1, %mul3A_125 : i32
      "tpu.region"() ({
        %run_scoped3A = tpu.sem_alloc : memref<!tpu.dma_semaphore, #tpu.memory_space<semaphore_mem>>
        %dma_start3A_128 = arith.constant 0 : i32
        %dma_start3A_129 = tpu.memref_slice %arg10[%mul3A_126, %dma_start3A_128] : memref<50000x16xf32, #tpu.memory_space<hbm>> -> memref<3125x16xf32, #tpu.memory_space<hbm>>
        %dma_start3A_130 = arith.constant 0 : i32
        %dma_start3A_131 = tpu.memref_slice %arg19[%mul3A_126, %dma_start3A_130] : memref<50016x16xf32, #tpu.memory_space<vmem_shared>> -> memref<3125x16xf32, #tpu.memory_space<vmem_shared>>
        tpu.enqueue_dma source(%dma_start3A_131 : memref<3125x16xf32, #tpu.memory_space<vmem_shared>>) target(%dma_start3A_129 : memref<3125x16xf32, #tpu.memory_space<hbm>>) target_semaphore(%run_scoped3A : memref<!tpu.dma_semaphore, #tpu.memory_space<semaphore_mem>>)
        %dma_wait3A_132 = arith.constant 0 : i32
        %dma_wait3A_133 = tpu.memref_slice %arg10[%mul3A_126, %dma_wait3A_132] : memref<50000x16xf32, #tpu.memory_space<hbm>> -> memref<3125x16xf32, #tpu.memory_space<hbm>>
        %dma_wait3A_134 = arith.constant 0 : i32
        %dma_wait3A_135 = tpu.memref_slice %arg19[%mul3A_126, %dma_wait3A_134] : memref<50016x16xf32, #tpu.memory_space<vmem_shared>> -> memref<3125x16xf32, #tpu.memory_space<vmem_shared>>
        tpu.wait_dma2 semaphore(%run_scoped3A : memref<!tpu.dma_semaphore, #tpu.memory_space<semaphore_mem>>) src(%dma_wait3A_135 : memref<3125x16xf32, #tpu.memory_space<vmem_shared>>) dst(%dma_wait3A_133 : memref<3125x16xf32, #tpu.memory_space<hbm>>)
        tpu.yield
      }) : () -> ()
      %barrier3A_127 = arith.constant 0 : index
      tpu.barrier barrier_id(%barrier3A_127)
    } else {
    }
    %eq3A_3 = arith.constant 1 : i32
    %eq3A_4 = arith.cmpi eq, %arg0, %eq3A_3 : i32
    %convert_element_type3A_5 = arith.extui %eq3A_4 : i1 to i32
    %cond3A_6 = arith.constant 0 : i32
    %cond3A_7 = arith.cmpi ne, %convert_element_type3A_5, %cond3A_6 : i32
    scf.if %cond3A_7 {
      %mul3A_8 = arith.constant 3126 : i32
      %mul3A_9 = arith.muli %arg1, %mul3A_8 : i32
      "tpu.region"() ({
        %run_scoped3A = tpu.sem_alloc : memref<!tpu.dma_semaphore, #tpu.memory_space<semaphore_mem>>
        %dma_start3A_128 = arith.constant 0 : i32
        %dma_start3A_129 = tpu.memref_slice %arg19[%mul3A_9, %dma_start3A_128] : memref<50016x16xf32, #tpu.memory_space<vmem_shared>> -> memref<3126x16xf32, #tpu.memory_space<vmem_shared>>
        %dma_start3A_130 = arith.constant 0 : i32
        %dma_start3A_131 = tpu.memref_slice %arg8[%mul3A_9, %dma_start3A_130] : memref<50016x16xf32, #tpu.memory_space<hbm>> -> memref<3126x16xf32, #tpu.memory_space<hbm>>
        tpu.enqueue_dma source(%dma_start3A_131 : memref<3126x16xf32, #tpu.memory_space<hbm>>) target(%dma_start3A_129 : memref<3126x16xf32, #tpu.memory_space<vmem_shared>>) target_semaphore(%run_scoped3A : memref<!tpu.dma_semaphore, #tpu.memory_space<semaphore_mem>>)
        %dma_wait3A_132 = arith.constant 0 : i32
        %dma_wait3A_133 = tpu.memref_slice %arg19[%mul3A_9, %dma_wait3A_132] : memref<50016x16xf32, #tpu.memory_space<vmem_shared>> -> memref<3126x16xf32, #tpu.memory_space<vmem_shared>>
        %dma_wait3A_134 = arith.constant 0 : i32
        %dma_wait3A_135 = tpu.memref_slice %arg8[%mul3A_9, %dma_wait3A_134] : memref<50016x16xf32, #tpu.memory_space<hbm>> -> memref<3126x16xf32, #tpu.memory_space<hbm>>
        tpu.wait_dma2 semaphore(%run_scoped3A : memref<!tpu.dma_semaphore, #tpu.memory_space<semaphore_mem>>) src(%dma_wait3A_135 : memref<3126x16xf32, #tpu.memory_space<hbm>>) dst(%dma_wait3A_133 : memref<3126x16xf32, #tpu.memory_space<vmem_shared>>)
        tpu.yield
      }) : () -> ()
      %mul3A_10 = arith.constant 3125 : i32
      %mul3A_11 = arith.muli %arg1, %mul3A_10 : i32
      "tpu.region"() ({
        %run_scoped3A = tpu.sem_alloc : memref<!tpu.dma_semaphore, #tpu.memory_space<semaphore_mem>>
        %dma_start3A_128 = arith.constant 0 : i32
        %dma_start3A_129 = tpu.memref_slice %arg20[%mul3A_11, %dma_start3A_128] : memref<50000x16xf32, #tpu.memory_space<vmem_shared>> -> memref<3125x16xf32, #tpu.memory_space<vmem_shared>>
        %dma_start3A_130 = arith.constant 0 : i32
        %dma_start3A_131 = tpu.memref_slice %arg4[%mul3A_11, %dma_start3A_130] : memref<50000x16xf32, #tpu.memory_space<hbm>> -> memref<3125x16xf32, #tpu.memory_space<hbm>>
        tpu.enqueue_dma source(%dma_start3A_131 : memref<3125x16xf32, #tpu.memory_space<hbm>>) target(%dma_start3A_129 : memref<3125x16xf32, #tpu.memory_space<vmem_shared>>) target_semaphore(%run_scoped3A : memref<!tpu.dma_semaphore, #tpu.memory_space<semaphore_mem>>)
        %dma_wait3A_132 = arith.constant 0 : i32
        %dma_wait3A_133 = tpu.memref_slice %arg20[%mul3A_11, %dma_wait3A_132] : memref<50000x16xf32, #tpu.memory_space<vmem_shared>> -> memref<3125x16xf32, #tpu.memory_space<vmem_shared>>
        %dma_wait3A_134 = arith.constant 0 : i32
        %dma_wait3A_135 = tpu.memref_slice %arg4[%mul3A_11, %dma_wait3A_134] : memref<50000x16xf32, #tpu.memory_space<hbm>> -> memref<3125x16xf32, #tpu.memory_space<hbm>>
        tpu.wait_dma2 semaphore(%run_scoped3A : memref<!tpu.dma_semaphore, #tpu.memory_space<semaphore_mem>>) src(%dma_wait3A_135 : memref<3125x16xf32, #tpu.memory_space<hbm>>) dst(%dma_wait3A_133 : memref<3125x16xf32, #tpu.memory_space<vmem_shared>>)
        tpu.yield
      }) : () -> ()
      %barrier3A = arith.constant 0 : index
      tpu.barrier barrier_id(%barrier3A)
      %add3A = arith.constant 0 : i32
      %add3A_12 = arith.addi %mul3A_0, %add3A : i32
      %min3A = arith.constant 818880 : i32
      %min3A_13 = arith.minsi %add3A_12, %min3A : i32
      %dma_start3A = tpu.memref_slice %arg6[%min3A_13] : memref<819200xi32, #tpu.memory_space<hbm>> -> memref<320xi32, #tpu.memory_space<hbm>>
      %dma_start3A_14 = tpu.memref_slice %arg6[%min3A_13] : memref<819200xi32, #tpu.memory_space<hbm>> -> memref<320xi32, #tpu.memory_space<hbm>>
      tpu.enqueue_dma source(%dma_start3A_14 : memref<320xi32, #tpu.memory_space<hbm>>) target(%arg13 : memref<320xi32, #tpu.memory_space<vmem>>) target_semaphore(%arg21 : memref<!tpu.dma_semaphore, #tpu.memory_space<semaphore_mem>>)
      %add3A_15 = arith.constant 0 : i32
      %add3A_16 = arith.addi %mul3A_0, %add3A_15 : i32
      %min3A_17 = arith.constant 818880 : i32
      %min3A_18 = arith.minsi %add3A_16, %min3A_17 : i32
      %dma_start3A_19 = tpu.memref_slice %arg7[%min3A_18] : memref<819200xi32, #tpu.memory_space<hbm>> -> memref<320xi32, #tpu.memory_space<hbm>>
      %dma_start3A_20 = tpu.memref_slice %arg7[%min3A_18] : memref<819200xi32, #tpu.memory_space<hbm>> -> memref<320xi32, #tpu.memory_space<hbm>>
      tpu.enqueue_dma source(%dma_start3A_20 : memref<320xi32, #tpu.memory_space<hbm>>) target(%arg14 : memref<320xi32, #tpu.memory_space<vmem>>) target_semaphore(%arg22 : memref<!tpu.dma_semaphore, #tpu.memory_space<semaphore_mem>>)
      %add3A_21 = arith.constant 320 : i32
      %add3A_22 = arith.addi %mul3A_0, %add3A_21 : i32
      %min3A_23 = arith.constant 818880 : i32
      %min3A_24 = arith.minsi %add3A_22, %min3A_23 : i32
      %dma_start3A_25 = tpu.memref_slice %arg6[%min3A_24] : memref<819200xi32, #tpu.memory_space<hbm>> -> memref<320xi32, #tpu.memory_space<hbm>>
      %dma_start3A_26 = tpu.memref_slice %arg6[%min3A_24] : memref<819200xi32, #tpu.memory_space<hbm>> -> memref<320xi32, #tpu.memory_space<hbm>>
      tpu.enqueue_dma source(%dma_start3A_26 : memref<320xi32, #tpu.memory_space<hbm>>) target(%arg15 : memref<320xi32, #tpu.memory_space<vmem>>) target_semaphore(%arg23 : memref<!tpu.dma_semaphore, #tpu.memory_space<semaphore_mem>>)
      %add3A_27 = arith.constant 320 : i32
      %add3A_28 = arith.addi %mul3A_0, %add3A_27 : i32
      %min3A_29 = arith.constant 818880 : i32
      %min3A_30 = arith.minsi %add3A_28, %min3A_29 : i32
      %dma_start3A_31 = tpu.memref_slice %arg7[%min3A_30] : memref<819200xi32, #tpu.memory_space<hbm>> -> memref<320xi32, #tpu.memory_space<hbm>>
      %dma_start3A_32 = tpu.memref_slice %arg7[%min3A_30] : memref<819200xi32, #tpu.memory_space<hbm>> -> memref<320xi32, #tpu.memory_space<hbm>>
      tpu.enqueue_dma source(%dma_start3A_32 : memref<320xi32, #tpu.memory_space<hbm>>) target(%arg16 : memref<320xi32, #tpu.memory_space<vmem>>) target_semaphore(%arg24 : memref<!tpu.dma_semaphore, #tpu.memory_space<semaphore_mem>>)
      %scan3A = arith.constant 0 : i32
      %scan3A_33 = arith.constant 0 : i32
      %scan3A_34 = arith.constant 80 : i32
      %scan3A_35 = arith.addi %scan3A_33, %scan3A_34 : i32
      %scan3A_36 = arith.constant 1 : i32
      scf.for %scan3A_128 = %scan3A_33 to %scan3A_35 step %scan3A_36  : i32 {
        %mul3A_129 = arith.constant 2 : i32
        %mul3A_130 = arith.muli %mul3A_129, %scan3A_128 : i32
        %mul3A_131 = arith.constant 2 : i32
        %mul3A_132 = arith.muli %mul3A_131, %scan3A_128 : i32
        %add3A_133 = arith.constant 1 : i32
        %add3A_134 = arith.addi %mul3A_132, %add3A_133 : i32
        %mul3A_135 = arith.constant 320 : i32
        %mul3A_136 = arith.muli %mul3A_130, %mul3A_135 : i32
        %add3A_137 = arith.addi %mul3A_0, %mul3A_136 : i32
        %min3A_138 = arith.constant 818880 : i32
        %min3A_139 = arith.minsi %add3A_137, %min3A_138 : i32
        %dma_wait3A_140 = tpu.memref_slice %arg6[%min3A_139] : memref<819200xi32, #tpu.memory_space<hbm>> -> memref<320xi32, #tpu.memory_space<hbm>>
        %dma_wait3A_141 = tpu.memref_slice %arg6[%min3A_139] : memref<819200xi32, #tpu.memory_space<hbm>> -> memref<320xi32, #tpu.memory_space<hbm>>
        tpu.wait_dma2 semaphore(%arg21 : memref<!tpu.dma_semaphore, #tpu.memory_space<semaphore_mem>>) src(%dma_wait3A_141 : memref<320xi32, #tpu.memory_space<hbm>>) dst(%arg13 : memref<320xi32, #tpu.memory_space<vmem>>)
        %mul3A_142 = arith.constant 320 : i32
        %mul3A_143 = arith.muli %mul3A_130, %mul3A_142 : i32
        %add3A_144 = arith.addi %mul3A_0, %mul3A_143 : i32
        %min3A_145 = arith.constant 818880 : i32
        %min3A_146 = arith.minsi %add3A_144, %min3A_145 : i32
        %dma_wait3A_147 = tpu.memref_slice %arg7[%min3A_146] : memref<819200xi32, #tpu.memory_space<hbm>> -> memref<320xi32, #tpu.memory_space<hbm>>
        %dma_wait3A_148 = tpu.memref_slice %arg7[%min3A_146] : memref<819200xi32, #tpu.memory_space<hbm>> -> memref<320xi32, #tpu.memory_space<hbm>>
        tpu.wait_dma2 semaphore(%arg22 : memref<!tpu.dma_semaphore, #tpu.memory_space<semaphore_mem>>) src(%dma_wait3A_148 : memref<320xi32, #tpu.memory_space<hbm>>) dst(%arg14 : memref<320xi32, #tpu.memory_space<vmem>>)
        %dma_start3A_149 = arith.constant 0 : i32
        %dma_start3A_150 = arith.constant 0 : i32
        %dma_start3A_151 = tpu.memref_slice %arg20[%dma_start3A_149, %dma_start3A_150] : memref<50000x16xf32, #tpu.memory_space<vmem_shared>> -> memref<50000x16xf32, #tpu.memory_space<vmem_shared>>
        tpu.enqueue_indirect_dma source(%dma_start3A_151 : memref<50000x16xf32, #tpu.memory_space<vmem_shared>>) target(%arg17 : memref<320x16xf32, #tpu.memory_space<vmem>>) offsets(%arg13 : memref<320xi32, #tpu.memory_space<vmem>>) semaphore(%arg25 : memref<!tpu.dma_semaphore, #tpu.memory_space<semaphore_mem>>)
        %mul3A_152 = arith.constant 320 : i32
        %mul3A_153 = arith.muli %add3A_134, %mul3A_152 : i32
        %add3A_154 = arith.addi %mul3A_0, %mul3A_153 : i32
        %min3A_155 = arith.constant 818880 : i32
        %min3A_156 = arith.minsi %add3A_154, %min3A_155 : i32
        %dma_wait3A_157 = tpu.memref_slice %arg6[%min3A_156] : memref<819200xi32, #tpu.memory_space<hbm>> -> memref<320xi32, #tpu.memory_space<hbm>>
        %dma_wait3A_158 = tpu.memref_slice %arg6[%min3A_156] : memref<819200xi32, #tpu.memory_space<hbm>> -> memref<320xi32, #tpu.memory_space<hbm>>
        tpu.wait_dma2 semaphore(%arg23 : memref<!tpu.dma_semaphore, #tpu.memory_space<semaphore_mem>>) src(%dma_wait3A_158 : memref<320xi32, #tpu.memory_space<hbm>>) dst(%arg15 : memref<320xi32, #tpu.memory_space<vmem>>)
        %mul3A_159 = arith.constant 320 : i32
        %mul3A_160 = arith.muli %add3A_134, %mul3A_159 : i32
        %add3A_161 = arith.addi %mul3A_0, %mul3A_160 : i32
        %min3A_162 = arith.constant 818880 : i32
        %min3A_163 = arith.minsi %add3A_161, %min3A_162 : i32
        %dma_wait3A_164 = tpu.memref_slice %arg7[%min3A_163] : memref<819200xi32, #tpu.memory_space<hbm>> -> memref<320xi32, #tpu.memory_space<hbm>>
        %dma_wait3A_165 = tpu.memref_slice %arg7[%min3A_163] : memref<819200xi32, #tpu.memory_space<hbm>> -> memref<320xi32, #tpu.memory_space<hbm>>
        tpu.wait_dma2 semaphore(%arg24 : memref<!tpu.dma_semaphore, #tpu.memory_space<semaphore_mem>>) src(%dma_wait3A_165 : memref<320xi32, #tpu.memory_space<hbm>>) dst(%arg16 : memref<320xi32, #tpu.memory_space<vmem>>)
        %dma_wait3A_166 = arith.constant 0 : i32
        %dma_wait3A_167 = arith.constant 0 : i32
        %dma_wait3A_168 = tpu.memref_slice %arg20[%dma_wait3A_166, %dma_wait3A_167] : memref<50000x16xf32, #tpu.memory_space<vmem_shared>> -> memref<50000x16xf32, #tpu.memory_space<vmem_shared>>
        tpu.wait_indirect_dma semaphore(%arg25 : memref<!tpu.dma_semaphore, #tpu.memory_space<semaphore_mem>>) src(%dma_wait3A_168 : memref<50000x16xf32, #tpu.memory_space<vmem_shared>>) dst(%arg17 : memref<320x16xf32, #tpu.memory_space<vmem>>)
        %dma_start3A_169 = arith.constant 0 : i32
        %dma_start3A_170 = arith.constant 0 : i32
        %dma_start3A_171 = tpu.memref_slice %arg20[%dma_start3A_169, %dma_start3A_170] : memref<50000x16xf32, #tpu.memory_space<vmem_shared>> -> memref<50000x16xf32, #tpu.memory_space<vmem_shared>>
        tpu.enqueue_indirect_dma source(%dma_start3A_171 : memref<50000x16xf32, #tpu.memory_space<vmem_shared>>) target(%arg18 : memref<320x16xf32, #tpu.memory_space<vmem>>) offsets(%arg15 : memref<320xi32, #tpu.memory_space<vmem>>) semaphore(%arg26 : memref<!tpu.dma_semaphore, #tpu.memory_space<semaphore_mem>>)
        "tpu.region"() ({
          %run_scoped3A = tpu.sem_alloc : memref<!tpu.dma_semaphore, #tpu.memory_space<semaphore_mem>>
          %dma_start3A_207 = arith.constant 0 : i32
          %dma_start3A_208 = arith.constant 0 : i32
          %dma_start3A_209 = tpu.memref_slice %arg19[%dma_start3A_207, %dma_start3A_208] : memref<50016x16xf32, #tpu.memory_space<vmem_shared>> -> memref<50016x16xf32, #tpu.memory_space<vmem_shared>>
          tpu.enqueue_indirect_dma source(%arg17 : memref<320x16xf32, #tpu.memory_space<vmem>>) target(%dma_start3A_209 : memref<50016x16xf32, #tpu.memory_space<vmem_shared>>) offsets(%arg14 : memref<320xi32, #tpu.memory_space<vmem>>) semaphore(%run_scoped3A : memref<!tpu.dma_semaphore, #tpu.memory_space<semaphore_mem>>) {add = true}
          %dma_wait3A_210 = arith.constant 0 : i32
          %dma_wait3A_211 = arith.constant 0 : i32
          %dma_wait3A_212 = tpu.memref_slice %arg19[%dma_wait3A_210, %dma_wait3A_211] : memref<50016x16xf32, #tpu.memory_space<vmem_shared>> -> memref<50016x16xf32, #tpu.memory_space<vmem_shared>>
          tpu.wait_indirect_dma semaphore(%run_scoped3A : memref<!tpu.dma_semaphore, #tpu.memory_space<semaphore_mem>>) src(%arg17 : memref<320x16xf32, #tpu.memory_space<vmem>>) dst(%dma_wait3A_212 : memref<50016x16xf32, #tpu.memory_space<vmem_shared>>)
          tpu.yield
        }) : () -> ()
        %add3A_172 = arith.constant 2 : i32
        %add3A_173 = arith.addi %mul3A_130, %add3A_172 : i32
        %mul3A_174 = arith.constant 320 : i32
        %mul3A_175 = arith.muli %add3A_173, %mul3A_174 : i32
        %add3A_176 = arith.addi %mul3A_0, %mul3A_175 : i32
        %min3A_177 = arith.constant 818880 : i32
        %min3A_178 = arith.minsi %add3A_176, %min3A_177 : i32
        %dma_start3A_179 = tpu.memref_slice %arg6[%min3A_178] : memref<819200xi32, #tpu.memory_space<hbm>> -> memref<320xi32, #tpu.memory_space<hbm>>
        %dma_start3A_180 = tpu.memref_slice %arg6[%min3A_178] : memref<819200xi32, #tpu.memory_space<hbm>> -> memref<320xi32, #tpu.memory_space<hbm>>
        tpu.enqueue_dma source(%dma_start3A_180 : memref<320xi32, #tpu.memory_space<hbm>>) target(%arg13 : memref<320xi32, #tpu.memory_space<vmem>>) target_semaphore(%arg21 : memref<!tpu.dma_semaphore, #tpu.memory_space<semaphore_mem>>)
        %mul3A_181 = arith.constant 320 : i32
        %mul3A_182 = arith.muli %add3A_173, %mul3A_181 : i32
        %add3A_183 = arith.addi %mul3A_0, %mul3A_182 : i32
        %min3A_184 = arith.constant 818880 : i32
        %min3A_185 = arith.minsi %add3A_183, %min3A_184 : i32
        %dma_start3A_186 = tpu.memref_slice %arg7[%min3A_185] : memref<819200xi32, #tpu.memory_space<hbm>> -> memref<320xi32, #tpu.memory_space<hbm>>
        %dma_start3A_187 = tpu.memref_slice %arg7[%min3A_185] : memref<819200xi32, #tpu.memory_space<hbm>> -> memref<320xi32, #tpu.memory_space<hbm>>
        tpu.enqueue_dma source(%dma_start3A_187 : memref<320xi32, #tpu.memory_space<hbm>>) target(%arg14 : memref<320xi32, #tpu.memory_space<vmem>>) target_semaphore(%arg22 : memref<!tpu.dma_semaphore, #tpu.memory_space<semaphore_mem>>)
        %dma_wait3A_188 = arith.constant 0 : i32
        %dma_wait3A_189 = arith.constant 0 : i32
        %dma_wait3A_190 = tpu.memref_slice %arg20[%dma_wait3A_188, %dma_wait3A_189] : memref<50000x16xf32, #tpu.memory_space<vmem_shared>> -> memref<50000x16xf32, #tpu.memory_space<vmem_shared>>
        tpu.wait_indirect_dma semaphore(%arg26 : memref<!tpu.dma_semaphore, #tpu.memory_space<semaphore_mem>>) src(%dma_wait3A_190 : memref<50000x16xf32, #tpu.memory_space<vmem_shared>>) dst(%arg18 : memref<320x16xf32, #tpu.memory_space<vmem>>)
        "tpu.region"() ({
          %run_scoped3A = tpu.sem_alloc : memref<!tpu.dma_semaphore, #tpu.memory_space<semaphore_mem>>
          %dma_start3A_207 = arith.constant 0 : i32
          %dma_start3A_208 = arith.constant 0 : i32
          %dma_start3A_209 = tpu.memref_slice %arg19[%dma_start3A_207, %dma_start3A_208] : memref<50016x16xf32, #tpu.memory_space<vmem_shared>> -> memref<50016x16xf32, #tpu.memory_space<vmem_shared>>
          tpu.enqueue_indirect_dma source(%arg18 : memref<320x16xf32, #tpu.memory_space<vmem>>) target(%dma_start3A_209 : memref<50016x16xf32, #tpu.memory_space<vmem_shared>>) offsets(%arg16 : memref<320xi32, #tpu.memory_space<vmem>>) semaphore(%run_scoped3A : memref<!tpu.dma_semaphore, #tpu.memory_space<semaphore_mem>>) {add = true}
          %dma_wait3A_210 = arith.constant 0 : i32
          %dma_wait3A_211 = arith.constant 0 : i32
          %dma_wait3A_212 = tpu.memref_slice %arg19[%dma_wait3A_210, %dma_wait3A_211] : memref<50016x16xf32, #tpu.memory_space<vmem_shared>> -> memref<50016x16xf32, #tpu.memory_space<vmem_shared>>
          tpu.wait_indirect_dma semaphore(%run_scoped3A : memref<!tpu.dma_semaphore, #tpu.memory_space<semaphore_mem>>) src(%arg18 : memref<320x16xf32, #tpu.memory_space<vmem>>) dst(%dma_wait3A_212 : memref<50016x16xf32, #tpu.memory_space<vmem_shared>>)
          tpu.yield
        }) : () -> ()
        %add3A_191 = arith.constant 2 : i32
        %add3A_192 = arith.addi %add3A_134, %add3A_191 : i32
        %mul3A_193 = arith.constant 320 : i32
        %mul3A_194 = arith.muli %add3A_192, %mul3A_193 : i32
        %add3A_195 = arith.addi %mul3A_0, %mul3A_194 : i32
        %min3A_196 = arith.constant 818880 : i32
        %min3A_197 = arith.minsi %add3A_195, %min3A_196 : i32
        %dma_start3A_198 = tpu.memref_slice %arg6[%min3A_197] : memref<819200xi32, #tpu.memory_space<hbm>> -> memref<320xi32, #tpu.memory_space<hbm>>
        %dma_start3A_199 = tpu.memref_slice %arg6[%min3A_197] : memref<819200xi32, #tpu.memory_space<hbm>> -> memref<320xi32, #tpu.memory_space<hbm>>
        tpu.enqueue_dma source(%dma_start3A_199 : memref<320xi32, #tpu.memory_space<hbm>>) target(%arg15 : memref<320xi32, #tpu.memory_space<vmem>>) target_semaphore(%arg23 : memref<!tpu.dma_semaphore, #tpu.memory_space<semaphore_mem>>)
        %mul3A_200 = arith.constant 320 : i32
        %mul3A_201 = arith.muli %add3A_192, %mul3A_200 : i32
        %add3A_202 = arith.addi %mul3A_0, %mul3A_201 : i32
        %min3A_203 = arith.constant 818880 : i32
        %min3A_204 = arith.minsi %add3A_202, %min3A_203 : i32
        %dma_start3A_205 = tpu.memref_slice %arg7[%min3A_204] : memref<819200xi32, #tpu.memory_space<hbm>> -> memref<320xi32, #tpu.memory_space<hbm>>
        %dma_start3A_206 = tpu.memref_slice %arg7[%min3A_204] : memref<819200xi32, #tpu.memory_space<hbm>> -> memref<320xi32, #tpu.memory_space<hbm>>
        tpu.enqueue_dma source(%dma_start3A_206 : memref<320xi32, #tpu.memory_space<hbm>>) target(%arg16 : memref<320xi32, #tpu.memory_space<vmem>>) target_semaphore(%arg24 : memref<!tpu.dma_semaphore, #tpu.memory_space<semaphore_mem>>)
      }
      %scan3A_37 = arith.constant 80 : i32
      %add3A_38 = arith.constant 51200 : i32
      %add3A_39 = arith.addi %mul3A_0, %add3A_38 : i32
      %min3A_40 = arith.constant 818880 : i32
      %min3A_41 = arith.minsi %add3A_39, %min3A_40 : i32
      %dma_wait3A = tpu.memref_slice %arg6[%min3A_41] : memref<819200xi32, #tpu.memory_space<hbm>> -> memref<320xi32, #tpu.memory_space<hbm>>
      %dma_wait3A_42 = tpu.memref_slice %arg6[%min3A_41] : memref<819200xi32, #tpu.memory_space<hbm>> -> memref<320xi32, #tpu.memory_space<hbm>>
      tpu.wait_dma2 semaphore(%arg21 : memref<!tpu.dma_semaphore, #tpu.memory_space<semaphore_mem>>) src(%dma_wait3A_42 : memref<320xi32, #tpu.memory_space<hbm>>) dst(%arg13 : memref<320xi32, #tpu.memory_space<vmem>>)
      %add3A_43 = arith.constant 51200 : i32
      %add3A_44 = arith.addi %mul3A_0, %add3A_43 : i32
      %min3A_45 = arith.constant 818880 : i32
      %min3A_46 = arith.minsi %add3A_44, %min3A_45 : i32
      %dma_wait3A_47 = tpu.memref_slice %arg7[%min3A_46] : memref<819200xi32, #tpu.memory_space<hbm>> -> memref<320xi32, #tpu.memory_space<hbm>>
      %dma_wait3A_48 = tpu.memref_slice %arg7[%min3A_46] : memref<819200xi32, #tpu.memory_space<hbm>> -> memref<320xi32, #tpu.memory_space<hbm>>
      tpu.wait_dma2 semaphore(%arg22 : memref<!tpu.dma_semaphore, #tpu.memory_space<semaphore_mem>>) src(%dma_wait3A_48 : memref<320xi32, #tpu.memory_space<hbm>>) dst(%arg14 : memref<320xi32, #tpu.memory_space<vmem>>)
      %add3A_49 = arith.constant 51520 : i32
      %add3A_50 = arith.addi %mul3A_0, %add3A_49 : i32
      %min3A_51 = arith.constant 818880 : i32
      %min3A_52 = arith.minsi %add3A_50, %min3A_51 : i32
      %dma_wait3A_53 = tpu.memref_slice %arg6[%min3A_52] : memref<819200xi32, #tpu.memory_space<hbm>> -> memref<320xi32, #tpu.memory_space<hbm>>
      %dma_wait3A_54 = tpu.memref_slice %arg6[%min3A_52] : memref<819200xi32, #tpu.memory_space<hbm>> -> memref<320xi32, #tpu.memory_space<hbm>>
      tpu.wait_dma2 semaphore(%arg23 : memref<!tpu.dma_semaphore, #tpu.memory_space<semaphore_mem>>) src(%dma_wait3A_54 : memref<320xi32, #tpu.memory_space<hbm>>) dst(%arg15 : memref<320xi32, #tpu.memory_space<vmem>>)
      %add3A_55 = arith.constant 51520 : i32
      %add3A_56 = arith.addi %mul3A_0, %add3A_55 : i32
      %min3A_57 = arith.constant 818880 : i32
      %min3A_58 = arith.minsi %add3A_56, %min3A_57 : i32
      %dma_wait3A_59 = tpu.memref_slice %arg7[%min3A_58] : memref<819200xi32, #tpu.memory_space<hbm>> -> memref<320xi32, #tpu.memory_space<hbm>>
      %dma_wait3A_60 = tpu.memref_slice %arg7[%min3A_58] : memref<819200xi32, #tpu.memory_space<hbm>> -> memref<320xi32, #tpu.memory_space<hbm>>
      tpu.wait_dma2 semaphore(%arg24 : memref<!tpu.dma_semaphore, #tpu.memory_space<semaphore_mem>>) src(%dma_wait3A_60 : memref<320xi32, #tpu.memory_space<hbm>>) dst(%arg16 : memref<320xi32, #tpu.memory_space<vmem>>)
      %barrier3A_61 = arith.constant 0 : index
      tpu.barrier barrier_id(%barrier3A_61)
      %mul3A_62 = arith.constant 3125 : i32
      %mul3A_63 = arith.muli %arg1, %mul3A_62 : i32
      "tpu.region"() ({
        %run_scoped3A = tpu.sem_alloc : memref<!tpu.dma_semaphore, #tpu.memory_space<semaphore_mem>>
        %dma_start3A_128 = arith.constant 0 : i32
        %dma_start3A_129 = tpu.memref_slice %arg11[%mul3A_63, %dma_start3A_128] : memref<50000x16xf32, #tpu.memory_space<hbm>> -> memref<3125x16xf32, #tpu.memory_space<hbm>>
        %dma_start3A_130 = arith.constant 0 : i32
        %dma_start3A_131 = tpu.memref_slice %arg19[%mul3A_63, %dma_start3A_130] : memref<50016x16xf32, #tpu.memory_space<vmem_shared>> -> memref<3125x16xf32, #tpu.memory_space<vmem_shared>>
        tpu.enqueue_dma source(%dma_start3A_131 : memref<3125x16xf32, #tpu.memory_space<vmem_shared>>) target(%dma_start3A_129 : memref<3125x16xf32, #tpu.memory_space<hbm>>) target_semaphore(%run_scoped3A : memref<!tpu.dma_semaphore, #tpu.memory_space<semaphore_mem>>)
        %dma_wait3A_132 = arith.constant 0 : i32
        %dma_wait3A_133 = tpu.memref_slice %arg11[%mul3A_63, %dma_wait3A_132] : memref<50000x16xf32, #tpu.memory_space<hbm>> -> memref<3125x16xf32, #tpu.memory_space<hbm>>
        %dma_wait3A_134 = arith.constant 0 : i32
        %dma_wait3A_135 = tpu.memref_slice %arg19[%mul3A_63, %dma_wait3A_134] : memref<50016x16xf32, #tpu.memory_space<vmem_shared>> -> memref<3125x16xf32, #tpu.memory_space<vmem_shared>>
        tpu.wait_dma2 semaphore(%run_scoped3A : memref<!tpu.dma_semaphore, #tpu.memory_space<semaphore_mem>>) src(%dma_wait3A_135 : memref<3125x16xf32, #tpu.memory_space<vmem_shared>>) dst(%dma_wait3A_133 : memref<3125x16xf32, #tpu.memory_space<hbm>>)
        tpu.yield
      }) : () -> ()
      %barrier3A_64 = arith.constant 0 : index
      tpu.barrier barrier_id(%barrier3A_64)
      %mul3A_65 = arith.constant 3126 : i32
      %mul3A_66 = arith.muli %arg1, %mul3A_65 : i32
      "tpu.region"() ({
        %run_scoped3A = tpu.sem_alloc : memref<!tpu.dma_semaphore, #tpu.memory_space<semaphore_mem>>
        %dma_start3A_128 = arith.constant 0 : i32
        %dma_start3A_129 = tpu.memref_slice %arg19[%mul3A_66, %dma_start3A_128] : memref<50016x16xf32, #tpu.memory_space<vmem_shared>> -> memref<3126x16xf32, #tpu.memory_space<vmem_shared>>
        %dma_start3A_130 = arith.constant 0 : i32
        %dma_start3A_131 = tpu.memref_slice %arg8[%mul3A_66, %dma_start3A_130] : memref<50016x16xf32, #tpu.memory_space<hbm>> -> memref<3126x16xf32, #tpu.memory_space<hbm>>
        tpu.enqueue_dma source(%dma_start3A_131 : memref<3126x16xf32, #tpu.memory_space<hbm>>) target(%dma_start3A_129 : memref<3126x16xf32, #tpu.memory_space<vmem_shared>>) target_semaphore(%run_scoped3A : memref<!tpu.dma_semaphore, #tpu.memory_space<semaphore_mem>>)
        %dma_wait3A_132 = arith.constant 0 : i32
        %dma_wait3A_133 = tpu.memref_slice %arg19[%mul3A_66, %dma_wait3A_132] : memref<50016x16xf32, #tpu.memory_space<vmem_shared>> -> memref<3126x16xf32, #tpu.memory_space<vmem_shared>>
        %dma_wait3A_134 = arith.constant 0 : i32
        %dma_wait3A_135 = tpu.memref_slice %arg8[%mul3A_66, %dma_wait3A_134] : memref<50016x16xf32, #tpu.memory_space<hbm>> -> memref<3126x16xf32, #tpu.memory_space<hbm>>
        tpu.wait_dma2 semaphore(%run_scoped3A : memref<!tpu.dma_semaphore, #tpu.memory_space<semaphore_mem>>) src(%dma_wait3A_135 : memref<3126x16xf32, #tpu.memory_space<hbm>>) dst(%dma_wait3A_133 : memref<3126x16xf32, #tpu.memory_space<vmem_shared>>)
        tpu.yield
      }) : () -> ()
      %mul3A_67 = arith.constant 3125 : i32
      %mul3A_68 = arith.muli %arg1, %mul3A_67 : i32
      "tpu.region"() ({
        %run_scoped3A = tpu.sem_alloc : memref<!tpu.dma_semaphore, #tpu.memory_space<semaphore_mem>>
        %dma_start3A_128 = arith.constant 0 : i32
        %dma_start3A_129 = tpu.memref_slice %arg20[%mul3A_68, %dma_start3A_128] : memref<50000x16xf32, #tpu.memory_space<vmem_shared>> -> memref<3125x16xf32, #tpu.memory_space<vmem_shared>>
        %dma_start3A_130 = arith.constant 0 : i32
        %dma_start3A_131 = tpu.memref_slice %arg5[%mul3A_68, %dma_start3A_130] : memref<50000x16xf32, #tpu.memory_space<hbm>> -> memref<3125x16xf32, #tpu.memory_space<hbm>>
        tpu.enqueue_dma source(%dma_start3A_131 : memref<3125x16xf32, #tpu.memory_space<hbm>>) target(%dma_start3A_129 : memref<3125x16xf32, #tpu.memory_space<vmem_shared>>) target_semaphore(%run_scoped3A : memref<!tpu.dma_semaphore, #tpu.memory_space<semaphore_mem>>)
        %dma_wait3A_132 = arith.constant 0 : i32
        %dma_wait3A_133 = tpu.memref_slice %arg20[%mul3A_68, %dma_wait3A_132] : memref<50000x16xf32, #tpu.memory_space<vmem_shared>> -> memref<3125x16xf32, #tpu.memory_space<vmem_shared>>
        %dma_wait3A_134 = arith.constant 0 : i32
        %dma_wait3A_135 = tpu.memref_slice %arg5[%mul3A_68, %dma_wait3A_134] : memref<50000x16xf32, #tpu.memory_space<hbm>> -> memref<3125x16xf32, #tpu.memory_space<hbm>>
        tpu.wait_dma2 semaphore(%run_scoped3A : memref<!tpu.dma_semaphore, #tpu.memory_space<semaphore_mem>>) src(%dma_wait3A_135 : memref<3125x16xf32, #tpu.memory_space<hbm>>) dst(%dma_wait3A_133 : memref<3125x16xf32, #tpu.memory_space<vmem_shared>>)
        tpu.yield
      }) : () -> ()
      %barrier3A_69 = arith.constant 0 : index
      tpu.barrier barrier_id(%barrier3A_69)
      %add3A_70 = arith.constant 0 : i32
      %add3A_71 = arith.addi %mul3A_0, %add3A_70 : i32
      %min3A_72 = arith.constant 818880 : i32
      %min3A_73 = arith.minsi %add3A_71, %min3A_72 : i32
      %dma_start3A_74 = tpu.memref_slice %arg6[%min3A_73] : memref<819200xi32, #tpu.memory_space<hbm>> -> memref<320xi32, #tpu.memory_space<hbm>>
      %dma_start3A_75 = tpu.memref_slice %arg6[%min3A_73] : memref<819200xi32, #tpu.memory_space<hbm>> -> memref<320xi32, #tpu.memory_space<hbm>>
      tpu.enqueue_dma source(%dma_start3A_75 : memref<320xi32, #tpu.memory_space<hbm>>) target(%arg13 : memref<320xi32, #tpu.memory_space<vmem>>) target_semaphore(%arg21 : memref<!tpu.dma_semaphore, #tpu.memory_space<semaphore_mem>>)
      %add3A_76 = arith.constant 0 : i32
      %add3A_77 = arith.addi %mul3A_0, %add3A_76 : i32
      %min3A_78 = arith.constant 818880 : i32
      %min3A_79 = arith.minsi %add3A_77, %min3A_78 : i32
      %dma_start3A_80 = tpu.memref_slice %arg7[%min3A_79] : memref<819200xi32, #tpu.memory_space<hbm>> -> memref<320xi32, #tpu.memory_space<hbm>>
      %dma_start3A_81 = tpu.memref_slice %arg7[%min3A_79] : memref<819200xi32, #tpu.memory_space<hbm>> -> memref<320xi32, #tpu.memory_space<hbm>>
      tpu.enqueue_dma source(%dma_start3A_81 : memref<320xi32, #tpu.memory_space<hbm>>) target(%arg14 : memref<320xi32, #tpu.memory_space<vmem>>) target_semaphore(%arg22 : memref<!tpu.dma_semaphore, #tpu.memory_space<semaphore_mem>>)
      %add3A_82 = arith.constant 320 : i32
      %add3A_83 = arith.addi %mul3A_0, %add3A_82 : i32
      %min3A_84 = arith.constant 818880 : i32
      %min3A_85 = arith.minsi %add3A_83, %min3A_84 : i32
      %dma_start3A_86 = tpu.memref_slice %arg6[%min3A_85] : memref<819200xi32, #tpu.memory_space<hbm>> -> memref<320xi32, #tpu.memory_space<hbm>>
      %dma_start3A_87 = tpu.memref_slice %arg6[%min3A_85] : memref<819200xi32, #tpu.memory_space<hbm>> -> memref<320xi32, #tpu.memory_space<hbm>>
      tpu.enqueue_dma source(%dma_start3A_87 : memref<320xi32, #tpu.memory_space<hbm>>) target(%arg15 : memref<320xi32, #tpu.memory_space<vmem>>) target_semaphore(%arg23 : memref<!tpu.dma_semaphore, #tpu.memory_space<semaphore_mem>>)
      %add3A_88 = arith.constant 320 : i32
      %add3A_89 = arith.addi %mul3A_0, %add3A_88 : i32
      %min3A_90 = arith.constant 818880 : i32
      %min3A_91 = arith.minsi %add3A_89, %min3A_90 : i32
      %dma_start3A_92 = tpu.memref_slice %arg7[%min3A_91] : memref<819200xi32, #tpu.memory_space<hbm>> -> memref<320xi32, #tpu.memory_space<hbm>>
      %dma_start3A_93 = tpu.memref_slice %arg7[%min3A_91] : memref<819200xi32, #tpu.memory_space<hbm>> -> memref<320xi32, #tpu.memory_space<hbm>>
      tpu.enqueue_dma source(%dma_start3A_93 : memref<320xi32, #tpu.memory_space<hbm>>) target(%arg16 : memref<320xi32, #tpu.memory_space<vmem>>) target_semaphore(%arg24 : memref<!tpu.dma_semaphore, #tpu.memory_space<semaphore_mem>>)
      %scan3A_94 = arith.constant 0 : i32
      %scan3A_95 = arith.constant 0 : i32
      %scan3A_96 = arith.constant 80 : i32
      %scan3A_97 = arith.addi %scan3A_95, %scan3A_96 : i32
      %scan3A_98 = arith.constant 1 : i32
      scf.for %scan3A_128 = %scan3A_95 to %scan3A_97 step %scan3A_98  : i32 {
        %mul3A_129 = arith.constant 2 : i32
        %mul3A_130 = arith.muli %mul3A_129, %scan3A_128 : i32
        %mul3A_131 = arith.constant 2 : i32
        %mul3A_132 = arith.muli %mul3A_131, %scan3A_128 : i32
        %add3A_133 = arith.constant 1 : i32
        %add3A_134 = arith.addi %mul3A_132, %add3A_133 : i32
        %mul3A_135 = arith.constant 320 : i32
        %mul3A_136 = arith.muli %mul3A_130, %mul3A_135 : i32
        %add3A_137 = arith.addi %mul3A_0, %mul3A_136 : i32
        %min3A_138 = arith.constant 818880 : i32
        %min3A_139 = arith.minsi %add3A_137, %min3A_138 : i32
        %dma_wait3A_140 = tpu.memref_slice %arg6[%min3A_139] : memref<819200xi32, #tpu.memory_space<hbm>> -> memref<320xi32, #tpu.memory_space<hbm>>
        %dma_wait3A_141 = tpu.memref_slice %arg6[%min3A_139] : memref<819200xi32, #tpu.memory_space<hbm>> -> memref<320xi32, #tpu.memory_space<hbm>>
        tpu.wait_dma2 semaphore(%arg21 : memref<!tpu.dma_semaphore, #tpu.memory_space<semaphore_mem>>) src(%dma_wait3A_141 : memref<320xi32, #tpu.memory_space<hbm>>) dst(%arg13 : memref<320xi32, #tpu.memory_space<vmem>>)
        %mul3A_142 = arith.constant 320 : i32
        %mul3A_143 = arith.muli %mul3A_130, %mul3A_142 : i32
        %add3A_144 = arith.addi %mul3A_0, %mul3A_143 : i32
        %min3A_145 = arith.constant 818880 : i32
        %min3A_146 = arith.minsi %add3A_144, %min3A_145 : i32
        %dma_wait3A_147 = tpu.memref_slice %arg7[%min3A_146] : memref<819200xi32, #tpu.memory_space<hbm>> -> memref<320xi32, #tpu.memory_space<hbm>>
        %dma_wait3A_148 = tpu.memref_slice %arg7[%min3A_146] : memref<819200xi32, #tpu.memory_space<hbm>> -> memref<320xi32, #tpu.memory_space<hbm>>
        tpu.wait_dma2 semaphore(%arg22 : memref<!tpu.dma_semaphore, #tpu.memory_space<semaphore_mem>>) src(%dma_wait3A_148 : memref<320xi32, #tpu.memory_space<hbm>>) dst(%arg14 : memref<320xi32, #tpu.memory_space<vmem>>)
        %dma_start3A_149 = arith.constant 0 : i32
        %dma_start3A_150 = arith.constant 0 : i32
        %dma_start3A_151 = tpu.memref_slice %arg20[%dma_start3A_149, %dma_start3A_150] : memref<50000x16xf32, #tpu.memory_space<vmem_shared>> -> memref<50000x16xf32, #tpu.memory_space<vmem_shared>>
        tpu.enqueue_indirect_dma source(%dma_start3A_151 : memref<50000x16xf32, #tpu.memory_space<vmem_shared>>) target(%arg17 : memref<320x16xf32, #tpu.memory_space<vmem>>) offsets(%arg13 : memref<320xi32, #tpu.memory_space<vmem>>) semaphore(%arg25 : memref<!tpu.dma_semaphore, #tpu.memory_space<semaphore_mem>>)
        %mul3A_152 = arith.constant 320 : i32
        %mul3A_153 = arith.muli %add3A_134, %mul3A_152 : i32
        %add3A_154 = arith.addi %mul3A_0, %mul3A_153 : i32
        %min3A_155 = arith.constant 818880 : i32
        %min3A_156 = arith.minsi %add3A_154, %min3A_155 : i32
        %dma_wait3A_157 = tpu.memref_slice %arg6[%min3A_156] : memref<819200xi32, #tpu.memory_space<hbm>> -> memref<320xi32, #tpu.memory_space<hbm>>
        %dma_wait3A_158 = tpu.memref_slice %arg6[%min3A_156] : memref<819200xi32, #tpu.memory_space<hbm>> -> memref<320xi32, #tpu.memory_space<hbm>>
        tpu.wait_dma2 semaphore(%arg23 : memref<!tpu.dma_semaphore, #tpu.memory_space<semaphore_mem>>) src(%dma_wait3A_158 : memref<320xi32, #tpu.memory_space<hbm>>) dst(%arg15 : memref<320xi32, #tpu.memory_space<vmem>>)
        %mul3A_159 = arith.constant 320 : i32
        %mul3A_160 = arith.muli %add3A_134, %mul3A_159 : i32
        %add3A_161 = arith.addi %mul3A_0, %mul3A_160 : i32
        %min3A_162 = arith.constant 818880 : i32
        %min3A_163 = arith.minsi %add3A_161, %min3A_162 : i32
        %dma_wait3A_164 = tpu.memref_slice %arg7[%min3A_163] : memref<819200xi32, #tpu.memory_space<hbm>> -> memref<320xi32, #tpu.memory_space<hbm>>
        %dma_wait3A_165 = tpu.memref_slice %arg7[%min3A_163] : memref<819200xi32, #tpu.memory_space<hbm>> -> memref<320xi32, #tpu.memory_space<hbm>>
        tpu.wait_dma2 semaphore(%arg24 : memref<!tpu.dma_semaphore, #tpu.memory_space<semaphore_mem>>) src(%dma_wait3A_165 : memref<320xi32, #tpu.memory_space<hbm>>) dst(%arg16 : memref<320xi32, #tpu.memory_space<vmem>>)
        %dma_wait3A_166 = arith.constant 0 : i32
        %dma_wait3A_167 = arith.constant 0 : i32
        %dma_wait3A_168 = tpu.memref_slice %arg20[%dma_wait3A_166, %dma_wait3A_167] : memref<50000x16xf32, #tpu.memory_space<vmem_shared>> -> memref<50000x16xf32, #tpu.memory_space<vmem_shared>>
        tpu.wait_indirect_dma semaphore(%arg25 : memref<!tpu.dma_semaphore, #tpu.memory_space<semaphore_mem>>) src(%dma_wait3A_168 : memref<50000x16xf32, #tpu.memory_space<vmem_shared>>) dst(%arg17 : memref<320x16xf32, #tpu.memory_space<vmem>>)
        %dma_start3A_169 = arith.constant 0 : i32
        %dma_start3A_170 = arith.constant 0 : i32
        %dma_start3A_171 = tpu.memref_slice %arg20[%dma_start3A_169, %dma_start3A_170] : memref<50000x16xf32, #tpu.memory_space<vmem_shared>> -> memref<50000x16xf32, #tpu.memory_space<vmem_shared>>
        tpu.enqueue_indirect_dma source(%dma_start3A_171 : memref<50000x16xf32, #tpu.memory_space<vmem_shared>>) target(%arg18 : memref<320x16xf32, #tpu.memory_space<vmem>>) offsets(%arg15 : memref<320xi32, #tpu.memory_space<vmem>>) semaphore(%arg26 : memref<!tpu.dma_semaphore, #tpu.memory_space<semaphore_mem>>)
        "tpu.region"() ({
          %run_scoped3A = tpu.sem_alloc : memref<!tpu.dma_semaphore, #tpu.memory_space<semaphore_mem>>
          %dma_start3A_207 = arith.constant 0 : i32
          %dma_start3A_208 = arith.constant 0 : i32
          %dma_start3A_209 = tpu.memref_slice %arg19[%dma_start3A_207, %dma_start3A_208] : memref<50016x16xf32, #tpu.memory_space<vmem_shared>> -> memref<50016x16xf32, #tpu.memory_space<vmem_shared>>
          tpu.enqueue_indirect_dma source(%arg17 : memref<320x16xf32, #tpu.memory_space<vmem>>) target(%dma_start3A_209 : memref<50016x16xf32, #tpu.memory_space<vmem_shared>>) offsets(%arg14 : memref<320xi32, #tpu.memory_space<vmem>>) semaphore(%run_scoped3A : memref<!tpu.dma_semaphore, #tpu.memory_space<semaphore_mem>>) {add = true}
          %dma_wait3A_210 = arith.constant 0 : i32
          %dma_wait3A_211 = arith.constant 0 : i32
          %dma_wait3A_212 = tpu.memref_slice %arg19[%dma_wait3A_210, %dma_wait3A_211] : memref<50016x16xf32, #tpu.memory_space<vmem_shared>> -> memref<50016x16xf32, #tpu.memory_space<vmem_shared>>
          tpu.wait_indirect_dma semaphore(%run_scoped3A : memref<!tpu.dma_semaphore, #tpu.memory_space<semaphore_mem>>) src(%arg17 : memref<320x16xf32, #tpu.memory_space<vmem>>) dst(%dma_wait3A_212 : memref<50016x16xf32, #tpu.memory_space<vmem_shared>>)
          tpu.yield
        }) : () -> ()
        %add3A_172 = arith.constant 2 : i32
        %add3A_173 = arith.addi %mul3A_130, %add3A_172 : i32
        %mul3A_174 = arith.constant 320 : i32
        %mul3A_175 = arith.muli %add3A_173, %mul3A_174 : i32
        %add3A_176 = arith.addi %mul3A_0, %mul3A_175 : i32
        %min3A_177 = arith.constant 818880 : i32
        %min3A_178 = arith.minsi %add3A_176, %min3A_177 : i32
        %dma_start3A_179 = tpu.memref_slice %arg6[%min3A_178] : memref<819200xi32, #tpu.memory_space<hbm>> -> memref<320xi32, #tpu.memory_space<hbm>>
        %dma_start3A_180 = tpu.memref_slice %arg6[%min3A_178] : memref<819200xi32, #tpu.memory_space<hbm>> -> memref<320xi32, #tpu.memory_space<hbm>>
        tpu.enqueue_dma source(%dma_start3A_180 : memref<320xi32, #tpu.memory_space<hbm>>) target(%arg13 : memref<320xi32, #tpu.memory_space<vmem>>) target_semaphore(%arg21 : memref<!tpu.dma_semaphore, #tpu.memory_space<semaphore_mem>>)
        %mul3A_181 = arith.constant 320 : i32
        %mul3A_182 = arith.muli %add3A_173, %mul3A_181 : i32
        %add3A_183 = arith.addi %mul3A_0, %mul3A_182 : i32
        %min3A_184 = arith.constant 818880 : i32
        %min3A_185 = arith.minsi %add3A_183, %min3A_184 : i32
        %dma_start3A_186 = tpu.memref_slice %arg7[%min3A_185] : memref<819200xi32, #tpu.memory_space<hbm>> -> memref<320xi32, #tpu.memory_space<hbm>>
        %dma_start3A_187 = tpu.memref_slice %arg7[%min3A_185] : memref<819200xi32, #tpu.memory_space<hbm>> -> memref<320xi32, #tpu.memory_space<hbm>>
        tpu.enqueue_dma source(%dma_start3A_187 : memref<320xi32, #tpu.memory_space<hbm>>) target(%arg14 : memref<320xi32, #tpu.memory_space<vmem>>) target_semaphore(%arg22 : memref<!tpu.dma_semaphore, #tpu.memory_space<semaphore_mem>>)
        %dma_wait3A_188 = arith.constant 0 : i32
        %dma_wait3A_189 = arith.constant 0 : i32
        %dma_wait3A_190 = tpu.memref_slice %arg20[%dma_wait3A_188, %dma_wait3A_189] : memref<50000x16xf32, #tpu.memory_space<vmem_shared>> -> memref<50000x16xf32, #tpu.memory_space<vmem_shared>>
        tpu.wait_indirect_dma semaphore(%arg26 : memref<!tpu.dma_semaphore, #tpu.memory_space<semaphore_mem>>) src(%dma_wait3A_190 : memref<50000x16xf32, #tpu.memory_space<vmem_shared>>) dst(%arg18 : memref<320x16xf32, #tpu.memory_space<vmem>>)
        "tpu.region"() ({
          %run_scoped3A = tpu.sem_alloc : memref<!tpu.dma_semaphore, #tpu.memory_space<semaphore_mem>>
          %dma_start3A_207 = arith.constant 0 : i32
          %dma_start3A_208 = arith.constant 0 : i32
          %dma_start3A_209 = tpu.memref_slice %arg19[%dma_start3A_207, %dma_start3A_208] : memref<50016x16xf32, #tpu.memory_space<vmem_shared>> -> memref<50016x16xf32, #tpu.memory_space<vmem_shared>>
          tpu.enqueue_indirect_dma source(%arg18 : memref<320x16xf32, #tpu.memory_space<vmem>>) target(%dma_start3A_209 : memref<50016x16xf32, #tpu.memory_space<vmem_shared>>) offsets(%arg16 : memref<320xi32, #tpu.memory_space<vmem>>) semaphore(%run_scoped3A : memref<!tpu.dma_semaphore, #tpu.memory_space<semaphore_mem>>) {add = true}
          %dma_wait3A_210 = arith.constant 0 : i32
          %dma_wait3A_211 = arith.constant 0 : i32
          %dma_wait3A_212 = tpu.memref_slice %arg19[%dma_wait3A_210, %dma_wait3A_211] : memref<50016x16xf32, #tpu.memory_space<vmem_shared>> -> memref<50016x16xf32, #tpu.memory_space<vmem_shared>>
          tpu.wait_indirect_dma semaphore(%run_scoped3A : memref<!tpu.dma_semaphore, #tpu.memory_space<semaphore_mem>>) src(%arg18 : memref<320x16xf32, #tpu.memory_space<vmem>>) dst(%dma_wait3A_212 : memref<50016x16xf32, #tpu.memory_space<vmem_shared>>)
          tpu.yield
        }) : () -> ()
        %add3A_191 = arith.constant 2 : i32
        %add3A_192 = arith.addi %add3A_134, %add3A_191 : i32
        %mul3A_193 = arith.constant 320 : i32
        %mul3A_194 = arith.muli %add3A_192, %mul3A_193 : i32
        %add3A_195 = arith.addi %mul3A_0, %mul3A_194 : i32
        %min3A_196 = arith.constant 818880 : i32
        %min3A_197 = arith.minsi %add3A_195, %min3A_196 : i32
        %dma_start3A_198 = tpu.memref_slice %arg6[%min3A_197] : memref<819200xi32, #tpu.memory_space<hbm>> -> memref<320xi32, #tpu.memory_space<hbm>>
        %dma_start3A_199 = tpu.memref_slice %arg6[%min3A_197] : memref<819200xi32, #tpu.memory_space<hbm>> -> memref<320xi32, #tpu.memory_space<hbm>>
        tpu.enqueue_dma source(%dma_start3A_199 : memref<320xi32, #tpu.memory_space<hbm>>) target(%arg15 : memref<320xi32, #tpu.memory_space<vmem>>) target_semaphore(%arg23 : memref<!tpu.dma_semaphore, #tpu.memory_space<semaphore_mem>>)
        %mul3A_200 = arith.constant 320 : i32
        %mul3A_201 = arith.muli %add3A_192, %mul3A_200 : i32
        %add3A_202 = arith.addi %mul3A_0, %mul3A_201 : i32
        %min3A_203 = arith.constant 818880 : i32
        %min3A_204 = arith.minsi %add3A_202, %min3A_203 : i32
        %dma_start3A_205 = tpu.memref_slice %arg7[%min3A_204] : memref<819200xi32, #tpu.memory_space<hbm>> -> memref<320xi32, #tpu.memory_space<hbm>>
        %dma_start3A_206 = tpu.memref_slice %arg7[%min3A_204] : memref<819200xi32, #tpu.memory_space<hbm>> -> memref<320xi32, #tpu.memory_space<hbm>>
        tpu.enqueue_dma source(%dma_start3A_206 : memref<320xi32, #tpu.memory_space<hbm>>) target(%arg16 : memref<320xi32, #tpu.memory_space<vmem>>) target_semaphore(%arg24 : memref<!tpu.dma_semaphore, #tpu.memory_space<semaphore_mem>>)
      }
      %scan3A_99 = arith.constant 80 : i32
      %add3A_100 = arith.constant 51200 : i32
      %add3A_101 = arith.addi %mul3A_0, %add3A_100 : i32
      %min3A_102 = arith.constant 818880 : i32
      %min3A_103 = arith.minsi %add3A_101, %min3A_102 : i32
      %dma_wait3A_104 = tpu.memref_slice %arg6[%min3A_103] : memref<819200xi32, #tpu.memory_space<hbm>> -> memref<320xi32, #tpu.memory_space<hbm>>
      %dma_wait3A_105 = tpu.memref_slice %arg6[%min3A_103] : memref<819200xi32, #tpu.memory_space<hbm>> -> memref<320xi32, #tpu.memory_space<hbm>>
      tpu.wait_dma2 semaphore(%arg21 : memref<!tpu.dma_semaphore, #tpu.memory_space<semaphore_mem>>) src(%dma_wait3A_105 : memref<320xi32, #tpu.memory_space<hbm>>) dst(%arg13 : memref<320xi32, #tpu.memory_space<vmem>>)
      %add3A_106 = arith.constant 51200 : i32
      %add3A_107 = arith.addi %mul3A_0, %add3A_106 : i32
      %min3A_108 = arith.constant 818880 : i32
      %min3A_109 = arith.minsi %add3A_107, %min3A_108 : i32
      %dma_wait3A_110 = tpu.memref_slice %arg7[%min3A_109] : memref<819200xi32, #tpu.memory_space<hbm>> -> memref<320xi32, #tpu.memory_space<hbm>>
      %dma_wait3A_111 = tpu.memref_slice %arg7[%min3A_109] : memref<819200xi32, #tpu.memory_space<hbm>> -> memref<320xi32, #tpu.memory_space<hbm>>
      tpu.wait_dma2 semaphore(%arg22 : memref<!tpu.dma_semaphore, #tpu.memory_space<semaphore_mem>>) src(%dma_wait3A_111 : memref<320xi32, #tpu.memory_space<hbm>>) dst(%arg14 : memref<320xi32, #tpu.memory_space<vmem>>)
      %add3A_112 = arith.constant 51520 : i32
      %add3A_113 = arith.addi %mul3A_0, %add3A_112 : i32
      %min3A_114 = arith.constant 818880 : i32
      %min3A_115 = arith.minsi %add3A_113, %min3A_114 : i32
      %dma_wait3A_116 = tpu.memref_slice %arg6[%min3A_115] : memref<819200xi32, #tpu.memory_space<hbm>> -> memref<320xi32, #tpu.memory_space<hbm>>
      %dma_wait3A_117 = tpu.memref_slice %arg6[%min3A_115] : memref<819200xi32, #tpu.memory_space<hbm>> -> memref<320xi32, #tpu.memory_space<hbm>>
      tpu.wait_dma2 semaphore(%arg23 : memref<!tpu.dma_semaphore, #tpu.memory_space<semaphore_mem>>) src(%dma_wait3A_117 : memref<320xi32, #tpu.memory_space<hbm>>) dst(%arg15 : memref<320xi32, #tpu.memory_space<vmem>>)
      %add3A_118 = arith.constant 51520 : i32
      %add3A_119 = arith.addi %mul3A_0, %add3A_118 : i32
      %min3A_120 = arith.constant 818880 : i32
      %min3A_121 = arith.minsi %add3A_119, %min3A_120 : i32
      %dma_wait3A_122 = tpu.memref_slice %arg7[%min3A_121] : memref<819200xi32, #tpu.memory_space<hbm>> -> memref<320xi32, #tpu.memory_space<hbm>>
      %dma_wait3A_123 = tpu.memref_slice %arg7[%min3A_121] : memref<819200xi32, #tpu.memory_space<hbm>> -> memref<320xi32, #tpu.memory_space<hbm>>
      tpu.wait_dma2 semaphore(%arg24 : memref<!tpu.dma_semaphore, #tpu.memory_space<semaphore_mem>>) src(%dma_wait3A_123 : memref<320xi32, #tpu.memory_space<hbm>>) dst(%arg16 : memref<320xi32, #tpu.memory_space<vmem>>)
      %barrier3A_124 = arith.constant 0 : index
      tpu.barrier barrier_id(%barrier3A_124)
      %mul3A_125 = arith.constant 3125 : i32
      %mul3A_126 = arith.muli %arg1, %mul3A_125 : i32
      "tpu.region"() ({
        %run_scoped3A = tpu.sem_alloc : memref<!tpu.dma_semaphore, #tpu.memory_space<semaphore_mem>>
        %dma_start3A_128 = arith.constant 0 : i32
        %dma_start3A_129 = tpu.memref_slice %arg12[%mul3A_126, %dma_start3A_128] : memref<50000x16xf32, #tpu.memory_space<hbm>> -> memref<3125x16xf32, #tpu.memory_space<hbm>>
        %dma_start3A_130 = arith.constant 0 : i32
        %dma_start3A_131 = tpu.memref_slice %arg19[%mul3A_126, %dma_start3A_130] : memref<50016x16xf32, #tpu.memory_space<vmem_shared>> -> memref<3125x16xf32, #tpu.memory_space<vmem_shared>>
        tpu.enqueue_dma source(%dma_start3A_131 : memref<3125x16xf32, #tpu.memory_space<vmem_shared>>) target(%dma_start3A_129 : memref<3125x16xf32, #tpu.memory_space<hbm>>) target_semaphore(%run_scoped3A : memref<!tpu.dma_semaphore, #tpu.memory_space<semaphore_mem>>)
        %dma_wait3A_132 = arith.constant 0 : i32
        %dma_wait3A_133 = tpu.memref_slice %arg12[%mul3A_126, %dma_wait3A_132] : memref<50000x16xf32, #tpu.memory_space<hbm>> -> memref<3125x16xf32, #tpu.memory_space<hbm>>
        %dma_wait3A_134 = arith.constant 0 : i32
        %dma_wait3A_135 = tpu.memref_slice %arg19[%mul3A_126, %dma_wait3A_134] : memref<50016x16xf32, #tpu.memory_space<vmem_shared>> -> memref<3125x16xf32, #tpu.memory_space<vmem_shared>>
        tpu.wait_dma2 semaphore(%run_scoped3A : memref<!tpu.dma_semaphore, #tpu.memory_space<semaphore_mem>>) src(%dma_wait3A_135 : memref<3125x16xf32, #tpu.memory_space<vmem_shared>>) dst(%dma_wait3A_133 : memref<3125x16xf32, #tpu.memory_space<hbm>>)
        tpu.yield
      }) : () -> ()
      %barrier3A_127 = arith.constant 0 : index
      tpu.barrier barrier_id(%barrier3A_127)
    } else {
    }
    return
  }
}

#map = affine_map<(d0, d1) -> (0, 0)>
#map1 = affine_map<(d0, d1) -> (0)>
module attributes {stable_mosaic.version = 14 : i64} {
  func.func @_sc_body(%arg0: i32, %arg1: i32, %arg2: memref<50000x16xf32, #tpu.memory_space<hbm>>, %arg3: memref<50000x16xf32, #tpu.memory_space<hbm>>, %arg4: memref<50000x16xf32, #tpu.memory_space<hbm>>, %arg5: memref<50000x16xf32, #tpu.memory_space<hbm>>, %arg6: memref<819200xi32, #tpu.memory_space<hbm>>, %arg7: memref<819200xi32, #tpu.memory_space<hbm>>, %arg8: memref<50016x16xf32, #tpu.memory_space<hbm>>, %arg9: memref<50000x16xf32, #tpu.memory_space<hbm>>, %arg10: memref<50000x16xf32, #tpu.memory_space<hbm>>, %arg11: memref<50000x16xf32, #tpu.memory_space<hbm>>, %arg12: memref<50000x16xf32, #tpu.memory_space<hbm>>, %arg13: memref<320xi32, #tpu.memory_space<vmem>>, %arg14: memref<320xi32, #tpu.memory_space<vmem>>, %arg15: memref<320xi32, #tpu.memory_space<vmem>>, %arg16: memref<320xi32, #tpu.memory_space<vmem>>, %arg17: memref<320x16xf32, #tpu.memory_space<vmem>>, %arg18: memref<320x16xf32, #tpu.memory_space<vmem>>, %arg19: memref<50016x16xf32, #tpu.memory_space<vmem_shared>>, %arg20: memref<50000x16xf32, #tpu.memory_space<vmem_shared>>, %arg21: memref<!tpu.dma_semaphore, #tpu.memory_space<semaphore_mem>>, %arg22: memref<!tpu.dma_semaphore, #tpu.memory_space<semaphore_mem>>, %arg23: memref<!tpu.dma_semaphore, #tpu.memory_space<semaphore_mem>>, %arg24: memref<!tpu.dma_semaphore, #tpu.memory_space<semaphore_mem>>, %arg25: memref<!tpu.dma_semaphore, #tpu.memory_space<semaphore_mem>>, %arg26: memref<!tpu.dma_semaphore, #tpu.memory_space<semaphore_mem>>) attributes {dimension_semantics = [#tpu.dimension_semantics<core_parallel>, #tpu.dimension_semantics<subcore_parallel>], iteration_bounds = array<i64: 2, 16>, scalar_prefetch = 0 : i64, scratch_operands = 14 : i64, tpu.core_type = #tpu.core_type<sc_vector_subcore>, window_params = [{transform_indices = #map}, {transform_indices = #map}, {transform_indices = #map}, {transform_indices = #map}, {transform_indices = #map1}, {transform_indices = #map1}, {transform_indices = #map}, {transform_indices = #map}, {transform_indices = #map}, {transform_indices = #map}, {transform_indices = #map}]} {
    %mul3A = arith.constant 51200 : i32
    %mul3A_0 = arith.muli %arg1, %mul3A : i32
    %eq3A = arith.constant 0 : i32
    %eq3A_1 = arith.cmpi eq, %arg0, %eq3A : i32
    %convert_element_type3A = arith.extui %eq3A_1 : i1 to i32
    %cond3A = arith.constant 0 : i32
    %cond3A_2 = arith.cmpi ne, %convert_element_type3A, %cond3A : i32
    scf.if %cond3A_2 {
      %mul3A_8 = arith.constant 3126 : i32
      %mul3A_9 = arith.muli %arg1, %mul3A_8 : i32
      "tpu.region"() ({
        %run_scoped3A = tpu.sem_alloc : memref<!tpu.dma_semaphore, #tpu.memory_space<semaphore_mem>>
        %dma_start3A_128 = arith.constant 0 : i32
        %dma_start3A_129 = tpu.memref_slice %arg19[%mul3A_9, %dma_start3A_128] : memref<50016x16xf32, #tpu.memory_space<vmem_shared>> -> memref<3126x16xf32, #tpu.memory_space<vmem_shared>>
        %dma_start3A_130 = arith.constant 0 : i32
        %dma_start3A_131 = tpu.memref_slice %arg8[%mul3A_9, %dma_start3A_130] : memref<50016x16xf32, #tpu.memory_space<hbm>> -> memref<3126x16xf32, #tpu.memory_space<hbm>>
        tpu.enqueue_dma source(%dma_start3A_131 : memref<3126x16xf32, #tpu.memory_space<hbm>>) target(%dma_start3A_129 : memref<3126x16xf32, #tpu.memory_space<vmem_shared>>) target_semaphore(%run_scoped3A : memref<!tpu.dma_semaphore, #tpu.memory_space<semaphore_mem>>)
        %dma_wait3A_132 = arith.constant 0 : i32
        %dma_wait3A_133 = tpu.memref_slice %arg19[%mul3A_9, %dma_wait3A_132] : memref<50016x16xf32, #tpu.memory_space<vmem_shared>> -> memref<3126x16xf32, #tpu.memory_space<vmem_shared>>
        %dma_wait3A_134 = arith.constant 0 : i32
        %dma_wait3A_135 = tpu.memref_slice %arg8[%mul3A_9, %dma_wait3A_134] : memref<50016x16xf32, #tpu.memory_space<hbm>> -> memref<3126x16xf32, #tpu.memory_space<hbm>>
        tpu.wait_dma2 semaphore(%run_scoped3A : memref<!tpu.dma_semaphore, #tpu.memory_space<semaphore_mem>>) src(%dma_wait3A_135 : memref<3126x16xf32, #tpu.memory_space<hbm>>) dst(%dma_wait3A_133 : memref<3126x16xf32, #tpu.memory_space<vmem_shared>>)
        tpu.yield
      }) : () -> ()
      %mul3A_10 = arith.constant 3125 : i32
      %mul3A_11 = arith.muli %arg1, %mul3A_10 : i32
      "tpu.region"() ({
        %run_scoped3A = tpu.sem_alloc : memref<!tpu.dma_semaphore, #tpu.memory_space<semaphore_mem>>
        %dma_start3A_128 = arith.constant 0 : i32
        %dma_start3A_129 = tpu.memref_slice %arg20[%mul3A_11, %dma_start3A_128] : memref<50000x16xf32, #tpu.memory_space<vmem_shared>> -> memref<3125x16xf32, #tpu.memory_space<vmem_shared>>
        %dma_start3A_130 = arith.constant 0 : i32
        %dma_start3A_131 = tpu.memref_slice %arg2[%mul3A_11, %dma_start3A_130] : memref<50000x16xf32, #tpu.memory_space<hbm>> -> memref<3125x16xf32, #tpu.memory_space<hbm>>
        tpu.enqueue_dma source(%dma_start3A_131 : memref<3125x16xf32, #tpu.memory_space<hbm>>) target(%dma_start3A_129 : memref<3125x16xf32, #tpu.memory_space<vmem_shared>>) target_semaphore(%run_scoped3A : memref<!tpu.dma_semaphore, #tpu.memory_space<semaphore_mem>>)
        %dma_wait3A_132 = arith.constant 0 : i32
        %dma_wait3A_133 = tpu.memref_slice %arg20[%mul3A_11, %dma_wait3A_132] : memref<50000x16xf32, #tpu.memory_space<vmem_shared>> -> memref<3125x16xf32, #tpu.memory_space<vmem_shared>>
        %dma_wait3A_134 = arith.constant 0 : i32
        %dma_wait3A_135 = tpu.memref_slice %arg2[%mul3A_11, %dma_wait3A_134] : memref<50000x16xf32, #tpu.memory_space<hbm>> -> memref<3125x16xf32, #tpu.memory_space<hbm>>
        tpu.wait_dma2 semaphore(%run_scoped3A : memref<!tpu.dma_semaphore, #tpu.memory_space<semaphore_mem>>) src(%dma_wait3A_135 : memref<3125x16xf32, #tpu.memory_space<hbm>>) dst(%dma_wait3A_133 : memref<3125x16xf32, #tpu.memory_space<vmem_shared>>)
        tpu.yield
      }) : () -> ()
      %barrier3A = arith.constant 0 : index
      tpu.barrier barrier_id(%barrier3A)
      %add3A = arith.constant 0 : i32
      %add3A_12 = arith.addi %mul3A_0, %add3A : i32
      %min3A = arith.constant 818880 : i32
      %min3A_13 = arith.minsi %add3A_12, %min3A : i32
      %dma_start3A = tpu.memref_slice %arg6[%min3A_13] : memref<819200xi32, #tpu.memory_space<hbm>> -> memref<320xi32, #tpu.memory_space<hbm>>
      %dma_start3A_14 = tpu.memref_slice %arg6[%min3A_13] : memref<819200xi32, #tpu.memory_space<hbm>> -> memref<320xi32, #tpu.memory_space<hbm>>
      tpu.enqueue_dma source(%dma_start3A_14 : memref<320xi32, #tpu.memory_space<hbm>>) target(%arg13 : memref<320xi32, #tpu.memory_space<vmem>>) target_semaphore(%arg21 : memref<!tpu.dma_semaphore, #tpu.memory_space<semaphore_mem>>)
      %add3A_15 = arith.constant 0 : i32
      %add3A_16 = arith.addi %mul3A_0, %add3A_15 : i32
      %min3A_17 = arith.constant 818880 : i32
      %min3A_18 = arith.minsi %add3A_16, %min3A_17 : i32
      %dma_start3A_19 = tpu.memref_slice %arg7[%min3A_18] : memref<819200xi32, #tpu.memory_space<hbm>> -> memref<320xi32, #tpu.memory_space<hbm>>
      %dma_start3A_20 = tpu.memref_slice %arg7[%min3A_18] : memref<819200xi32, #tpu.memory_space<hbm>> -> memref<320xi32, #tpu.memory_space<hbm>>
      tpu.enqueue_dma source(%dma_start3A_20 : memref<320xi32, #tpu.memory_space<hbm>>) target(%arg14 : memref<320xi32, #tpu.memory_space<vmem>>) target_semaphore(%arg22 : memref<!tpu.dma_semaphore, #tpu.memory_space<semaphore_mem>>)
      %add3A_21 = arith.constant 320 : i32
      %add3A_22 = arith.addi %mul3A_0, %add3A_21 : i32
      %min3A_23 = arith.constant 818880 : i32
      %min3A_24 = arith.minsi %add3A_22, %min3A_23 : i32
      %dma_start3A_25 = tpu.memref_slice %arg6[%min3A_24] : memref<819200xi32, #tpu.memory_space<hbm>> -> memref<320xi32, #tpu.memory_space<hbm>>
      %dma_start3A_26 = tpu.memref_slice %arg6[%min3A_24] : memref<819200xi32, #tpu.memory_space<hbm>> -> memref<320xi32, #tpu.memory_space<hbm>>
      tpu.enqueue_dma source(%dma_start3A_26 : memref<320xi32, #tpu.memory_space<hbm>>) target(%arg15 : memref<320xi32, #tpu.memory_space<vmem>>) target_semaphore(%arg23 : memref<!tpu.dma_semaphore, #tpu.memory_space<semaphore_mem>>)
      %add3A_27 = arith.constant 320 : i32
      %add3A_28 = arith.addi %mul3A_0, %add3A_27 : i32
      %min3A_29 = arith.constant 818880 : i32
      %min3A_30 = arith.minsi %add3A_28, %min3A_29 : i32
      %dma_start3A_31 = tpu.memref_slice %arg7[%min3A_30] : memref<819200xi32, #tpu.memory_space<hbm>> -> memref<320xi32, #tpu.memory_space<hbm>>
      %dma_start3A_32 = tpu.memref_slice %arg7[%min3A_30] : memref<819200xi32, #tpu.memory_space<hbm>> -> memref<320xi32, #tpu.memory_space<hbm>>
      tpu.enqueue_dma source(%dma_start3A_32 : memref<320xi32, #tpu.memory_space<hbm>>) target(%arg16 : memref<320xi32, #tpu.memory_space<vmem>>) target_semaphore(%arg24 : memref<!tpu.dma_semaphore, #tpu.memory_space<semaphore_mem>>)
      %scan3A = arith.constant 0 : i32
      %scan3A_33 = arith.constant 0 : i32
      %scan3A_34 = arith.constant 80 : i32
      %scan3A_35 = arith.addi %scan3A_33, %scan3A_34 : i32
      %scan3A_36 = arith.constant 1 : i32
      scf.for %scan3A_128 = %scan3A_33 to %scan3A_35 step %scan3A_36  : i32 {
        %mul3A_129 = arith.constant 2 : i32
        %mul3A_130 = arith.muli %mul3A_129, %scan3A_128 : i32
        %mul3A_131 = arith.constant 2 : i32
        %mul3A_132 = arith.muli %mul3A_131, %scan3A_128 : i32
        %add3A_133 = arith.constant 1 : i32
        %add3A_134 = arith.addi %mul3A_132, %add3A_133 : i32
        %mul3A_135 = arith.constant 320 : i32
        %mul3A_136 = arith.muli %mul3A_130, %mul3A_135 : i32
        %add3A_137 = arith.addi %mul3A_0, %mul3A_136 : i32
        %min3A_138 = arith.constant 818880 : i32
        %min3A_139 = arith.minsi %add3A_137, %min3A_138 : i32
        %dma_wait3A_140 = tpu.memref_slice %arg6[%min3A_139] : memref<819200xi32, #tpu.memory_space<hbm>> -> memref<320xi32, #tpu.memory_space<hbm>>
        %dma_wait3A_141 = tpu.memref_slice %arg6[%min3A_139] : memref<819200xi32, #tpu.memory_space<hbm>> -> memref<320xi32, #tpu.memory_space<hbm>>
        tpu.wait_dma2 semaphore(%arg21 : memref<!tpu.dma_semaphore, #tpu.memory_space<semaphore_mem>>) src(%dma_wait3A_141 : memref<320xi32, #tpu.memory_space<hbm>>) dst(%arg13 : memref<320xi32, #tpu.memory_space<vmem>>)
        %mul3A_142 = arith.constant 320 : i32
        %mul3A_143 = arith.muli %mul3A_130, %mul3A_142 : i32
        %add3A_144 = arith.addi %mul3A_0, %mul3A_143 : i32
        %min3A_145 = arith.constant 818880 : i32
        %min3A_146 = arith.minsi %add3A_144, %min3A_145 : i32
        %dma_wait3A_147 = tpu.memref_slice %arg7[%min3A_146] : memref<819200xi32, #tpu.memory_space<hbm>> -> memref<320xi32, #tpu.memory_space<hbm>>
        %dma_wait3A_148 = tpu.memref_slice %arg7[%min3A_146] : memref<819200xi32, #tpu.memory_space<hbm>> -> memref<320xi32, #tpu.memory_space<hbm>>
        tpu.wait_dma2 semaphore(%arg22 : memref<!tpu.dma_semaphore, #tpu.memory_space<semaphore_mem>>) src(%dma_wait3A_148 : memref<320xi32, #tpu.memory_space<hbm>>) dst(%arg14 : memref<320xi32, #tpu.memory_space<vmem>>)
        %dma_start3A_149 = arith.constant 0 : i32
        %dma_start3A_150 = arith.constant 0 : i32
        %dma_start3A_151 = tpu.memref_slice %arg20[%dma_start3A_149, %dma_start3A_150] : memref<50000x16xf32, #tpu.memory_space<vmem_shared>> -> memref<50000x16xf32, #tpu.memory_space<vmem_shared>>
        tpu.enqueue_indirect_dma source(%dma_start3A_151 : memref<50000x16xf32, #tpu.memory_space<vmem_shared>>) target(%arg17 : memref<320x16xf32, #tpu.memory_space<vmem>>) offsets(%arg13 : memref<320xi32, #tpu.memory_space<vmem>>) semaphore(%arg25 : memref<!tpu.dma_semaphore, #tpu.memory_space<semaphore_mem>>)
        %mul3A_152 = arith.constant 320 : i32
        %mul3A_153 = arith.muli %add3A_134, %mul3A_152 : i32
        %add3A_154 = arith.addi %mul3A_0, %mul3A_153 : i32
        %min3A_155 = arith.constant 818880 : i32
        %min3A_156 = arith.minsi %add3A_154, %min3A_155 : i32
        %dma_wait3A_157 = tpu.memref_slice %arg6[%min3A_156] : memref<819200xi32, #tpu.memory_space<hbm>> -> memref<320xi32, #tpu.memory_space<hbm>>
        %dma_wait3A_158 = tpu.memref_slice %arg6[%min3A_156] : memref<819200xi32, #tpu.memory_space<hbm>> -> memref<320xi32, #tpu.memory_space<hbm>>
        tpu.wait_dma2 semaphore(%arg23 : memref<!tpu.dma_semaphore, #tpu.memory_space<semaphore_mem>>) src(%dma_wait3A_158 : memref<320xi32, #tpu.memory_space<hbm>>) dst(%arg15 : memref<320xi32, #tpu.memory_space<vmem>>)
        %mul3A_159 = arith.constant 320 : i32
        %mul3A_160 = arith.muli %add3A_134, %mul3A_159 : i32
        %add3A_161 = arith.addi %mul3A_0, %mul3A_160 : i32
        %min3A_162 = arith.constant 818880 : i32
        %min3A_163 = arith.minsi %add3A_161, %min3A_162 : i32
        %dma_wait3A_164 = tpu.memref_slice %arg7[%min3A_163] : memref<819200xi32, #tpu.memory_space<hbm>> -> memref<320xi32, #tpu.memory_space<hbm>>
        %dma_wait3A_165 = tpu.memref_slice %arg7[%min3A_163] : memref<819200xi32, #tpu.memory_space<hbm>> -> memref<320xi32, #tpu.memory_space<hbm>>
        tpu.wait_dma2 semaphore(%arg24 : memref<!tpu.dma_semaphore, #tpu.memory_space<semaphore_mem>>) src(%dma_wait3A_165 : memref<320xi32, #tpu.memory_space<hbm>>) dst(%arg16 : memref<320xi32, #tpu.memory_space<vmem>>)
        %dma_wait3A_166 = arith.constant 0 : i32
        %dma_wait3A_167 = arith.constant 0 : i32
        %dma_wait3A_168 = tpu.memref_slice %arg20[%dma_wait3A_166, %dma_wait3A_167] : memref<50000x16xf32, #tpu.memory_space<vmem_shared>> -> memref<50000x16xf32, #tpu.memory_space<vmem_shared>>
        tpu.wait_indirect_dma semaphore(%arg25 : memref<!tpu.dma_semaphore, #tpu.memory_space<semaphore_mem>>) src(%dma_wait3A_168 : memref<50000x16xf32, #tpu.memory_space<vmem_shared>>) dst(%arg17 : memref<320x16xf32, #tpu.memory_space<vmem>>)
        %dma_start3A_169 = arith.constant 0 : i32
        %dma_start3A_170 = arith.constant 0 : i32
        %dma_start3A_171 = tpu.memref_slice %arg20[%dma_start3A_169, %dma_start3A_170] : memref<50000x16xf32, #tpu.memory_space<vmem_shared>> -> memref<50000x16xf32, #tpu.memory_space<vmem_shared>>
        tpu.enqueue_indirect_dma source(%dma_start3A_171 : memref<50000x16xf32, #tpu.memory_space<vmem_shared>>) target(%arg18 : memref<320x16xf32, #tpu.memory_space<vmem>>) offsets(%arg15 : memref<320xi32, #tpu.memory_space<vmem>>) semaphore(%arg26 : memref<!tpu.dma_semaphore, #tpu.memory_space<semaphore_mem>>)
        "tpu.region"() ({
          %run_scoped3A = tpu.sem_alloc : memref<!tpu.dma_semaphore, #tpu.memory_space<semaphore_mem>>
          %dma_start3A_207 = arith.constant 0 : i32
          %dma_start3A_208 = arith.constant 0 : i32
          %dma_start3A_209 = tpu.memref_slice %arg19[%dma_start3A_207, %dma_start3A_208] : memref<50016x16xf32, #tpu.memory_space<vmem_shared>> -> memref<50016x16xf32, #tpu.memory_space<vmem_shared>>
          tpu.enqueue_indirect_dma source(%arg17 : memref<320x16xf32, #tpu.memory_space<vmem>>) target(%dma_start3A_209 : memref<50016x16xf32, #tpu.memory_space<vmem_shared>>) offsets(%arg14 : memref<320xi32, #tpu.memory_space<vmem>>) semaphore(%run_scoped3A : memref<!tpu.dma_semaphore, #tpu.memory_space<semaphore_mem>>) {add = true}
          %dma_wait3A_210 = arith.constant 0 : i32
          %dma_wait3A_211 = arith.constant 0 : i32
          %dma_wait3A_212 = tpu.memref_slice %arg19[%dma_wait3A_210, %dma_wait3A_211] : memref<50016x16xf32, #tpu.memory_space<vmem_shared>> -> memref<50016x16xf32, #tpu.memory_space<vmem_shared>>
          tpu.wait_indirect_dma semaphore(%run_scoped3A : memref<!tpu.dma_semaphore, #tpu.memory_space<semaphore_mem>>) src(%arg17 : memref<320x16xf32, #tpu.memory_space<vmem>>) dst(%dma_wait3A_212 : memref<50016x16xf32, #tpu.memory_space<vmem_shared>>)
          tpu.yield
        }) : () -> ()
        %add3A_172 = arith.constant 2 : i32
        %add3A_173 = arith.addi %mul3A_130, %add3A_172 : i32
        %mul3A_174 = arith.constant 320 : i32
        %mul3A_175 = arith.muli %add3A_173, %mul3A_174 : i32
        %add3A_176 = arith.addi %mul3A_0, %mul3A_175 : i32
        %min3A_177 = arith.constant 818880 : i32
        %min3A_178 = arith.minsi %add3A_176, %min3A_177 : i32
        %dma_start3A_179 = tpu.memref_slice %arg6[%min3A_178] : memref<819200xi32, #tpu.memory_space<hbm>> -> memref<320xi32, #tpu.memory_space<hbm>>
        %dma_start3A_180 = tpu.memref_slice %arg6[%min3A_178] : memref<819200xi32, #tpu.memory_space<hbm>> -> memref<320xi32, #tpu.memory_space<hbm>>
        tpu.enqueue_dma source(%dma_start3A_180 : memref<320xi32, #tpu.memory_space<hbm>>) target(%arg13 : memref<320xi32, #tpu.memory_space<vmem>>) target_semaphore(%arg21 : memref<!tpu.dma_semaphore, #tpu.memory_space<semaphore_mem>>)
        %mul3A_181 = arith.constant 320 : i32
        %mul3A_182 = arith.muli %add3A_173, %mul3A_181 : i32
        %add3A_183 = arith.addi %mul3A_0, %mul3A_182 : i32
        %min3A_184 = arith.constant 818880 : i32
        %min3A_185 = arith.minsi %add3A_183, %min3A_184 : i32
        %dma_start3A_186 = tpu.memref_slice %arg7[%min3A_185] : memref<819200xi32, #tpu.memory_space<hbm>> -> memref<320xi32, #tpu.memory_space<hbm>>
        %dma_start3A_187 = tpu.memref_slice %arg7[%min3A_185] : memref<819200xi32, #tpu.memory_space<hbm>> -> memref<320xi32, #tpu.memory_space<hbm>>
        tpu.enqueue_dma source(%dma_start3A_187 : memref<320xi32, #tpu.memory_space<hbm>>) target(%arg14 : memref<320xi32, #tpu.memory_space<vmem>>) target_semaphore(%arg22 : memref<!tpu.dma_semaphore, #tpu.memory_space<semaphore_mem>>)
        %dma_wait3A_188 = arith.constant 0 : i32
        %dma_wait3A_189 = arith.constant 0 : i32
        %dma_wait3A_190 = tpu.memref_slice %arg20[%dma_wait3A_188, %dma_wait3A_189] : memref<50000x16xf32, #tpu.memory_space<vmem_shared>> -> memref<50000x16xf32, #tpu.memory_space<vmem_shared>>
        tpu.wait_indirect_dma semaphore(%arg26 : memref<!tpu.dma_semaphore, #tpu.memory_space<semaphore_mem>>) src(%dma_wait3A_190 : memref<50000x16xf32, #tpu.memory_space<vmem_shared>>) dst(%arg18 : memref<320x16xf32, #tpu.memory_space<vmem>>)
        "tpu.region"() ({
          %run_scoped3A = tpu.sem_alloc : memref<!tpu.dma_semaphore, #tpu.memory_space<semaphore_mem>>
          %dma_start3A_207 = arith.constant 0 : i32
          %dma_start3A_208 = arith.constant 0 : i32
          %dma_start3A_209 = tpu.memref_slice %arg19[%dma_start3A_207, %dma_start3A_208] : memref<50016x16xf32, #tpu.memory_space<vmem_shared>> -> memref<50016x16xf32, #tpu.memory_space<vmem_shared>>
          tpu.enqueue_indirect_dma source(%arg18 : memref<320x16xf32, #tpu.memory_space<vmem>>) target(%dma_start3A_209 : memref<50016x16xf32, #tpu.memory_space<vmem_shared>>) offsets(%arg16 : memref<320xi32, #tpu.memory_space<vmem>>) semaphore(%run_scoped3A : memref<!tpu.dma_semaphore, #tpu.memory_space<semaphore_mem>>) {add = true}
          %dma_wait3A_210 = arith.constant 0 : i32
          %dma_wait3A_211 = arith.constant 0 : i32
          %dma_wait3A_212 = tpu.memref_slice %arg19[%dma_wait3A_210, %dma_wait3A_211] : memref<50016x16xf32, #tpu.memory_space<vmem_shared>> -> memref<50016x16xf32, #tpu.memory_space<vmem_shared>>
          tpu.wait_indirect_dma semaphore(%run_scoped3A : memref<!tpu.dma_semaphore, #tpu.memory_space<semaphore_mem>>) src(%arg18 : memref<320x16xf32, #tpu.memory_space<vmem>>) dst(%dma_wait3A_212 : memref<50016x16xf32, #tpu.memory_space<vmem_shared>>)
          tpu.yield
        }) : () -> ()
        %add3A_191 = arith.constant 2 : i32
        %add3A_192 = arith.addi %add3A_134, %add3A_191 : i32
        %mul3A_193 = arith.constant 320 : i32
        %mul3A_194 = arith.muli %add3A_192, %mul3A_193 : i32
        %add3A_195 = arith.addi %mul3A_0, %mul3A_194 : i32
        %min3A_196 = arith.constant 818880 : i32
        %min3A_197 = arith.minsi %add3A_195, %min3A_196 : i32
        %dma_start3A_198 = tpu.memref_slice %arg6[%min3A_197] : memref<819200xi32, #tpu.memory_space<hbm>> -> memref<320xi32, #tpu.memory_space<hbm>>
        %dma_start3A_199 = tpu.memref_slice %arg6[%min3A_197] : memref<819200xi32, #tpu.memory_space<hbm>> -> memref<320xi32, #tpu.memory_space<hbm>>
        tpu.enqueue_dma source(%dma_start3A_199 : memref<320xi32, #tpu.memory_space<hbm>>) target(%arg15 : memref<320xi32, #tpu.memory_space<vmem>>) target_semaphore(%arg23 : memref<!tpu.dma_semaphore, #tpu.memory_space<semaphore_mem>>)
        %mul3A_200 = arith.constant 320 : i32
        %mul3A_201 = arith.muli %add3A_192, %mul3A_200 : i32
        %add3A_202 = arith.addi %mul3A_0, %mul3A_201 : i32
        %min3A_203 = arith.constant 818880 : i32
        %min3A_204 = arith.minsi %add3A_202, %min3A_203 : i32
        %dma_start3A_205 = tpu.memref_slice %arg7[%min3A_204] : memref<819200xi32, #tpu.memory_space<hbm>> -> memref<320xi32, #tpu.memory_space<hbm>>
        %dma_start3A_206 = tpu.memref_slice %arg7[%min3A_204] : memref<819200xi32, #tpu.memory_space<hbm>> -> memref<320xi32, #tpu.memory_space<hbm>>
        tpu.enqueue_dma source(%dma_start3A_206 : memref<320xi32, #tpu.memory_space<hbm>>) target(%arg16 : memref<320xi32, #tpu.memory_space<vmem>>) target_semaphore(%arg24 : memref<!tpu.dma_semaphore, #tpu.memory_space<semaphore_mem>>)
      }
      %scan3A_37 = arith.constant 80 : i32
      %add3A_38 = arith.constant 51200 : i32
      %add3A_39 = arith.addi %mul3A_0, %add3A_38 : i32
      %min3A_40 = arith.constant 818880 : i32
      %min3A_41 = arith.minsi %add3A_39, %min3A_40 : i32
      %dma_wait3A = tpu.memref_slice %arg6[%min3A_41] : memref<819200xi32, #tpu.memory_space<hbm>> -> memref<320xi32, #tpu.memory_space<hbm>>
      %dma_wait3A_42 = tpu.memref_slice %arg6[%min3A_41] : memref<819200xi32, #tpu.memory_space<hbm>> -> memref<320xi32, #tpu.memory_space<hbm>>
      tpu.wait_dma2 semaphore(%arg21 : memref<!tpu.dma_semaphore, #tpu.memory_space<semaphore_mem>>) src(%dma_wait3A_42 : memref<320xi32, #tpu.memory_space<hbm>>) dst(%arg13 : memref<320xi32, #tpu.memory_space<vmem>>)
      %add3A_43 = arith.constant 51200 : i32
      %add3A_44 = arith.addi %mul3A_0, %add3A_43 : i32
      %min3A_45 = arith.constant 818880 : i32
      %min3A_46 = arith.minsi %add3A_44, %min3A_45 : i32
      %dma_wait3A_47 = tpu.memref_slice %arg7[%min3A_46] : memref<819200xi32, #tpu.memory_space<hbm>> -> memref<320xi32, #tpu.memory_space<hbm>>
      %dma_wait3A_48 = tpu.memref_slice %arg7[%min3A_46] : memref<819200xi32, #tpu.memory_space<hbm>> -> memref<320xi32, #tpu.memory_space<hbm>>
      tpu.wait_dma2 semaphore(%arg22 : memref<!tpu.dma_semaphore, #tpu.memory_space<semaphore_mem>>) src(%dma_wait3A_48 : memref<320xi32, #tpu.memory_space<hbm>>) dst(%arg14 : memref<320xi32, #tpu.memory_space<vmem>>)
      %add3A_49 = arith.constant 51520 : i32
      %add3A_50 = arith.addi %mul3A_0, %add3A_49 : i32
      %min3A_51 = arith.constant 818880 : i32
      %min3A_52 = arith.minsi %add3A_50, %min3A_51 : i32
      %dma_wait3A_53 = tpu.memref_slice %arg6[%min3A_52] : memref<819200xi32, #tpu.memory_space<hbm>> -> memref<320xi32, #tpu.memory_space<hbm>>
      %dma_wait3A_54 = tpu.memref_slice %arg6[%min3A_52] : memref<819200xi32, #tpu.memory_space<hbm>> -> memref<320xi32, #tpu.memory_space<hbm>>
      tpu.wait_dma2 semaphore(%arg23 : memref<!tpu.dma_semaphore, #tpu.memory_space<semaphore_mem>>) src(%dma_wait3A_54 : memref<320xi32, #tpu.memory_space<hbm>>) dst(%arg15 : memref<320xi32, #tpu.memory_space<vmem>>)
      %add3A_55 = arith.constant 51520 : i32
      %add3A_56 = arith.addi %mul3A_0, %add3A_55 : i32
      %min3A_57 = arith.constant 818880 : i32
      %min3A_58 = arith.minsi %add3A_56, %min3A_57 : i32
      %dma_wait3A_59 = tpu.memref_slice %arg7[%min3A_58] : memref<819200xi32, #tpu.memory_space<hbm>> -> memref<320xi32, #tpu.memory_space<hbm>>
      %dma_wait3A_60 = tpu.memref_slice %arg7[%min3A_58] : memref<819200xi32, #tpu.memory_space<hbm>> -> memref<320xi32, #tpu.memory_space<hbm>>
      tpu.wait_dma2 semaphore(%arg24 : memref<!tpu.dma_semaphore, #tpu.memory_space<semaphore_mem>>) src(%dma_wait3A_60 : memref<320xi32, #tpu.memory_space<hbm>>) dst(%arg16 : memref<320xi32, #tpu.memory_space<vmem>>)
      %barrier3A_61 = arith.constant 0 : index
      tpu.barrier barrier_id(%barrier3A_61)
      %mul3A_62 = arith.constant 3125 : i32
      %mul3A_63 = arith.muli %arg1, %mul3A_62 : i32
      "tpu.region"() ({
        %run_scoped3A = tpu.sem_alloc : memref<!tpu.dma_semaphore, #tpu.memory_space<semaphore_mem>>
        %dma_start3A_128 = arith.constant 0 : i32
        %dma_start3A_129 = tpu.memref_slice %arg9[%mul3A_63, %dma_start3A_128] : memref<50000x16xf32, #tpu.memory_space<hbm>> -> memref<3125x16xf32, #tpu.memory_space<hbm>>
        %dma_start3A_130 = arith.constant 0 : i32
        %dma_start3A_131 = tpu.memref_slice %arg19[%mul3A_63, %dma_start3A_130] : memref<50016x16xf32, #tpu.memory_space<vmem_shared>> -> memref<3125x16xf32, #tpu.memory_space<vmem_shared>>
        tpu.enqueue_dma source(%dma_start3A_131 : memref<3125x16xf32, #tpu.memory_space<vmem_shared>>) target(%dma_start3A_129 : memref<3125x16xf32, #tpu.memory_space<hbm>>) target_semaphore(%run_scoped3A : memref<!tpu.dma_semaphore, #tpu.memory_space<semaphore_mem>>)
        %dma_wait3A_132 = arith.constant 0 : i32
        %dma_wait3A_133 = tpu.memref_slice %arg9[%mul3A_63, %dma_wait3A_132] : memref<50000x16xf32, #tpu.memory_space<hbm>> -> memref<3125x16xf32, #tpu.memory_space<hbm>>
        %dma_wait3A_134 = arith.constant 0 : i32
        %dma_wait3A_135 = tpu.memref_slice %arg19[%mul3A_63, %dma_wait3A_134] : memref<50016x16xf32, #tpu.memory_space<vmem_shared>> -> memref<3125x16xf32, #tpu.memory_space<vmem_shared>>
        tpu.wait_dma2 semaphore(%run_scoped3A : memref<!tpu.dma_semaphore, #tpu.memory_space<semaphore_mem>>) src(%dma_wait3A_135 : memref<3125x16xf32, #tpu.memory_space<vmem_shared>>) dst(%dma_wait3A_133 : memref<3125x16xf32, #tpu.memory_space<hbm>>)
        tpu.yield
      }) : () -> ()
      %barrier3A_64 = arith.constant 0 : index
      tpu.barrier barrier_id(%barrier3A_64)
      %mul3A_65 = arith.constant 3126 : i32
      %mul3A_66 = arith.muli %arg1, %mul3A_65 : i32
      "tpu.region"() ({
        %run_scoped3A = tpu.sem_alloc : memref<!tpu.dma_semaphore, #tpu.memory_space<semaphore_mem>>
        %dma_start3A_128 = arith.constant 0 : i32
        %dma_start3A_129 = tpu.memref_slice %arg19[%mul3A_66, %dma_start3A_128] : memref<50016x16xf32, #tpu.memory_space<vmem_shared>> -> memref<3126x16xf32, #tpu.memory_space<vmem_shared>>
        %dma_start3A_130 = arith.constant 0 : i32
        %dma_start3A_131 = tpu.memref_slice %arg8[%mul3A_66, %dma_start3A_130] : memref<50016x16xf32, #tpu.memory_space<hbm>> -> memref<3126x16xf32, #tpu.memory_space<hbm>>
        tpu.enqueue_dma source(%dma_start3A_131 : memref<3126x16xf32, #tpu.memory_space<hbm>>) target(%dma_start3A_129 : memref<3126x16xf32, #tpu.memory_space<vmem_shared>>) target_semaphore(%run_scoped3A : memref<!tpu.dma_semaphore, #tpu.memory_space<semaphore_mem>>)
        %dma_wait3A_132 = arith.constant 0 : i32
        %dma_wait3A_133 = tpu.memref_slice %arg19[%mul3A_66, %dma_wait3A_132] : memref<50016x16xf32, #tpu.memory_space<vmem_shared>> -> memref<3126x16xf32, #tpu.memory_space<vmem_shared>>
        %dma_wait3A_134 = arith.constant 0 : i32
        %dma_wait3A_135 = tpu.memref_slice %arg8[%mul3A_66, %dma_wait3A_134] : memref<50016x16xf32, #tpu.memory_space<hbm>> -> memref<3126x16xf32, #tpu.memory_space<hbm>>
        tpu.wait_dma2 semaphore(%run_scoped3A : memref<!tpu.dma_semaphore, #tpu.memory_space<semaphore_mem>>) src(%dma_wait3A_135 : memref<3126x16xf32, #tpu.memory_space<hbm>>) dst(%dma_wait3A_133 : memref<3126x16xf32, #tpu.memory_space<vmem_shared>>)
        tpu.yield
      }) : () -> ()
      %mul3A_67 = arith.constant 3125 : i32
      %mul3A_68 = arith.muli %arg1, %mul3A_67 : i32
      "tpu.region"() ({
        %run_scoped3A = tpu.sem_alloc : memref<!tpu.dma_semaphore, #tpu.memory_space<semaphore_mem>>
        %dma_start3A_128 = arith.constant 0 : i32
        %dma_start3A_129 = tpu.memref_slice %arg20[%mul3A_68, %dma_start3A_128] : memref<50000x16xf32, #tpu.memory_space<vmem_shared>> -> memref<3125x16xf32, #tpu.memory_space<vmem_shared>>
        %dma_start3A_130 = arith.constant 0 : i32
        %dma_start3A_131 = tpu.memref_slice %arg3[%mul3A_68, %dma_start3A_130] : memref<50000x16xf32, #tpu.memory_space<hbm>> -> memref<3125x16xf32, #tpu.memory_space<hbm>>
        tpu.enqueue_dma source(%dma_start3A_131 : memref<3125x16xf32, #tpu.memory_space<hbm>>) target(%dma_start3A_129 : memref<3125x16xf32, #tpu.memory_space<vmem_shared>>) target_semaphore(%run_scoped3A : memref<!tpu.dma_semaphore, #tpu.memory_space<semaphore_mem>>)
        %dma_wait3A_132 = arith.constant 0 : i32
        %dma_wait3A_133 = tpu.memref_slice %arg20[%mul3A_68, %dma_wait3A_132] : memref<50000x16xf32, #tpu.memory_space<vmem_shared>> -> memref<3125x16xf32, #tpu.memory_space<vmem_shared>>
        %dma_wait3A_134 = arith.constant 0 : i32
        %dma_wait3A_135 = tpu.memref_slice %arg3[%mul3A_68, %dma_wait3A_134] : memref<50000x16xf32, #tpu.memory_space<hbm>> -> memref<3125x16xf32, #tpu.memory_space<hbm>>
        tpu.wait_dma2 semaphore(%run_scoped3A : memref<!tpu.dma_semaphore, #tpu.memory_space<semaphore_mem>>) src(%dma_wait3A_135 : memref<3125x16xf32, #tpu.memory_space<hbm>>) dst(%dma_wait3A_133 : memref<3125x16xf32, #tpu.memory_space<vmem_shared>>)
        tpu.yield
      }) : () -> ()
      %barrier3A_69 = arith.constant 0 : index
      tpu.barrier barrier_id(%barrier3A_69)
      %add3A_70 = arith.constant 0 : i32
      %add3A_71 = arith.addi %mul3A_0, %add3A_70 : i32
      %min3A_72 = arith.constant 818880 : i32
      %min3A_73 = arith.minsi %add3A_71, %min3A_72 : i32
      %dma_start3A_74 = tpu.memref_slice %arg6[%min3A_73] : memref<819200xi32, #tpu.memory_space<hbm>> -> memref<320xi32, #tpu.memory_space<hbm>>
      %dma_start3A_75 = tpu.memref_slice %arg6[%min3A_73] : memref<819200xi32, #tpu.memory_space<hbm>> -> memref<320xi32, #tpu.memory_space<hbm>>
      tpu.enqueue_dma source(%dma_start3A_75 : memref<320xi32, #tpu.memory_space<hbm>>) target(%arg13 : memref<320xi32, #tpu.memory_space<vmem>>) target_semaphore(%arg21 : memref<!tpu.dma_semaphore, #tpu.memory_space<semaphore_mem>>)
      %add3A_76 = arith.constant 0 : i32
      %add3A_77 = arith.addi %mul3A_0, %add3A_76 : i32
      %min3A_78 = arith.constant 818880 : i32
      %min3A_79 = arith.minsi %add3A_77, %min3A_78 : i32
      %dma_start3A_80 = tpu.memref_slice %arg7[%min3A_79] : memref<819200xi32, #tpu.memory_space<hbm>> -> memref<320xi32, #tpu.memory_space<hbm>>
      %dma_start3A_81 = tpu.memref_slice %arg7[%min3A_79] : memref<819200xi32, #tpu.memory_space<hbm>> -> memref<320xi32, #tpu.memory_space<hbm>>
      tpu.enqueue_dma source(%dma_start3A_81 : memref<320xi32, #tpu.memory_space<hbm>>) target(%arg14 : memref<320xi32, #tpu.memory_space<vmem>>) target_semaphore(%arg22 : memref<!tpu.dma_semaphore, #tpu.memory_space<semaphore_mem>>)
      %add3A_82 = arith.constant 320 : i32
      %add3A_83 = arith.addi %mul3A_0, %add3A_82 : i32
      %min3A_84 = arith.constant 818880 : i32
      %min3A_85 = arith.minsi %add3A_83, %min3A_84 : i32
      %dma_start3A_86 = tpu.memref_slice %arg6[%min3A_85] : memref<819200xi32, #tpu.memory_space<hbm>> -> memref<320xi32, #tpu.memory_space<hbm>>
      %dma_start3A_87 = tpu.memref_slice %arg6[%min3A_85] : memref<819200xi32, #tpu.memory_space<hbm>> -> memref<320xi32, #tpu.memory_space<hbm>>
      tpu.enqueue_dma source(%dma_start3A_87 : memref<320xi32, #tpu.memory_space<hbm>>) target(%arg15 : memref<320xi32, #tpu.memory_space<vmem>>) target_semaphore(%arg23 : memref<!tpu.dma_semaphore, #tpu.memory_space<semaphore_mem>>)
      %add3A_88 = arith.constant 320 : i32
      %add3A_89 = arith.addi %mul3A_0, %add3A_88 : i32
      %min3A_90 = arith.constant 818880 : i32
      %min3A_91 = arith.minsi %add3A_89, %min3A_90 : i32
      %dma_start3A_92 = tpu.memref_slice %arg7[%min3A_91] : memref<819200xi32, #tpu.memory_space<hbm>> -> memref<320xi32, #tpu.memory_space<hbm>>
      %dma_start3A_93 = tpu.memref_slice %arg7[%min3A_91] : memref<819200xi32, #tpu.memory_space<hbm>> -> memref<320xi32, #tpu.memory_space<hbm>>
      tpu.enqueue_dma source(%dma_start3A_93 : memref<320xi32, #tpu.memory_space<hbm>>) target(%arg16 : memref<320xi32, #tpu.memory_space<vmem>>) target_semaphore(%arg24 : memref<!tpu.dma_semaphore, #tpu.memory_space<semaphore_mem>>)
      %scan3A_94 = arith.constant 0 : i32
      %scan3A_95 = arith.constant 0 : i32
      %scan3A_96 = arith.constant 80 : i32
      %scan3A_97 = arith.addi %scan3A_95, %scan3A_96 : i32
      %scan3A_98 = arith.constant 1 : i32
      scf.for %scan3A_128 = %scan3A_95 to %scan3A_97 step %scan3A_98  : i32 {
        %mul3A_129 = arith.constant 2 : i32
        %mul3A_130 = arith.muli %mul3A_129, %scan3A_128 : i32
        %mul3A_131 = arith.constant 2 : i32
        %mul3A_132 = arith.muli %mul3A_131, %scan3A_128 : i32
        %add3A_133 = arith.constant 1 : i32
        %add3A_134 = arith.addi %mul3A_132, %add3A_133 : i32
        %mul3A_135 = arith.constant 320 : i32
        %mul3A_136 = arith.muli %mul3A_130, %mul3A_135 : i32
        %add3A_137 = arith.addi %mul3A_0, %mul3A_136 : i32
        %min3A_138 = arith.constant 818880 : i32
        %min3A_139 = arith.minsi %add3A_137, %min3A_138 : i32
        %dma_wait3A_140 = tpu.memref_slice %arg6[%min3A_139] : memref<819200xi32, #tpu.memory_space<hbm>> -> memref<320xi32, #tpu.memory_space<hbm>>
        %dma_wait3A_141 = tpu.memref_slice %arg6[%min3A_139] : memref<819200xi32, #tpu.memory_space<hbm>> -> memref<320xi32, #tpu.memory_space<hbm>>
        tpu.wait_dma2 semaphore(%arg21 : memref<!tpu.dma_semaphore, #tpu.memory_space<semaphore_mem>>) src(%dma_wait3A_141 : memref<320xi32, #tpu.memory_space<hbm>>) dst(%arg13 : memref<320xi32, #tpu.memory_space<vmem>>)
        %mul3A_142 = arith.constant 320 : i32
        %mul3A_143 = arith.muli %mul3A_130, %mul3A_142 : i32
        %add3A_144 = arith.addi %mul3A_0, %mul3A_143 : i32
        %min3A_145 = arith.constant 818880 : i32
        %min3A_146 = arith.minsi %add3A_144, %min3A_145 : i32
        %dma_wait3A_147 = tpu.memref_slice %arg7[%min3A_146] : memref<819200xi32, #tpu.memory_space<hbm>> -> memref<320xi32, #tpu.memory_space<hbm>>
        %dma_wait3A_148 = tpu.memref_slice %arg7[%min3A_146] : memref<819200xi32, #tpu.memory_space<hbm>> -> memref<320xi32, #tpu.memory_space<hbm>>
        tpu.wait_dma2 semaphore(%arg22 : memref<!tpu.dma_semaphore, #tpu.memory_space<semaphore_mem>>) src(%dma_wait3A_148 : memref<320xi32, #tpu.memory_space<hbm>>) dst(%arg14 : memref<320xi32, #tpu.memory_space<vmem>>)
        %dma_start3A_149 = arith.constant 0 : i32
        %dma_start3A_150 = arith.constant 0 : i32
        %dma_start3A_151 = tpu.memref_slice %arg20[%dma_start3A_149, %dma_start3A_150] : memref<50000x16xf32, #tpu.memory_space<vmem_shared>> -> memref<50000x16xf32, #tpu.memory_space<vmem_shared>>
        tpu.enqueue_indirect_dma source(%dma_start3A_151 : memref<50000x16xf32, #tpu.memory_space<vmem_shared>>) target(%arg17 : memref<320x16xf32, #tpu.memory_space<vmem>>) offsets(%arg13 : memref<320xi32, #tpu.memory_space<vmem>>) semaphore(%arg25 : memref<!tpu.dma_semaphore, #tpu.memory_space<semaphore_mem>>)
        %mul3A_152 = arith.constant 320 : i32
        %mul3A_153 = arith.muli %add3A_134, %mul3A_152 : i32
        %add3A_154 = arith.addi %mul3A_0, %mul3A_153 : i32
        %min3A_155 = arith.constant 818880 : i32
        %min3A_156 = arith.minsi %add3A_154, %min3A_155 : i32
        %dma_wait3A_157 = tpu.memref_slice %arg6[%min3A_156] : memref<819200xi32, #tpu.memory_space<hbm>> -> memref<320xi32, #tpu.memory_space<hbm>>
        %dma_wait3A_158 = tpu.memref_slice %arg6[%min3A_156] : memref<819200xi32, #tpu.memory_space<hbm>> -> memref<320xi32, #tpu.memory_space<hbm>>
        tpu.wait_dma2 semaphore(%arg23 : memref<!tpu.dma_semaphore, #tpu.memory_space<semaphore_mem>>) src(%dma_wait3A_158 : memref<320xi32, #tpu.memory_space<hbm>>) dst(%arg15 : memref<320xi32, #tpu.memory_space<vmem>>)
        %mul3A_159 = arith.constant 320 : i32
        %mul3A_160 = arith.muli %add3A_134, %mul3A_159 : i32
        %add3A_161 = arith.addi %mul3A_0, %mul3A_160 : i32
        %min3A_162 = arith.constant 818880 : i32
        %min3A_163 = arith.minsi %add3A_161, %min3A_162 : i32
        %dma_wait3A_164 = tpu.memref_slice %arg7[%min3A_163] : memref<819200xi32, #tpu.memory_space<hbm>> -> memref<320xi32, #tpu.memory_space<hbm>>
        %dma_wait3A_165 = tpu.memref_slice %arg7[%min3A_163] : memref<819200xi32, #tpu.memory_space<hbm>> -> memref<320xi32, #tpu.memory_space<hbm>>
        tpu.wait_dma2 semaphore(%arg24 : memref<!tpu.dma_semaphore, #tpu.memory_space<semaphore_mem>>) src(%dma_wait3A_165 : memref<320xi32, #tpu.memory_space<hbm>>) dst(%arg16 : memref<320xi32, #tpu.memory_space<vmem>>)
        %dma_wait3A_166 = arith.constant 0 : i32
        %dma_wait3A_167 = arith.constant 0 : i32
        %dma_wait3A_168 = tpu.memref_slice %arg20[%dma_wait3A_166, %dma_wait3A_167] : memref<50000x16xf32, #tpu.memory_space<vmem_shared>> -> memref<50000x16xf32, #tpu.memory_space<vmem_shared>>
        tpu.wait_indirect_dma semaphore(%arg25 : memref<!tpu.dma_semaphore, #tpu.memory_space<semaphore_mem>>) src(%dma_wait3A_168 : memref<50000x16xf32, #tpu.memory_space<vmem_shared>>) dst(%arg17 : memref<320x16xf32, #tpu.memory_space<vmem>>)
        %dma_start3A_169 = arith.constant 0 : i32
        %dma_start3A_170 = arith.constant 0 : i32
        %dma_start3A_171 = tpu.memref_slice %arg20[%dma_start3A_169, %dma_start3A_170] : memref<50000x16xf32, #tpu.memory_space<vmem_shared>> -> memref<50000x16xf32, #tpu.memory_space<vmem_shared>>
        tpu.enqueue_indirect_dma source(%dma_start3A_171 : memref<50000x16xf32, #tpu.memory_space<vmem_shared>>) target(%arg18 : memref<320x16xf32, #tpu.memory_space<vmem>>) offsets(%arg15 : memref<320xi32, #tpu.memory_space<vmem>>) semaphore(%arg26 : memref<!tpu.dma_semaphore, #tpu.memory_space<semaphore_mem>>)
        "tpu.region"() ({
          %run_scoped3A = tpu.sem_alloc : memref<!tpu.dma_semaphore, #tpu.memory_space<semaphore_mem>>
          %dma_start3A_207 = arith.constant 0 : i32
          %dma_start3A_208 = arith.constant 0 : i32
          %dma_start3A_209 = tpu.memref_slice %arg19[%dma_start3A_207, %dma_start3A_208] : memref<50016x16xf32, #tpu.memory_space<vmem_shared>> -> memref<50016x16xf32, #tpu.memory_space<vmem_shared>>
          tpu.enqueue_indirect_dma source(%arg17 : memref<320x16xf32, #tpu.memory_space<vmem>>) target(%dma_start3A_209 : memref<50016x16xf32, #tpu.memory_space<vmem_shared>>) offsets(%arg14 : memref<320xi32, #tpu.memory_space<vmem>>) semaphore(%run_scoped3A : memref<!tpu.dma_semaphore, #tpu.memory_space<semaphore_mem>>) {add = true}
          %dma_wait3A_210 = arith.constant 0 : i32
          %dma_wait3A_211 = arith.constant 0 : i32
          %dma_wait3A_212 = tpu.memref_slice %arg19[%dma_wait3A_210, %dma_wait3A_211] : memref<50016x16xf32, #tpu.memory_space<vmem_shared>> -> memref<50016x16xf32, #tpu.memory_space<vmem_shared>>
          tpu.wait_indirect_dma semaphore(%run_scoped3A : memref<!tpu.dma_semaphore, #tpu.memory_space<semaphore_mem>>) src(%arg17 : memref<320x16xf32, #tpu.memory_space<vmem>>) dst(%dma_wait3A_212 : memref<50016x16xf32, #tpu.memory_space<vmem_shared>>)
          tpu.yield
        }) : () -> ()
        %add3A_172 = arith.constant 2 : i32
        %add3A_173 = arith.addi %mul3A_130, %add3A_172 : i32
        %mul3A_174 = arith.constant 320 : i32
        %mul3A_175 = arith.muli %add3A_173, %mul3A_174 : i32
        %add3A_176 = arith.addi %mul3A_0, %mul3A_175 : i32
        %min3A_177 = arith.constant 818880 : i32
        %min3A_178 = arith.minsi %add3A_176, %min3A_177 : i32
        %dma_start3A_179 = tpu.memref_slice %arg6[%min3A_178] : memref<819200xi32, #tpu.memory_space<hbm>> -> memref<320xi32, #tpu.memory_space<hbm>>
        %dma_start3A_180 = tpu.memref_slice %arg6[%min3A_178] : memref<819200xi32, #tpu.memory_space<hbm>> -> memref<320xi32, #tpu.memory_space<hbm>>
        tpu.enqueue_dma source(%dma_start3A_180 : memref<320xi32, #tpu.memory_space<hbm>>) target(%arg13 : memref<320xi32, #tpu.memory_space<vmem>>) target_semaphore(%arg21 : memref<!tpu.dma_semaphore, #tpu.memory_space<semaphore_mem>>)
        %mul3A_181 = arith.constant 320 : i32
        %mul3A_182 = arith.muli %add3A_173, %mul3A_181 : i32
        %add3A_183 = arith.addi %mul3A_0, %mul3A_182 : i32
        %min3A_184 = arith.constant 818880 : i32
        %min3A_185 = arith.minsi %add3A_183, %min3A_184 : i32
        %dma_start3A_186 = tpu.memref_slice %arg7[%min3A_185] : memref<819200xi32, #tpu.memory_space<hbm>> -> memref<320xi32, #tpu.memory_space<hbm>>
        %dma_start3A_187 = tpu.memref_slice %arg7[%min3A_185] : memref<819200xi32, #tpu.memory_space<hbm>> -> memref<320xi32, #tpu.memory_space<hbm>>
        tpu.enqueue_dma source(%dma_start3A_187 : memref<320xi32, #tpu.memory_space<hbm>>) target(%arg14 : memref<320xi32, #tpu.memory_space<vmem>>) target_semaphore(%arg22 : memref<!tpu.dma_semaphore, #tpu.memory_space<semaphore_mem>>)
        %dma_wait3A_188 = arith.constant 0 : i32
        %dma_wait3A_189 = arith.constant 0 : i32
        %dma_wait3A_190 = tpu.memref_slice %arg20[%dma_wait3A_188, %dma_wait3A_189] : memref<50000x16xf32, #tpu.memory_space<vmem_shared>> -> memref<50000x16xf32, #tpu.memory_space<vmem_shared>>
        tpu.wait_indirect_dma semaphore(%arg26 : memref<!tpu.dma_semaphore, #tpu.memory_space<semaphore_mem>>) src(%dma_wait3A_190 : memref<50000x16xf32, #tpu.memory_space<vmem_shared>>) dst(%arg18 : memref<320x16xf32, #tpu.memory_space<vmem>>)
        "tpu.region"() ({
          %run_scoped3A = tpu.sem_alloc : memref<!tpu.dma_semaphore, #tpu.memory_space<semaphore_mem>>
          %dma_start3A_207 = arith.constant 0 : i32
          %dma_start3A_208 = arith.constant 0 : i32
          %dma_start3A_209 = tpu.memref_slice %arg19[%dma_start3A_207, %dma_start3A_208] : memref<50016x16xf32, #tpu.memory_space<vmem_shared>> -> memref<50016x16xf32, #tpu.memory_space<vmem_shared>>
          tpu.enqueue_indirect_dma source(%arg18 : memref<320x16xf32, #tpu.memory_space<vmem>>) target(%dma_start3A_209 : memref<50016x16xf32, #tpu.memory_space<vmem_shared>>) offsets(%arg16 : memref<320xi32, #tpu.memory_space<vmem>>) semaphore(%run_scoped3A : memref<!tpu.dma_semaphore, #tpu.memory_space<semaphore_mem>>) {add = true}
          %dma_wait3A_210 = arith.constant 0 : i32
          %dma_wait3A_211 = arith.constant 0 : i32
          %dma_wait3A_212 = tpu.memref_slice %arg19[%dma_wait3A_210, %dma_wait3A_211] : memref<50016x16xf32, #tpu.memory_space<vmem_shared>> -> memref<50016x16xf32, #tpu.memory_space<vmem_shared>>
          tpu.wait_indirect_dma semaphore(%run_scoped3A : memref<!tpu.dma_semaphore, #tpu.memory_space<semaphore_mem>>) src(%arg18 : memref<320x16xf32, #tpu.memory_space<vmem>>) dst(%dma_wait3A_212 : memref<50016x16xf32, #tpu.memory_space<vmem_shared>>)
          tpu.yield
        }) : () -> ()
        %add3A_191 = arith.constant 2 : i32
        %add3A_192 = arith.addi %add3A_134, %add3A_191 : i32
        %mul3A_193 = arith.constant 320 : i32
        %mul3A_194 = arith.muli %add3A_192, %mul3A_193 : i32
        %add3A_195 = arith.addi %mul3A_0, %mul3A_194 : i32
        %min3A_196 = arith.constant 818880 : i32
        %min3A_197 = arith.minsi %add3A_195, %min3A_196 : i32
        %dma_start3A_198 = tpu.memref_slice %arg6[%min3A_197] : memref<819200xi32, #tpu.memory_space<hbm>> -> memref<320xi32, #tpu.memory_space<hbm>>
        %dma_start3A_199 = tpu.memref_slice %arg6[%min3A_197] : memref<819200xi32, #tpu.memory_space<hbm>> -> memref<320xi32, #tpu.memory_space<hbm>>
        tpu.enqueue_dma source(%dma_start3A_199 : memref<320xi32, #tpu.memory_space<hbm>>) target(%arg15 : memref<320xi32, #tpu.memory_space<vmem>>) target_semaphore(%arg23 : memref<!tpu.dma_semaphore, #tpu.memory_space<semaphore_mem>>)
        %mul3A_200 = arith.constant 320 : i32
        %mul3A_201 = arith.muli %add3A_192, %mul3A_200 : i32
        %add3A_202 = arith.addi %mul3A_0, %mul3A_201 : i32
        %min3A_203 = arith.constant 818880 : i32
        %min3A_204 = arith.minsi %add3A_202, %min3A_203 : i32
        %dma_start3A_205 = tpu.memref_slice %arg7[%min3A_204] : memref<819200xi32, #tpu.memory_space<hbm>> -> memref<320xi32, #tpu.memory_space<hbm>>
        %dma_start3A_206 = tpu.memref_slice %arg7[%min3A_204] : memref<819200xi32, #tpu.memory_space<hbm>> -> memref<320xi32, #tpu.memory_space<hbm>>
        tpu.enqueue_dma source(%dma_start3A_206 : memref<320xi32, #tpu.memory_space<hbm>>) target(%arg16 : memref<320xi32, #tpu.memory_space<vmem>>) target_semaphore(%arg24 : memref<!tpu.dma_semaphore, #tpu.memory_space<semaphore_mem>>)
      }
      %scan3A_99 = arith.constant 80 : i32
      %add3A_100 = arith.constant 51200 : i32
      %add3A_101 = arith.addi %mul3A_0, %add3A_100 : i32
      %min3A_102 = arith.constant 818880 : i32
      %min3A_103 = arith.minsi %add3A_101, %min3A_102 : i32
      %dma_wait3A_104 = tpu.memref_slice %arg6[%min3A_103] : memref<819200xi32, #tpu.memory_space<hbm>> -> memref<320xi32, #tpu.memory_space<hbm>>
      %dma_wait3A_105 = tpu.memref_slice %arg6[%min3A_103] : memref<819200xi32, #tpu.memory_space<hbm>> -> memref<320xi32, #tpu.memory_space<hbm>>
      tpu.wait_dma2 semaphore(%arg21 : memref<!tpu.dma_semaphore, #tpu.memory_space<semaphore_mem>>) src(%dma_wait3A_105 : memref<320xi32, #tpu.memory_space<hbm>>) dst(%arg13 : memref<320xi32, #tpu.memory_space<vmem>>)
      %add3A_106 = arith.constant 51200 : i32
      %add3A_107 = arith.addi %mul3A_0, %add3A_106 : i32
      %min3A_108 = arith.constant 818880 : i32
      %min3A_109 = arith.minsi %add3A_107, %min3A_108 : i32
      %dma_wait3A_110 = tpu.memref_slice %arg7[%min3A_109] : memref<819200xi32, #tpu.memory_space<hbm>> -> memref<320xi32, #tpu.memory_space<hbm>>
      %dma_wait3A_111 = tpu.memref_slice %arg7[%min3A_109] : memref<819200xi32, #tpu.memory_space<hbm>> -> memref<320xi32, #tpu.memory_space<hbm>>
      tpu.wait_dma2 semaphore(%arg22 : memref<!tpu.dma_semaphore, #tpu.memory_space<semaphore_mem>>) src(%dma_wait3A_111 : memref<320xi32, #tpu.memory_space<hbm>>) dst(%arg14 : memref<320xi32, #tpu.memory_space<vmem>>)
      %add3A_112 = arith.constant 51520 : i32
      %add3A_113 = arith.addi %mul3A_0, %add3A_112 : i32
      %min3A_114 = arith.constant 818880 : i32
      %min3A_115 = arith.minsi %add3A_113, %min3A_114 : i32
      %dma_wait3A_116 = tpu.memref_slice %arg6[%min3A_115] : memref<819200xi32, #tpu.memory_space<hbm>> -> memref<320xi32, #tpu.memory_space<hbm>>
      %dma_wait3A_117 = tpu.memref_slice %arg6[%min3A_115] : memref<819200xi32, #tpu.memory_space<hbm>> -> memref<320xi32, #tpu.memory_space<hbm>>
      tpu.wait_dma2 semaphore(%arg23 : memref<!tpu.dma_semaphore, #tpu.memory_space<semaphore_mem>>) src(%dma_wait3A_117 : memref<320xi32, #tpu.memory_space<hbm>>) dst(%arg15 : memref<320xi32, #tpu.memory_space<vmem>>)
      %add3A_118 = arith.constant 51520 : i32
      %add3A_119 = arith.addi %mul3A_0, %add3A_118 : i32
      %min3A_120 = arith.constant 818880 : i32
      %min3A_121 = arith.minsi %add3A_119, %min3A_120 : i32
      %dma_wait3A_122 = tpu.memref_slice %arg7[%min3A_121] : memref<819200xi32, #tpu.memory_space<hbm>> -> memref<320xi32, #tpu.memory_space<hbm>>
      %dma_wait3A_123 = tpu.memref_slice %arg7[%min3A_121] : memref<819200xi32, #tpu.memory_space<hbm>> -> memref<320xi32, #tpu.memory_space<hbm>>
      tpu.wait_dma2 semaphore(%arg24 : memref<!tpu.dma_semaphore, #tpu.memory_space<semaphore_mem>>) src(%dma_wait3A_123 : memref<320xi32, #tpu.memory_space<hbm>>) dst(%arg16 : memref<320xi32, #tpu.memory_space<vmem>>)
      %barrier3A_124 = arith.constant 0 : index
      tpu.barrier barrier_id(%barrier3A_124)
      %mul3A_125 = arith.constant 3125 : i32
      %mul3A_126 = arith.muli %arg1, %mul3A_125 : i32
      "tpu.region"() ({
        %run_scoped3A = tpu.sem_alloc : memref<!tpu.dma_semaphore, #tpu.memory_space<semaphore_mem>>
        %dma_start3A_128 = arith.constant 0 : i32
        %dma_start3A_129 = tpu.memref_slice %arg10[%mul3A_126, %dma_start3A_128] : memref<50000x16xf32, #tpu.memory_space<hbm>> -> memref<3125x16xf32, #tpu.memory_space<hbm>>
        %dma_start3A_130 = arith.constant 0 : i32
        %dma_start3A_131 = tpu.memref_slice %arg19[%mul3A_126, %dma_start3A_130] : memref<50016x16xf32, #tpu.memory_space<vmem_shared>> -> memref<3125x16xf32, #tpu.memory_space<vmem_shared>>
        tpu.enqueue_dma source(%dma_start3A_131 : memref<3125x16xf32, #tpu.memory_space<vmem_shared>>) target(%dma_start3A_129 : memref<3125x16xf32, #tpu.memory_space<hbm>>) target_semaphore(%run_scoped3A : memref<!tpu.dma_semaphore, #tpu.memory_space<semaphore_mem>>)
        %dma_wait3A_132 = arith.constant 0 : i32
        %dma_wait3A_133 = tpu.memref_slice %arg10[%mul3A_126, %dma_wait3A_132] : memref<50000x16xf32, #tpu.memory_space<hbm>> -> memref<3125x16xf32, #tpu.memory_space<hbm>>
        %dma_wait3A_134 = arith.constant 0 : i32
        %dma_wait3A_135 = tpu.memref_slice %arg19[%mul3A_126, %dma_wait3A_134] : memref<50016x16xf32, #tpu.memory_space<vmem_shared>> -> memref<3125x16xf32, #tpu.memory_space<vmem_shared>>
        tpu.wait_dma2 semaphore(%run_scoped3A : memref<!tpu.dma_semaphore, #tpu.memory_space<semaphore_mem>>) src(%dma_wait3A_135 : memref<3125x16xf32, #tpu.memory_space<vmem_shared>>) dst(%dma_wait3A_133 : memref<3125x16xf32, #tpu.memory_space<hbm>>)
        tpu.yield
      }) : () -> ()
      %barrier3A_127 = arith.constant 0 : index
      tpu.barrier barrier_id(%barrier3A_127)
    } else {
    }
    %eq3A_3 = arith.constant 1 : i32
    %eq3A_4 = arith.cmpi eq, %arg0, %eq3A_3 : i32
    %convert_element_type3A_5 = arith.extui %eq3A_4 : i1 to i32
    %cond3A_6 = arith.constant 0 : i32
    %cond3A_7 = arith.cmpi ne, %convert_element_type3A_5, %cond3A_6 : i32
    scf.if %cond3A_7 {
      %mul3A_8 = arith.constant 3126 : i32
      %mul3A_9 = arith.muli %arg1, %mul3A_8 : i32
      "tpu.region"() ({
        %run_scoped3A = tpu.sem_alloc : memref<!tpu.dma_semaphore, #tpu.memory_space<semaphore_mem>>
        %dma_start3A_128 = arith.constant 0 : i32
        %dma_start3A_129 = tpu.memref_slice %arg19[%mul3A_9, %dma_start3A_128] : memref<50016x16xf32, #tpu.memory_space<vmem_shared>> -> memref<3126x16xf32, #tpu.memory_space<vmem_shared>>
        %dma_start3A_130 = arith.constant 0 : i32
        %dma_start3A_131 = tpu.memref_slice %arg8[%mul3A_9, %dma_start3A_130] : memref<50016x16xf32, #tpu.memory_space<hbm>> -> memref<3126x16xf32, #tpu.memory_space<hbm>>
        tpu.enqueue_dma source(%dma_start3A_131 : memref<3126x16xf32, #tpu.memory_space<hbm>>) target(%dma_start3A_129 : memref<3126x16xf32, #tpu.memory_space<vmem_shared>>) target_semaphore(%run_scoped3A : memref<!tpu.dma_semaphore, #tpu.memory_space<semaphore_mem>>)
        %dma_wait3A_132 = arith.constant 0 : i32
        %dma_wait3A_133 = tpu.memref_slice %arg19[%mul3A_9, %dma_wait3A_132] : memref<50016x16xf32, #tpu.memory_space<vmem_shared>> -> memref<3126x16xf32, #tpu.memory_space<vmem_shared>>
        %dma_wait3A_134 = arith.constant 0 : i32
        %dma_wait3A_135 = tpu.memref_slice %arg8[%mul3A_9, %dma_wait3A_134] : memref<50016x16xf32, #tpu.memory_space<hbm>> -> memref<3126x16xf32, #tpu.memory_space<hbm>>
        tpu.wait_dma2 semaphore(%run_scoped3A : memref<!tpu.dma_semaphore, #tpu.memory_space<semaphore_mem>>) src(%dma_wait3A_135 : memref<3126x16xf32, #tpu.memory_space<hbm>>) dst(%dma_wait3A_133 : memref<3126x16xf32, #tpu.memory_space<vmem_shared>>)
        tpu.yield
      }) : () -> ()
      %mul3A_10 = arith.constant 3125 : i32
      %mul3A_11 = arith.muli %arg1, %mul3A_10 : i32
      "tpu.region"() ({
        %run_scoped3A = tpu.sem_alloc : memref<!tpu.dma_semaphore, #tpu.memory_space<semaphore_mem>>
        %dma_start3A_128 = arith.constant 0 : i32
        %dma_start3A_129 = tpu.memref_slice %arg20[%mul3A_11, %dma_start3A_128] : memref<50000x16xf32, #tpu.memory_space<vmem_shared>> -> memref<3125x16xf32, #tpu.memory_space<vmem_shared>>
        %dma_start3A_130 = arith.constant 0 : i32
        %dma_start3A_131 = tpu.memref_slice %arg4[%mul3A_11, %dma_start3A_130] : memref<50000x16xf32, #tpu.memory_space<hbm>> -> memref<3125x16xf32, #tpu.memory_space<hbm>>
        tpu.enqueue_dma source(%dma_start3A_131 : memref<3125x16xf32, #tpu.memory_space<hbm>>) target(%dma_start3A_129 : memref<3125x16xf32, #tpu.memory_space<vmem_shared>>) target_semaphore(%run_scoped3A : memref<!tpu.dma_semaphore, #tpu.memory_space<semaphore_mem>>)
        %dma_wait3A_132 = arith.constant 0 : i32
        %dma_wait3A_133 = tpu.memref_slice %arg20[%mul3A_11, %dma_wait3A_132] : memref<50000x16xf32, #tpu.memory_space<vmem_shared>> -> memref<3125x16xf32, #tpu.memory_space<vmem_shared>>
        %dma_wait3A_134 = arith.constant 0 : i32
        %dma_wait3A_135 = tpu.memref_slice %arg4[%mul3A_11, %dma_wait3A_134] : memref<50000x16xf32, #tpu.memory_space<hbm>> -> memref<3125x16xf32, #tpu.memory_space<hbm>>
        tpu.wait_dma2 semaphore(%run_scoped3A : memref<!tpu.dma_semaphore, #tpu.memory_space<semaphore_mem>>) src(%dma_wait3A_135 : memref<3125x16xf32, #tpu.memory_space<hbm>>) dst(%dma_wait3A_133 : memref<3125x16xf32, #tpu.memory_space<vmem_shared>>)
        tpu.yield
      }) : () -> ()
      %barrier3A = arith.constant 0 : index
      tpu.barrier barrier_id(%barrier3A)
      %add3A = arith.constant 0 : i32
      %add3A_12 = arith.addi %mul3A_0, %add3A : i32
      %min3A = arith.constant 818880 : i32
      %min3A_13 = arith.minsi %add3A_12, %min3A : i32
      %dma_start3A = tpu.memref_slice %arg6[%min3A_13] : memref<819200xi32, #tpu.memory_space<hbm>> -> memref<320xi32, #tpu.memory_space<hbm>>
      %dma_start3A_14 = tpu.memref_slice %arg6[%min3A_13] : memref<819200xi32, #tpu.memory_space<hbm>> -> memref<320xi32, #tpu.memory_space<hbm>>
      tpu.enqueue_dma source(%dma_start3A_14 : memref<320xi32, #tpu.memory_space<hbm>>) target(%arg13 : memref<320xi32, #tpu.memory_space<vmem>>) target_semaphore(%arg21 : memref<!tpu.dma_semaphore, #tpu.memory_space<semaphore_mem>>)
      %add3A_15 = arith.constant 0 : i32
      %add3A_16 = arith.addi %mul3A_0, %add3A_15 : i32
      %min3A_17 = arith.constant 818880 : i32
      %min3A_18 = arith.minsi %add3A_16, %min3A_17 : i32
      %dma_start3A_19 = tpu.memref_slice %arg7[%min3A_18] : memref<819200xi32, #tpu.memory_space<hbm>> -> memref<320xi32, #tpu.memory_space<hbm>>
      %dma_start3A_20 = tpu.memref_slice %arg7[%min3A_18] : memref<819200xi32, #tpu.memory_space<hbm>> -> memref<320xi32, #tpu.memory_space<hbm>>
      tpu.enqueue_dma source(%dma_start3A_20 : memref<320xi32, #tpu.memory_space<hbm>>) target(%arg14 : memref<320xi32, #tpu.memory_space<vmem>>) target_semaphore(%arg22 : memref<!tpu.dma_semaphore, #tpu.memory_space<semaphore_mem>>)
      %add3A_21 = arith.constant 320 : i32
      %add3A_22 = arith.addi %mul3A_0, %add3A_21 : i32
      %min3A_23 = arith.constant 818880 : i32
      %min3A_24 = arith.minsi %add3A_22, %min3A_23 : i32
      %dma_start3A_25 = tpu.memref_slice %arg6[%min3A_24] : memref<819200xi32, #tpu.memory_space<hbm>> -> memref<320xi32, #tpu.memory_space<hbm>>
      %dma_start3A_26 = tpu.memref_slice %arg6[%min3A_24] : memref<819200xi32, #tpu.memory_space<hbm>> -> memref<320xi32, #tpu.memory_space<hbm>>
      tpu.enqueue_dma source(%dma_start3A_26 : memref<320xi32, #tpu.memory_space<hbm>>) target(%arg15 : memref<320xi32, #tpu.memory_space<vmem>>) target_semaphore(%arg23 : memref<!tpu.dma_semaphore, #tpu.memory_space<semaphore_mem>>)
      %add3A_27 = arith.constant 320 : i32
      %add3A_28 = arith.addi %mul3A_0, %add3A_27 : i32
      %min3A_29 = arith.constant 818880 : i32
      %min3A_30 = arith.minsi %add3A_28, %min3A_29 : i32
      %dma_start3A_31 = tpu.memref_slice %arg7[%min3A_30] : memref<819200xi32, #tpu.memory_space<hbm>> -> memref<320xi32, #tpu.memory_space<hbm>>
      %dma_start3A_32 = tpu.memref_slice %arg7[%min3A_30] : memref<819200xi32, #tpu.memory_space<hbm>> -> memref<320xi32, #tpu.memory_space<hbm>>
      tpu.enqueue_dma source(%dma_start3A_32 : memref<320xi32, #tpu.memory_space<hbm>>) target(%arg16 : memref<320xi32, #tpu.memory_space<vmem>>) target_semaphore(%arg24 : memref<!tpu.dma_semaphore, #tpu.memory_space<semaphore_mem>>)
      %scan3A = arith.constant 0 : i32
      %scan3A_33 = arith.constant 0 : i32
      %scan3A_34 = arith.constant 80 : i32
      %scan3A_35 = arith.addi %scan3A_33, %scan3A_34 : i32
      %scan3A_36 = arith.constant 1 : i32
      scf.for %scan3A_128 = %scan3A_33 to %scan3A_35 step %scan3A_36  : i32 {
        %mul3A_129 = arith.constant 2 : i32
        %mul3A_130 = arith.muli %mul3A_129, %scan3A_128 : i32
        %mul3A_131 = arith.constant 2 : i32
        %mul3A_132 = arith.muli %mul3A_131, %scan3A_128 : i32
        %add3A_133 = arith.constant 1 : i32
        %add3A_134 = arith.addi %mul3A_132, %add3A_133 : i32
        %mul3A_135 = arith.constant 320 : i32
        %mul3A_136 = arith.muli %mul3A_130, %mul3A_135 : i32
        %add3A_137 = arith.addi %mul3A_0, %mul3A_136 : i32
        %min3A_138 = arith.constant 818880 : i32
        %min3A_139 = arith.minsi %add3A_137, %min3A_138 : i32
        %dma_wait3A_140 = tpu.memref_slice %arg6[%min3A_139] : memref<819200xi32, #tpu.memory_space<hbm>> -> memref<320xi32, #tpu.memory_space<hbm>>
        %dma_wait3A_141 = tpu.memref_slice %arg6[%min3A_139] : memref<819200xi32, #tpu.memory_space<hbm>> -> memref<320xi32, #tpu.memory_space<hbm>>
        tpu.wait_dma2 semaphore(%arg21 : memref<!tpu.dma_semaphore, #tpu.memory_space<semaphore_mem>>) src(%dma_wait3A_141 : memref<320xi32, #tpu.memory_space<hbm>>) dst(%arg13 : memref<320xi32, #tpu.memory_space<vmem>>)
        %mul3A_142 = arith.constant 320 : i32
        %mul3A_143 = arith.muli %mul3A_130, %mul3A_142 : i32
        %add3A_144 = arith.addi %mul3A_0, %mul3A_143 : i32
        %min3A_145 = arith.constant 818880 : i32
        %min3A_146 = arith.minsi %add3A_144, %min3A_145 : i32
        %dma_wait3A_147 = tpu.memref_slice %arg7[%min3A_146] : memref<819200xi32, #tpu.memory_space<hbm>> -> memref<320xi32, #tpu.memory_space<hbm>>
        %dma_wait3A_148 = tpu.memref_slice %arg7[%min3A_146] : memref<819200xi32, #tpu.memory_space<hbm>> -> memref<320xi32, #tpu.memory_space<hbm>>
        tpu.wait_dma2 semaphore(%arg22 : memref<!tpu.dma_semaphore, #tpu.memory_space<semaphore_mem>>) src(%dma_wait3A_148 : memref<320xi32, #tpu.memory_space<hbm>>) dst(%arg14 : memref<320xi32, #tpu.memory_space<vmem>>)
        %dma_start3A_149 = arith.constant 0 : i32
        %dma_start3A_150 = arith.constant 0 : i32
        %dma_start3A_151 = tpu.memref_slice %arg20[%dma_start3A_149, %dma_start3A_150] : memref<50000x16xf32, #tpu.memory_space<vmem_shared>> -> memref<50000x16xf32, #tpu.memory_space<vmem_shared>>
        tpu.enqueue_indirect_dma source(%dma_start3A_151 : memref<50000x16xf32, #tpu.memory_space<vmem_shared>>) target(%arg17 : memref<320x16xf32, #tpu.memory_space<vmem>>) offsets(%arg13 : memref<320xi32, #tpu.memory_space<vmem>>) semaphore(%arg25 : memref<!tpu.dma_semaphore, #tpu.memory_space<semaphore_mem>>)
        %mul3A_152 = arith.constant 320 : i32
        %mul3A_153 = arith.muli %add3A_134, %mul3A_152 : i32
        %add3A_154 = arith.addi %mul3A_0, %mul3A_153 : i32
        %min3A_155 = arith.constant 818880 : i32
        %min3A_156 = arith.minsi %add3A_154, %min3A_155 : i32
        %dma_wait3A_157 = tpu.memref_slice %arg6[%min3A_156] : memref<819200xi32, #tpu.memory_space<hbm>> -> memref<320xi32, #tpu.memory_space<hbm>>
        %dma_wait3A_158 = tpu.memref_slice %arg6[%min3A_156] : memref<819200xi32, #tpu.memory_space<hbm>> -> memref<320xi32, #tpu.memory_space<hbm>>
        tpu.wait_dma2 semaphore(%arg23 : memref<!tpu.dma_semaphore, #tpu.memory_space<semaphore_mem>>) src(%dma_wait3A_158 : memref<320xi32, #tpu.memory_space<hbm>>) dst(%arg15 : memref<320xi32, #tpu.memory_space<vmem>>)
        %mul3A_159 = arith.constant 320 : i32
        %mul3A_160 = arith.muli %add3A_134, %mul3A_159 : i32
        %add3A_161 = arith.addi %mul3A_0, %mul3A_160 : i32
        %min3A_162 = arith.constant 818880 : i32
        %min3A_163 = arith.minsi %add3A_161, %min3A_162 : i32
        %dma_wait3A_164 = tpu.memref_slice %arg7[%min3A_163] : memref<819200xi32, #tpu.memory_space<hbm>> -> memref<320xi32, #tpu.memory_space<hbm>>
        %dma_wait3A_165 = tpu.memref_slice %arg7[%min3A_163] : memref<819200xi32, #tpu.memory_space<hbm>> -> memref<320xi32, #tpu.memory_space<hbm>>
        tpu.wait_dma2 semaphore(%arg24 : memref<!tpu.dma_semaphore, #tpu.memory_space<semaphore_mem>>) src(%dma_wait3A_165 : memref<320xi32, #tpu.memory_space<hbm>>) dst(%arg16 : memref<320xi32, #tpu.memory_space<vmem>>)
        %dma_wait3A_166 = arith.constant 0 : i32
        %dma_wait3A_167 = arith.constant 0 : i32
        %dma_wait3A_168 = tpu.memref_slice %arg20[%dma_wait3A_166, %dma_wait3A_167] : memref<50000x16xf32, #tpu.memory_space<vmem_shared>> -> memref<50000x16xf32, #tpu.memory_space<vmem_shared>>
        tpu.wait_indirect_dma semaphore(%arg25 : memref<!tpu.dma_semaphore, #tpu.memory_space<semaphore_mem>>) src(%dma_wait3A_168 : memref<50000x16xf32, #tpu.memory_space<vmem_shared>>) dst(%arg17 : memref<320x16xf32, #tpu.memory_space<vmem>>)
        %dma_start3A_169 = arith.constant 0 : i32
        %dma_start3A_170 = arith.constant 0 : i32
        %dma_start3A_171 = tpu.memref_slice %arg20[%dma_start3A_169, %dma_start3A_170] : memref<50000x16xf32, #tpu.memory_space<vmem_shared>> -> memref<50000x16xf32, #tpu.memory_space<vmem_shared>>
        tpu.enqueue_indirect_dma source(%dma_start3A_171 : memref<50000x16xf32, #tpu.memory_space<vmem_shared>>) target(%arg18 : memref<320x16xf32, #tpu.memory_space<vmem>>) offsets(%arg15 : memref<320xi32, #tpu.memory_space<vmem>>) semaphore(%arg26 : memref<!tpu.dma_semaphore, #tpu.memory_space<semaphore_mem>>)
        "tpu.region"() ({
          %run_scoped3A = tpu.sem_alloc : memref<!tpu.dma_semaphore, #tpu.memory_space<semaphore_mem>>
          %dma_start3A_207 = arith.constant 0 : i32
          %dma_start3A_208 = arith.constant 0 : i32
          %dma_start3A_209 = tpu.memref_slice %arg19[%dma_start3A_207, %dma_start3A_208] : memref<50016x16xf32, #tpu.memory_space<vmem_shared>> -> memref<50016x16xf32, #tpu.memory_space<vmem_shared>>
          tpu.enqueue_indirect_dma source(%arg17 : memref<320x16xf32, #tpu.memory_space<vmem>>) target(%dma_start3A_209 : memref<50016x16xf32, #tpu.memory_space<vmem_shared>>) offsets(%arg14 : memref<320xi32, #tpu.memory_space<vmem>>) semaphore(%run_scoped3A : memref<!tpu.dma_semaphore, #tpu.memory_space<semaphore_mem>>) {add = true}
          %dma_wait3A_210 = arith.constant 0 : i32
          %dma_wait3A_211 = arith.constant 0 : i32
          %dma_wait3A_212 = tpu.memref_slice %arg19[%dma_wait3A_210, %dma_wait3A_211] : memref<50016x16xf32, #tpu.memory_space<vmem_shared>> -> memref<50016x16xf32, #tpu.memory_space<vmem_shared>>
          tpu.wait_indirect_dma semaphore(%run_scoped3A : memref<!tpu.dma_semaphore, #tpu.memory_space<semaphore_mem>>) src(%arg17 : memref<320x16xf32, #tpu.memory_space<vmem>>) dst(%dma_wait3A_212 : memref<50016x16xf32, #tpu.memory_space<vmem_shared>>)
          tpu.yield
        }) : () -> ()
        %add3A_172 = arith.constant 2 : i32
        %add3A_173 = arith.addi %mul3A_130, %add3A_172 : i32
        %mul3A_174 = arith.constant 320 : i32
        %mul3A_175 = arith.muli %add3A_173, %mul3A_174 : i32
        %add3A_176 = arith.addi %mul3A_0, %mul3A_175 : i32
        %min3A_177 = arith.constant 818880 : i32
        %min3A_178 = arith.minsi %add3A_176, %min3A_177 : i32
        %dma_start3A_179 = tpu.memref_slice %arg6[%min3A_178] : memref<819200xi32, #tpu.memory_space<hbm>> -> memref<320xi32, #tpu.memory_space<hbm>>
        %dma_start3A_180 = tpu.memref_slice %arg6[%min3A_178] : memref<819200xi32, #tpu.memory_space<hbm>> -> memref<320xi32, #tpu.memory_space<hbm>>
        tpu.enqueue_dma source(%dma_start3A_180 : memref<320xi32, #tpu.memory_space<hbm>>) target(%arg13 : memref<320xi32, #tpu.memory_space<vmem>>) target_semaphore(%arg21 : memref<!tpu.dma_semaphore, #tpu.memory_space<semaphore_mem>>)
        %mul3A_181 = arith.constant 320 : i32
        %mul3A_182 = arith.muli %add3A_173, %mul3A_181 : i32
        %add3A_183 = arith.addi %mul3A_0, %mul3A_182 : i32
        %min3A_184 = arith.constant 818880 : i32
        %min3A_185 = arith.minsi %add3A_183, %min3A_184 : i32
        %dma_start3A_186 = tpu.memref_slice %arg7[%min3A_185] : memref<819200xi32, #tpu.memory_space<hbm>> -> memref<320xi32, #tpu.memory_space<hbm>>
        %dma_start3A_187 = tpu.memref_slice %arg7[%min3A_185] : memref<819200xi32, #tpu.memory_space<hbm>> -> memref<320xi32, #tpu.memory_space<hbm>>
        tpu.enqueue_dma source(%dma_start3A_187 : memref<320xi32, #tpu.memory_space<hbm>>) target(%arg14 : memref<320xi32, #tpu.memory_space<vmem>>) target_semaphore(%arg22 : memref<!tpu.dma_semaphore, #tpu.memory_space<semaphore_mem>>)
        %dma_wait3A_188 = arith.constant 0 : i32
        %dma_wait3A_189 = arith.constant 0 : i32
        %dma_wait3A_190 = tpu.memref_slice %arg20[%dma_wait3A_188, %dma_wait3A_189] : memref<50000x16xf32, #tpu.memory_space<vmem_shared>> -> memref<50000x16xf32, #tpu.memory_space<vmem_shared>>
        tpu.wait_indirect_dma semaphore(%arg26 : memref<!tpu.dma_semaphore, #tpu.memory_space<semaphore_mem>>) src(%dma_wait3A_190 : memref<50000x16xf32, #tpu.memory_space<vmem_shared>>) dst(%arg18 : memref<320x16xf32, #tpu.memory_space<vmem>>)
        "tpu.region"() ({
          %run_scoped3A = tpu.sem_alloc : memref<!tpu.dma_semaphore, #tpu.memory_space<semaphore_mem>>
          %dma_start3A_207 = arith.constant 0 : i32
          %dma_start3A_208 = arith.constant 0 : i32
          %dma_start3A_209 = tpu.memref_slice %arg19[%dma_start3A_207, %dma_start3A_208] : memref<50016x16xf32, #tpu.memory_space<vmem_shared>> -> memref<50016x16xf32, #tpu.memory_space<vmem_shared>>
          tpu.enqueue_indirect_dma source(%arg18 : memref<320x16xf32, #tpu.memory_space<vmem>>) target(%dma_start3A_209 : memref<50016x16xf32, #tpu.memory_space<vmem_shared>>) offsets(%arg16 : memref<320xi32, #tpu.memory_space<vmem>>) semaphore(%run_scoped3A : memref<!tpu.dma_semaphore, #tpu.memory_space<semaphore_mem>>) {add = true}
          %dma_wait3A_210 = arith.constant 0 : i32
          %dma_wait3A_211 = arith.constant 0 : i32
          %dma_wait3A_212 = tpu.memref_slice %arg19[%dma_wait3A_210, %dma_wait3A_211] : memref<50016x16xf32, #tpu.memory_space<vmem_shared>> -> memref<50016x16xf32, #tpu.memory_space<vmem_shared>>
          tpu.wait_indirect_dma semaphore(%run_scoped3A : memref<!tpu.dma_semaphore, #tpu.memory_space<semaphore_mem>>) src(%arg18 : memref<320x16xf32, #tpu.memory_space<vmem>>) dst(%dma_wait3A_212 : memref<50016x16xf32, #tpu.memory_space<vmem_shared>>)
          tpu.yield
        }) : () -> ()
        %add3A_191 = arith.constant 2 : i32
        %add3A_192 = arith.addi %add3A_134, %add3A_191 : i32
        %mul3A_193 = arith.constant 320 : i32
        %mul3A_194 = arith.muli %add3A_192, %mul3A_193 : i32
        %add3A_195 = arith.addi %mul3A_0, %mul3A_194 : i32
        %min3A_196 = arith.constant 818880 : i32
        %min3A_197 = arith.minsi %add3A_195, %min3A_196 : i32
        %dma_start3A_198 = tpu.memref_slice %arg6[%min3A_197] : memref<819200xi32, #tpu.memory_space<hbm>> -> memref<320xi32, #tpu.memory_space<hbm>>
        %dma_start3A_199 = tpu.memref_slice %arg6[%min3A_197] : memref<819200xi32, #tpu.memory_space<hbm>> -> memref<320xi32, #tpu.memory_space<hbm>>
        tpu.enqueue_dma source(%dma_start3A_199 : memref<320xi32, #tpu.memory_space<hbm>>) target(%arg15 : memref<320xi32, #tpu.memory_space<vmem>>) target_semaphore(%arg23 : memref<!tpu.dma_semaphore, #tpu.memory_space<semaphore_mem>>)
        %mul3A_200 = arith.constant 320 : i32
        %mul3A_201 = arith.muli %add3A_192, %mul3A_200 : i32
        %add3A_202 = arith.addi %mul3A_0, %mul3A_201 : i32
        %min3A_203 = arith.constant 818880 : i32
        %min3A_204 = arith.minsi %add3A_202, %min3A_203 : i32
        %dma_start3A_205 = tpu.memref_slice %arg7[%min3A_204] : memref<819200xi32, #tpu.memory_space<hbm>> -> memref<320xi32, #tpu.memory_space<hbm>>
        %dma_start3A_206 = tpu.memref_slice %arg7[%min3A_204] : memref<819200xi32, #tpu.memory_space<hbm>> -> memref<320xi32, #tpu.memory_space<hbm>>
        tpu.enqueue_dma source(%dma_start3A_206 : memref<320xi32, #tpu.memory_space<hbm>>) target(%arg16 : memref<320xi32, #tpu.memory_space<vmem>>) target_semaphore(%arg24 : memref<!tpu.dma_semaphore, #tpu.memory_space<semaphore_mem>>)
      }
      %scan3A_37 = arith.constant 80 : i32
      %add3A_38 = arith.constant 51200 : i32
      %add3A_39 = arith.addi %mul3A_0, %add3A_38 : i32
      %min3A_40 = arith.constant 818880 : i32
      %min3A_41 = arith.minsi %add3A_39, %min3A_40 : i32
      %dma_wait3A = tpu.memref_slice %arg6[%min3A_41] : memref<819200xi32, #tpu.memory_space<hbm>> -> memref<320xi32, #tpu.memory_space<hbm>>
      %dma_wait3A_42 = tpu.memref_slice %arg6[%min3A_41] : memref<819200xi32, #tpu.memory_space<hbm>> -> memref<320xi32, #tpu.memory_space<hbm>>
      tpu.wait_dma2 semaphore(%arg21 : memref<!tpu.dma_semaphore, #tpu.memory_space<semaphore_mem>>) src(%dma_wait3A_42 : memref<320xi32, #tpu.memory_space<hbm>>) dst(%arg13 : memref<320xi32, #tpu.memory_space<vmem>>)
      %add3A_43 = arith.constant 51200 : i32
      %add3A_44 = arith.addi %mul3A_0, %add3A_43 : i32
      %min3A_45 = arith.constant 818880 : i32
      %min3A_46 = arith.minsi %add3A_44, %min3A_45 : i32
      %dma_wait3A_47 = tpu.memref_slice %arg7[%min3A_46] : memref<819200xi32, #tpu.memory_space<hbm>> -> memref<320xi32, #tpu.memory_space<hbm>>
      %dma_wait3A_48 = tpu.memref_slice %arg7[%min3A_46] : memref<819200xi32, #tpu.memory_space<hbm>> -> memref<320xi32, #tpu.memory_space<hbm>>
      tpu.wait_dma2 semaphore(%arg22 : memref<!tpu.dma_semaphore, #tpu.memory_space<semaphore_mem>>) src(%dma_wait3A_48 : memref<320xi32, #tpu.memory_space<hbm>>) dst(%arg14 : memref<320xi32, #tpu.memory_space<vmem>>)
      %add3A_49 = arith.constant 51520 : i32
      %add3A_50 = arith.addi %mul3A_0, %add3A_49 : i32
      %min3A_51 = arith.constant 818880 : i32
      %min3A_52 = arith.minsi %add3A_50, %min3A_51 : i32
      %dma_wait3A_53 = tpu.memref_slice %arg6[%min3A_52] : memref<819200xi32, #tpu.memory_space<hbm>> -> memref<320xi32, #tpu.memory_space<hbm>>
      %dma_wait3A_54 = tpu.memref_slice %arg6[%min3A_52] : memref<819200xi32, #tpu.memory_space<hbm>> -> memref<320xi32, #tpu.memory_space<hbm>>
      tpu.wait_dma2 semaphore(%arg23 : memref<!tpu.dma_semaphore, #tpu.memory_space<semaphore_mem>>) src(%dma_wait3A_54 : memref<320xi32, #tpu.memory_space<hbm>>) dst(%arg15 : memref<320xi32, #tpu.memory_space<vmem>>)
      %add3A_55 = arith.constant 51520 : i32
      %add3A_56 = arith.addi %mul3A_0, %add3A_55 : i32
      %min3A_57 = arith.constant 818880 : i32
      %min3A_58 = arith.minsi %add3A_56, %min3A_57 : i32
      %dma_wait3A_59 = tpu.memref_slice %arg7[%min3A_58] : memref<819200xi32, #tpu.memory_space<hbm>> -> memref<320xi32, #tpu.memory_space<hbm>>
      %dma_wait3A_60 = tpu.memref_slice %arg7[%min3A_58] : memref<819200xi32, #tpu.memory_space<hbm>> -> memref<320xi32, #tpu.memory_space<hbm>>
      tpu.wait_dma2 semaphore(%arg24 : memref<!tpu.dma_semaphore, #tpu.memory_space<semaphore_mem>>) src(%dma_wait3A_60 : memref<320xi32, #tpu.memory_space<hbm>>) dst(%arg16 : memref<320xi32, #tpu.memory_space<vmem>>)
      %barrier3A_61 = arith.constant 0 : index
      tpu.barrier barrier_id(%barrier3A_61)
      %mul3A_62 = arith.constant 3125 : i32
      %mul3A_63 = arith.muli %arg1, %mul3A_62 : i32
      "tpu.region"() ({
        %run_scoped3A = tpu.sem_alloc : memref<!tpu.dma_semaphore, #tpu.memory_space<semaphore_mem>>
        %dma_start3A_128 = arith.constant 0 : i32
        %dma_start3A_129 = tpu.memref_slice %arg11[%mul3A_63, %dma_start3A_128] : memref<50000x16xf32, #tpu.memory_space<hbm>> -> memref<3125x16xf32, #tpu.memory_space<hbm>>
        %dma_start3A_130 = arith.constant 0 : i32
        %dma_start3A_131 = tpu.memref_slice %arg19[%mul3A_63, %dma_start3A_130] : memref<50016x16xf32, #tpu.memory_space<vmem_shared>> -> memref<3125x16xf32, #tpu.memory_space<vmem_shared>>
        tpu.enqueue_dma source(%dma_start3A_131 : memref<3125x16xf32, #tpu.memory_space<vmem_shared>>) target(%dma_start3A_129 : memref<3125x16xf32, #tpu.memory_space<hbm>>) target_semaphore(%run_scoped3A : memref<!tpu.dma_semaphore, #tpu.memory_space<semaphore_mem>>)
        %dma_wait3A_132 = arith.constant 0 : i32
        %dma_wait3A_133 = tpu.memref_slice %arg11[%mul3A_63, %dma_wait3A_132] : memref<50000x16xf32, #tpu.memory_space<hbm>> -> memref<3125x16xf32, #tpu.memory_space<hbm>>
        %dma_wait3A_134 = arith.constant 0 : i32
        %dma_wait3A_135 = tpu.memref_slice %arg19[%mul3A_63, %dma_wait3A_134] : memref<50016x16xf32, #tpu.memory_space<vmem_shared>> -> memref<3125x16xf32, #tpu.memory_space<vmem_shared>>
        tpu.wait_dma2 semaphore(%run_scoped3A : memref<!tpu.dma_semaphore, #tpu.memory_space<semaphore_mem>>) src(%dma_wait3A_135 : memref<3125x16xf32, #tpu.memory_space<vmem_shared>>) dst(%dma_wait3A_133 : memref<3125x16xf32, #tpu.memory_space<hbm>>)
        tpu.yield
      }) : () -> ()
      %barrier3A_64 = arith.constant 0 : index
      tpu.barrier barrier_id(%barrier3A_64)
      %mul3A_65 = arith.constant 3126 : i32
      %mul3A_66 = arith.muli %arg1, %mul3A_65 : i32
      "tpu.region"() ({
        %run_scoped3A = tpu.sem_alloc : memref<!tpu.dma_semaphore, #tpu.memory_space<semaphore_mem>>
        %dma_start3A_128 = arith.constant 0 : i32
        %dma_start3A_129 = tpu.memref_slice %arg19[%mul3A_66, %dma_start3A_128] : memref<50016x16xf32, #tpu.memory_space<vmem_shared>> -> memref<3126x16xf32, #tpu.memory_space<vmem_shared>>
        %dma_start3A_130 = arith.constant 0 : i32
        %dma_start3A_131 = tpu.memref_slice %arg8[%mul3A_66, %dma_start3A_130] : memref<50016x16xf32, #tpu.memory_space<hbm>> -> memref<3126x16xf32, #tpu.memory_space<hbm>>
        tpu.enqueue_dma source(%dma_start3A_131 : memref<3126x16xf32, #tpu.memory_space<hbm>>) target(%dma_start3A_129 : memref<3126x16xf32, #tpu.memory_space<vmem_shared>>) target_semaphore(%run_scoped3A : memref<!tpu.dma_semaphore, #tpu.memory_space<semaphore_mem>>)
        %dma_wait3A_132 = arith.constant 0 : i32
        %dma_wait3A_133 = tpu.memref_slice %arg19[%mul3A_66, %dma_wait3A_132] : memref<50016x16xf32, #tpu.memory_space<vmem_shared>> -> memref<3126x16xf32, #tpu.memory_space<vmem_shared>>
        %dma_wait3A_134 = arith.constant 0 : i32
        %dma_wait3A_135 = tpu.memref_slice %arg8[%mul3A_66, %dma_wait3A_134] : memref<50016x16xf32, #tpu.memory_space<hbm>> -> memref<3126x16xf32, #tpu.memory_space<hbm>>
        tpu.wait_dma2 semaphore(%run_scoped3A : memref<!tpu.dma_semaphore, #tpu.memory_space<semaphore_mem>>) src(%dma_wait3A_135 : memref<3126x16xf32, #tpu.memory_space<hbm>>) dst(%dma_wait3A_133 : memref<3126x16xf32, #tpu.memory_space<vmem_shared>>)
        tpu.yield
      }) : () -> ()
      %mul3A_67 = arith.constant 3125 : i32
      %mul3A_68 = arith.muli %arg1, %mul3A_67 : i32
      "tpu.region"() ({
        %run_scoped3A = tpu.sem_alloc : memref<!tpu.dma_semaphore, #tpu.memory_space<semaphore_mem>>
        %dma_start3A_128 = arith.constant 0 : i32
        %dma_start3A_129 = tpu.memref_slice %arg20[%mul3A_68, %dma_start3A_128] : memref<50000x16xf32, #tpu.memory_space<vmem_shared>> -> memref<3125x16xf32, #tpu.memory_space<vmem_shared>>
        %dma_start3A_130 = arith.constant 0 : i32
        %dma_start3A_131 = tpu.memref_slice %arg5[%mul3A_68, %dma_start3A_130] : memref<50000x16xf32, #tpu.memory_space<hbm>> -> memref<3125x16xf32, #tpu.memory_space<hbm>>
        tpu.enqueue_dma source(%dma_start3A_131 : memref<3125x16xf32, #tpu.memory_space<hbm>>) target(%dma_start3A_129 : memref<3125x16xf32, #tpu.memory_space<vmem_shared>>) target_semaphore(%run_scoped3A : memref<!tpu.dma_semaphore, #tpu.memory_space<semaphore_mem>>)
        %dma_wait3A_132 = arith.constant 0 : i32
        %dma_wait3A_133 = tpu.memref_slice %arg20[%mul3A_68, %dma_wait3A_132] : memref<50000x16xf32, #tpu.memory_space<vmem_shared>> -> memref<3125x16xf32, #tpu.memory_space<vmem_shared>>
        %dma_wait3A_134 = arith.constant 0 : i32
        %dma_wait3A_135 = tpu.memref_slice %arg5[%mul3A_68, %dma_wait3A_134] : memref<50000x16xf32, #tpu.memory_space<hbm>> -> memref<3125x16xf32, #tpu.memory_space<hbm>>
        tpu.wait_dma2 semaphore(%run_scoped3A : memref<!tpu.dma_semaphore, #tpu.memory_space<semaphore_mem>>) src(%dma_wait3A_135 : memref<3125x16xf32, #tpu.memory_space<hbm>>) dst(%dma_wait3A_133 : memref<3125x16xf32, #tpu.memory_space<vmem_shared>>)
        tpu.yield
      }) : () -> ()
      %barrier3A_69 = arith.constant 0 : index
      tpu.barrier barrier_id(%barrier3A_69)
      %add3A_70 = arith.constant 0 : i32
      %add3A_71 = arith.addi %mul3A_0, %add3A_70 : i32
      %min3A_72 = arith.constant 818880 : i32
      %min3A_73 = arith.minsi %add3A_71, %min3A_72 : i32
      %dma_start3A_74 = tpu.memref_slice %arg6[%min3A_73] : memref<819200xi32, #tpu.memory_space<hbm>> -> memref<320xi32, #tpu.memory_space<hbm>>
      %dma_start3A_75 = tpu.memref_slice %arg6[%min3A_73] : memref<819200xi32, #tpu.memory_space<hbm>> -> memref<320xi32, #tpu.memory_space<hbm>>
      tpu.enqueue_dma source(%dma_start3A_75 : memref<320xi32, #tpu.memory_space<hbm>>) target(%arg13 : memref<320xi32, #tpu.memory_space<vmem>>) target_semaphore(%arg21 : memref<!tpu.dma_semaphore, #tpu.memory_space<semaphore_mem>>)
      %add3A_76 = arith.constant 0 : i32
      %add3A_77 = arith.addi %mul3A_0, %add3A_76 : i32
      %min3A_78 = arith.constant 818880 : i32
      %min3A_79 = arith.minsi %add3A_77, %min3A_78 : i32
      %dma_start3A_80 = tpu.memref_slice %arg7[%min3A_79] : memref<819200xi32, #tpu.memory_space<hbm>> -> memref<320xi32, #tpu.memory_space<hbm>>
      %dma_start3A_81 = tpu.memref_slice %arg7[%min3A_79] : memref<819200xi32, #tpu.memory_space<hbm>> -> memref<320xi32, #tpu.memory_space<hbm>>
      tpu.enqueue_dma source(%dma_start3A_81 : memref<320xi32, #tpu.memory_space<hbm>>) target(%arg14 : memref<320xi32, #tpu.memory_space<vmem>>) target_semaphore(%arg22 : memref<!tpu.dma_semaphore, #tpu.memory_space<semaphore_mem>>)
      %add3A_82 = arith.constant 320 : i32
      %add3A_83 = arith.addi %mul3A_0, %add3A_82 : i32
      %min3A_84 = arith.constant 818880 : i32
      %min3A_85 = arith.minsi %add3A_83, %min3A_84 : i32
      %dma_start3A_86 = tpu.memref_slice %arg6[%min3A_85] : memref<819200xi32, #tpu.memory_space<hbm>> -> memref<320xi32, #tpu.memory_space<hbm>>
      %dma_start3A_87 = tpu.memref_slice %arg6[%min3A_85] : memref<819200xi32, #tpu.memory_space<hbm>> -> memref<320xi32, #tpu.memory_space<hbm>>
      tpu.enqueue_dma source(%dma_start3A_87 : memref<320xi32, #tpu.memory_space<hbm>>) target(%arg15 : memref<320xi32, #tpu.memory_space<vmem>>) target_semaphore(%arg23 : memref<!tpu.dma_semaphore, #tpu.memory_space<semaphore_mem>>)
      %add3A_88 = arith.constant 320 : i32
      %add3A_89 = arith.addi %mul3A_0, %add3A_88 : i32
      %min3A_90 = arith.constant 818880 : i32
      %min3A_91 = arith.minsi %add3A_89, %min3A_90 : i32
      %dma_start3A_92 = tpu.memref_slice %arg7[%min3A_91] : memref<819200xi32, #tpu.memory_space<hbm>> -> memref<320xi32, #tpu.memory_space<hbm>>
      %dma_start3A_93 = tpu.memref_slice %arg7[%min3A_91] : memref<819200xi32, #tpu.memory_space<hbm>> -> memref<320xi32, #tpu.memory_space<hbm>>
      tpu.enqueue_dma source(%dma_start3A_93 : memref<320xi32, #tpu.memory_space<hbm>>) target(%arg16 : memref<320xi32, #tpu.memory_space<vmem>>) target_semaphore(%arg24 : memref<!tpu.dma_semaphore, #tpu.memory_space<semaphore_mem>>)
      %scan3A_94 = arith.constant 0 : i32
      %scan3A_95 = arith.constant 0 : i32
      %scan3A_96 = arith.constant 80 : i32
      %scan3A_97 = arith.addi %scan3A_95, %scan3A_96 : i32
      %scan3A_98 = arith.constant 1 : i32
      scf.for %scan3A_128 = %scan3A_95 to %scan3A_97 step %scan3A_98  : i32 {
        %mul3A_129 = arith.constant 2 : i32
        %mul3A_130 = arith.muli %mul3A_129, %scan3A_128 : i32
        %mul3A_131 = arith.constant 2 : i32
        %mul3A_132 = arith.muli %mul3A_131, %scan3A_128 : i32
        %add3A_133 = arith.constant 1 : i32
        %add3A_134 = arith.addi %mul3A_132, %add3A_133 : i32
        %mul3A_135 = arith.constant 320 : i32
        %mul3A_136 = arith.muli %mul3A_130, %mul3A_135 : i32
        %add3A_137 = arith.addi %mul3A_0, %mul3A_136 : i32
        %min3A_138 = arith.constant 818880 : i32
        %min3A_139 = arith.minsi %add3A_137, %min3A_138 : i32
        %dma_wait3A_140 = tpu.memref_slice %arg6[%min3A_139] : memref<819200xi32, #tpu.memory_space<hbm>> -> memref<320xi32, #tpu.memory_space<hbm>>
        %dma_wait3A_141 = tpu.memref_slice %arg6[%min3A_139] : memref<819200xi32, #tpu.memory_space<hbm>> -> memref<320xi32, #tpu.memory_space<hbm>>
        tpu.wait_dma2 semaphore(%arg21 : memref<!tpu.dma_semaphore, #tpu.memory_space<semaphore_mem>>) src(%dma_wait3A_141 : memref<320xi32, #tpu.memory_space<hbm>>) dst(%arg13 : memref<320xi32, #tpu.memory_space<vmem>>)
        %mul3A_142 = arith.constant 320 : i32
        %mul3A_143 = arith.muli %mul3A_130, %mul3A_142 : i32
        %add3A_144 = arith.addi %mul3A_0, %mul3A_143 : i32
        %min3A_145 = arith.constant 818880 : i32
        %min3A_146 = arith.minsi %add3A_144, %min3A_145 : i32
        %dma_wait3A_147 = tpu.memref_slice %arg7[%min3A_146] : memref<819200xi32, #tpu.memory_space<hbm>> -> memref<320xi32, #tpu.memory_space<hbm>>
        %dma_wait3A_148 = tpu.memref_slice %arg7[%min3A_146] : memref<819200xi32, #tpu.memory_space<hbm>> -> memref<320xi32, #tpu.memory_space<hbm>>
        tpu.wait_dma2 semaphore(%arg22 : memref<!tpu.dma_semaphore, #tpu.memory_space<semaphore_mem>>) src(%dma_wait3A_148 : memref<320xi32, #tpu.memory_space<hbm>>) dst(%arg14 : memref<320xi32, #tpu.memory_space<vmem>>)
        %dma_start3A_149 = arith.constant 0 : i32
        %dma_start3A_150 = arith.constant 0 : i32
        %dma_start3A_151 = tpu.memref_slice %arg20[%dma_start3A_149, %dma_start3A_150] : memref<50000x16xf32, #tpu.memory_space<vmem_shared>> -> memref<50000x16xf32, #tpu.memory_space<vmem_shared>>
        tpu.enqueue_indirect_dma source(%dma_start3A_151 : memref<50000x16xf32, #tpu.memory_space<vmem_shared>>) target(%arg17 : memref<320x16xf32, #tpu.memory_space<vmem>>) offsets(%arg13 : memref<320xi32, #tpu.memory_space<vmem>>) semaphore(%arg25 : memref<!tpu.dma_semaphore, #tpu.memory_space<semaphore_mem>>)
        %mul3A_152 = arith.constant 320 : i32
        %mul3A_153 = arith.muli %add3A_134, %mul3A_152 : i32
        %add3A_154 = arith.addi %mul3A_0, %mul3A_153 : i32
        %min3A_155 = arith.constant 818880 : i32
        %min3A_156 = arith.minsi %add3A_154, %min3A_155 : i32
        %dma_wait3A_157 = tpu.memref_slice %arg6[%min3A_156] : memref<819200xi32, #tpu.memory_space<hbm>> -> memref<320xi32, #tpu.memory_space<hbm>>
        %dma_wait3A_158 = tpu.memref_slice %arg6[%min3A_156] : memref<819200xi32, #tpu.memory_space<hbm>> -> memref<320xi32, #tpu.memory_space<hbm>>
        tpu.wait_dma2 semaphore(%arg23 : memref<!tpu.dma_semaphore, #tpu.memory_space<semaphore_mem>>) src(%dma_wait3A_158 : memref<320xi32, #tpu.memory_space<hbm>>) dst(%arg15 : memref<320xi32, #tpu.memory_space<vmem>>)
        %mul3A_159 = arith.constant 320 : i32
        %mul3A_160 = arith.muli %add3A_134, %mul3A_159 : i32
        %add3A_161 = arith.addi %mul3A_0, %mul3A_160 : i32
        %min3A_162 = arith.constant 818880 : i32
        %min3A_163 = arith.minsi %add3A_161, %min3A_162 : i32
        %dma_wait3A_164 = tpu.memref_slice %arg7[%min3A_163] : memref<819200xi32, #tpu.memory_space<hbm>> -> memref<320xi32, #tpu.memory_space<hbm>>
        %dma_wait3A_165 = tpu.memref_slice %arg7[%min3A_163] : memref<819200xi32, #tpu.memory_space<hbm>> -> memref<320xi32, #tpu.memory_space<hbm>>
        tpu.wait_dma2 semaphore(%arg24 : memref<!tpu.dma_semaphore, #tpu.memory_space<semaphore_mem>>) src(%dma_wait3A_165 : memref<320xi32, #tpu.memory_space<hbm>>) dst(%arg16 : memref<320xi32, #tpu.memory_space<vmem>>)
        %dma_wait3A_166 = arith.constant 0 : i32
        %dma_wait3A_167 = arith.constant 0 : i32
        %dma_wait3A_168 = tpu.memref_slice %arg20[%dma_wait3A_166, %dma_wait3A_167] : memref<50000x16xf32, #tpu.memory_space<vmem_shared>> -> memref<50000x16xf32, #tpu.memory_space<vmem_shared>>
        tpu.wait_indirect_dma semaphore(%arg25 : memref<!tpu.dma_semaphore, #tpu.memory_space<semaphore_mem>>) src(%dma_wait3A_168 : memref<50000x16xf32, #tpu.memory_space<vmem_shared>>) dst(%arg17 : memref<320x16xf32, #tpu.memory_space<vmem>>)
        %dma_start3A_169 = arith.constant 0 : i32
        %dma_start3A_170 = arith.constant 0 : i32
        %dma_start3A_171 = tpu.memref_slice %arg20[%dma_start3A_169, %dma_start3A_170] : memref<50000x16xf32, #tpu.memory_space<vmem_shared>> -> memref<50000x16xf32, #tpu.memory_space<vmem_shared>>
        tpu.enqueue_indirect_dma source(%dma_start3A_171 : memref<50000x16xf32, #tpu.memory_space<vmem_shared>>) target(%arg18 : memref<320x16xf32, #tpu.memory_space<vmem>>) offsets(%arg15 : memref<320xi32, #tpu.memory_space<vmem>>) semaphore(%arg26 : memref<!tpu.dma_semaphore, #tpu.memory_space<semaphore_mem>>)
        "tpu.region"() ({
          %run_scoped3A = tpu.sem_alloc : memref<!tpu.dma_semaphore, #tpu.memory_space<semaphore_mem>>
          %dma_start3A_207 = arith.constant 0 : i32
          %dma_start3A_208 = arith.constant 0 : i32
          %dma_start3A_209 = tpu.memref_slice %arg19[%dma_start3A_207, %dma_start3A_208] : memref<50016x16xf32, #tpu.memory_space<vmem_shared>> -> memref<50016x16xf32, #tpu.memory_space<vmem_shared>>
          tpu.enqueue_indirect_dma source(%arg17 : memref<320x16xf32, #tpu.memory_space<vmem>>) target(%dma_start3A_209 : memref<50016x16xf32, #tpu.memory_space<vmem_shared>>) offsets(%arg14 : memref<320xi32, #tpu.memory_space<vmem>>) semaphore(%run_scoped3A : memref<!tpu.dma_semaphore, #tpu.memory_space<semaphore_mem>>) {add = true}
          %dma_wait3A_210 = arith.constant 0 : i32
          %dma_wait3A_211 = arith.constant 0 : i32
          %dma_wait3A_212 = tpu.memref_slice %arg19[%dma_wait3A_210, %dma_wait3A_211] : memref<50016x16xf32, #tpu.memory_space<vmem_shared>> -> memref<50016x16xf32, #tpu.memory_space<vmem_shared>>
          tpu.wait_indirect_dma semaphore(%run_scoped3A : memref<!tpu.dma_semaphore, #tpu.memory_space<semaphore_mem>>) src(%arg17 : memref<320x16xf32, #tpu.memory_space<vmem>>) dst(%dma_wait3A_212 : memref<50016x16xf32, #tpu.memory_space<vmem_shared>>)
          tpu.yield
        }) : () -> ()
        %add3A_172 = arith.constant 2 : i32
        %add3A_173 = arith.addi %mul3A_130, %add3A_172 : i32
        %mul3A_174 = arith.constant 320 : i32
        %mul3A_175 = arith.muli %add3A_173, %mul3A_174 : i32
        %add3A_176 = arith.addi %mul3A_0, %mul3A_175 : i32
        %min3A_177 = arith.constant 818880 : i32
        %min3A_178 = arith.minsi %add3A_176, %min3A_177 : i32
        %dma_start3A_179 = tpu.memref_slice %arg6[%min3A_178] : memref<819200xi32, #tpu.memory_space<hbm>> -> memref<320xi32, #tpu.memory_space<hbm>>
        %dma_start3A_180 = tpu.memref_slice %arg6[%min3A_178] : memref<819200xi32, #tpu.memory_space<hbm>> -> memref<320xi32, #tpu.memory_space<hbm>>
        tpu.enqueue_dma source(%dma_start3A_180 : memref<320xi32, #tpu.memory_space<hbm>>) target(%arg13 : memref<320xi32, #tpu.memory_space<vmem>>) target_semaphore(%arg21 : memref<!tpu.dma_semaphore, #tpu.memory_space<semaphore_mem>>)
        %mul3A_181 = arith.constant 320 : i32
        %mul3A_182 = arith.muli %add3A_173, %mul3A_181 : i32
        %add3A_183 = arith.addi %mul3A_0, %mul3A_182 : i32
        %min3A_184 = arith.constant 818880 : i32
        %min3A_185 = arith.minsi %add3A_183, %min3A_184 : i32
        %dma_start3A_186 = tpu.memref_slice %arg7[%min3A_185] : memref<819200xi32, #tpu.memory_space<hbm>> -> memref<320xi32, #tpu.memory_space<hbm>>
        %dma_start3A_187 = tpu.memref_slice %arg7[%min3A_185] : memref<819200xi32, #tpu.memory_space<hbm>> -> memref<320xi32, #tpu.memory_space<hbm>>
        tpu.enqueue_dma source(%dma_start3A_187 : memref<320xi32, #tpu.memory_space<hbm>>) target(%arg14 : memref<320xi32, #tpu.memory_space<vmem>>) target_semaphore(%arg22 : memref<!tpu.dma_semaphore, #tpu.memory_space<semaphore_mem>>)
        %dma_wait3A_188 = arith.constant 0 : i32
        %dma_wait3A_189 = arith.constant 0 : i32
        %dma_wait3A_190 = tpu.memref_slice %arg20[%dma_wait3A_188, %dma_wait3A_189] : memref<50000x16xf32, #tpu.memory_space<vmem_shared>> -> memref<50000x16xf32, #tpu.memory_space<vmem_shared>>
        tpu.wait_indirect_dma semaphore(%arg26 : memref<!tpu.dma_semaphore, #tpu.memory_space<semaphore_mem>>) src(%dma_wait3A_190 : memref<50000x16xf32, #tpu.memory_space<vmem_shared>>) dst(%arg18 : memref<320x16xf32, #tpu.memory_space<vmem>>)
        "tpu.region"() ({
          %run_scoped3A = tpu.sem_alloc : memref<!tpu.dma_semaphore, #tpu.memory_space<semaphore_mem>>
          %dma_start3A_207 = arith.constant 0 : i32
          %dma_start3A_208 = arith.constant 0 : i32
          %dma_start3A_209 = tpu.memref_slice %arg19[%dma_start3A_207, %dma_start3A_208] : memref<50016x16xf32, #tpu.memory_space<vmem_shared>> -> memref<50016x16xf32, #tpu.memory_space<vmem_shared>>
          tpu.enqueue_indirect_dma source(%arg18 : memref<320x16xf32, #tpu.memory_space<vmem>>) target(%dma_start3A_209 : memref<50016x16xf32, #tpu.memory_space<vmem_shared>>) offsets(%arg16 : memref<320xi32, #tpu.memory_space<vmem>>) semaphore(%run_scoped3A : memref<!tpu.dma_semaphore, #tpu.memory_space<semaphore_mem>>) {add = true}
          %dma_wait3A_210 = arith.constant 0 : i32
          %dma_wait3A_211 = arith.constant 0 : i32
          %dma_wait3A_212 = tpu.memref_slice %arg19[%dma_wait3A_210, %dma_wait3A_211] : memref<50016x16xf32, #tpu.memory_space<vmem_shared>> -> memref<50016x16xf32, #tpu.memory_space<vmem_shared>>
          tpu.wait_indirect_dma semaphore(%run_scoped3A : memref<!tpu.dma_semaphore, #tpu.memory_space<semaphore_mem>>) src(%arg18 : memref<320x16xf32, #tpu.memory_space<vmem>>) dst(%dma_wait3A_212 : memref<50016x16xf32, #tpu.memory_space<vmem_shared>>)
          tpu.yield
        }) : () -> ()
        %add3A_191 = arith.constant 2 : i32
        %add3A_192 = arith.addi %add3A_134, %add3A_191 : i32
        %mul3A_193 = arith.constant 320 : i32
        %mul3A_194 = arith.muli %add3A_192, %mul3A_193 : i32
        %add3A_195 = arith.addi %mul3A_0, %mul3A_194 : i32
        %min3A_196 = arith.constant 818880 : i32
        %min3A_197 = arith.minsi %add3A_195, %min3A_196 : i32
        %dma_start3A_198 = tpu.memref_slice %arg6[%min3A_197] : memref<819200xi32, #tpu.memory_space<hbm>> -> memref<320xi32, #tpu.memory_space<hbm>>
        %dma_start3A_199 = tpu.memref_slice %arg6[%min3A_197] : memref<819200xi32, #tpu.memory_space<hbm>> -> memref<320xi32, #tpu.memory_space<hbm>>
        tpu.enqueue_dma source(%dma_start3A_199 : memref<320xi32, #tpu.memory_space<hbm>>) target(%arg15 : memref<320xi32, #tpu.memory_space<vmem>>) target_semaphore(%arg23 : memref<!tpu.dma_semaphore, #tpu.memory_space<semaphore_mem>>)
        %mul3A_200 = arith.constant 320 : i32
        %mul3A_201 = arith.muli %add3A_192, %mul3A_200 : i32
        %add3A_202 = arith.addi %mul3A_0, %mul3A_201 : i32
        %min3A_203 = arith.constant 818880 : i32
        %min3A_204 = arith.minsi %add3A_202, %min3A_203 : i32
        %dma_start3A_205 = tpu.memref_slice %arg7[%min3A_204] : memref<819200xi32, #tpu.memory_space<hbm>> -> memref<320xi32, #tpu.memory_space<hbm>>
        %dma_start3A_206 = tpu.memref_slice %arg7[%min3A_204] : memref<819200xi32, #tpu.memory_space<hbm>> -> memref<320xi32, #tpu.memory_space<hbm>>
        tpu.enqueue_dma source(%dma_start3A_206 : memref<320xi32, #tpu.memory_space<hbm>>) target(%arg16 : memref<320xi32, #tpu.memory_space<vmem>>) target_semaphore(%arg24 : memref<!tpu.dma_semaphore, #tpu.memory_space<semaphore_mem>>)
      }
      %scan3A_99 = arith.constant 80 : i32
      %add3A_100 = arith.constant 51200 : i32
      %add3A_101 = arith.addi %mul3A_0, %add3A_100 : i32
      %min3A_102 = arith.constant 818880 : i32
      %min3A_103 = arith.minsi %add3A_101, %min3A_102 : i32
      %dma_wait3A_104 = tpu.memref_slice %arg6[%min3A_103] : memref<819200xi32, #tpu.memory_space<hbm>> -> memref<320xi32, #tpu.memory_space<hbm>>
      %dma_wait3A_105 = tpu.memref_slice %arg6[%min3A_103] : memref<819200xi32, #tpu.memory_space<hbm>> -> memref<320xi32, #tpu.memory_space<hbm>>
      tpu.wait_dma2 semaphore(%arg21 : memref<!tpu.dma_semaphore, #tpu.memory_space<semaphore_mem>>) src(%dma_wait3A_105 : memref<320xi32, #tpu.memory_space<hbm>>) dst(%arg13 : memref<320xi32, #tpu.memory_space<vmem>>)
      %add3A_106 = arith.constant 51200 : i32
      %add3A_107 = arith.addi %mul3A_0, %add3A_106 : i32
      %min3A_108 = arith.constant 818880 : i32
      %min3A_109 = arith.minsi %add3A_107, %min3A_108 : i32
      %dma_wait3A_110 = tpu.memref_slice %arg7[%min3A_109] : memref<819200xi32, #tpu.memory_space<hbm>> -> memref<320xi32, #tpu.memory_space<hbm>>
      %dma_wait3A_111 = tpu.memref_slice %arg7[%min3A_109] : memref<819200xi32, #tpu.memory_space<hbm>> -> memref<320xi32, #tpu.memory_space<hbm>>
      tpu.wait_dma2 semaphore(%arg22 : memref<!tpu.dma_semaphore, #tpu.memory_space<semaphore_mem>>) src(%dma_wait3A_111 : memref<320xi32, #tpu.memory_space<hbm>>) dst(%arg14 : memref<320xi32, #tpu.memory_space<vmem>>)
      %add3A_112 = arith.constant 51520 : i32
      %add3A_113 = arith.addi %mul3A_0, %add3A_112 : i32
      %min3A_114 = arith.constant 818880 : i32
      %min3A_115 = arith.minsi %add3A_113, %min3A_114 : i32
      %dma_wait3A_116 = tpu.memref_slice %arg6[%min3A_115] : memref<819200xi32, #tpu.memory_space<hbm>> -> memref<320xi32, #tpu.memory_space<hbm>>
      %dma_wait3A_117 = tpu.memref_slice %arg6[%min3A_115] : memref<819200xi32, #tpu.memory_space<hbm>> -> memref<320xi32, #tpu.memory_space<hbm>>
      tpu.wait_dma2 semaphore(%arg23 : memref<!tpu.dma_semaphore, #tpu.memory_space<semaphore_mem>>) src(%dma_wait3A_117 : memref<320xi32, #tpu.memory_space<hbm>>) dst(%arg15 : memref<320xi32, #tpu.memory_space<vmem>>)
      %add3A_118 = arith.constant 51520 : i32
      %add3A_119 = arith.addi %mul3A_0, %add3A_118 : i32
      %min3A_120 = arith.constant 818880 : i32
      %min3A_121 = arith.minsi %add3A_119, %min3A_120 : i32
      %dma_wait3A_122 = tpu.memref_slice %arg7[%min3A_121] : memref<819200xi32, #tpu.memory_space<hbm>> -> memref<320xi32, #tpu.memory_space<hbm>>
      %dma_wait3A_123 = tpu.memref_slice %arg7[%min3A_121] : memref<819200xi32, #tpu.memory_space<hbm>> -> memref<320xi32, #tpu.memory_space<hbm>>
      tpu.wait_dma2 semaphore(%arg24 : memref<!tpu.dma_semaphore, #tpu.memory_space<semaphore_mem>>) src(%dma_wait3A_123 : memref<320xi32, #tpu.memory_space<hbm>>) dst(%arg16 : memref<320xi32, #tpu.memory_space<vmem>>)
      %barrier3A_124 = arith.constant 0 : index
      tpu.barrier barrier_id(%barrier3A_124)
      %mul3A_125 = arith.constant 3125 : i32
      %mul3A_126 = arith.muli %arg1, %mul3A_125 : i32
      "tpu.region"() ({
        %run_scoped3A = tpu.sem_alloc : memref<!tpu.dma_semaphore, #tpu.memory_space<semaphore_mem>>
        %dma_start3A_128 = arith.constant 0 : i32
        %dma_start3A_129 = tpu.memref_slice %arg12[%mul3A_126, %dma_start3A_128] : memref<50000x16xf32, #tpu.memory_space<hbm>> -> memref<3125x16xf32, #tpu.memory_space<hbm>>
        %dma_start3A_130 = arith.constant 0 : i32
        %dma_start3A_131 = tpu.memref_slice %arg19[%mul3A_126, %dma_start3A_130] : memref<50016x16xf32, #tpu.memory_space<vmem_shared>> -> memref<3125x16xf32, #tpu.memory_space<vmem_shared>>
        tpu.enqueue_dma source(%dma_start3A_131 : memref<3125x16xf32, #tpu.memory_space<vmem_shared>>) target(%dma_start3A_129 : memref<3125x16xf32, #tpu.memory_space<hbm>>) target_semaphore(%run_scoped3A : memref<!tpu.dma_semaphore, #tpu.memory_space<semaphore_mem>>)
        %dma_wait3A_132 = arith.constant 0 : i32
        %dma_wait3A_133 = tpu.memref_slice %arg12[%mul3A_126, %dma_wait3A_132] : memref<50000x16xf32, #tpu.memory_space<hbm>> -> memref<3125x16xf32, #tpu.memory_space<hbm>>
        %dma_wait3A_134 = arith.constant 0 : i32
        %dma_wait3A_135 = tpu.memref_slice %arg19[%mul3A_126, %dma_wait3A_134] : memref<50016x16xf32, #tpu.memory_space<vmem_shared>> -> memref<3125x16xf32, #tpu.memory_space<vmem_shared>>
        tpu.wait_dma2 semaphore(%run_scoped3A : memref<!tpu.dma_semaphore, #tpu.memory_space<semaphore_mem>>) src(%dma_wait3A_135 : memref<3125x16xf32, #tpu.memory_space<vmem_shared>>) dst(%dma_wait3A_133 : memref<3125x16xf32, #tpu.memory_space<hbm>>)
        tpu.yield
      }) : () -> ()
      %barrier3A_127 = arith.constant 0 : index
      tpu.barrier barrier_id(%barrier3A_127)
    } else {
    }
    return
  }
}

#map = affine_map<(d0, d1) -> (0, 0)>
#map1 = affine_map<(d0, d1) -> (0)>
module attributes {stable_mosaic.version = 14 : i64} {
  func.func @_sc_body(%arg0: i32, %arg1: i32, %arg2: memref<50000x16xf32, #tpu.memory_space<hbm>>, %arg3: memref<50000x16xf32, #tpu.memory_space<hbm>>, %arg4: memref<50000x16xf32, #tpu.memory_space<hbm>>, %arg5: memref<50000x16xf32, #tpu.memory_space<hbm>>, %arg6: memref<819200xi32, #tpu.memory_space<hbm>>, %arg7: memref<819200xi32, #tpu.memory_space<hbm>>, %arg8: memref<50016x16xf32, #tpu.memory_space<hbm>>, %arg9: memref<50000x16xf32, #tpu.memory_space<hbm>>, %arg10: memref<50000x16xf32, #tpu.memory_space<hbm>>, %arg11: memref<50000x16xf32, #tpu.memory_space<hbm>>, %arg12: memref<50000x16xf32, #tpu.memory_space<hbm>>, %arg13: memref<320xi32, #tpu.memory_space<vmem>>, %arg14: memref<320xi32, #tpu.memory_space<vmem>>, %arg15: memref<320xi32, #tpu.memory_space<vmem>>, %arg16: memref<320xi32, #tpu.memory_space<vmem>>, %arg17: memref<320x16xf32, #tpu.memory_space<vmem>>, %arg18: memref<320x16xf32, #tpu.memory_space<vmem>>, %arg19: memref<50016x16xf32, #tpu.memory_space<vmem_shared>>, %arg20: memref<50000x16xf32, #tpu.memory_space<vmem_shared>>, %arg21: memref<!tpu.dma_semaphore, #tpu.memory_space<semaphore_mem>>, %arg22: memref<!tpu.dma_semaphore, #tpu.memory_space<semaphore_mem>>, %arg23: memref<!tpu.dma_semaphore, #tpu.memory_space<semaphore_mem>>, %arg24: memref<!tpu.dma_semaphore, #tpu.memory_space<semaphore_mem>>, %arg25: memref<!tpu.dma_semaphore, #tpu.memory_space<semaphore_mem>>, %arg26: memref<!tpu.dma_semaphore, #tpu.memory_space<semaphore_mem>>) attributes {dimension_semantics = [#tpu.dimension_semantics<core_parallel>, #tpu.dimension_semantics<subcore_parallel>], iteration_bounds = array<i64: 2, 16>, scalar_prefetch = 0 : i64, scratch_operands = 14 : i64, tpu.core_type = #tpu.core_type<sc_vector_subcore>, window_params = [{transform_indices = #map}, {transform_indices = #map}, {transform_indices = #map}, {transform_indices = #map}, {transform_indices = #map1}, {transform_indices = #map1}, {transform_indices = #map}, {transform_indices = #map}, {transform_indices = #map}, {transform_indices = #map}, {transform_indices = #map}]} {
    %mul3A = arith.constant 51200 : i32
    %mul3A_0 = arith.muli %arg1, %mul3A : i32
    %eq3A = arith.constant 0 : i32
    %eq3A_1 = arith.cmpi eq, %arg0, %eq3A : i32
    %convert_element_type3A = arith.extui %eq3A_1 : i1 to i32
    %cond3A = arith.constant 0 : i32
    %cond3A_2 = arith.cmpi ne, %convert_element_type3A, %cond3A : i32
    scf.if %cond3A_2 {
      %mul3A_8 = arith.constant 3126 : i32
      %mul3A_9 = arith.muli %arg1, %mul3A_8 : i32
      "tpu.region"() ({
        %run_scoped3A = tpu.sem_alloc : memref<!tpu.dma_semaphore, #tpu.memory_space<semaphore_mem>>
        %dma_start3A_128 = arith.constant 0 : i32
        %dma_start3A_129 = tpu.memref_slice %arg19[%mul3A_9, %dma_start3A_128] : memref<50016x16xf32, #tpu.memory_space<vmem_shared>> -> memref<3126x16xf32, #tpu.memory_space<vmem_shared>>
        %dma_start3A_130 = arith.constant 0 : i32
        %dma_start3A_131 = tpu.memref_slice %arg8[%mul3A_9, %dma_start3A_130] : memref<50016x16xf32, #tpu.memory_space<hbm>> -> memref<3126x16xf32, #tpu.memory_space<hbm>>
        tpu.enqueue_dma source(%dma_start3A_131 : memref<3126x16xf32, #tpu.memory_space<hbm>>) target(%dma_start3A_129 : memref<3126x16xf32, #tpu.memory_space<vmem_shared>>) target_semaphore(%run_scoped3A : memref<!tpu.dma_semaphore, #tpu.memory_space<semaphore_mem>>)
        %dma_wait3A_132 = arith.constant 0 : i32
        %dma_wait3A_133 = tpu.memref_slice %arg19[%mul3A_9, %dma_wait3A_132] : memref<50016x16xf32, #tpu.memory_space<vmem_shared>> -> memref<3126x16xf32, #tpu.memory_space<vmem_shared>>
        %dma_wait3A_134 = arith.constant 0 : i32
        %dma_wait3A_135 = tpu.memref_slice %arg8[%mul3A_9, %dma_wait3A_134] : memref<50016x16xf32, #tpu.memory_space<hbm>> -> memref<3126x16xf32, #tpu.memory_space<hbm>>
        tpu.wait_dma2 semaphore(%run_scoped3A : memref<!tpu.dma_semaphore, #tpu.memory_space<semaphore_mem>>) src(%dma_wait3A_135 : memref<3126x16xf32, #tpu.memory_space<hbm>>) dst(%dma_wait3A_133 : memref<3126x16xf32, #tpu.memory_space<vmem_shared>>)
        tpu.yield
      }) : () -> ()
      %mul3A_10 = arith.constant 3125 : i32
      %mul3A_11 = arith.muli %arg1, %mul3A_10 : i32
      "tpu.region"() ({
        %run_scoped3A = tpu.sem_alloc : memref<!tpu.dma_semaphore, #tpu.memory_space<semaphore_mem>>
        %dma_start3A_128 = arith.constant 0 : i32
        %dma_start3A_129 = tpu.memref_slice %arg20[%mul3A_11, %dma_start3A_128] : memref<50000x16xf32, #tpu.memory_space<vmem_shared>> -> memref<3125x16xf32, #tpu.memory_space<vmem_shared>>
        %dma_start3A_130 = arith.constant 0 : i32
        %dma_start3A_131 = tpu.memref_slice %arg2[%mul3A_11, %dma_start3A_130] : memref<50000x16xf32, #tpu.memory_space<hbm>> -> memref<3125x16xf32, #tpu.memory_space<hbm>>
        tpu.enqueue_dma source(%dma_start3A_131 : memref<3125x16xf32, #tpu.memory_space<hbm>>) target(%dma_start3A_129 : memref<3125x16xf32, #tpu.memory_space<vmem_shared>>) target_semaphore(%run_scoped3A : memref<!tpu.dma_semaphore, #tpu.memory_space<semaphore_mem>>)
        %dma_wait3A_132 = arith.constant 0 : i32
        %dma_wait3A_133 = tpu.memref_slice %arg20[%mul3A_11, %dma_wait3A_132] : memref<50000x16xf32, #tpu.memory_space<vmem_shared>> -> memref<3125x16xf32, #tpu.memory_space<vmem_shared>>
        %dma_wait3A_134 = arith.constant 0 : i32
        %dma_wait3A_135 = tpu.memref_slice %arg2[%mul3A_11, %dma_wait3A_134] : memref<50000x16xf32, #tpu.memory_space<hbm>> -> memref<3125x16xf32, #tpu.memory_space<hbm>>
        tpu.wait_dma2 semaphore(%run_scoped3A : memref<!tpu.dma_semaphore, #tpu.memory_space<semaphore_mem>>) src(%dma_wait3A_135 : memref<3125x16xf32, #tpu.memory_space<hbm>>) dst(%dma_wait3A_133 : memref<3125x16xf32, #tpu.memory_space<vmem_shared>>)
        tpu.yield
      }) : () -> ()
      %barrier3A = arith.constant 0 : index
      tpu.barrier barrier_id(%barrier3A)
      %add3A = arith.constant 0 : i32
      %add3A_12 = arith.addi %mul3A_0, %add3A : i32
      %min3A = arith.constant 818880 : i32
      %min3A_13 = arith.minsi %add3A_12, %min3A : i32
      %dma_start3A = tpu.memref_slice %arg6[%min3A_13] : memref<819200xi32, #tpu.memory_space<hbm>> -> memref<320xi32, #tpu.memory_space<hbm>>
      %dma_start3A_14 = tpu.memref_slice %arg6[%min3A_13] : memref<819200xi32, #tpu.memory_space<hbm>> -> memref<320xi32, #tpu.memory_space<hbm>>
      tpu.enqueue_dma source(%dma_start3A_14 : memref<320xi32, #tpu.memory_space<hbm>>) target(%arg13 : memref<320xi32, #tpu.memory_space<vmem>>) target_semaphore(%arg21 : memref<!tpu.dma_semaphore, #tpu.memory_space<semaphore_mem>>)
      %add3A_15 = arith.constant 0 : i32
      %add3A_16 = arith.addi %mul3A_0, %add3A_15 : i32
      %min3A_17 = arith.constant 818880 : i32
      %min3A_18 = arith.minsi %add3A_16, %min3A_17 : i32
      %dma_start3A_19 = tpu.memref_slice %arg7[%min3A_18] : memref<819200xi32, #tpu.memory_space<hbm>> -> memref<320xi32, #tpu.memory_space<hbm>>
      %dma_start3A_20 = tpu.memref_slice %arg7[%min3A_18] : memref<819200xi32, #tpu.memory_space<hbm>> -> memref<320xi32, #tpu.memory_space<hbm>>
      tpu.enqueue_dma source(%dma_start3A_20 : memref<320xi32, #tpu.memory_space<hbm>>) target(%arg14 : memref<320xi32, #tpu.memory_space<vmem>>) target_semaphore(%arg22 : memref<!tpu.dma_semaphore, #tpu.memory_space<semaphore_mem>>)
      %add3A_21 = arith.constant 320 : i32
      %add3A_22 = arith.addi %mul3A_0, %add3A_21 : i32
      %min3A_23 = arith.constant 818880 : i32
      %min3A_24 = arith.minsi %add3A_22, %min3A_23 : i32
      %dma_start3A_25 = tpu.memref_slice %arg6[%min3A_24] : memref<819200xi32, #tpu.memory_space<hbm>> -> memref<320xi32, #tpu.memory_space<hbm>>
      %dma_start3A_26 = tpu.memref_slice %arg6[%min3A_24] : memref<819200xi32, #tpu.memory_space<hbm>> -> memref<320xi32, #tpu.memory_space<hbm>>
      tpu.enqueue_dma source(%dma_start3A_26 : memref<320xi32, #tpu.memory_space<hbm>>) target(%arg15 : memref<320xi32, #tpu.memory_space<vmem>>) target_semaphore(%arg23 : memref<!tpu.dma_semaphore, #tpu.memory_space<semaphore_mem>>)
      %add3A_27 = arith.constant 320 : i32
      %add3A_28 = arith.addi %mul3A_0, %add3A_27 : i32
      %min3A_29 = arith.constant 818880 : i32
      %min3A_30 = arith.minsi %add3A_28, %min3A_29 : i32
      %dma_start3A_31 = tpu.memref_slice %arg7[%min3A_30] : memref<819200xi32, #tpu.memory_space<hbm>> -> memref<320xi32, #tpu.memory_space<hbm>>
      %dma_start3A_32 = tpu.memref_slice %arg7[%min3A_30] : memref<819200xi32, #tpu.memory_space<hbm>> -> memref<320xi32, #tpu.memory_space<hbm>>
      tpu.enqueue_dma source(%dma_start3A_32 : memref<320xi32, #tpu.memory_space<hbm>>) target(%arg16 : memref<320xi32, #tpu.memory_space<vmem>>) target_semaphore(%arg24 : memref<!tpu.dma_semaphore, #tpu.memory_space<semaphore_mem>>)
      %scan3A = arith.constant 0 : i32
      %scan3A_33 = arith.constant 0 : i32
      %scan3A_34 = arith.constant 80 : i32
      %scan3A_35 = arith.addi %scan3A_33, %scan3A_34 : i32
      %scan3A_36 = arith.constant 1 : i32
      scf.for %scan3A_128 = %scan3A_33 to %scan3A_35 step %scan3A_36  : i32 {
        %mul3A_129 = arith.constant 2 : i32
        %mul3A_130 = arith.muli %mul3A_129, %scan3A_128 : i32
        %mul3A_131 = arith.constant 2 : i32
        %mul3A_132 = arith.muli %mul3A_131, %scan3A_128 : i32
        %add3A_133 = arith.constant 1 : i32
        %add3A_134 = arith.addi %mul3A_132, %add3A_133 : i32
        %mul3A_135 = arith.constant 320 : i32
        %mul3A_136 = arith.muli %mul3A_130, %mul3A_135 : i32
        %add3A_137 = arith.addi %mul3A_0, %mul3A_136 : i32
        %min3A_138 = arith.constant 818880 : i32
        %min3A_139 = arith.minsi %add3A_137, %min3A_138 : i32
        %dma_wait3A_140 = tpu.memref_slice %arg6[%min3A_139] : memref<819200xi32, #tpu.memory_space<hbm>> -> memref<320xi32, #tpu.memory_space<hbm>>
        %dma_wait3A_141 = tpu.memref_slice %arg6[%min3A_139] : memref<819200xi32, #tpu.memory_space<hbm>> -> memref<320xi32, #tpu.memory_space<hbm>>
        tpu.wait_dma2 semaphore(%arg21 : memref<!tpu.dma_semaphore, #tpu.memory_space<semaphore_mem>>) src(%dma_wait3A_141 : memref<320xi32, #tpu.memory_space<hbm>>) dst(%arg13 : memref<320xi32, #tpu.memory_space<vmem>>)
        %mul3A_142 = arith.constant 320 : i32
        %mul3A_143 = arith.muli %mul3A_130, %mul3A_142 : i32
        %add3A_144 = arith.addi %mul3A_0, %mul3A_143 : i32
        %min3A_145 = arith.constant 818880 : i32
        %min3A_146 = arith.minsi %add3A_144, %min3A_145 : i32
        %dma_wait3A_147 = tpu.memref_slice %arg7[%min3A_146] : memref<819200xi32, #tpu.memory_space<hbm>> -> memref<320xi32, #tpu.memory_space<hbm>>
        %dma_wait3A_148 = tpu.memref_slice %arg7[%min3A_146] : memref<819200xi32, #tpu.memory_space<hbm>> -> memref<320xi32, #tpu.memory_space<hbm>>
        tpu.wait_dma2 semaphore(%arg22 : memref<!tpu.dma_semaphore, #tpu.memory_space<semaphore_mem>>) src(%dma_wait3A_148 : memref<320xi32, #tpu.memory_space<hbm>>) dst(%arg14 : memref<320xi32, #tpu.memory_space<vmem>>)
        %dma_start3A_149 = arith.constant 0 : i32
        %dma_start3A_150 = arith.constant 0 : i32
        %dma_start3A_151 = tpu.memref_slice %arg20[%dma_start3A_149, %dma_start3A_150] : memref<50000x16xf32, #tpu.memory_space<vmem_shared>> -> memref<50000x16xf32, #tpu.memory_space<vmem_shared>>
        tpu.enqueue_indirect_dma source(%dma_start3A_151 : memref<50000x16xf32, #tpu.memory_space<vmem_shared>>) target(%arg17 : memref<320x16xf32, #tpu.memory_space<vmem>>) offsets(%arg13 : memref<320xi32, #tpu.memory_space<vmem>>) semaphore(%arg25 : memref<!tpu.dma_semaphore, #tpu.memory_space<semaphore_mem>>)
        %mul3A_152 = arith.constant 320 : i32
        %mul3A_153 = arith.muli %add3A_134, %mul3A_152 : i32
        %add3A_154 = arith.addi %mul3A_0, %mul3A_153 : i32
        %min3A_155 = arith.constant 818880 : i32
        %min3A_156 = arith.minsi %add3A_154, %min3A_155 : i32
        %dma_wait3A_157 = tpu.memref_slice %arg6[%min3A_156] : memref<819200xi32, #tpu.memory_space<hbm>> -> memref<320xi32, #tpu.memory_space<hbm>>
        %dma_wait3A_158 = tpu.memref_slice %arg6[%min3A_156] : memref<819200xi32, #tpu.memory_space<hbm>> -> memref<320xi32, #tpu.memory_space<hbm>>
        tpu.wait_dma2 semaphore(%arg23 : memref<!tpu.dma_semaphore, #tpu.memory_space<semaphore_mem>>) src(%dma_wait3A_158 : memref<320xi32, #tpu.memory_space<hbm>>) dst(%arg15 : memref<320xi32, #tpu.memory_space<vmem>>)
        %mul3A_159 = arith.constant 320 : i32
        %mul3A_160 = arith.muli %add3A_134, %mul3A_159 : i32
        %add3A_161 = arith.addi %mul3A_0, %mul3A_160 : i32
        %min3A_162 = arith.constant 818880 : i32
        %min3A_163 = arith.minsi %add3A_161, %min3A_162 : i32
        %dma_wait3A_164 = tpu.memref_slice %arg7[%min3A_163] : memref<819200xi32, #tpu.memory_space<hbm>> -> memref<320xi32, #tpu.memory_space<hbm>>
        %dma_wait3A_165 = tpu.memref_slice %arg7[%min3A_163] : memref<819200xi32, #tpu.memory_space<hbm>> -> memref<320xi32, #tpu.memory_space<hbm>>
        tpu.wait_dma2 semaphore(%arg24 : memref<!tpu.dma_semaphore, #tpu.memory_space<semaphore_mem>>) src(%dma_wait3A_165 : memref<320xi32, #tpu.memory_space<hbm>>) dst(%arg16 : memref<320xi32, #tpu.memory_space<vmem>>)
        %dma_wait3A_166 = arith.constant 0 : i32
        %dma_wait3A_167 = arith.constant 0 : i32
        %dma_wait3A_168 = tpu.memref_slice %arg20[%dma_wait3A_166, %dma_wait3A_167] : memref<50000x16xf32, #tpu.memory_space<vmem_shared>> -> memref<50000x16xf32, #tpu.memory_space<vmem_shared>>
        tpu.wait_indirect_dma semaphore(%arg25 : memref<!tpu.dma_semaphore, #tpu.memory_space<semaphore_mem>>) src(%dma_wait3A_168 : memref<50000x16xf32, #tpu.memory_space<vmem_shared>>) dst(%arg17 : memref<320x16xf32, #tpu.memory_space<vmem>>)
        %dma_start3A_169 = arith.constant 0 : i32
        %dma_start3A_170 = arith.constant 0 : i32
        %dma_start3A_171 = tpu.memref_slice %arg20[%dma_start3A_169, %dma_start3A_170] : memref<50000x16xf32, #tpu.memory_space<vmem_shared>> -> memref<50000x16xf32, #tpu.memory_space<vmem_shared>>
        tpu.enqueue_indirect_dma source(%dma_start3A_171 : memref<50000x16xf32, #tpu.memory_space<vmem_shared>>) target(%arg18 : memref<320x16xf32, #tpu.memory_space<vmem>>) offsets(%arg15 : memref<320xi32, #tpu.memory_space<vmem>>) semaphore(%arg26 : memref<!tpu.dma_semaphore, #tpu.memory_space<semaphore_mem>>)
        "tpu.region"() ({
          %run_scoped3A = tpu.sem_alloc : memref<!tpu.dma_semaphore, #tpu.memory_space<semaphore_mem>>
          %dma_start3A_207 = arith.constant 0 : i32
          %dma_start3A_208 = arith.constant 0 : i32
          %dma_start3A_209 = tpu.memref_slice %arg19[%dma_start3A_207, %dma_start3A_208] : memref<50016x16xf32, #tpu.memory_space<vmem_shared>> -> memref<50016x16xf32, #tpu.memory_space<vmem_shared>>
          tpu.enqueue_indirect_dma source(%arg17 : memref<320x16xf32, #tpu.memory_space<vmem>>) target(%dma_start3A_209 : memref<50016x16xf32, #tpu.memory_space<vmem_shared>>) offsets(%arg14 : memref<320xi32, #tpu.memory_space<vmem>>) semaphore(%run_scoped3A : memref<!tpu.dma_semaphore, #tpu.memory_space<semaphore_mem>>) {add = true}
          %dma_wait3A_210 = arith.constant 0 : i32
          %dma_wait3A_211 = arith.constant 0 : i32
          %dma_wait3A_212 = tpu.memref_slice %arg19[%dma_wait3A_210, %dma_wait3A_211] : memref<50016x16xf32, #tpu.memory_space<vmem_shared>> -> memref<50016x16xf32, #tpu.memory_space<vmem_shared>>
          tpu.wait_indirect_dma semaphore(%run_scoped3A : memref<!tpu.dma_semaphore, #tpu.memory_space<semaphore_mem>>) src(%arg17 : memref<320x16xf32, #tpu.memory_space<vmem>>) dst(%dma_wait3A_212 : memref<50016x16xf32, #tpu.memory_space<vmem_shared>>)
          tpu.yield
        }) : () -> ()
        %add3A_172 = arith.constant 2 : i32
        %add3A_173 = arith.addi %mul3A_130, %add3A_172 : i32
        %mul3A_174 = arith.constant 320 : i32
        %mul3A_175 = arith.muli %add3A_173, %mul3A_174 : i32
        %add3A_176 = arith.addi %mul3A_0, %mul3A_175 : i32
        %min3A_177 = arith.constant 818880 : i32
        %min3A_178 = arith.minsi %add3A_176, %min3A_177 : i32
        %dma_start3A_179 = tpu.memref_slice %arg6[%min3A_178] : memref<819200xi32, #tpu.memory_space<hbm>> -> memref<320xi32, #tpu.memory_space<hbm>>
        %dma_start3A_180 = tpu.memref_slice %arg6[%min3A_178] : memref<819200xi32, #tpu.memory_space<hbm>> -> memref<320xi32, #tpu.memory_space<hbm>>
        tpu.enqueue_dma source(%dma_start3A_180 : memref<320xi32, #tpu.memory_space<hbm>>) target(%arg13 : memref<320xi32, #tpu.memory_space<vmem>>) target_semaphore(%arg21 : memref<!tpu.dma_semaphore, #tpu.memory_space<semaphore_mem>>)
        %mul3A_181 = arith.constant 320 : i32
        %mul3A_182 = arith.muli %add3A_173, %mul3A_181 : i32
        %add3A_183 = arith.addi %mul3A_0, %mul3A_182 : i32
        %min3A_184 = arith.constant 818880 : i32
        %min3A_185 = arith.minsi %add3A_183, %min3A_184 : i32
        %dma_start3A_186 = tpu.memref_slice %arg7[%min3A_185] : memref<819200xi32, #tpu.memory_space<hbm>> -> memref<320xi32, #tpu.memory_space<hbm>>
        %dma_start3A_187 = tpu.memref_slice %arg7[%min3A_185] : memref<819200xi32, #tpu.memory_space<hbm>> -> memref<320xi32, #tpu.memory_space<hbm>>
        tpu.enqueue_dma source(%dma_start3A_187 : memref<320xi32, #tpu.memory_space<hbm>>) target(%arg14 : memref<320xi32, #tpu.memory_space<vmem>>) target_semaphore(%arg22 : memref<!tpu.dma_semaphore, #tpu.memory_space<semaphore_mem>>)
        %dma_wait3A_188 = arith.constant 0 : i32
        %dma_wait3A_189 = arith.constant 0 : i32
        %dma_wait3A_190 = tpu.memref_slice %arg20[%dma_wait3A_188, %dma_wait3A_189] : memref<50000x16xf32, #tpu.memory_space<vmem_shared>> -> memref<50000x16xf32, #tpu.memory_space<vmem_shared>>
        tpu.wait_indirect_dma semaphore(%arg26 : memref<!tpu.dma_semaphore, #tpu.memory_space<semaphore_mem>>) src(%dma_wait3A_190 : memref<50000x16xf32, #tpu.memory_space<vmem_shared>>) dst(%arg18 : memref<320x16xf32, #tpu.memory_space<vmem>>)
        "tpu.region"() ({
          %run_scoped3A = tpu.sem_alloc : memref<!tpu.dma_semaphore, #tpu.memory_space<semaphore_mem>>
          %dma_start3A_207 = arith.constant 0 : i32
          %dma_start3A_208 = arith.constant 0 : i32
          %dma_start3A_209 = tpu.memref_slice %arg19[%dma_start3A_207, %dma_start3A_208] : memref<50016x16xf32, #tpu.memory_space<vmem_shared>> -> memref<50016x16xf32, #tpu.memory_space<vmem_shared>>
          tpu.enqueue_indirect_dma source(%arg18 : memref<320x16xf32, #tpu.memory_space<vmem>>) target(%dma_start3A_209 : memref<50016x16xf32, #tpu.memory_space<vmem_shared>>) offsets(%arg16 : memref<320xi32, #tpu.memory_space<vmem>>) semaphore(%run_scoped3A : memref<!tpu.dma_semaphore, #tpu.memory_space<semaphore_mem>>) {add = true}
          %dma_wait3A_210 = arith.constant 0 : i32
          %dma_wait3A_211 = arith.constant 0 : i32
          %dma_wait3A_212 = tpu.memref_slice %arg19[%dma_wait3A_210, %dma_wait3A_211] : memref<50016x16xf32, #tpu.memory_space<vmem_shared>> -> memref<50016x16xf32, #tpu.memory_space<vmem_shared>>
          tpu.wait_indirect_dma semaphore(%run_scoped3A : memref<!tpu.dma_semaphore, #tpu.memory_space<semaphore_mem>>) src(%arg18 : memref<320x16xf32, #tpu.memory_space<vmem>>) dst(%dma_wait3A_212 : memref<50016x16xf32, #tpu.memory_space<vmem_shared>>)
          tpu.yield
        }) : () -> ()
        %add3A_191 = arith.constant 2 : i32
        %add3A_192 = arith.addi %add3A_134, %add3A_191 : i32
        %mul3A_193 = arith.constant 320 : i32
        %mul3A_194 = arith.muli %add3A_192, %mul3A_193 : i32
        %add3A_195 = arith.addi %mul3A_0, %mul3A_194 : i32
        %min3A_196 = arith.constant 818880 : i32
        %min3A_197 = arith.minsi %add3A_195, %min3A_196 : i32
        %dma_start3A_198 = tpu.memref_slice %arg6[%min3A_197] : memref<819200xi32, #tpu.memory_space<hbm>> -> memref<320xi32, #tpu.memory_space<hbm>>
        %dma_start3A_199 = tpu.memref_slice %arg6[%min3A_197] : memref<819200xi32, #tpu.memory_space<hbm>> -> memref<320xi32, #tpu.memory_space<hbm>>
        tpu.enqueue_dma source(%dma_start3A_199 : memref<320xi32, #tpu.memory_space<hbm>>) target(%arg15 : memref<320xi32, #tpu.memory_space<vmem>>) target_semaphore(%arg23 : memref<!tpu.dma_semaphore, #tpu.memory_space<semaphore_mem>>)
        %mul3A_200 = arith.constant 320 : i32
        %mul3A_201 = arith.muli %add3A_192, %mul3A_200 : i32
        %add3A_202 = arith.addi %mul3A_0, %mul3A_201 : i32
        %min3A_203 = arith.constant 818880 : i32
        %min3A_204 = arith.minsi %add3A_202, %min3A_203 : i32
        %dma_start3A_205 = tpu.memref_slice %arg7[%min3A_204] : memref<819200xi32, #tpu.memory_space<hbm>> -> memref<320xi32, #tpu.memory_space<hbm>>
        %dma_start3A_206 = tpu.memref_slice %arg7[%min3A_204] : memref<819200xi32, #tpu.memory_space<hbm>> -> memref<320xi32, #tpu.memory_space<hbm>>
        tpu.enqueue_dma source(%dma_start3A_206 : memref<320xi32, #tpu.memory_space<hbm>>) target(%arg16 : memref<320xi32, #tpu.memory_space<vmem>>) target_semaphore(%arg24 : memref<!tpu.dma_semaphore, #tpu.memory_space<semaphore_mem>>)
      }
      %scan3A_37 = arith.constant 80 : i32
      %add3A_38 = arith.constant 51200 : i32
      %add3A_39 = arith.addi %mul3A_0, %add3A_38 : i32
      %min3A_40 = arith.constant 818880 : i32
      %min3A_41 = arith.minsi %add3A_39, %min3A_40 : i32
      %dma_wait3A = tpu.memref_slice %arg6[%min3A_41] : memref<819200xi32, #tpu.memory_space<hbm>> -> memref<320xi32, #tpu.memory_space<hbm>>
      %dma_wait3A_42 = tpu.memref_slice %arg6[%min3A_41] : memref<819200xi32, #tpu.memory_space<hbm>> -> memref<320xi32, #tpu.memory_space<hbm>>
      tpu.wait_dma2 semaphore(%arg21 : memref<!tpu.dma_semaphore, #tpu.memory_space<semaphore_mem>>) src(%dma_wait3A_42 : memref<320xi32, #tpu.memory_space<hbm>>) dst(%arg13 : memref<320xi32, #tpu.memory_space<vmem>>)
      %add3A_43 = arith.constant 51200 : i32
      %add3A_44 = arith.addi %mul3A_0, %add3A_43 : i32
      %min3A_45 = arith.constant 818880 : i32
      %min3A_46 = arith.minsi %add3A_44, %min3A_45 : i32
      %dma_wait3A_47 = tpu.memref_slice %arg7[%min3A_46] : memref<819200xi32, #tpu.memory_space<hbm>> -> memref<320xi32, #tpu.memory_space<hbm>>
      %dma_wait3A_48 = tpu.memref_slice %arg7[%min3A_46] : memref<819200xi32, #tpu.memory_space<hbm>> -> memref<320xi32, #tpu.memory_space<hbm>>
      tpu.wait_dma2 semaphore(%arg22 : memref<!tpu.dma_semaphore, #tpu.memory_space<semaphore_mem>>) src(%dma_wait3A_48 : memref<320xi32, #tpu.memory_space<hbm>>) dst(%arg14 : memref<320xi32, #tpu.memory_space<vmem>>)
      %add3A_49 = arith.constant 51520 : i32
      %add3A_50 = arith.addi %mul3A_0, %add3A_49 : i32
      %min3A_51 = arith.constant 818880 : i32
      %min3A_52 = arith.minsi %add3A_50, %min3A_51 : i32
      %dma_wait3A_53 = tpu.memref_slice %arg6[%min3A_52] : memref<819200xi32, #tpu.memory_space<hbm>> -> memref<320xi32, #tpu.memory_space<hbm>>
      %dma_wait3A_54 = tpu.memref_slice %arg6[%min3A_52] : memref<819200xi32, #tpu.memory_space<hbm>> -> memref<320xi32, #tpu.memory_space<hbm>>
      tpu.wait_dma2 semaphore(%arg23 : memref<!tpu.dma_semaphore, #tpu.memory_space<semaphore_mem>>) src(%dma_wait3A_54 : memref<320xi32, #tpu.memory_space<hbm>>) dst(%arg15 : memref<320xi32, #tpu.memory_space<vmem>>)
      %add3A_55 = arith.constant 51520 : i32
      %add3A_56 = arith.addi %mul3A_0, %add3A_55 : i32
      %min3A_57 = arith.constant 818880 : i32
      %min3A_58 = arith.minsi %add3A_56, %min3A_57 : i32
      %dma_wait3A_59 = tpu.memref_slice %arg7[%min3A_58] : memref<819200xi32, #tpu.memory_space<hbm>> -> memref<320xi32, #tpu.memory_space<hbm>>
      %dma_wait3A_60 = tpu.memref_slice %arg7[%min3A_58] : memref<819200xi32, #tpu.memory_space<hbm>> -> memref<320xi32, #tpu.memory_space<hbm>>
      tpu.wait_dma2 semaphore(%arg24 : memref<!tpu.dma_semaphore, #tpu.memory_space<semaphore_mem>>) src(%dma_wait3A_60 : memref<320xi32, #tpu.memory_space<hbm>>) dst(%arg16 : memref<320xi32, #tpu.memory_space<vmem>>)
      %barrier3A_61 = arith.constant 0 : index
      tpu.barrier barrier_id(%barrier3A_61)
      %mul3A_62 = arith.constant 3125 : i32
      %mul3A_63 = arith.muli %arg1, %mul3A_62 : i32
      "tpu.region"() ({
        %run_scoped3A = tpu.sem_alloc : memref<!tpu.dma_semaphore, #tpu.memory_space<semaphore_mem>>
        %dma_start3A_128 = arith.constant 0 : i32
        %dma_start3A_129 = tpu.memref_slice %arg9[%mul3A_63, %dma_start3A_128] : memref<50000x16xf32, #tpu.memory_space<hbm>> -> memref<3125x16xf32, #tpu.memory_space<hbm>>
        %dma_start3A_130 = arith.constant 0 : i32
        %dma_start3A_131 = tpu.memref_slice %arg19[%mul3A_63, %dma_start3A_130] : memref<50016x16xf32, #tpu.memory_space<vmem_shared>> -> memref<3125x16xf32, #tpu.memory_space<vmem_shared>>
        tpu.enqueue_dma source(%dma_start3A_131 : memref<3125x16xf32, #tpu.memory_space<vmem_shared>>) target(%dma_start3A_129 : memref<3125x16xf32, #tpu.memory_space<hbm>>) target_semaphore(%run_scoped3A : memref<!tpu.dma_semaphore, #tpu.memory_space<semaphore_mem>>)
        %dma_wait3A_132 = arith.constant 0 : i32
        %dma_wait3A_133 = tpu.memref_slice %arg9[%mul3A_63, %dma_wait3A_132] : memref<50000x16xf32, #tpu.memory_space<hbm>> -> memref<3125x16xf32, #tpu.memory_space<hbm>>
        %dma_wait3A_134 = arith.constant 0 : i32
        %dma_wait3A_135 = tpu.memref_slice %arg19[%mul3A_63, %dma_wait3A_134] : memref<50016x16xf32, #tpu.memory_space<vmem_shared>> -> memref<3125x16xf32, #tpu.memory_space<vmem_shared>>
        tpu.wait_dma2 semaphore(%run_scoped3A : memref<!tpu.dma_semaphore, #tpu.memory_space<semaphore_mem>>) src(%dma_wait3A_135 : memref<3125x16xf32, #tpu.memory_space<vmem_shared>>) dst(%dma_wait3A_133 : memref<3125x16xf32, #tpu.memory_space<hbm>>)
        tpu.yield
      }) : () -> ()
      %barrier3A_64 = arith.constant 0 : index
      tpu.barrier barrier_id(%barrier3A_64)
      %mul3A_65 = arith.constant 3126 : i32
      %mul3A_66 = arith.muli %arg1, %mul3A_65 : i32
      "tpu.region"() ({
        %run_scoped3A = tpu.sem_alloc : memref<!tpu.dma_semaphore, #tpu.memory_space<semaphore_mem>>
        %dma_start3A_128 = arith.constant 0 : i32
        %dma_start3A_129 = tpu.memref_slice %arg19[%mul3A_66, %dma_start3A_128] : memref<50016x16xf32, #tpu.memory_space<vmem_shared>> -> memref<3126x16xf32, #tpu.memory_space<vmem_shared>>
        %dma_start3A_130 = arith.constant 0 : i32
        %dma_start3A_131 = tpu.memref_slice %arg8[%mul3A_66, %dma_start3A_130] : memref<50016x16xf32, #tpu.memory_space<hbm>> -> memref<3126x16xf32, #tpu.memory_space<hbm>>
        tpu.enqueue_dma source(%dma_start3A_131 : memref<3126x16xf32, #tpu.memory_space<hbm>>) target(%dma_start3A_129 : memref<3126x16xf32, #tpu.memory_space<vmem_shared>>) target_semaphore(%run_scoped3A : memref<!tpu.dma_semaphore, #tpu.memory_space<semaphore_mem>>)
        %dma_wait3A_132 = arith.constant 0 : i32
        %dma_wait3A_133 = tpu.memref_slice %arg19[%mul3A_66, %dma_wait3A_132] : memref<50016x16xf32, #tpu.memory_space<vmem_shared>> -> memref<3126x16xf32, #tpu.memory_space<vmem_shared>>
        %dma_wait3A_134 = arith.constant 0 : i32
        %dma_wait3A_135 = tpu.memref_slice %arg8[%mul3A_66, %dma_wait3A_134] : memref<50016x16xf32, #tpu.memory_space<hbm>> -> memref<3126x16xf32, #tpu.memory_space<hbm>>
        tpu.wait_dma2 semaphore(%run_scoped3A : memref<!tpu.dma_semaphore, #tpu.memory_space<semaphore_mem>>) src(%dma_wait3A_135 : memref<3126x16xf32, #tpu.memory_space<hbm>>) dst(%dma_wait3A_133 : memref<3126x16xf32, #tpu.memory_space<vmem_shared>>)
        tpu.yield
      }) : () -> ()
      %mul3A_67 = arith.constant 3125 : i32
      %mul3A_68 = arith.muli %arg1, %mul3A_67 : i32
      "tpu.region"() ({
        %run_scoped3A = tpu.sem_alloc : memref<!tpu.dma_semaphore, #tpu.memory_space<semaphore_mem>>
        %dma_start3A_128 = arith.constant 0 : i32
        %dma_start3A_129 = tpu.memref_slice %arg20[%mul3A_68, %dma_start3A_128] : memref<50000x16xf32, #tpu.memory_space<vmem_shared>> -> memref<3125x16xf32, #tpu.memory_space<vmem_shared>>
        %dma_start3A_130 = arith.constant 0 : i32
        %dma_start3A_131 = tpu.memref_slice %arg3[%mul3A_68, %dma_start3A_130] : memref<50000x16xf32, #tpu.memory_space<hbm>> -> memref<3125x16xf32, #tpu.memory_space<hbm>>
        tpu.enqueue_dma source(%dma_start3A_131 : memref<3125x16xf32, #tpu.memory_space<hbm>>) target(%dma_start3A_129 : memref<3125x16xf32, #tpu.memory_space<vmem_shared>>) target_semaphore(%run_scoped3A : memref<!tpu.dma_semaphore, #tpu.memory_space<semaphore_mem>>)
        %dma_wait3A_132 = arith.constant 0 : i32
        %dma_wait3A_133 = tpu.memref_slice %arg20[%mul3A_68, %dma_wait3A_132] : memref<50000x16xf32, #tpu.memory_space<vmem_shared>> -> memref<3125x16xf32, #tpu.memory_space<vmem_shared>>
        %dma_wait3A_134 = arith.constant 0 : i32
        %dma_wait3A_135 = tpu.memref_slice %arg3[%mul3A_68, %dma_wait3A_134] : memref<50000x16xf32, #tpu.memory_space<hbm>> -> memref<3125x16xf32, #tpu.memory_space<hbm>>
        tpu.wait_dma2 semaphore(%run_scoped3A : memref<!tpu.dma_semaphore, #tpu.memory_space<semaphore_mem>>) src(%dma_wait3A_135 : memref<3125x16xf32, #tpu.memory_space<hbm>>) dst(%dma_wait3A_133 : memref<3125x16xf32, #tpu.memory_space<vmem_shared>>)
        tpu.yield
      }) : () -> ()
      %barrier3A_69 = arith.constant 0 : index
      tpu.barrier barrier_id(%barrier3A_69)
      %add3A_70 = arith.constant 0 : i32
      %add3A_71 = arith.addi %mul3A_0, %add3A_70 : i32
      %min3A_72 = arith.constant 818880 : i32
      %min3A_73 = arith.minsi %add3A_71, %min3A_72 : i32
      %dma_start3A_74 = tpu.memref_slice %arg6[%min3A_73] : memref<819200xi32, #tpu.memory_space<hbm>> -> memref<320xi32, #tpu.memory_space<hbm>>
      %dma_start3A_75 = tpu.memref_slice %arg6[%min3A_73] : memref<819200xi32, #tpu.memory_space<hbm>> -> memref<320xi32, #tpu.memory_space<hbm>>
      tpu.enqueue_dma source(%dma_start3A_75 : memref<320xi32, #tpu.memory_space<hbm>>) target(%arg13 : memref<320xi32, #tpu.memory_space<vmem>>) target_semaphore(%arg21 : memref<!tpu.dma_semaphore, #tpu.memory_space<semaphore_mem>>)
      %add3A_76 = arith.constant 0 : i32
      %add3A_77 = arith.addi %mul3A_0, %add3A_76 : i32
      %min3A_78 = arith.constant 818880 : i32
      %min3A_79 = arith.minsi %add3A_77, %min3A_78 : i32
      %dma_start3A_80 = tpu.memref_slice %arg7[%min3A_79] : memref<819200xi32, #tpu.memory_space<hbm>> -> memref<320xi32, #tpu.memory_space<hbm>>
      %dma_start3A_81 = tpu.memref_slice %arg7[%min3A_79] : memref<819200xi32, #tpu.memory_space<hbm>> -> memref<320xi32, #tpu.memory_space<hbm>>
      tpu.enqueue_dma source(%dma_start3A_81 : memref<320xi32, #tpu.memory_space<hbm>>) target(%arg14 : memref<320xi32, #tpu.memory_space<vmem>>) target_semaphore(%arg22 : memref<!tpu.dma_semaphore, #tpu.memory_space<semaphore_mem>>)
      %add3A_82 = arith.constant 320 : i32
      %add3A_83 = arith.addi %mul3A_0, %add3A_82 : i32
      %min3A_84 = arith.constant 818880 : i32
      %min3A_85 = arith.minsi %add3A_83, %min3A_84 : i32
      %dma_start3A_86 = tpu.memref_slice %arg6[%min3A_85] : memref<819200xi32, #tpu.memory_space<hbm>> -> memref<320xi32, #tpu.memory_space<hbm>>
      %dma_start3A_87 = tpu.memref_slice %arg6[%min3A_85] : memref<819200xi32, #tpu.memory_space<hbm>> -> memref<320xi32, #tpu.memory_space<hbm>>
      tpu.enqueue_dma source(%dma_start3A_87 : memref<320xi32, #tpu.memory_space<hbm>>) target(%arg15 : memref<320xi32, #tpu.memory_space<vmem>>) target_semaphore(%arg23 : memref<!tpu.dma_semaphore, #tpu.memory_space<semaphore_mem>>)
      %add3A_88 = arith.constant 320 : i32
      %add3A_89 = arith.addi %mul3A_0, %add3A_88 : i32
      %min3A_90 = arith.constant 818880 : i32
      %min3A_91 = arith.minsi %add3A_89, %min3A_90 : i32
      %dma_start3A_92 = tpu.memref_slice %arg7[%min3A_91] : memref<819200xi32, #tpu.memory_space<hbm>> -> memref<320xi32, #tpu.memory_space<hbm>>
      %dma_start3A_93 = tpu.memref_slice %arg7[%min3A_91] : memref<819200xi32, #tpu.memory_space<hbm>> -> memref<320xi32, #tpu.memory_space<hbm>>
      tpu.enqueue_dma source(%dma_start3A_93 : memref<320xi32, #tpu.memory_space<hbm>>) target(%arg16 : memref<320xi32, #tpu.memory_space<vmem>>) target_semaphore(%arg24 : memref<!tpu.dma_semaphore, #tpu.memory_space<semaphore_mem>>)
      %scan3A_94 = arith.constant 0 : i32
      %scan3A_95 = arith.constant 0 : i32
      %scan3A_96 = arith.constant 80 : i32
      %scan3A_97 = arith.addi %scan3A_95, %scan3A_96 : i32
      %scan3A_98 = arith.constant 1 : i32
      scf.for %scan3A_128 = %scan3A_95 to %scan3A_97 step %scan3A_98  : i32 {
        %mul3A_129 = arith.constant 2 : i32
        %mul3A_130 = arith.muli %mul3A_129, %scan3A_128 : i32
        %mul3A_131 = arith.constant 2 : i32
        %mul3A_132 = arith.muli %mul3A_131, %scan3A_128 : i32
        %add3A_133 = arith.constant 1 : i32
        %add3A_134 = arith.addi %mul3A_132, %add3A_133 : i32
        %mul3A_135 = arith.constant 320 : i32
        %mul3A_136 = arith.muli %mul3A_130, %mul3A_135 : i32
        %add3A_137 = arith.addi %mul3A_0, %mul3A_136 : i32
        %min3A_138 = arith.constant 818880 : i32
        %min3A_139 = arith.minsi %add3A_137, %min3A_138 : i32
        %dma_wait3A_140 = tpu.memref_slice %arg6[%min3A_139] : memref<819200xi32, #tpu.memory_space<hbm>> -> memref<320xi32, #tpu.memory_space<hbm>>
        %dma_wait3A_141 = tpu.memref_slice %arg6[%min3A_139] : memref<819200xi32, #tpu.memory_space<hbm>> -> memref<320xi32, #tpu.memory_space<hbm>>
        tpu.wait_dma2 semaphore(%arg21 : memref<!tpu.dma_semaphore, #tpu.memory_space<semaphore_mem>>) src(%dma_wait3A_141 : memref<320xi32, #tpu.memory_space<hbm>>) dst(%arg13 : memref<320xi32, #tpu.memory_space<vmem>>)
        %mul3A_142 = arith.constant 320 : i32
        %mul3A_143 = arith.muli %mul3A_130, %mul3A_142 : i32
        %add3A_144 = arith.addi %mul3A_0, %mul3A_143 : i32
        %min3A_145 = arith.constant 818880 : i32
        %min3A_146 = arith.minsi %add3A_144, %min3A_145 : i32
        %dma_wait3A_147 = tpu.memref_slice %arg7[%min3A_146] : memref<819200xi32, #tpu.memory_space<hbm>> -> memref<320xi32, #tpu.memory_space<hbm>>
        %dma_wait3A_148 = tpu.memref_slice %arg7[%min3A_146] : memref<819200xi32, #tpu.memory_space<hbm>> -> memref<320xi32, #tpu.memory_space<hbm>>
        tpu.wait_dma2 semaphore(%arg22 : memref<!tpu.dma_semaphore, #tpu.memory_space<semaphore_mem>>) src(%dma_wait3A_148 : memref<320xi32, #tpu.memory_space<hbm>>) dst(%arg14 : memref<320xi32, #tpu.memory_space<vmem>>)
        %dma_start3A_149 = arith.constant 0 : i32
        %dma_start3A_150 = arith.constant 0 : i32
        %dma_start3A_151 = tpu.memref_slice %arg20[%dma_start3A_149, %dma_start3A_150] : memref<50000x16xf32, #tpu.memory_space<vmem_shared>> -> memref<50000x16xf32, #tpu.memory_space<vmem_shared>>
        tpu.enqueue_indirect_dma source(%dma_start3A_151 : memref<50000x16xf32, #tpu.memory_space<vmem_shared>>) target(%arg17 : memref<320x16xf32, #tpu.memory_space<vmem>>) offsets(%arg13 : memref<320xi32, #tpu.memory_space<vmem>>) semaphore(%arg25 : memref<!tpu.dma_semaphore, #tpu.memory_space<semaphore_mem>>)
        %mul3A_152 = arith.constant 320 : i32
        %mul3A_153 = arith.muli %add3A_134, %mul3A_152 : i32
        %add3A_154 = arith.addi %mul3A_0, %mul3A_153 : i32
        %min3A_155 = arith.constant 818880 : i32
        %min3A_156 = arith.minsi %add3A_154, %min3A_155 : i32
        %dma_wait3A_157 = tpu.memref_slice %arg6[%min3A_156] : memref<819200xi32, #tpu.memory_space<hbm>> -> memref<320xi32, #tpu.memory_space<hbm>>
        %dma_wait3A_158 = tpu.memref_slice %arg6[%min3A_156] : memref<819200xi32, #tpu.memory_space<hbm>> -> memref<320xi32, #tpu.memory_space<hbm>>
        tpu.wait_dma2 semaphore(%arg23 : memref<!tpu.dma_semaphore, #tpu.memory_space<semaphore_mem>>) src(%dma_wait3A_158 : memref<320xi32, #tpu.memory_space<hbm>>) dst(%arg15 : memref<320xi32, #tpu.memory_space<vmem>>)
        %mul3A_159 = arith.constant 320 : i32
        %mul3A_160 = arith.muli %add3A_134, %mul3A_159 : i32
        %add3A_161 = arith.addi %mul3A_0, %mul3A_160 : i32
        %min3A_162 = arith.constant 818880 : i32
        %min3A_163 = arith.minsi %add3A_161, %min3A_162 : i32
        %dma_wait3A_164 = tpu.memref_slice %arg7[%min3A_163] : memref<819200xi32, #tpu.memory_space<hbm>> -> memref<320xi32, #tpu.memory_space<hbm>>
        %dma_wait3A_165 = tpu.memref_slice %arg7[%min3A_163] : memref<819200xi32, #tpu.memory_space<hbm>> -> memref<320xi32, #tpu.memory_space<hbm>>
        tpu.wait_dma2 semaphore(%arg24 : memref<!tpu.dma_semaphore, #tpu.memory_space<semaphore_mem>>) src(%dma_wait3A_165 : memref<320xi32, #tpu.memory_space<hbm>>) dst(%arg16 : memref<320xi32, #tpu.memory_space<vmem>>)
        %dma_wait3A_166 = arith.constant 0 : i32
        %dma_wait3A_167 = arith.constant 0 : i32
        %dma_wait3A_168 = tpu.memref_slice %arg20[%dma_wait3A_166, %dma_wait3A_167] : memref<50000x16xf32, #tpu.memory_space<vmem_shared>> -> memref<50000x16xf32, #tpu.memory_space<vmem_shared>>
        tpu.wait_indirect_dma semaphore(%arg25 : memref<!tpu.dma_semaphore, #tpu.memory_space<semaphore_mem>>) src(%dma_wait3A_168 : memref<50000x16xf32, #tpu.memory_space<vmem_shared>>) dst(%arg17 : memref<320x16xf32, #tpu.memory_space<vmem>>)
        %dma_start3A_169 = arith.constant 0 : i32
        %dma_start3A_170 = arith.constant 0 : i32
        %dma_start3A_171 = tpu.memref_slice %arg20[%dma_start3A_169, %dma_start3A_170] : memref<50000x16xf32, #tpu.memory_space<vmem_shared>> -> memref<50000x16xf32, #tpu.memory_space<vmem_shared>>
        tpu.enqueue_indirect_dma source(%dma_start3A_171 : memref<50000x16xf32, #tpu.memory_space<vmem_shared>>) target(%arg18 : memref<320x16xf32, #tpu.memory_space<vmem>>) offsets(%arg15 : memref<320xi32, #tpu.memory_space<vmem>>) semaphore(%arg26 : memref<!tpu.dma_semaphore, #tpu.memory_space<semaphore_mem>>)
        "tpu.region"() ({
          %run_scoped3A = tpu.sem_alloc : memref<!tpu.dma_semaphore, #tpu.memory_space<semaphore_mem>>
          %dma_start3A_207 = arith.constant 0 : i32
          %dma_start3A_208 = arith.constant 0 : i32
          %dma_start3A_209 = tpu.memref_slice %arg19[%dma_start3A_207, %dma_start3A_208] : memref<50016x16xf32, #tpu.memory_space<vmem_shared>> -> memref<50016x16xf32, #tpu.memory_space<vmem_shared>>
          tpu.enqueue_indirect_dma source(%arg17 : memref<320x16xf32, #tpu.memory_space<vmem>>) target(%dma_start3A_209 : memref<50016x16xf32, #tpu.memory_space<vmem_shared>>) offsets(%arg14 : memref<320xi32, #tpu.memory_space<vmem>>) semaphore(%run_scoped3A : memref<!tpu.dma_semaphore, #tpu.memory_space<semaphore_mem>>) {add = true}
          %dma_wait3A_210 = arith.constant 0 : i32
          %dma_wait3A_211 = arith.constant 0 : i32
          %dma_wait3A_212 = tpu.memref_slice %arg19[%dma_wait3A_210, %dma_wait3A_211] : memref<50016x16xf32, #tpu.memory_space<vmem_shared>> -> memref<50016x16xf32, #tpu.memory_space<vmem_shared>>
          tpu.wait_indirect_dma semaphore(%run_scoped3A : memref<!tpu.dma_semaphore, #tpu.memory_space<semaphore_mem>>) src(%arg17 : memref<320x16xf32, #tpu.memory_space<vmem>>) dst(%dma_wait3A_212 : memref<50016x16xf32, #tpu.memory_space<vmem_shared>>)
          tpu.yield
        }) : () -> ()
        %add3A_172 = arith.constant 2 : i32
        %add3A_173 = arith.addi %mul3A_130, %add3A_172 : i32
        %mul3A_174 = arith.constant 320 : i32
        %mul3A_175 = arith.muli %add3A_173, %mul3A_174 : i32
        %add3A_176 = arith.addi %mul3A_0, %mul3A_175 : i32
        %min3A_177 = arith.constant 818880 : i32
        %min3A_178 = arith.minsi %add3A_176, %min3A_177 : i32
        %dma_start3A_179 = tpu.memref_slice %arg6[%min3A_178] : memref<819200xi32, #tpu.memory_space<hbm>> -> memref<320xi32, #tpu.memory_space<hbm>>
        %dma_start3A_180 = tpu.memref_slice %arg6[%min3A_178] : memref<819200xi32, #tpu.memory_space<hbm>> -> memref<320xi32, #tpu.memory_space<hbm>>
        tpu.enqueue_dma source(%dma_start3A_180 : memref<320xi32, #tpu.memory_space<hbm>>) target(%arg13 : memref<320xi32, #tpu.memory_space<vmem>>) target_semaphore(%arg21 : memref<!tpu.dma_semaphore, #tpu.memory_space<semaphore_mem>>)
        %mul3A_181 = arith.constant 320 : i32
        %mul3A_182 = arith.muli %add3A_173, %mul3A_181 : i32
        %add3A_183 = arith.addi %mul3A_0, %mul3A_182 : i32
        %min3A_184 = arith.constant 818880 : i32
        %min3A_185 = arith.minsi %add3A_183, %min3A_184 : i32
        %dma_start3A_186 = tpu.memref_slice %arg7[%min3A_185] : memref<819200xi32, #tpu.memory_space<hbm>> -> memref<320xi32, #tpu.memory_space<hbm>>
        %dma_start3A_187 = tpu.memref_slice %arg7[%min3A_185] : memref<819200xi32, #tpu.memory_space<hbm>> -> memref<320xi32, #tpu.memory_space<hbm>>
        tpu.enqueue_dma source(%dma_start3A_187 : memref<320xi32, #tpu.memory_space<hbm>>) target(%arg14 : memref<320xi32, #tpu.memory_space<vmem>>) target_semaphore(%arg22 : memref<!tpu.dma_semaphore, #tpu.memory_space<semaphore_mem>>)
        %dma_wait3A_188 = arith.constant 0 : i32
        %dma_wait3A_189 = arith.constant 0 : i32
        %dma_wait3A_190 = tpu.memref_slice %arg20[%dma_wait3A_188, %dma_wait3A_189] : memref<50000x16xf32, #tpu.memory_space<vmem_shared>> -> memref<50000x16xf32, #tpu.memory_space<vmem_shared>>
        tpu.wait_indirect_dma semaphore(%arg26 : memref<!tpu.dma_semaphore, #tpu.memory_space<semaphore_mem>>) src(%dma_wait3A_190 : memref<50000x16xf32, #tpu.memory_space<vmem_shared>>) dst(%arg18 : memref<320x16xf32, #tpu.memory_space<vmem>>)
        "tpu.region"() ({
          %run_scoped3A = tpu.sem_alloc : memref<!tpu.dma_semaphore, #tpu.memory_space<semaphore_mem>>
          %dma_start3A_207 = arith.constant 0 : i32
          %dma_start3A_208 = arith.constant 0 : i32
          %dma_start3A_209 = tpu.memref_slice %arg19[%dma_start3A_207, %dma_start3A_208] : memref<50016x16xf32, #tpu.memory_space<vmem_shared>> -> memref<50016x16xf32, #tpu.memory_space<vmem_shared>>
          tpu.enqueue_indirect_dma source(%arg18 : memref<320x16xf32, #tpu.memory_space<vmem>>) target(%dma_start3A_209 : memref<50016x16xf32, #tpu.memory_space<vmem_shared>>) offsets(%arg16 : memref<320xi32, #tpu.memory_space<vmem>>) semaphore(%run_scoped3A : memref<!tpu.dma_semaphore, #tpu.memory_space<semaphore_mem>>) {add = true}
          %dma_wait3A_210 = arith.constant 0 : i32
          %dma_wait3A_211 = arith.constant 0 : i32
          %dma_wait3A_212 = tpu.memref_slice %arg19[%dma_wait3A_210, %dma_wait3A_211] : memref<50016x16xf32, #tpu.memory_space<vmem_shared>> -> memref<50016x16xf32, #tpu.memory_space<vmem_shared>>
          tpu.wait_indirect_dma semaphore(%run_scoped3A : memref<!tpu.dma_semaphore, #tpu.memory_space<semaphore_mem>>) src(%arg18 : memref<320x16xf32, #tpu.memory_space<vmem>>) dst(%dma_wait3A_212 : memref<50016x16xf32, #tpu.memory_space<vmem_shared>>)
          tpu.yield
        }) : () -> ()
        %add3A_191 = arith.constant 2 : i32
        %add3A_192 = arith.addi %add3A_134, %add3A_191 : i32
        %mul3A_193 = arith.constant 320 : i32
        %mul3A_194 = arith.muli %add3A_192, %mul3A_193 : i32
        %add3A_195 = arith.addi %mul3A_0, %mul3A_194 : i32
        %min3A_196 = arith.constant 818880 : i32
        %min3A_197 = arith.minsi %add3A_195, %min3A_196 : i32
        %dma_start3A_198 = tpu.memref_slice %arg6[%min3A_197] : memref<819200xi32, #tpu.memory_space<hbm>> -> memref<320xi32, #tpu.memory_space<hbm>>
        %dma_start3A_199 = tpu.memref_slice %arg6[%min3A_197] : memref<819200xi32, #tpu.memory_space<hbm>> -> memref<320xi32, #tpu.memory_space<hbm>>
        tpu.enqueue_dma source(%dma_start3A_199 : memref<320xi32, #tpu.memory_space<hbm>>) target(%arg15 : memref<320xi32, #tpu.memory_space<vmem>>) target_semaphore(%arg23 : memref<!tpu.dma_semaphore, #tpu.memory_space<semaphore_mem>>)
        %mul3A_200 = arith.constant 320 : i32
        %mul3A_201 = arith.muli %add3A_192, %mul3A_200 : i32
        %add3A_202 = arith.addi %mul3A_0, %mul3A_201 : i32
        %min3A_203 = arith.constant 818880 : i32
        %min3A_204 = arith.minsi %add3A_202, %min3A_203 : i32
        %dma_start3A_205 = tpu.memref_slice %arg7[%min3A_204] : memref<819200xi32, #tpu.memory_space<hbm>> -> memref<320xi32, #tpu.memory_space<hbm>>
        %dma_start3A_206 = tpu.memref_slice %arg7[%min3A_204] : memref<819200xi32, #tpu.memory_space<hbm>> -> memref<320xi32, #tpu.memory_space<hbm>>
        tpu.enqueue_dma source(%dma_start3A_206 : memref<320xi32, #tpu.memory_space<hbm>>) target(%arg16 : memref<320xi32, #tpu.memory_space<vmem>>) target_semaphore(%arg24 : memref<!tpu.dma_semaphore, #tpu.memory_space<semaphore_mem>>)
      }
      %scan3A_99 = arith.constant 80 : i32
      %add3A_100 = arith.constant 51200 : i32
      %add3A_101 = arith.addi %mul3A_0, %add3A_100 : i32
      %min3A_102 = arith.constant 818880 : i32
      %min3A_103 = arith.minsi %add3A_101, %min3A_102 : i32
      %dma_wait3A_104 = tpu.memref_slice %arg6[%min3A_103] : memref<819200xi32, #tpu.memory_space<hbm>> -> memref<320xi32, #tpu.memory_space<hbm>>
      %dma_wait3A_105 = tpu.memref_slice %arg6[%min3A_103] : memref<819200xi32, #tpu.memory_space<hbm>> -> memref<320xi32, #tpu.memory_space<hbm>>
      tpu.wait_dma2 semaphore(%arg21 : memref<!tpu.dma_semaphore, #tpu.memory_space<semaphore_mem>>) src(%dma_wait3A_105 : memref<320xi32, #tpu.memory_space<hbm>>) dst(%arg13 : memref<320xi32, #tpu.memory_space<vmem>>)
      %add3A_106 = arith.constant 51200 : i32
      %add3A_107 = arith.addi %mul3A_0, %add3A_106 : i32
      %min3A_108 = arith.constant 818880 : i32
      %min3A_109 = arith.minsi %add3A_107, %min3A_108 : i32
      %dma_wait3A_110 = tpu.memref_slice %arg7[%min3A_109] : memref<819200xi32, #tpu.memory_space<hbm>> -> memref<320xi32, #tpu.memory_space<hbm>>
      %dma_wait3A_111 = tpu.memref_slice %arg7[%min3A_109] : memref<819200xi32, #tpu.memory_space<hbm>> -> memref<320xi32, #tpu.memory_space<hbm>>
      tpu.wait_dma2 semaphore(%arg22 : memref<!tpu.dma_semaphore, #tpu.memory_space<semaphore_mem>>) src(%dma_wait3A_111 : memref<320xi32, #tpu.memory_space<hbm>>) dst(%arg14 : memref<320xi32, #tpu.memory_space<vmem>>)
      %add3A_112 = arith.constant 51520 : i32
      %add3A_113 = arith.addi %mul3A_0, %add3A_112 : i32
      %min3A_114 = arith.constant 818880 : i32
      %min3A_115 = arith.minsi %add3A_113, %min3A_114 : i32
      %dma_wait3A_116 = tpu.memref_slice %arg6[%min3A_115] : memref<819200xi32, #tpu.memory_space<hbm>> -> memref<320xi32, #tpu.memory_space<hbm>>
      %dma_wait3A_117 = tpu.memref_slice %arg6[%min3A_115] : memref<819200xi32, #tpu.memory_space<hbm>> -> memref<320xi32, #tpu.memory_space<hbm>>
      tpu.wait_dma2 semaphore(%arg23 : memref<!tpu.dma_semaphore, #tpu.memory_space<semaphore_mem>>) src(%dma_wait3A_117 : memref<320xi32, #tpu.memory_space<hbm>>) dst(%arg15 : memref<320xi32, #tpu.memory_space<vmem>>)
      %add3A_118 = arith.constant 51520 : i32
      %add3A_119 = arith.addi %mul3A_0, %add3A_118 : i32
      %min3A_120 = arith.constant 818880 : i32
      %min3A_121 = arith.minsi %add3A_119, %min3A_120 : i32
      %dma_wait3A_122 = tpu.memref_slice %arg7[%min3A_121] : memref<819200xi32, #tpu.memory_space<hbm>> -> memref<320xi32, #tpu.memory_space<hbm>>
      %dma_wait3A_123 = tpu.memref_slice %arg7[%min3A_121] : memref<819200xi32, #tpu.memory_space<hbm>> -> memref<320xi32, #tpu.memory_space<hbm>>
      tpu.wait_dma2 semaphore(%arg24 : memref<!tpu.dma_semaphore, #tpu.memory_space<semaphore_mem>>) src(%dma_wait3A_123 : memref<320xi32, #tpu.memory_space<hbm>>) dst(%arg16 : memref<320xi32, #tpu.memory_space<vmem>>)
      %barrier3A_124 = arith.constant 0 : index
      tpu.barrier barrier_id(%barrier3A_124)
      %mul3A_125 = arith.constant 3125 : i32
      %mul3A_126 = arith.muli %arg1, %mul3A_125 : i32
      "tpu.region"() ({
        %run_scoped3A = tpu.sem_alloc : memref<!tpu.dma_semaphore, #tpu.memory_space<semaphore_mem>>
        %dma_start3A_128 = arith.constant 0 : i32
        %dma_start3A_129 = tpu.memref_slice %arg10[%mul3A_126, %dma_start3A_128] : memref<50000x16xf32, #tpu.memory_space<hbm>> -> memref<3125x16xf32, #tpu.memory_space<hbm>>
        %dma_start3A_130 = arith.constant 0 : i32
        %dma_start3A_131 = tpu.memref_slice %arg19[%mul3A_126, %dma_start3A_130] : memref<50016x16xf32, #tpu.memory_space<vmem_shared>> -> memref<3125x16xf32, #tpu.memory_space<vmem_shared>>
        tpu.enqueue_dma source(%dma_start3A_131 : memref<3125x16xf32, #tpu.memory_space<vmem_shared>>) target(%dma_start3A_129 : memref<3125x16xf32, #tpu.memory_space<hbm>>) target_semaphore(%run_scoped3A : memref<!tpu.dma_semaphore, #tpu.memory_space<semaphore_mem>>)
        %dma_wait3A_132 = arith.constant 0 : i32
        %dma_wait3A_133 = tpu.memref_slice %arg10[%mul3A_126, %dma_wait3A_132] : memref<50000x16xf32, #tpu.memory_space<hbm>> -> memref<3125x16xf32, #tpu.memory_space<hbm>>
        %dma_wait3A_134 = arith.constant 0 : i32
        %dma_wait3A_135 = tpu.memref_slice %arg19[%mul3A_126, %dma_wait3A_134] : memref<50016x16xf32, #tpu.memory_space<vmem_shared>> -> memref<3125x16xf32, #tpu.memory_space<vmem_shared>>
        tpu.wait_dma2 semaphore(%run_scoped3A : memref<!tpu.dma_semaphore, #tpu.memory_space<semaphore_mem>>) src(%dma_wait3A_135 : memref<3125x16xf32, #tpu.memory_space<vmem_shared>>) dst(%dma_wait3A_133 : memref<3125x16xf32, #tpu.memory_space<hbm>>)
        tpu.yield
      }) : () -> ()
      %barrier3A_127 = arith.constant 0 : index
      tpu.barrier barrier_id(%barrier3A_127)
    } else {
    }
    %eq3A_3 = arith.constant 1 : i32
    %eq3A_4 = arith.cmpi eq, %arg0, %eq3A_3 : i32
    %convert_element_type3A_5 = arith.extui %eq3A_4 : i1 to i32
    %cond3A_6 = arith.constant 0 : i32
    %cond3A_7 = arith.cmpi ne, %convert_element_type3A_5, %cond3A_6 : i32
    scf.if %cond3A_7 {
      %mul3A_8 = arith.constant 3126 : i32
      %mul3A_9 = arith.muli %arg1, %mul3A_8 : i32
      "tpu.region"() ({
        %run_scoped3A = tpu.sem_alloc : memref<!tpu.dma_semaphore, #tpu.memory_space<semaphore_mem>>
        %dma_start3A_128 = arith.constant 0 : i32
        %dma_start3A_129 = tpu.memref_slice %arg19[%mul3A_9, %dma_start3A_128] : memref<50016x16xf32, #tpu.memory_space<vmem_shared>> -> memref<3126x16xf32, #tpu.memory_space<vmem_shared>>
        %dma_start3A_130 = arith.constant 0 : i32
        %dma_start3A_131 = tpu.memref_slice %arg8[%mul3A_9, %dma_start3A_130] : memref<50016x16xf32, #tpu.memory_space<hbm>> -> memref<3126x16xf32, #tpu.memory_space<hbm>>
        tpu.enqueue_dma source(%dma_start3A_131 : memref<3126x16xf32, #tpu.memory_space<hbm>>) target(%dma_start3A_129 : memref<3126x16xf32, #tpu.memory_space<vmem_shared>>) target_semaphore(%run_scoped3A : memref<!tpu.dma_semaphore, #tpu.memory_space<semaphore_mem>>)
        %dma_wait3A_132 = arith.constant 0 : i32
        %dma_wait3A_133 = tpu.memref_slice %arg19[%mul3A_9, %dma_wait3A_132] : memref<50016x16xf32, #tpu.memory_space<vmem_shared>> -> memref<3126x16xf32, #tpu.memory_space<vmem_shared>>
        %dma_wait3A_134 = arith.constant 0 : i32
        %dma_wait3A_135 = tpu.memref_slice %arg8[%mul3A_9, %dma_wait3A_134] : memref<50016x16xf32, #tpu.memory_space<hbm>> -> memref<3126x16xf32, #tpu.memory_space<hbm>>
        tpu.wait_dma2 semaphore(%run_scoped3A : memref<!tpu.dma_semaphore, #tpu.memory_space<semaphore_mem>>) src(%dma_wait3A_135 : memref<3126x16xf32, #tpu.memory_space<hbm>>) dst(%dma_wait3A_133 : memref<3126x16xf32, #tpu.memory_space<vmem_shared>>)
        tpu.yield
      }) : () -> ()
      %mul3A_10 = arith.constant 3125 : i32
      %mul3A_11 = arith.muli %arg1, %mul3A_10 : i32
      "tpu.region"() ({
        %run_scoped3A = tpu.sem_alloc : memref<!tpu.dma_semaphore, #tpu.memory_space<semaphore_mem>>
        %dma_start3A_128 = arith.constant 0 : i32
        %dma_start3A_129 = tpu.memref_slice %arg20[%mul3A_11, %dma_start3A_128] : memref<50000x16xf32, #tpu.memory_space<vmem_shared>> -> memref<3125x16xf32, #tpu.memory_space<vmem_shared>>
        %dma_start3A_130 = arith.constant 0 : i32
        %dma_start3A_131 = tpu.memref_slice %arg4[%mul3A_11, %dma_start3A_130] : memref<50000x16xf32, #tpu.memory_space<hbm>> -> memref<3125x16xf32, #tpu.memory_space<hbm>>
        tpu.enqueue_dma source(%dma_start3A_131 : memref<3125x16xf32, #tpu.memory_space<hbm>>) target(%dma_start3A_129 : memref<3125x16xf32, #tpu.memory_space<vmem_shared>>) target_semaphore(%run_scoped3A : memref<!tpu.dma_semaphore, #tpu.memory_space<semaphore_mem>>)
        %dma_wait3A_132 = arith.constant 0 : i32
        %dma_wait3A_133 = tpu.memref_slice %arg20[%mul3A_11, %dma_wait3A_132] : memref<50000x16xf32, #tpu.memory_space<vmem_shared>> -> memref<3125x16xf32, #tpu.memory_space<vmem_shared>>
        %dma_wait3A_134 = arith.constant 0 : i32
        %dma_wait3A_135 = tpu.memref_slice %arg4[%mul3A_11, %dma_wait3A_134] : memref<50000x16xf32, #tpu.memory_space<hbm>> -> memref<3125x16xf32, #tpu.memory_space<hbm>>
        tpu.wait_dma2 semaphore(%run_scoped3A : memref<!tpu.dma_semaphore, #tpu.memory_space<semaphore_mem>>) src(%dma_wait3A_135 : memref<3125x16xf32, #tpu.memory_space<hbm>>) dst(%dma_wait3A_133 : memref<3125x16xf32, #tpu.memory_space<vmem_shared>>)
        tpu.yield
      }) : () -> ()
      %barrier3A = arith.constant 0 : index
      tpu.barrier barrier_id(%barrier3A)
      %add3A = arith.constant 0 : i32
      %add3A_12 = arith.addi %mul3A_0, %add3A : i32
      %min3A = arith.constant 818880 : i32
      %min3A_13 = arith.minsi %add3A_12, %min3A : i32
      %dma_start3A = tpu.memref_slice %arg6[%min3A_13] : memref<819200xi32, #tpu.memory_space<hbm>> -> memref<320xi32, #tpu.memory_space<hbm>>
      %dma_start3A_14 = tpu.memref_slice %arg6[%min3A_13] : memref<819200xi32, #tpu.memory_space<hbm>> -> memref<320xi32, #tpu.memory_space<hbm>>
      tpu.enqueue_dma source(%dma_start3A_14 : memref<320xi32, #tpu.memory_space<hbm>>) target(%arg13 : memref<320xi32, #tpu.memory_space<vmem>>) target_semaphore(%arg21 : memref<!tpu.dma_semaphore, #tpu.memory_space<semaphore_mem>>)
      %add3A_15 = arith.constant 0 : i32
      %add3A_16 = arith.addi %mul3A_0, %add3A_15 : i32
      %min3A_17 = arith.constant 818880 : i32
      %min3A_18 = arith.minsi %add3A_16, %min3A_17 : i32
      %dma_start3A_19 = tpu.memref_slice %arg7[%min3A_18] : memref<819200xi32, #tpu.memory_space<hbm>> -> memref<320xi32, #tpu.memory_space<hbm>>
      %dma_start3A_20 = tpu.memref_slice %arg7[%min3A_18] : memref<819200xi32, #tpu.memory_space<hbm>> -> memref<320xi32, #tpu.memory_space<hbm>>
      tpu.enqueue_dma source(%dma_start3A_20 : memref<320xi32, #tpu.memory_space<hbm>>) target(%arg14 : memref<320xi32, #tpu.memory_space<vmem>>) target_semaphore(%arg22 : memref<!tpu.dma_semaphore, #tpu.memory_space<semaphore_mem>>)
      %add3A_21 = arith.constant 320 : i32
      %add3A_22 = arith.addi %mul3A_0, %add3A_21 : i32
      %min3A_23 = arith.constant 818880 : i32
      %min3A_24 = arith.minsi %add3A_22, %min3A_23 : i32
      %dma_start3A_25 = tpu.memref_slice %arg6[%min3A_24] : memref<819200xi32, #tpu.memory_space<hbm>> -> memref<320xi32, #tpu.memory_space<hbm>>
      %dma_start3A_26 = tpu.memref_slice %arg6[%min3A_24] : memref<819200xi32, #tpu.memory_space<hbm>> -> memref<320xi32, #tpu.memory_space<hbm>>
      tpu.enqueue_dma source(%dma_start3A_26 : memref<320xi32, #tpu.memory_space<hbm>>) target(%arg15 : memref<320xi32, #tpu.memory_space<vmem>>) target_semaphore(%arg23 : memref<!tpu.dma_semaphore, #tpu.memory_space<semaphore_mem>>)
      %add3A_27 = arith.constant 320 : i32
      %add3A_28 = arith.addi %mul3A_0, %add3A_27 : i32
      %min3A_29 = arith.constant 818880 : i32
      %min3A_30 = arith.minsi %add3A_28, %min3A_29 : i32
      %dma_start3A_31 = tpu.memref_slice %arg7[%min3A_30] : memref<819200xi32, #tpu.memory_space<hbm>> -> memref<320xi32, #tpu.memory_space<hbm>>
      %dma_start3A_32 = tpu.memref_slice %arg7[%min3A_30] : memref<819200xi32, #tpu.memory_space<hbm>> -> memref<320xi32, #tpu.memory_space<hbm>>
      tpu.enqueue_dma source(%dma_start3A_32 : memref<320xi32, #tpu.memory_space<hbm>>) target(%arg16 : memref<320xi32, #tpu.memory_space<vmem>>) target_semaphore(%arg24 : memref<!tpu.dma_semaphore, #tpu.memory_space<semaphore_mem>>)
      %scan3A = arith.constant 0 : i32
      %scan3A_33 = arith.constant 0 : i32
      %scan3A_34 = arith.constant 80 : i32
      %scan3A_35 = arith.addi %scan3A_33, %scan3A_34 : i32
      %scan3A_36 = arith.constant 1 : i32
      scf.for %scan3A_128 = %scan3A_33 to %scan3A_35 step %scan3A_36  : i32 {
        %mul3A_129 = arith.constant 2 : i32
        %mul3A_130 = arith.muli %mul3A_129, %scan3A_128 : i32
        %mul3A_131 = arith.constant 2 : i32
        %mul3A_132 = arith.muli %mul3A_131, %scan3A_128 : i32
        %add3A_133 = arith.constant 1 : i32
        %add3A_134 = arith.addi %mul3A_132, %add3A_133 : i32
        %mul3A_135 = arith.constant 320 : i32
        %mul3A_136 = arith.muli %mul3A_130, %mul3A_135 : i32
        %add3A_137 = arith.addi %mul3A_0, %mul3A_136 : i32
        %min3A_138 = arith.constant 818880 : i32
        %min3A_139 = arith.minsi %add3A_137, %min3A_138 : i32
        %dma_wait3A_140 = tpu.memref_slice %arg6[%min3A_139] : memref<819200xi32, #tpu.memory_space<hbm>> -> memref<320xi32, #tpu.memory_space<hbm>>
        %dma_wait3A_141 = tpu.memref_slice %arg6[%min3A_139] : memref<819200xi32, #tpu.memory_space<hbm>> -> memref<320xi32, #tpu.memory_space<hbm>>
        tpu.wait_dma2 semaphore(%arg21 : memref<!tpu.dma_semaphore, #tpu.memory_space<semaphore_mem>>) src(%dma_wait3A_141 : memref<320xi32, #tpu.memory_space<hbm>>) dst(%arg13 : memref<320xi32, #tpu.memory_space<vmem>>)
        %mul3A_142 = arith.constant 320 : i32
        %mul3A_143 = arith.muli %mul3A_130, %mul3A_142 : i32
        %add3A_144 = arith.addi %mul3A_0, %mul3A_143 : i32
        %min3A_145 = arith.constant 818880 : i32
        %min3A_146 = arith.minsi %add3A_144, %min3A_145 : i32
        %dma_wait3A_147 = tpu.memref_slice %arg7[%min3A_146] : memref<819200xi32, #tpu.memory_space<hbm>> -> memref<320xi32, #tpu.memory_space<hbm>>
        %dma_wait3A_148 = tpu.memref_slice %arg7[%min3A_146] : memref<819200xi32, #tpu.memory_space<hbm>> -> memref<320xi32, #tpu.memory_space<hbm>>
        tpu.wait_dma2 semaphore(%arg22 : memref<!tpu.dma_semaphore, #tpu.memory_space<semaphore_mem>>) src(%dma_wait3A_148 : memref<320xi32, #tpu.memory_space<hbm>>) dst(%arg14 : memref<320xi32, #tpu.memory_space<vmem>>)
        %dma_start3A_149 = arith.constant 0 : i32
        %dma_start3A_150 = arith.constant 0 : i32
        %dma_start3A_151 = tpu.memref_slice %arg20[%dma_start3A_149, %dma_start3A_150] : memref<50000x16xf32, #tpu.memory_space<vmem_shared>> -> memref<50000x16xf32, #tpu.memory_space<vmem_shared>>
        tpu.enqueue_indirect_dma source(%dma_start3A_151 : memref<50000x16xf32, #tpu.memory_space<vmem_shared>>) target(%arg17 : memref<320x16xf32, #tpu.memory_space<vmem>>) offsets(%arg13 : memref<320xi32, #tpu.memory_space<vmem>>) semaphore(%arg25 : memref<!tpu.dma_semaphore, #tpu.memory_space<semaphore_mem>>)
        %mul3A_152 = arith.constant 320 : i32
        %mul3A_153 = arith.muli %add3A_134, %mul3A_152 : i32
        %add3A_154 = arith.addi %mul3A_0, %mul3A_153 : i32
        %min3A_155 = arith.constant 818880 : i32
        %min3A_156 = arith.minsi %add3A_154, %min3A_155 : i32
        %dma_wait3A_157 = tpu.memref_slice %arg6[%min3A_156] : memref<819200xi32, #tpu.memory_space<hbm>> -> memref<320xi32, #tpu.memory_space<hbm>>
        %dma_wait3A_158 = tpu.memref_slice %arg6[%min3A_156] : memref<819200xi32, #tpu.memory_space<hbm>> -> memref<320xi32, #tpu.memory_space<hbm>>
        tpu.wait_dma2 semaphore(%arg23 : memref<!tpu.dma_semaphore, #tpu.memory_space<semaphore_mem>>) src(%dma_wait3A_158 : memref<320xi32, #tpu.memory_space<hbm>>) dst(%arg15 : memref<320xi32, #tpu.memory_space<vmem>>)
        %mul3A_159 = arith.constant 320 : i32
        %mul3A_160 = arith.muli %add3A_134, %mul3A_159 : i32
        %add3A_161 = arith.addi %mul3A_0, %mul3A_160 : i32
        %min3A_162 = arith.constant 818880 : i32
        %min3A_163 = arith.minsi %add3A_161, %min3A_162 : i32
        %dma_wait3A_164 = tpu.memref_slice %arg7[%min3A_163] : memref<819200xi32, #tpu.memory_space<hbm>> -> memref<320xi32, #tpu.memory_space<hbm>>
        %dma_wait3A_165 = tpu.memref_slice %arg7[%min3A_163] : memref<819200xi32, #tpu.memory_space<hbm>> -> memref<320xi32, #tpu.memory_space<hbm>>
        tpu.wait_dma2 semaphore(%arg24 : memref<!tpu.dma_semaphore, #tpu.memory_space<semaphore_mem>>) src(%dma_wait3A_165 : memref<320xi32, #tpu.memory_space<hbm>>) dst(%arg16 : memref<320xi32, #tpu.memory_space<vmem>>)
        %dma_wait3A_166 = arith.constant 0 : i32
        %dma_wait3A_167 = arith.constant 0 : i32
        %dma_wait3A_168 = tpu.memref_slice %arg20[%dma_wait3A_166, %dma_wait3A_167] : memref<50000x16xf32, #tpu.memory_space<vmem_shared>> -> memref<50000x16xf32, #tpu.memory_space<vmem_shared>>
        tpu.wait_indirect_dma semaphore(%arg25 : memref<!tpu.dma_semaphore, #tpu.memory_space<semaphore_mem>>) src(%dma_wait3A_168 : memref<50000x16xf32, #tpu.memory_space<vmem_shared>>) dst(%arg17 : memref<320x16xf32, #tpu.memory_space<vmem>>)
        %dma_start3A_169 = arith.constant 0 : i32
        %dma_start3A_170 = arith.constant 0 : i32
        %dma_start3A_171 = tpu.memref_slice %arg20[%dma_start3A_169, %dma_start3A_170] : memref<50000x16xf32, #tpu.memory_space<vmem_shared>> -> memref<50000x16xf32, #tpu.memory_space<vmem_shared>>
        tpu.enqueue_indirect_dma source(%dma_start3A_171 : memref<50000x16xf32, #tpu.memory_space<vmem_shared>>) target(%arg18 : memref<320x16xf32, #tpu.memory_space<vmem>>) offsets(%arg15 : memref<320xi32, #tpu.memory_space<vmem>>) semaphore(%arg26 : memref<!tpu.dma_semaphore, #tpu.memory_space<semaphore_mem>>)
        "tpu.region"() ({
          %run_scoped3A = tpu.sem_alloc : memref<!tpu.dma_semaphore, #tpu.memory_space<semaphore_mem>>
          %dma_start3A_207 = arith.constant 0 : i32
          %dma_start3A_208 = arith.constant 0 : i32
          %dma_start3A_209 = tpu.memref_slice %arg19[%dma_start3A_207, %dma_start3A_208] : memref<50016x16xf32, #tpu.memory_space<vmem_shared>> -> memref<50016x16xf32, #tpu.memory_space<vmem_shared>>
          tpu.enqueue_indirect_dma source(%arg17 : memref<320x16xf32, #tpu.memory_space<vmem>>) target(%dma_start3A_209 : memref<50016x16xf32, #tpu.memory_space<vmem_shared>>) offsets(%arg14 : memref<320xi32, #tpu.memory_space<vmem>>) semaphore(%run_scoped3A : memref<!tpu.dma_semaphore, #tpu.memory_space<semaphore_mem>>) {add = true}
          %dma_wait3A_210 = arith.constant 0 : i32
          %dma_wait3A_211 = arith.constant 0 : i32
          %dma_wait3A_212 = tpu.memref_slice %arg19[%dma_wait3A_210, %dma_wait3A_211] : memref<50016x16xf32, #tpu.memory_space<vmem_shared>> -> memref<50016x16xf32, #tpu.memory_space<vmem_shared>>
          tpu.wait_indirect_dma semaphore(%run_scoped3A : memref<!tpu.dma_semaphore, #tpu.memory_space<semaphore_mem>>) src(%arg17 : memref<320x16xf32, #tpu.memory_space<vmem>>) dst(%dma_wait3A_212 : memref<50016x16xf32, #tpu.memory_space<vmem_shared>>)
          tpu.yield
        }) : () -> ()
        %add3A_172 = arith.constant 2 : i32
        %add3A_173 = arith.addi %mul3A_130, %add3A_172 : i32
        %mul3A_174 = arith.constant 320 : i32
        %mul3A_175 = arith.muli %add3A_173, %mul3A_174 : i32
        %add3A_176 = arith.addi %mul3A_0, %mul3A_175 : i32
        %min3A_177 = arith.constant 818880 : i32
        %min3A_178 = arith.minsi %add3A_176, %min3A_177 : i32
        %dma_start3A_179 = tpu.memref_slice %arg6[%min3A_178] : memref<819200xi32, #tpu.memory_space<hbm>> -> memref<320xi32, #tpu.memory_space<hbm>>
        %dma_start3A_180 = tpu.memref_slice %arg6[%min3A_178] : memref<819200xi32, #tpu.memory_space<hbm>> -> memref<320xi32, #tpu.memory_space<hbm>>
        tpu.enqueue_dma source(%dma_start3A_180 : memref<320xi32, #tpu.memory_space<hbm>>) target(%arg13 : memref<320xi32, #tpu.memory_space<vmem>>) target_semaphore(%arg21 : memref<!tpu.dma_semaphore, #tpu.memory_space<semaphore_mem>>)
        %mul3A_181 = arith.constant 320 : i32
        %mul3A_182 = arith.muli %add3A_173, %mul3A_181 : i32
        %add3A_183 = arith.addi %mul3A_0, %mul3A_182 : i32
        %min3A_184 = arith.constant 818880 : i32
        %min3A_185 = arith.minsi %add3A_183, %min3A_184 : i32
        %dma_start3A_186 = tpu.memref_slice %arg7[%min3A_185] : memref<819200xi32, #tpu.memory_space<hbm>> -> memref<320xi32, #tpu.memory_space<hbm>>
        %dma_start3A_187 = tpu.memref_slice %arg7[%min3A_185] : memref<819200xi32, #tpu.memory_space<hbm>> -> memref<320xi32, #tpu.memory_space<hbm>>
        tpu.enqueue_dma source(%dma_start3A_187 : memref<320xi32, #tpu.memory_space<hbm>>) target(%arg14 : memref<320xi32, #tpu.memory_space<vmem>>) target_semaphore(%arg22 : memref<!tpu.dma_semaphore, #tpu.memory_space<semaphore_mem>>)
        %dma_wait3A_188 = arith.constant 0 : i32
        %dma_wait3A_189 = arith.constant 0 : i32
        %dma_wait3A_190 = tpu.memref_slice %arg20[%dma_wait3A_188, %dma_wait3A_189] : memref<50000x16xf32, #tpu.memory_space<vmem_shared>> -> memref<50000x16xf32, #tpu.memory_space<vmem_shared>>
        tpu.wait_indirect_dma semaphore(%arg26 : memref<!tpu.dma_semaphore, #tpu.memory_space<semaphore_mem>>) src(%dma_wait3A_190 : memref<50000x16xf32, #tpu.memory_space<vmem_shared>>) dst(%arg18 : memref<320x16xf32, #tpu.memory_space<vmem>>)
        "tpu.region"() ({
          %run_scoped3A = tpu.sem_alloc : memref<!tpu.dma_semaphore, #tpu.memory_space<semaphore_mem>>
          %dma_start3A_207 = arith.constant 0 : i32
          %dma_start3A_208 = arith.constant 0 : i32
          %dma_start3A_209 = tpu.memref_slice %arg19[%dma_start3A_207, %dma_start3A_208] : memref<50016x16xf32, #tpu.memory_space<vmem_shared>> -> memref<50016x16xf32, #tpu.memory_space<vmem_shared>>
          tpu.enqueue_indirect_dma source(%arg18 : memref<320x16xf32, #tpu.memory_space<vmem>>) target(%dma_start3A_209 : memref<50016x16xf32, #tpu.memory_space<vmem_shared>>) offsets(%arg16 : memref<320xi32, #tpu.memory_space<vmem>>) semaphore(%run_scoped3A : memref<!tpu.dma_semaphore, #tpu.memory_space<semaphore_mem>>) {add = true}
          %dma_wait3A_210 = arith.constant 0 : i32
          %dma_wait3A_211 = arith.constant 0 : i32
          %dma_wait3A_212 = tpu.memref_slice %arg19[%dma_wait3A_210, %dma_wait3A_211] : memref<50016x16xf32, #tpu.memory_space<vmem_shared>> -> memref<50016x16xf32, #tpu.memory_space<vmem_shared>>
          tpu.wait_indirect_dma semaphore(%run_scoped3A : memref<!tpu.dma_semaphore, #tpu.memory_space<semaphore_mem>>) src(%arg18 : memref<320x16xf32, #tpu.memory_space<vmem>>) dst(%dma_wait3A_212 : memref<50016x16xf32, #tpu.memory_space<vmem_shared>>)
          tpu.yield
        }) : () -> ()
        %add3A_191 = arith.constant 2 : i32
        %add3A_192 = arith.addi %add3A_134, %add3A_191 : i32
        %mul3A_193 = arith.constant 320 : i32
        %mul3A_194 = arith.muli %add3A_192, %mul3A_193 : i32
        %add3A_195 = arith.addi %mul3A_0, %mul3A_194 : i32
        %min3A_196 = arith.constant 818880 : i32
        %min3A_197 = arith.minsi %add3A_195, %min3A_196 : i32
        %dma_start3A_198 = tpu.memref_slice %arg6[%min3A_197] : memref<819200xi32, #tpu.memory_space<hbm>> -> memref<320xi32, #tpu.memory_space<hbm>>
        %dma_start3A_199 = tpu.memref_slice %arg6[%min3A_197] : memref<819200xi32, #tpu.memory_space<hbm>> -> memref<320xi32, #tpu.memory_space<hbm>>
        tpu.enqueue_dma source(%dma_start3A_199 : memref<320xi32, #tpu.memory_space<hbm>>) target(%arg15 : memref<320xi32, #tpu.memory_space<vmem>>) target_semaphore(%arg23 : memref<!tpu.dma_semaphore, #tpu.memory_space<semaphore_mem>>)
        %mul3A_200 = arith.constant 320 : i32
        %mul3A_201 = arith.muli %add3A_192, %mul3A_200 : i32
        %add3A_202 = arith.addi %mul3A_0, %mul3A_201 : i32
        %min3A_203 = arith.constant 818880 : i32
        %min3A_204 = arith.minsi %add3A_202, %min3A_203 : i32
        %dma_start3A_205 = tpu.memref_slice %arg7[%min3A_204] : memref<819200xi32, #tpu.memory_space<hbm>> -> memref<320xi32, #tpu.memory_space<hbm>>
        %dma_start3A_206 = tpu.memref_slice %arg7[%min3A_204] : memref<819200xi32, #tpu.memory_space<hbm>> -> memref<320xi32, #tpu.memory_space<hbm>>
        tpu.enqueue_dma source(%dma_start3A_206 : memref<320xi32, #tpu.memory_space<hbm>>) target(%arg16 : memref<320xi32, #tpu.memory_space<vmem>>) target_semaphore(%arg24 : memref<!tpu.dma_semaphore, #tpu.memory_space<semaphore_mem>>)
      }
      %scan3A_37 = arith.constant 80 : i32
      %add3A_38 = arith.constant 51200 : i32
      %add3A_39 = arith.addi %mul3A_0, %add3A_38 : i32
      %min3A_40 = arith.constant 818880 : i32
      %min3A_41 = arith.minsi %add3A_39, %min3A_40 : i32
      %dma_wait3A = tpu.memref_slice %arg6[%min3A_41] : memref<819200xi32, #tpu.memory_space<hbm>> -> memref<320xi32, #tpu.memory_space<hbm>>
      %dma_wait3A_42 = tpu.memref_slice %arg6[%min3A_41] : memref<819200xi32, #tpu.memory_space<hbm>> -> memref<320xi32, #tpu.memory_space<hbm>>
      tpu.wait_dma2 semaphore(%arg21 : memref<!tpu.dma_semaphore, #tpu.memory_space<semaphore_mem>>) src(%dma_wait3A_42 : memref<320xi32, #tpu.memory_space<hbm>>) dst(%arg13 : memref<320xi32, #tpu.memory_space<vmem>>)
      %add3A_43 = arith.constant 51200 : i32
      %add3A_44 = arith.addi %mul3A_0, %add3A_43 : i32
      %min3A_45 = arith.constant 818880 : i32
      %min3A_46 = arith.minsi %add3A_44, %min3A_45 : i32
      %dma_wait3A_47 = tpu.memref_slice %arg7[%min3A_46] : memref<819200xi32, #tpu.memory_space<hbm>> -> memref<320xi32, #tpu.memory_space<hbm>>
      %dma_wait3A_48 = tpu.memref_slice %arg7[%min3A_46] : memref<819200xi32, #tpu.memory_space<hbm>> -> memref<320xi32, #tpu.memory_space<hbm>>
      tpu.wait_dma2 semaphore(%arg22 : memref<!tpu.dma_semaphore, #tpu.memory_space<semaphore_mem>>) src(%dma_wait3A_48 : memref<320xi32, #tpu.memory_space<hbm>>) dst(%arg14 : memref<320xi32, #tpu.memory_space<vmem>>)
      %add3A_49 = arith.constant 51520 : i32
      %add3A_50 = arith.addi %mul3A_0, %add3A_49 : i32
      %min3A_51 = arith.constant 818880 : i32
      %min3A_52 = arith.minsi %add3A_50, %min3A_51 : i32
      %dma_wait3A_53 = tpu.memref_slice %arg6[%min3A_52] : memref<819200xi32, #tpu.memory_space<hbm>> -> memref<320xi32, #tpu.memory_space<hbm>>
      %dma_wait3A_54 = tpu.memref_slice %arg6[%min3A_52] : memref<819200xi32, #tpu.memory_space<hbm>> -> memref<320xi32, #tpu.memory_space<hbm>>
      tpu.wait_dma2 semaphore(%arg23 : memref<!tpu.dma_semaphore, #tpu.memory_space<semaphore_mem>>) src(%dma_wait3A_54 : memref<320xi32, #tpu.memory_space<hbm>>) dst(%arg15 : memref<320xi32, #tpu.memory_space<vmem>>)
      %add3A_55 = arith.constant 51520 : i32
      %add3A_56 = arith.addi %mul3A_0, %add3A_55 : i32
      %min3A_57 = arith.constant 818880 : i32
      %min3A_58 = arith.minsi %add3A_56, %min3A_57 : i32
      %dma_wait3A_59 = tpu.memref_slice %arg7[%min3A_58] : memref<819200xi32, #tpu.memory_space<hbm>> -> memref<320xi32, #tpu.memory_space<hbm>>
      %dma_wait3A_60 = tpu.memref_slice %arg7[%min3A_58] : memref<819200xi32, #tpu.memory_space<hbm>> -> memref<320xi32, #tpu.memory_space<hbm>>
      tpu.wait_dma2 semaphore(%arg24 : memref<!tpu.dma_semaphore, #tpu.memory_space<semaphore_mem>>) src(%dma_wait3A_60 : memref<320xi32, #tpu.memory_space<hbm>>) dst(%arg16 : memref<320xi32, #tpu.memory_space<vmem>>)
      %barrier3A_61 = arith.constant 0 : index
      tpu.barrier barrier_id(%barrier3A_61)
      %mul3A_62 = arith.constant 3125 : i32
      %mul3A_63 = arith.muli %arg1, %mul3A_62 : i32
      "tpu.region"() ({
        %run_scoped3A = tpu.sem_alloc : memref<!tpu.dma_semaphore, #tpu.memory_space<semaphore_mem>>
        %dma_start3A_128 = arith.constant 0 : i32
        %dma_start3A_129 = tpu.memref_slice %arg11[%mul3A_63, %dma_start3A_128] : memref<50000x16xf32, #tpu.memory_space<hbm>> -> memref<3125x16xf32, #tpu.memory_space<hbm>>
        %dma_start3A_130 = arith.constant 0 : i32
        %dma_start3A_131 = tpu.memref_slice %arg19[%mul3A_63, %dma_start3A_130] : memref<50016x16xf32, #tpu.memory_space<vmem_shared>> -> memref<3125x16xf32, #tpu.memory_space<vmem_shared>>
        tpu.enqueue_dma source(%dma_start3A_131 : memref<3125x16xf32, #tpu.memory_space<vmem_shared>>) target(%dma_start3A_129 : memref<3125x16xf32, #tpu.memory_space<hbm>>) target_semaphore(%run_scoped3A : memref<!tpu.dma_semaphore, #tpu.memory_space<semaphore_mem>>)
        %dma_wait3A_132 = arith.constant 0 : i32
        %dma_wait3A_133 = tpu.memref_slice %arg11[%mul3A_63, %dma_wait3A_132] : memref<50000x16xf32, #tpu.memory_space<hbm>> -> memref<3125x16xf32, #tpu.memory_space<hbm>>
        %dma_wait3A_134 = arith.constant 0 : i32
        %dma_wait3A_135 = tpu.memref_slice %arg19[%mul3A_63, %dma_wait3A_134] : memref<50016x16xf32, #tpu.memory_space<vmem_shared>> -> memref<3125x16xf32, #tpu.memory_space<vmem_shared>>
        tpu.wait_dma2 semaphore(%run_scoped3A : memref<!tpu.dma_semaphore, #tpu.memory_space<semaphore_mem>>) src(%dma_wait3A_135 : memref<3125x16xf32, #tpu.memory_space<vmem_shared>>) dst(%dma_wait3A_133 : memref<3125x16xf32, #tpu.memory_space<hbm>>)
        tpu.yield
      }) : () -> ()
      %barrier3A_64 = arith.constant 0 : index
      tpu.barrier barrier_id(%barrier3A_64)
      %mul3A_65 = arith.constant 3126 : i32
      %mul3A_66 = arith.muli %arg1, %mul3A_65 : i32
      "tpu.region"() ({
        %run_scoped3A = tpu.sem_alloc : memref<!tpu.dma_semaphore, #tpu.memory_space<semaphore_mem>>
        %dma_start3A_128 = arith.constant 0 : i32
        %dma_start3A_129 = tpu.memref_slice %arg19[%mul3A_66, %dma_start3A_128] : memref<50016x16xf32, #tpu.memory_space<vmem_shared>> -> memref<3126x16xf32, #tpu.memory_space<vmem_shared>>
        %dma_start3A_130 = arith.constant 0 : i32
        %dma_start3A_131 = tpu.memref_slice %arg8[%mul3A_66, %dma_start3A_130] : memref<50016x16xf32, #tpu.memory_space<hbm>> -> memref<3126x16xf32, #tpu.memory_space<hbm>>
        tpu.enqueue_dma source(%dma_start3A_131 : memref<3126x16xf32, #tpu.memory_space<hbm>>) target(%dma_start3A_129 : memref<3126x16xf32, #tpu.memory_space<vmem_shared>>) target_semaphore(%run_scoped3A : memref<!tpu.dma_semaphore, #tpu.memory_space<semaphore_mem>>)
        %dma_wait3A_132 = arith.constant 0 : i32
        %dma_wait3A_133 = tpu.memref_slice %arg19[%mul3A_66, %dma_wait3A_132] : memref<50016x16xf32, #tpu.memory_space<vmem_shared>> -> memref<3126x16xf32, #tpu.memory_space<vmem_shared>>
        %dma_wait3A_134 = arith.constant 0 : i32
        %dma_wait3A_135 = tpu.memref_slice %arg8[%mul3A_66, %dma_wait3A_134] : memref<50016x16xf32, #tpu.memory_space<hbm>> -> memref<3126x16xf32, #tpu.memory_space<hbm>>
        tpu.wait_dma2 semaphore(%run_scoped3A : memref<!tpu.dma_semaphore, #tpu.memory_space<semaphore_mem>>) src(%dma_wait3A_135 : memref<3126x16xf32, #tpu.memory_space<hbm>>) dst(%dma_wait3A_133 : memref<3126x16xf32, #tpu.memory_space<vmem_shared>>)
        tpu.yield
      }) : () -> ()
      %mul3A_67 = arith.constant 3125 : i32
      %mul3A_68 = arith.muli %arg1, %mul3A_67 : i32
      "tpu.region"() ({
        %run_scoped3A = tpu.sem_alloc : memref<!tpu.dma_semaphore, #tpu.memory_space<semaphore_mem>>
        %dma_start3A_128 = arith.constant 0 : i32
        %dma_start3A_129 = tpu.memref_slice %arg20[%mul3A_68, %dma_start3A_128] : memref<50000x16xf32, #tpu.memory_space<vmem_shared>> -> memref<3125x16xf32, #tpu.memory_space<vmem_shared>>
        %dma_start3A_130 = arith.constant 0 : i32
        %dma_start3A_131 = tpu.memref_slice %arg5[%mul3A_68, %dma_start3A_130] : memref<50000x16xf32, #tpu.memory_space<hbm>> -> memref<3125x16xf32, #tpu.memory_space<hbm>>
        tpu.enqueue_dma source(%dma_start3A_131 : memref<3125x16xf32, #tpu.memory_space<hbm>>) target(%dma_start3A_129 : memref<3125x16xf32, #tpu.memory_space<vmem_shared>>) target_semaphore(%run_scoped3A : memref<!tpu.dma_semaphore, #tpu.memory_space<semaphore_mem>>)
        %dma_wait3A_132 = arith.constant 0 : i32
        %dma_wait3A_133 = tpu.memref_slice %arg20[%mul3A_68, %dma_wait3A_132] : memref<50000x16xf32, #tpu.memory_space<vmem_shared>> -> memref<3125x16xf32, #tpu.memory_space<vmem_shared>>
        %dma_wait3A_134 = arith.constant 0 : i32
        %dma_wait3A_135 = tpu.memref_slice %arg5[%mul3A_68, %dma_wait3A_134] : memref<50000x16xf32, #tpu.memory_space<hbm>> -> memref<3125x16xf32, #tpu.memory_space<hbm>>
        tpu.wait_dma2 semaphore(%run_scoped3A : memref<!tpu.dma_semaphore, #tpu.memory_space<semaphore_mem>>) src(%dma_wait3A_135 : memref<3125x16xf32, #tpu.memory_space<hbm>>) dst(%dma_wait3A_133 : memref<3125x16xf32, #tpu.memory_space<vmem_shared>>)
        tpu.yield
      }) : () -> ()
      %barrier3A_69 = arith.constant 0 : index
      tpu.barrier barrier_id(%barrier3A_69)
      %add3A_70 = arith.constant 0 : i32
      %add3A_71 = arith.addi %mul3A_0, %add3A_70 : i32
      %min3A_72 = arith.constant 818880 : i32
      %min3A_73 = arith.minsi %add3A_71, %min3A_72 : i32
      %dma_start3A_74 = tpu.memref_slice %arg6[%min3A_73] : memref<819200xi32, #tpu.memory_space<hbm>> -> memref<320xi32, #tpu.memory_space<hbm>>
      %dma_start3A_75 = tpu.memref_slice %arg6[%min3A_73] : memref<819200xi32, #tpu.memory_space<hbm>> -> memref<320xi32, #tpu.memory_space<hbm>>
      tpu.enqueue_dma source(%dma_start3A_75 : memref<320xi32, #tpu.memory_space<hbm>>) target(%arg13 : memref<320xi32, #tpu.memory_space<vmem>>) target_semaphore(%arg21 : memref<!tpu.dma_semaphore, #tpu.memory_space<semaphore_mem>>)
      %add3A_76 = arith.constant 0 : i32
      %add3A_77 = arith.addi %mul3A_0, %add3A_76 : i32
      %min3A_78 = arith.constant 818880 : i32
      %min3A_79 = arith.minsi %add3A_77, %min3A_78 : i32
      %dma_start3A_80 = tpu.memref_slice %arg7[%min3A_79] : memref<819200xi32, #tpu.memory_space<hbm>> -> memref<320xi32, #tpu.memory_space<hbm>>
      %dma_start3A_81 = tpu.memref_slice %arg7[%min3A_79] : memref<819200xi32, #tpu.memory_space<hbm>> -> memref<320xi32, #tpu.memory_space<hbm>>
      tpu.enqueue_dma source(%dma_start3A_81 : memref<320xi32, #tpu.memory_space<hbm>>) target(%arg14 : memref<320xi32, #tpu.memory_space<vmem>>) target_semaphore(%arg22 : memref<!tpu.dma_semaphore, #tpu.memory_space<semaphore_mem>>)
      %add3A_82 = arith.constant 320 : i32
      %add3A_83 = arith.addi %mul3A_0, %add3A_82 : i32
      %min3A_84 = arith.constant 818880 : i32
      %min3A_85 = arith.minsi %add3A_83, %min3A_84 : i32
      %dma_start3A_86 = tpu.memref_slice %arg6[%min3A_85] : memref<819200xi32, #tpu.memory_space<hbm>> -> memref<320xi32, #tpu.memory_space<hbm>>
      %dma_start3A_87 = tpu.memref_slice %arg6[%min3A_85] : memref<819200xi32, #tpu.memory_space<hbm>> -> memref<320xi32, #tpu.memory_space<hbm>>
      tpu.enqueue_dma source(%dma_start3A_87 : memref<320xi32, #tpu.memory_space<hbm>>) target(%arg15 : memref<320xi32, #tpu.memory_space<vmem>>) target_semaphore(%arg23 : memref<!tpu.dma_semaphore, #tpu.memory_space<semaphore_mem>>)
      %add3A_88 = arith.constant 320 : i32
      %add3A_89 = arith.addi %mul3A_0, %add3A_88 : i32
      %min3A_90 = arith.constant 818880 : i32
      %min3A_91 = arith.minsi %add3A_89, %min3A_90 : i32
      %dma_start3A_92 = tpu.memref_slice %arg7[%min3A_91] : memref<819200xi32, #tpu.memory_space<hbm>> -> memref<320xi32, #tpu.memory_space<hbm>>
      %dma_start3A_93 = tpu.memref_slice %arg7[%min3A_91] : memref<819200xi32, #tpu.memory_space<hbm>> -> memref<320xi32, #tpu.memory_space<hbm>>
      tpu.enqueue_dma source(%dma_start3A_93 : memref<320xi32, #tpu.memory_space<hbm>>) target(%arg16 : memref<320xi32, #tpu.memory_space<vmem>>) target_semaphore(%arg24 : memref<!tpu.dma_semaphore, #tpu.memory_space<semaphore_mem>>)
      %scan3A_94 = arith.constant 0 : i32
      %scan3A_95 = arith.constant 0 : i32
      %scan3A_96 = arith.constant 80 : i32
      %scan3A_97 = arith.addi %scan3A_95, %scan3A_96 : i32
      %scan3A_98 = arith.constant 1 : i32
      scf.for %scan3A_128 = %scan3A_95 to %scan3A_97 step %scan3A_98  : i32 {
        %mul3A_129 = arith.constant 2 : i32
        %mul3A_130 = arith.muli %mul3A_129, %scan3A_128 : i32
        %mul3A_131 = arith.constant 2 : i32
        %mul3A_132 = arith.muli %mul3A_131, %scan3A_128 : i32
        %add3A_133 = arith.constant 1 : i32
        %add3A_134 = arith.addi %mul3A_132, %add3A_133 : i32
        %mul3A_135 = arith.constant 320 : i32
        %mul3A_136 = arith.muli %mul3A_130, %mul3A_135 : i32
        %add3A_137 = arith.addi %mul3A_0, %mul3A_136 : i32
        %min3A_138 = arith.constant 818880 : i32
        %min3A_139 = arith.minsi %add3A_137, %min3A_138 : i32
        %dma_wait3A_140 = tpu.memref_slice %arg6[%min3A_139] : memref<819200xi32, #tpu.memory_space<hbm>> -> memref<320xi32, #tpu.memory_space<hbm>>
        %dma_wait3A_141 = tpu.memref_slice %arg6[%min3A_139] : memref<819200xi32, #tpu.memory_space<hbm>> -> memref<320xi32, #tpu.memory_space<hbm>>
        tpu.wait_dma2 semaphore(%arg21 : memref<!tpu.dma_semaphore, #tpu.memory_space<semaphore_mem>>) src(%dma_wait3A_141 : memref<320xi32, #tpu.memory_space<hbm>>) dst(%arg13 : memref<320xi32, #tpu.memory_space<vmem>>)
        %mul3A_142 = arith.constant 320 : i32
        %mul3A_143 = arith.muli %mul3A_130, %mul3A_142 : i32
        %add3A_144 = arith.addi %mul3A_0, %mul3A_143 : i32
        %min3A_145 = arith.constant 818880 : i32
        %min3A_146 = arith.minsi %add3A_144, %min3A_145 : i32
        %dma_wait3A_147 = tpu.memref_slice %arg7[%min3A_146] : memref<819200xi32, #tpu.memory_space<hbm>> -> memref<320xi32, #tpu.memory_space<hbm>>
        %dma_wait3A_148 = tpu.memref_slice %arg7[%min3A_146] : memref<819200xi32, #tpu.memory_space<hbm>> -> memref<320xi32, #tpu.memory_space<hbm>>
        tpu.wait_dma2 semaphore(%arg22 : memref<!tpu.dma_semaphore, #tpu.memory_space<semaphore_mem>>) src(%dma_wait3A_148 : memref<320xi32, #tpu.memory_space<hbm>>) dst(%arg14 : memref<320xi32, #tpu.memory_space<vmem>>)
        %dma_start3A_149 = arith.constant 0 : i32
        %dma_start3A_150 = arith.constant 0 : i32
        %dma_start3A_151 = tpu.memref_slice %arg20[%dma_start3A_149, %dma_start3A_150] : memref<50000x16xf32, #tpu.memory_space<vmem_shared>> -> memref<50000x16xf32, #tpu.memory_space<vmem_shared>>
        tpu.enqueue_indirect_dma source(%dma_start3A_151 : memref<50000x16xf32, #tpu.memory_space<vmem_shared>>) target(%arg17 : memref<320x16xf32, #tpu.memory_space<vmem>>) offsets(%arg13 : memref<320xi32, #tpu.memory_space<vmem>>) semaphore(%arg25 : memref<!tpu.dma_semaphore, #tpu.memory_space<semaphore_mem>>)
        %mul3A_152 = arith.constant 320 : i32
        %mul3A_153 = arith.muli %add3A_134, %mul3A_152 : i32
        %add3A_154 = arith.addi %mul3A_0, %mul3A_153 : i32
        %min3A_155 = arith.constant 818880 : i32
        %min3A_156 = arith.minsi %add3A_154, %min3A_155 : i32
        %dma_wait3A_157 = tpu.memref_slice %arg6[%min3A_156] : memref<819200xi32, #tpu.memory_space<hbm>> -> memref<320xi32, #tpu.memory_space<hbm>>
        %dma_wait3A_158 = tpu.memref_slice %arg6[%min3A_156] : memref<819200xi32, #tpu.memory_space<hbm>> -> memref<320xi32, #tpu.memory_space<hbm>>
        tpu.wait_dma2 semaphore(%arg23 : memref<!tpu.dma_semaphore, #tpu.memory_space<semaphore_mem>>) src(%dma_wait3A_158 : memref<320xi32, #tpu.memory_space<hbm>>) dst(%arg15 : memref<320xi32, #tpu.memory_space<vmem>>)
        %mul3A_159 = arith.constant 320 : i32
        %mul3A_160 = arith.muli %add3A_134, %mul3A_159 : i32
        %add3A_161 = arith.addi %mul3A_0, %mul3A_160 : i32
        %min3A_162 = arith.constant 818880 : i32
        %min3A_163 = arith.minsi %add3A_161, %min3A_162 : i32
        %dma_wait3A_164 = tpu.memref_slice %arg7[%min3A_163] : memref<819200xi32, #tpu.memory_space<hbm>> -> memref<320xi32, #tpu.memory_space<hbm>>
        %dma_wait3A_165 = tpu.memref_slice %arg7[%min3A_163] : memref<819200xi32, #tpu.memory_space<hbm>> -> memref<320xi32, #tpu.memory_space<hbm>>
        tpu.wait_dma2 semaphore(%arg24 : memref<!tpu.dma_semaphore, #tpu.memory_space<semaphore_mem>>) src(%dma_wait3A_165 : memref<320xi32, #tpu.memory_space<hbm>>) dst(%arg16 : memref<320xi32, #tpu.memory_space<vmem>>)
        %dma_wait3A_166 = arith.constant 0 : i32
        %dma_wait3A_167 = arith.constant 0 : i32
        %dma_wait3A_168 = tpu.memref_slice %arg20[%dma_wait3A_166, %dma_wait3A_167] : memref<50000x16xf32, #tpu.memory_space<vmem_shared>> -> memref<50000x16xf32, #tpu.memory_space<vmem_shared>>
        tpu.wait_indirect_dma semaphore(%arg25 : memref<!tpu.dma_semaphore, #tpu.memory_space<semaphore_mem>>) src(%dma_wait3A_168 : memref<50000x16xf32, #tpu.memory_space<vmem_shared>>) dst(%arg17 : memref<320x16xf32, #tpu.memory_space<vmem>>)
        %dma_start3A_169 = arith.constant 0 : i32
        %dma_start3A_170 = arith.constant 0 : i32
        %dma_start3A_171 = tpu.memref_slice %arg20[%dma_start3A_169, %dma_start3A_170] : memref<50000x16xf32, #tpu.memory_space<vmem_shared>> -> memref<50000x16xf32, #tpu.memory_space<vmem_shared>>
        tpu.enqueue_indirect_dma source(%dma_start3A_171 : memref<50000x16xf32, #tpu.memory_space<vmem_shared>>) target(%arg18 : memref<320x16xf32, #tpu.memory_space<vmem>>) offsets(%arg15 : memref<320xi32, #tpu.memory_space<vmem>>) semaphore(%arg26 : memref<!tpu.dma_semaphore, #tpu.memory_space<semaphore_mem>>)
        "tpu.region"() ({
          %run_scoped3A = tpu.sem_alloc : memref<!tpu.dma_semaphore, #tpu.memory_space<semaphore_mem>>
          %dma_start3A_207 = arith.constant 0 : i32
          %dma_start3A_208 = arith.constant 0 : i32
          %dma_start3A_209 = tpu.memref_slice %arg19[%dma_start3A_207, %dma_start3A_208] : memref<50016x16xf32, #tpu.memory_space<vmem_shared>> -> memref<50016x16xf32, #tpu.memory_space<vmem_shared>>
          tpu.enqueue_indirect_dma source(%arg17 : memref<320x16xf32, #tpu.memory_space<vmem>>) target(%dma_start3A_209 : memref<50016x16xf32, #tpu.memory_space<vmem_shared>>) offsets(%arg14 : memref<320xi32, #tpu.memory_space<vmem>>) semaphore(%run_scoped3A : memref<!tpu.dma_semaphore, #tpu.memory_space<semaphore_mem>>) {add = true}
          %dma_wait3A_210 = arith.constant 0 : i32
          %dma_wait3A_211 = arith.constant 0 : i32
          %dma_wait3A_212 = tpu.memref_slice %arg19[%dma_wait3A_210, %dma_wait3A_211] : memref<50016x16xf32, #tpu.memory_space<vmem_shared>> -> memref<50016x16xf32, #tpu.memory_space<vmem_shared>>
          tpu.wait_indirect_dma semaphore(%run_scoped3A : memref<!tpu.dma_semaphore, #tpu.memory_space<semaphore_mem>>) src(%arg17 : memref<320x16xf32, #tpu.memory_space<vmem>>) dst(%dma_wait3A_212 : memref<50016x16xf32, #tpu.memory_space<vmem_shared>>)
          tpu.yield
        }) : () -> ()
        %add3A_172 = arith.constant 2 : i32
        %add3A_173 = arith.addi %mul3A_130, %add3A_172 : i32
        %mul3A_174 = arith.constant 320 : i32
        %mul3A_175 = arith.muli %add3A_173, %mul3A_174 : i32
        %add3A_176 = arith.addi %mul3A_0, %mul3A_175 : i32
        %min3A_177 = arith.constant 818880 : i32
        %min3A_178 = arith.minsi %add3A_176, %min3A_177 : i32
        %dma_start3A_179 = tpu.memref_slice %arg6[%min3A_178] : memref<819200xi32, #tpu.memory_space<hbm>> -> memref<320xi32, #tpu.memory_space<hbm>>
        %dma_start3A_180 = tpu.memref_slice %arg6[%min3A_178] : memref<819200xi32, #tpu.memory_space<hbm>> -> memref<320xi32, #tpu.memory_space<hbm>>
        tpu.enqueue_dma source(%dma_start3A_180 : memref<320xi32, #tpu.memory_space<hbm>>) target(%arg13 : memref<320xi32, #tpu.memory_space<vmem>>) target_semaphore(%arg21 : memref<!tpu.dma_semaphore, #tpu.memory_space<semaphore_mem>>)
        %mul3A_181 = arith.constant 320 : i32
        %mul3A_182 = arith.muli %add3A_173, %mul3A_181 : i32
        %add3A_183 = arith.addi %mul3A_0, %mul3A_182 : i32
        %min3A_184 = arith.constant 818880 : i32
        %min3A_185 = arith.minsi %add3A_183, %min3A_184 : i32
        %dma_start3A_186 = tpu.memref_slice %arg7[%min3A_185] : memref<819200xi32, #tpu.memory_space<hbm>> -> memref<320xi32, #tpu.memory_space<hbm>>
        %dma_start3A_187 = tpu.memref_slice %arg7[%min3A_185] : memref<819200xi32, #tpu.memory_space<hbm>> -> memref<320xi32, #tpu.memory_space<hbm>>
        tpu.enqueue_dma source(%dma_start3A_187 : memref<320xi32, #tpu.memory_space<hbm>>) target(%arg14 : memref<320xi32, #tpu.memory_space<vmem>>) target_semaphore(%arg22 : memref<!tpu.dma_semaphore, #tpu.memory_space<semaphore_mem>>)
        %dma_wait3A_188 = arith.constant 0 : i32
        %dma_wait3A_189 = arith.constant 0 : i32
        %dma_wait3A_190 = tpu.memref_slice %arg20[%dma_wait3A_188, %dma_wait3A_189] : memref<50000x16xf32, #tpu.memory_space<vmem_shared>> -> memref<50000x16xf32, #tpu.memory_space<vmem_shared>>
        tpu.wait_indirect_dma semaphore(%arg26 : memref<!tpu.dma_semaphore, #tpu.memory_space<semaphore_mem>>) src(%dma_wait3A_190 : memref<50000x16xf32, #tpu.memory_space<vmem_shared>>) dst(%arg18 : memref<320x16xf32, #tpu.memory_space<vmem>>)
        "tpu.region"() ({
          %run_scoped3A = tpu.sem_alloc : memref<!tpu.dma_semaphore, #tpu.memory_space<semaphore_mem>>
          %dma_start3A_207 = arith.constant 0 : i32
          %dma_start3A_208 = arith.constant 0 : i32
          %dma_start3A_209 = tpu.memref_slice %arg19[%dma_start3A_207, %dma_start3A_208] : memref<50016x16xf32, #tpu.memory_space<vmem_shared>> -> memref<50016x16xf32, #tpu.memory_space<vmem_shared>>
          tpu.enqueue_indirect_dma source(%arg18 : memref<320x16xf32, #tpu.memory_space<vmem>>) target(%dma_start3A_209 : memref<50016x16xf32, #tpu.memory_space<vmem_shared>>) offsets(%arg16 : memref<320xi32, #tpu.memory_space<vmem>>) semaphore(%run_scoped3A : memref<!tpu.dma_semaphore, #tpu.memory_space<semaphore_mem>>) {add = true}
          %dma_wait3A_210 = arith.constant 0 : i32
          %dma_wait3A_211 = arith.constant 0 : i32
          %dma_wait3A_212 = tpu.memref_slice %arg19[%dma_wait3A_210, %dma_wait3A_211] : memref<50016x16xf32, #tpu.memory_space<vmem_shared>> -> memref<50016x16xf32, #tpu.memory_space<vmem_shared>>
          tpu.wait_indirect_dma semaphore(%run_scoped3A : memref<!tpu.dma_semaphore, #tpu.memory_space<semaphore_mem>>) src(%arg18 : memref<320x16xf32, #tpu.memory_space<vmem>>) dst(%dma_wait3A_212 : memref<50016x16xf32, #tpu.memory_space<vmem_shared>>)
          tpu.yield
        }) : () -> ()
        %add3A_191 = arith.constant 2 : i32
        %add3A_192 = arith.addi %add3A_134, %add3A_191 : i32
        %mul3A_193 = arith.constant 320 : i32
        %mul3A_194 = arith.muli %add3A_192, %mul3A_193 : i32
        %add3A_195 = arith.addi %mul3A_0, %mul3A_194 : i32
        %min3A_196 = arith.constant 818880 : i32
        %min3A_197 = arith.minsi %add3A_195, %min3A_196 : i32
        %dma_start3A_198 = tpu.memref_slice %arg6[%min3A_197] : memref<819200xi32, #tpu.memory_space<hbm>> -> memref<320xi32, #tpu.memory_space<hbm>>
        %dma_start3A_199 = tpu.memref_slice %arg6[%min3A_197] : memref<819200xi32, #tpu.memory_space<hbm>> -> memref<320xi32, #tpu.memory_space<hbm>>
        tpu.enqueue_dma source(%dma_start3A_199 : memref<320xi32, #tpu.memory_space<hbm>>) target(%arg15 : memref<320xi32, #tpu.memory_space<vmem>>) target_semaphore(%arg23 : memref<!tpu.dma_semaphore, #tpu.memory_space<semaphore_mem>>)
        %mul3A_200 = arith.constant 320 : i32
        %mul3A_201 = arith.muli %add3A_192, %mul3A_200 : i32
        %add3A_202 = arith.addi %mul3A_0, %mul3A_201 : i32
        %min3A_203 = arith.constant 818880 : i32
        %min3A_204 = arith.minsi %add3A_202, %min3A_203 : i32
        %dma_start3A_205 = tpu.memref_slice %arg7[%min3A_204] : memref<819200xi32, #tpu.memory_space<hbm>> -> memref<320xi32, #tpu.memory_space<hbm>>
        %dma_start3A_206 = tpu.memref_slice %arg7[%min3A_204] : memref<819200xi32, #tpu.memory_space<hbm>> -> memref<320xi32, #tpu.memory_space<hbm>>
        tpu.enqueue_dma source(%dma_start3A_206 : memref<320xi32, #tpu.memory_space<hbm>>) target(%arg16 : memref<320xi32, #tpu.memory_space<vmem>>) target_semaphore(%arg24 : memref<!tpu.dma_semaphore, #tpu.memory_space<semaphore_mem>>)
      }
      %scan3A_99 = arith.constant 80 : i32
      %add3A_100 = arith.constant 51200 : i32
      %add3A_101 = arith.addi %mul3A_0, %add3A_100 : i32
      %min3A_102 = arith.constant 818880 : i32
      %min3A_103 = arith.minsi %add3A_101, %min3A_102 : i32
      %dma_wait3A_104 = tpu.memref_slice %arg6[%min3A_103] : memref<819200xi32, #tpu.memory_space<hbm>> -> memref<320xi32, #tpu.memory_space<hbm>>
      %dma_wait3A_105 = tpu.memref_slice %arg6[%min3A_103] : memref<819200xi32, #tpu.memory_space<hbm>> -> memref<320xi32, #tpu.memory_space<hbm>>
      tpu.wait_dma2 semaphore(%arg21 : memref<!tpu.dma_semaphore, #tpu.memory_space<semaphore_mem>>) src(%dma_wait3A_105 : memref<320xi32, #tpu.memory_space<hbm>>) dst(%arg13 : memref<320xi32, #tpu.memory_space<vmem>>)
      %add3A_106 = arith.constant 51200 : i32
      %add3A_107 = arith.addi %mul3A_0, %add3A_106 : i32
      %min3A_108 = arith.constant 818880 : i32
      %min3A_109 = arith.minsi %add3A_107, %min3A_108 : i32
      %dma_wait3A_110 = tpu.memref_slice %arg7[%min3A_109] : memref<819200xi32, #tpu.memory_space<hbm>> -> memref<320xi32, #tpu.memory_space<hbm>>
      %dma_wait3A_111 = tpu.memref_slice %arg7[%min3A_109] : memref<819200xi32, #tpu.memory_space<hbm>> -> memref<320xi32, #tpu.memory_space<hbm>>
      tpu.wait_dma2 semaphore(%arg22 : memref<!tpu.dma_semaphore, #tpu.memory_space<semaphore_mem>>) src(%dma_wait3A_111 : memref<320xi32, #tpu.memory_space<hbm>>) dst(%arg14 : memref<320xi32, #tpu.memory_space<vmem>>)
      %add3A_112 = arith.constant 51520 : i32
      %add3A_113 = arith.addi %mul3A_0, %add3A_112 : i32
      %min3A_114 = arith.constant 818880 : i32
      %min3A_115 = arith.minsi %add3A_113, %min3A_114 : i32
      %dma_wait3A_116 = tpu.memref_slice %arg6[%min3A_115] : memref<819200xi32, #tpu.memory_space<hbm>> -> memref<320xi32, #tpu.memory_space<hbm>>
      %dma_wait3A_117 = tpu.memref_slice %arg6[%min3A_115] : memref<819200xi32, #tpu.memory_space<hbm>> -> memref<320xi32, #tpu.memory_space<hbm>>
      tpu.wait_dma2 semaphore(%arg23 : memref<!tpu.dma_semaphore, #tpu.memory_space<semaphore_mem>>) src(%dma_wait3A_117 : memref<320xi32, #tpu.memory_space<hbm>>) dst(%arg15 : memref<320xi32, #tpu.memory_space<vmem>>)
      %add3A_118 = arith.constant 51520 : i32
      %add3A_119 = arith.addi %mul3A_0, %add3A_118 : i32
      %min3A_120 = arith.constant 818880 : i32
      %min3A_121 = arith.minsi %add3A_119, %min3A_120 : i32
      %dma_wait3A_122 = tpu.memref_slice %arg7[%min3A_121] : memref<819200xi32, #tpu.memory_space<hbm>> -> memref<320xi32, #tpu.memory_space<hbm>>
      %dma_wait3A_123 = tpu.memref_slice %arg7[%min3A_121] : memref<819200xi32, #tpu.memory_space<hbm>> -> memref<320xi32, #tpu.memory_space<hbm>>
      tpu.wait_dma2 semaphore(%arg24 : memref<!tpu.dma_semaphore, #tpu.memory_space<semaphore_mem>>) src(%dma_wait3A_123 : memref<320xi32, #tpu.memory_space<hbm>>) dst(%arg16 : memref<320xi32, #tpu.memory_space<vmem>>)
      %barrier3A_124 = arith.constant 0 : index
      tpu.barrier barrier_id(%barrier3A_124)
      %mul3A_125 = arith.constant 3125 : i32
      %mul3A_126 = arith.muli %arg1, %mul3A_125 : i32
      "tpu.region"() ({
        %run_scoped3A = tpu.sem_alloc : memref<!tpu.dma_semaphore, #tpu.memory_space<semaphore_mem>>
        %dma_start3A_128 = arith.constant 0 : i32
        %dma_start3A_129 = tpu.memref_slice %arg12[%mul3A_126, %dma_start3A_128] : memref<50000x16xf32, #tpu.memory_space<hbm>> -> memref<3125x16xf32, #tpu.memory_space<hbm>>
        %dma_start3A_130 = arith.constant 0 : i32
        %dma_start3A_131 = tpu.memref_slice %arg19[%mul3A_126, %dma_start3A_130] : memref<50016x16xf32, #tpu.memory_space<vmem_shared>> -> memref<3125x16xf32, #tpu.memory_space<vmem_shared>>
        tpu.enqueue_dma source(%dma_start3A_131 : memref<3125x16xf32, #tpu.memory_space<vmem_shared>>) target(%dma_start3A_129 : memref<3125x16xf32, #tpu.memory_space<hbm>>) target_semaphore(%run_scoped3A : memref<!tpu.dma_semaphore, #tpu.memory_space<semaphore_mem>>)
        %dma_wait3A_132 = arith.constant 0 : i32
        %dma_wait3A_133 = tpu.memref_slice %arg12[%mul3A_126, %dma_wait3A_132] : memref<50000x16xf32, #tpu.memory_space<hbm>> -> memref<3125x16xf32, #tpu.memory_space<hbm>>
        %dma_wait3A_134 = arith.constant 0 : i32
        %dma_wait3A_135 = tpu.memref_slice %arg19[%mul3A_126, %dma_wait3A_134] : memref<50016x16xf32, #tpu.memory_space<vmem_shared>> -> memref<3125x16xf32, #tpu.memory_space<vmem_shared>>
        tpu.wait_dma2 semaphore(%run_scoped3A : memref<!tpu.dma_semaphore, #tpu.memory_space<semaphore_mem>>) src(%dma_wait3A_135 : memref<3125x16xf32, #tpu.memory_space<vmem_shared>>) dst(%dma_wait3A_133 : memref<3125x16xf32, #tpu.memory_space<hbm>>)
        tpu.yield
      }) : () -> ()
      %barrier3A_127 = arith.constant 0 : index
      tpu.barrier barrier_id(%barrier3A_127)
    } else {
    }
    return
  }
}

module attributes {stable_mosaic.version = 14 : i64} {
  func.func @_mm1_body(%arg0: i32, %arg1: memref<1000x64xf32, #tpu.memory_space<vmem>>, %arg2: memref<64x64xf32, #tpu.memory_space<vmem>>, %arg3: memref<1x64xf32, #tpu.memory_space<vmem>>, %arg4: memref<1000x16xf32, #tpu.memory_space<vmem>>, %arg5: memref<1000x16xf32, #tpu.memory_space<vmem>>, %arg6: memref<1000x16xf32, #tpu.memory_space<vmem>>, %arg7: memref<1000x16xf32, #tpu.memory_space<vmem>>) attributes {dimension_semantics = [#tpu.dimension_semantics<arbitrary>], iteration_bounds = array<i64: 50>, scalar_prefetch = 0 : i64, scratch_operands = 0 : i64, tpu.core_type = #tpu.core_type<tc>, window_params = [{transform_indices = @transform_0, window_bounds = array<i64: 1000, 64>}, {pipeline_mode = #tpu.pipeline_mode<synchronous>, transform_indices = @transform_1, window_bounds = array<i64: 64, 64>}, {pipeline_mode = #tpu.pipeline_mode<synchronous>, transform_indices = @transform_2, window_bounds = array<i64: 1, 64>}, {transform_indices = @transform_3, window_bounds = array<i64: 1000, 16>}, {transform_indices = @transform_4, window_bounds = array<i64: 1000, 16>}, {transform_indices = @transform_5, window_bounds = array<i64: 1000, 16>}, {transform_indices = @transform_6, window_bounds = array<i64: 1000, 16>}]} {
    %get3A = arith.constant 0 : index
    %get3A_0 = arith.constant 0 : index
    %get3A_1 = vector.load %arg1[%get3A, %get3A_0] : memref<1000x64xf32, #tpu.memory_space<vmem>>, vector<1000x64xf32>
    %get3A_2 = arith.constant 0 : index
    %get3A_3 = arith.constant 0 : index
    %get3A_4 = vector.load %arg2[%get3A_2, %get3A_3] : memref<64x64xf32, #tpu.memory_space<vmem>>, vector<64x64xf32>
    %dot_general3A = arith.constant dense<0.000000e+00> : vector<1000x64xf32>
    %dot_general3A_5 = tpu.matmul %get3A_1, %get3A_4, %dot_general3A {dimension_numbers = #tpu.dot_dimension_numbers<[1], [0], [0], [1], [0, 0, 1, 1], [], []>, transpose_lhs_hint = false} : vector<1000x64xf32>, vector<64x64xf32>, vector<1000x64xf32> -> vector<1000x64xf32>
    %get3A_6 = arith.constant 0 : index
    %get3A_7 = arith.constant 0 : index
    %get3A_8 = vector.load %arg3[%get3A_6, %get3A_7] : memref<1x64xf32, #tpu.memory_space<vmem>>, vector<1x64xf32>
    %add3A = vector.broadcast %get3A_8 : vector<1x64xf32> to vector<1000x64xf32>
    %add3A_9 = arith.addf %dot_general3A_5, %add3A : vector<1000x64xf32>
    %slice3A = vector.extract_strided_slice %add3A_9 {offsets = [0, 0], sizes = [1000, 16], strides = [1, 1]} : vector<1000x64xf32> to vector<1000x16xf32>
    %swap3A = arith.constant 0 : index
    %swap3A_10 = arith.constant 0 : index
    %swap3A_11 = vector.load %arg4[%swap3A, %swap3A_10] : memref<1000x16xf32, #tpu.memory_space<vmem>>, vector<1000x16xf32>
    tpu.vector_store %arg4[%swap3A, %swap3A_10], %slice3A {strides = array<i32>} : memref<1000x16xf32, #tpu.memory_space<vmem>>, vector<1000x16xf32>,
    %slice3A_12 = vector.extract_strided_slice %add3A_9 {offsets = [0, 16], sizes = [1000, 16], strides = [1, 1]} : vector<1000x64xf32> to vector<1000x16xf32>
    %swap3A_13 = arith.constant 0 : index
    %swap3A_14 = arith.constant 0 : index
    %swap3A_15 = vector.load %arg5[%swap3A_13, %swap3A_14] : memref<1000x16xf32, #tpu.memory_space<vmem>>, vector<1000x16xf32>
    tpu.vector_store %arg5[%swap3A_13, %swap3A_14], %slice3A_12 {strides = array<i32>} : memref<1000x16xf32, #tpu.memory_space<vmem>>, vector<1000x16xf32>,
    %slice3A_16 = vector.extract_strided_slice %add3A_9 {offsets = [0, 32], sizes = [1000, 16], strides = [1, 1]} : vector<1000x64xf32> to vector<1000x16xf32>
    %swap3A_17 = arith.constant 0 : index
    %swap3A_18 = arith.constant 0 : index
    %swap3A_19 = vector.load %arg6[%swap3A_17, %swap3A_18] : memref<1000x16xf32, #tpu.memory_space<vmem>>, vector<1000x16xf32>
    tpu.vector_store %arg6[%swap3A_17, %swap3A_18], %slice3A_16 {strides = array<i32>} : memref<1000x16xf32, #tpu.memory_space<vmem>>, vector<1000x16xf32>,
    %slice3A_20 = vector.extract_strided_slice %add3A_9 {offsets = [0, 48], sizes = [1000, 16], strides = [1, 1]} : vector<1000x64xf32> to vector<1000x16xf32>
    %swap3A_21 = arith.constant 0 : index
    %swap3A_22 = arith.constant 0 : index
    %swap3A_23 = vector.load %arg7[%swap3A_21, %swap3A_22] : memref<1000x16xf32, #tpu.memory_space<vmem>>, vector<1000x16xf32>
    tpu.vector_store %arg7[%swap3A_21, %swap3A_22], %slice3A_20 {strides = array<i32>} : memref<1000x16xf32, #tpu.memory_space<vmem>>, vector<1000x16xf32>,
    return
  }
  func.func @transform_0(%arg0: i32) -> (i32, i32) {
    %jit3A = arith.constant 10 : i32
    %eq3A = arith.constant 0 : i32
    %eq3A_0 = arith.cmpi eq, %jit3A, %eq3A : i32
    %jit3A_1 = arith.constant 1 : i32
    %select_n3A = arith.select %eq3A_0, %jit3A_1, %jit3A : i32
    %rem3A = arith.remsi %arg0, %select_n3A : i32
    %ne3A = arith.constant 0 : i32
    %ne3A_2 = arith.cmpi ne, %rem3A, %ne3A : i32
    %lt3A = arith.constant 0 : i32
    %lt3A_3 = arith.cmpi slt, %rem3A, %lt3A : i32
    %lt3A_4 = arith.constant 0 : i32
    %lt3A_5 = arith.cmpi slt, %select_n3A, %lt3A_4 : i32
    %ne3A_6 = arith.xori %lt3A_3, %lt3A_5 : i1
    %and3A = arith.andi %ne3A_6, %ne3A_2 : i1
    %add3A = arith.addi %rem3A, %select_n3A : i32
    %select_n3A_7 = arith.select %and3A, %add3A, %rem3A : i32
    %c0_i32 = arith.constant 0 : i32
    %c0_i32_8 = arith.constant 0 : i32
    return %select_n3A_7, %c0_i32 : i32, i32
  }
  func.func @transform_1(%arg0: i32) -> (i32, i32) {
    %c0_i32 = arith.constant 0 : i32
    %c0_i32_0 = arith.constant 0 : i32
    %c0_i32_1 = arith.constant 0 : i32
    return %c0_i32, %c0_i32_0 : i32, i32
  }
  func.func @transform_2(%arg0: i32) -> (i32, i32) {
    %c0_i32 = arith.constant 0 : i32
    %c0_i32_0 = arith.constant 0 : i32
    %c0_i32_1 = arith.constant 0 : i32
    return %c0_i32, %c0_i32_0 : i32, i32
  }
  func.func @transform_3(%arg0: i32) -> (i32, i32) {
    %c0_i32 = arith.constant 0 : i32
    %c0_i32_0 = arith.constant 0 : i32
    return %arg0, %c0_i32 : i32, i32
  }
  func.func @transform_4(%arg0: i32) -> (i32, i32) {
    %c0_i32 = arith.constant 0 : i32
    %c0_i32_0 = arith.constant 0 : i32
    return %arg0, %c0_i32 : i32, i32
  }
  func.func @transform_5(%arg0: i32) -> (i32, i32) {
    %c0_i32 = arith.constant 0 : i32
    %c0_i32_0 = arith.constant 0 : i32
    return %arg0, %c0_i32 : i32, i32
  }
  func.func @transform_6(%arg0: i32) -> (i32, i32) {
    %c0_i32 = arith.constant 0 : i32
    %c0_i32_0 = arith.constant 0 : i32
    return %arg0, %c0_i32 : i32, i32
  }
}

module attributes {stable_mosaic.version = 14 : i64} {
  func.func @_fuse_body(%arg0: i32, %arg1: memref<1000x16xf32, #tpu.memory_space<vmem>>, %arg2: memref<1000x16xf32, #tpu.memory_space<vmem>>, %arg3: memref<1000x16xf32, #tpu.memory_space<vmem>>, %arg4: memref<1000x16xf32, #tpu.memory_space<vmem>>, %arg5: memref<1000x16xf32, #tpu.memory_space<vmem>>, %arg6: memref<1000x16xf32, #tpu.memory_space<vmem>>, %arg7: memref<1000x16xf32, #tpu.memory_space<vmem>>, %arg8: memref<1000x16xf32, #tpu.memory_space<vmem>>, %arg9: memref<1x64xf32, #tpu.memory_space<vmem>>, %arg10: memref<1x64xf32, #tpu.memory_space<vmem>>, %arg11: memref<64x64xf32, #tpu.memory_space<vmem>>, %arg12: memref<1x64xf32, #tpu.memory_space<vmem>>, %arg13: memref<1000x16xf32, #tpu.memory_space<vmem>>, %arg14: memref<1000x16xf32, #tpu.memory_space<vmem>>, %arg15: memref<1000x16xf32, #tpu.memory_space<vmem>>, %arg16: memref<1000x16xf32, #tpu.memory_space<vmem>>) attributes {dimension_semantics = [#tpu.dimension_semantics<arbitrary>], iteration_bounds = array<i64: 50>, scalar_prefetch = 0 : i64, scratch_operands = 0 : i64, tpu.core_type = #tpu.core_type<tc>, window_params = [{transform_indices = @transform_0, window_bounds = array<i64: 1000, 16>}, {transform_indices = @transform_1, window_bounds = array<i64: 1000, 16>}, {transform_indices = @transform_2, window_bounds = array<i64: 1000, 16>}, {transform_indices = @transform_3, window_bounds = array<i64: 1000, 16>}, {transform_indices = @transform_4, window_bounds = array<i64: 1000, 16>}, {transform_indices = @transform_5, window_bounds = array<i64: 1000, 16>}, {transform_indices = @transform_6, window_bounds = array<i64: 1000, 16>}, {transform_indices = @transform_7, window_bounds = array<i64: 1000, 16>}, {pipeline_mode = #tpu.pipeline_mode<synchronous>, transform_indices = @transform_8, window_bounds = array<i64: 1, 64>}, {pipeline_mode = #tpu.pipeline_mode<synchronous>, transform_indices = @transform_9, window_bounds = array<i64: 1, 64>}, {pipeline_mode = #tpu.pipeline_mode<synchronous>, transform_indices = @transform_10, window_bounds = array<i64: 64, 64>}, {pipeline_mode = #tpu.pipeline_mode<synchronous>, transform_indices = @transform_11, window_bounds = array<i64: 1, 64>}, {transform_indices = @transform_12, window_bounds = array<i64: 1000, 16>}, {transform_indices = @transform_13, window_bounds = array<i64: 1000, 16>}, {transform_indices = @transform_14, window_bounds = array<i64: 1000, 16>}, {transform_indices = @transform_15, window_bounds = array<i64: 1000, 16>}]} {
    %get3A = arith.constant 0 : index
    %get3A_0 = arith.constant 0 : index
    %get3A_1 = vector.load %arg1[%get3A, %get3A_0] : memref<1000x16xf32, #tpu.memory_space<vmem>>, vector<1000x16xf32>
    %get3A_2 = arith.constant 0 : index
    %get3A_3 = arith.constant 0 : index
    %get3A_4 = vector.load %arg5[%get3A_2, %get3A_3] : memref<1000x16xf32, #tpu.memory_space<vmem>>, vector<1000x16xf32>
    %add3A = arith.addf %get3A_1, %get3A_4 : vector<1000x16xf32>
    %get3A_5 = arith.constant 0 : index
    %get3A_6 = arith.constant 0 : index
    %get3A_7 = vector.load %arg2[%get3A_5, %get3A_6] : memref<1000x16xf32, #tpu.memory_space<vmem>>, vector<1000x16xf32>
    %get3A_8 = arith.constant 0 : index
    %get3A_9 = arith.constant 0 : index
    %get3A_10 = vector.load %arg6[%get3A_8, %get3A_9] : memref<1000x16xf32, #tpu.memory_space<vmem>>, vector<1000x16xf32>
    %add3A_11 = arith.addf %get3A_7, %get3A_10 : vector<1000x16xf32>
    %get3A_12 = arith.constant 0 : index
    %get3A_13 = arith.constant 0 : index
    %get3A_14 = vector.load %arg3[%get3A_12, %get3A_13] : memref<1000x16xf32, #tpu.memory_space<vmem>>, vector<1000x16xf32>
    %get3A_15 = arith.constant 0 : index
    %get3A_16 = arith.constant 0 : index
    %get3A_17 = vector.load %arg7[%get3A_15, %get3A_16] : memref<1000x16xf32, #tpu.memory_space<vmem>>, vector<1000x16xf32>
    %add3A_18 = arith.addf %get3A_14, %get3A_17 : vector<1000x16xf32>
    %get3A_19 = arith.constant 0 : index
    %get3A_20 = arith.constant 0 : index
    %get3A_21 = vector.load %arg4[%get3A_19, %get3A_20] : memref<1000x16xf32, #tpu.memory_space<vmem>>, vector<1000x16xf32>
    %get3A_22 = arith.constant 0 : index
    %get3A_23 = arith.constant 0 : index
    %get3A_24 = vector.load %arg8[%get3A_22, %get3A_23] : memref<1000x16xf32, #tpu.memory_space<vmem>>, vector<1000x16xf32>
    %add3A_25 = arith.addf %get3A_21, %get3A_24 : vector<1000x16xf32>
    %concatenate3A = tpu.concatenate %add3A, %add3A_11, %add3A_18, %add3A_25 in 1 : vector<1000x16xf32>, vector<1000x16xf32>, vector<1000x16xf32>, vector<1000x16xf32> -> vector<1000x64xf32>
    %max3A = arith.constant 0.000000e+00 : f32
    %max3A_26 = vector.broadcast %max3A : f32 to vector<1000x64xf32>
    %max3A_27 = arith.maximumf %concatenate3A, %max3A_26 : vector<1000x64xf32>
    %get3A_28 = arith.constant 0 : index
    %get3A_29 = arith.constant 0 : index
    %get3A_30 = vector.load %arg9[%get3A_28, %get3A_29] : memref<1x64xf32, #tpu.memory_space<vmem>>, vector<1x64xf32>
    %get3A_31 = arith.constant 0 : index
    %get3A_32 = arith.constant 0 : index
    %get3A_33 = vector.load %arg10[%get3A_31, %get3A_32] : memref<1x64xf32, #tpu.memory_space<vmem>>, vector<1x64xf32>
    %reduce_sum3A = arith.constant dense<0.000000e+00> : vector<1000xf32>
    %reduce_sum3A_34 = vector.multi_reduction <add>, %max3A_27, %reduce_sum3A [1] : vector<1000x64xf32> to vector<1000xf32>
    %broadcast_in_dim3A = vector.shape_cast %reduce_sum3A_34 : vector<1000xf32> to vector<1000x1xf32>
    %div3A = arith.constant 6.400000e+01 : f32
    %div3A_35 = vector.broadcast %div3A : f32 to vector<1000x1xf32>
    %div3A_36 = arith.divf %broadcast_in_dim3A, %div3A_35 : vector<1000x1xf32>
    %sub3A = vector.broadcast %div3A_36 : vector<1000x1xf32> to vector<1000x64xf32>
    %sub3A_37 = arith.subf %max3A_27, %sub3A : vector<1000x64xf32>
    %mul3A = arith.mulf %sub3A_37, %sub3A_37 : vector<1000x64xf32>
    %reduce_sum3A_38 = arith.constant dense<0.000000e+00> : vector<1000xf32>
    %reduce_sum3A_39 = vector.multi_reduction <add>, %mul3A, %reduce_sum3A_38 [1] : vector<1000x64xf32> to vector<1000xf32>
    %broadcast_in_dim3A_40 = vector.shape_cast %reduce_sum3A_39 : vector<1000xf32> to vector<1000x1xf32>
    %div3A_41 = arith.constant 6.400000e+01 : f32
    %div3A_42 = vector.broadcast %div3A_41 : f32 to vector<1000x1xf32>
    %div3A_43 = arith.divf %broadcast_in_dim3A_40, %div3A_42 : vector<1000x1xf32>
    %add3A_44 = arith.constant 9.99999974E-6 : f32
    %add3A_45 = vector.broadcast %add3A_44 : f32 to vector<1000x1xf32>
    %add3A_46 = arith.addf %div3A_43, %add3A_45 : vector<1000x1xf32>
    %rsqrt3A = math.rsqrt %add3A_46 : vector<1000x1xf32>
    %mul3A_47 = vector.broadcast %rsqrt3A : vector<1000x1xf32> to vector<1000x64xf32>
    %mul3A_48 = arith.mulf %sub3A_37, %mul3A_47 : vector<1000x64xf32>
    %mul3A_49 = vector.broadcast %get3A_30 : vector<1x64xf32> to vector<1000x64xf32>
    %mul3A_50 = arith.mulf %mul3A_48, %mul3A_49 : vector<1000x64xf32>
    %add3A_51 = vector.broadcast %get3A_33 : vector<1x64xf32> to vector<1000x64xf32>
    %add3A_52 = arith.addf %mul3A_50, %add3A_51 : vector<1000x64xf32>
    %get3A_53 = arith.constant 0 : index
    %get3A_54 = arith.constant 0 : index
    %get3A_55 = vector.load %arg11[%get3A_53, %get3A_54] : memref<64x64xf32, #tpu.memory_space<vmem>>, vector<64x64xf32>
    %dot_general3A = arith.constant dense<0.000000e+00> : vector<1000x64xf32>
    %dot_general3A_56 = tpu.matmul %add3A_52, %get3A_55, %dot_general3A {dimension_numbers = #tpu.dot_dimension_numbers<[1], [0], [0], [1], [0, 0, 1, 1], [], []>, transpose_lhs_hint = false} : vector<1000x64xf32>, vector<64x64xf32>, vector<1000x64xf32> -> vector<1000x64xf32>
    %get3A_57 = arith.constant 0 : index
    %get3A_58 = arith.constant 0 : index
    %get3A_59 = vector.load %arg12[%get3A_57, %get3A_58] : memref<1x64xf32, #tpu.memory_space<vmem>>, vector<1x64xf32>
    %add3A_60 = vector.broadcast %get3A_59 : vector<1x64xf32> to vector<1000x64xf32>
    %add3A_61 = arith.addf %dot_general3A_56, %add3A_60 : vector<1000x64xf32>
    %slice3A = vector.extract_strided_slice %add3A_61 {offsets = [0, 0], sizes = [1000, 16], strides = [1, 1]} : vector<1000x64xf32> to vector<1000x16xf32>
    %swap3A = arith.constant 0 : index
    %swap3A_62 = arith.constant 0 : index
    %swap3A_63 = vector.load %arg13[%swap3A, %swap3A_62] : memref<1000x16xf32, #tpu.memory_space<vmem>>, vector<1000x16xf32>
    tpu.vector_store %arg13[%swap3A, %swap3A_62], %slice3A {strides = array<i32>} : memref<1000x16xf32, #tpu.memory_space<vmem>>, vector<1000x16xf32>,
    %slice3A_64 = vector.extract_strided_slice %add3A_61 {offsets = [0, 16], sizes = [1000, 16], strides = [1, 1]} : vector<1000x64xf32> to vector<1000x16xf32>
    %swap3A_65 = arith.constant 0 : index
    %swap3A_66 = arith.constant 0 : index
    %swap3A_67 = vector.load %arg14[%swap3A_65, %swap3A_66] : memref<1000x16xf32, #tpu.memory_space<vmem>>, vector<1000x16xf32>
    tpu.vector_store %arg14[%swap3A_65, %swap3A_66], %slice3A_64 {strides = array<i32>} : memref<1000x16xf32, #tpu.memory_space<vmem>>, vector<1000x16xf32>,
    %slice3A_68 = vector.extract_strided_slice %add3A_61 {offsets = [0, 32], sizes = [1000, 16], strides = [1, 1]} : vector<1000x64xf32> to vector<1000x16xf32>
    %swap3A_69 = arith.constant 0 : index
    %swap3A_70 = arith.constant 0 : index
    %swap3A_71 = vector.load %arg15[%swap3A_69, %swap3A_70] : memref<1000x16xf32, #tpu.memory_space<vmem>>, vector<1000x16xf32>
    tpu.vector_store %arg15[%swap3A_69, %swap3A_70], %slice3A_68 {strides = array<i32>} : memref<1000x16xf32, #tpu.memory_space<vmem>>, vector<1000x16xf32>,
    %slice3A_72 = vector.extract_strided_slice %add3A_61 {offsets = [0, 48], sizes = [1000, 16], strides = [1, 1]} : vector<1000x64xf32> to vector<1000x16xf32>
    %swap3A_73 = arith.constant 0 : index
    %swap3A_74 = arith.constant 0 : index
    %swap3A_75 = vector.load %arg16[%swap3A_73, %swap3A_74] : memref<1000x16xf32, #tpu.memory_space<vmem>>, vector<1000x16xf32>
    tpu.vector_store %arg16[%swap3A_73, %swap3A_74], %slice3A_72 {strides = array<i32>} : memref<1000x16xf32, #tpu.memory_space<vmem>>, vector<1000x16xf32>,
    return
  }
  func.func @transform_0(%arg0: i32) -> (i32, i32) {
    %c0_i32 = arith.constant 0 : i32
    %c0_i32_0 = arith.constant 0 : i32
    return %arg0, %c0_i32 : i32, i32
  }
  func.func @transform_1(%arg0: i32) -> (i32, i32) {
    %c0_i32 = arith.constant 0 : i32
    %c0_i32_0 = arith.constant 0 : i32
    return %arg0, %c0_i32 : i32, i32
  }
  func.func @transform_2(%arg0: i32) -> (i32, i32) {
    %c0_i32 = arith.constant 0 : i32
    %c0_i32_0 = arith.constant 0 : i32
    return %arg0, %c0_i32 : i32, i32
  }
  func.func @transform_3(%arg0: i32) -> (i32, i32) {
    %c0_i32 = arith.constant 0 : i32
    %c0_i32_0 = arith.constant 0 : i32
    return %arg0, %c0_i32 : i32, i32
  }
  func.func @transform_4(%arg0: i32) -> (i32, i32) {
    %c0_i32 = arith.constant 0 : i32
    %c0_i32_0 = arith.constant 0 : i32
    return %arg0, %c0_i32 : i32, i32
  }
  func.func @transform_5(%arg0: i32) -> (i32, i32) {
    %c0_i32 = arith.constant 0 : i32
    %c0_i32_0 = arith.constant 0 : i32
    return %arg0, %c0_i32 : i32, i32
  }
  func.func @transform_6(%arg0: i32) -> (i32, i32) {
    %c0_i32 = arith.constant 0 : i32
    %c0_i32_0 = arith.constant 0 : i32
    return %arg0, %c0_i32 : i32, i32
  }
  func.func @transform_7(%arg0: i32) -> (i32, i32) {
    %c0_i32 = arith.constant 0 : i32
    %c0_i32_0 = arith.constant 0 : i32
    return %arg0, %c0_i32 : i32, i32
  }
  func.func @transform_8(%arg0: i32) -> (i32, i32) {
    %c0_i32 = arith.constant 0 : i32
    %c0_i32_0 = arith.constant 0 : i32
    %c0_i32_1 = arith.constant 0 : i32
    return %c0_i32, %c0_i32_0 : i32, i32
  }
  func.func @transform_9(%arg0: i32) -> (i32, i32) {
    %c0_i32 = arith.constant 0 : i32
    %c0_i32_0 = arith.constant 0 : i32
    %c0_i32_1 = arith.constant 0 : i32
    return %c0_i32, %c0_i32_0 : i32, i32
  }
  func.func @transform_10(%arg0: i32) -> (i32, i32) {
    %c0_i32 = arith.constant 0 : i32
    %c0_i32_0 = arith.constant 0 : i32
    %c0_i32_1 = arith.constant 0 : i32
    return %c0_i32, %c0_i32_0 : i32, i32
  }
  func.func @transform_11(%arg0: i32) -> (i32, i32) {
    %c0_i32 = arith.constant 0 : i32
    %c0_i32_0 = arith.constant 0 : i32
    %c0_i32_1 = arith.constant 0 : i32
    return %c0_i32, %c0_i32_0 : i32, i32
  }
  func.func @transform_12(%arg0: i32) -> (i32, i32) {
    %c0_i32 = arith.constant 0 : i32
    %c0_i32_0 = arith.constant 0 : i32
    return %arg0, %c0_i32 : i32, i32
  }
  func.func @transform_13(%arg0: i32) -> (i32, i32) {
    %c0_i32 = arith.constant 0 : i32
    %c0_i32_0 = arith.constant 0 : i32
    return %arg0, %c0_i32 : i32, i32
  }
  func.func @transform_14(%arg0: i32) -> (i32, i32) {
    %c0_i32 = arith.constant 0 : i32
    %c0_i32_0 = arith.constant 0 : i32
    return %arg0, %c0_i32 : i32, i32
  }
  func.func @transform_15(%arg0: i32) -> (i32, i32) {
    %c0_i32 = arith.constant 0 : i32
    %c0_i32_0 = arith.constant 0 : i32
    return %arg0, %c0_i32 : i32, i32
  }
}

module attributes {stable_mosaic.version = 14 : i64} {
  func.func @_final_body(%arg0: i32, %arg1: memref<1000x16xf32, #tpu.memory_space<vmem>>, %arg2: memref<1000x16xf32, #tpu.memory_space<vmem>>, %arg3: memref<1000x16xf32, #tpu.memory_space<vmem>>, %arg4: memref<1000x16xf32, #tpu.memory_space<vmem>>, %arg5: memref<1000x16xf32, #tpu.memory_space<vmem>>, %arg6: memref<1000x16xf32, #tpu.memory_space<vmem>>, %arg7: memref<1000x16xf32, #tpu.memory_space<vmem>>, %arg8: memref<1000x16xf32, #tpu.memory_space<vmem>>, %arg9: memref<1x64xf32, #tpu.memory_space<vmem>>, %arg10: memref<1x64xf32, #tpu.memory_space<vmem>>, %arg11: memref<1x64xf32, #tpu.memory_space<vmem>>, %arg12: memref<1x64xf32, #tpu.memory_space<vmem>>, %arg13: memref<1000x64xf32, #tpu.memory_space<vmem>>) attributes {dimension_semantics = [#tpu.dimension_semantics<arbitrary>], iteration_bounds = array<i64: 50>, scalar_prefetch = 0 : i64, scratch_operands = 0 : i64, tpu.core_type = #tpu.core_type<tc>, window_params = [{transform_indices = @transform_0, window_bounds = array<i64: 1000, 16>}, {transform_indices = @transform_1, window_bounds = array<i64: 1000, 16>}, {transform_indices = @transform_2, window_bounds = array<i64: 1000, 16>}, {transform_indices = @transform_3, window_bounds = array<i64: 1000, 16>}, {transform_indices = @transform_4, window_bounds = array<i64: 1000, 16>}, {transform_indices = @transform_5, window_bounds = array<i64: 1000, 16>}, {transform_indices = @transform_6, window_bounds = array<i64: 1000, 16>}, {transform_indices = @transform_7, window_bounds = array<i64: 1000, 16>}, {pipeline_mode = #tpu.pipeline_mode<synchronous>, transform_indices = @transform_8, window_bounds = array<i64: 1, 64>}, {pipeline_mode = #tpu.pipeline_mode<synchronous>, transform_indices = @transform_9, window_bounds = array<i64: 1, 64>}, {pipeline_mode = #tpu.pipeline_mode<synchronous>, transform_indices = @transform_10, window_bounds = array<i64: 1, 64>}, {pipeline_mode = #tpu.pipeline_mode<synchronous>, transform_indices = @transform_11, window_bounds = array<i64: 1, 64>}, {transform_indices = @transform_12, window_bounds = array<i64: 1000, 64>}]} {
    %get3A = arith.constant 0 : index
    %get3A_0 = arith.constant 0 : index
    %get3A_1 = vector.load %arg1[%get3A, %get3A_0] : memref<1000x16xf32, #tpu.memory_space<vmem>>, vector<1000x16xf32>
    %get3A_2 = arith.constant 0 : index
    %get3A_3 = arith.constant 0 : index
    %get3A_4 = vector.load %arg5[%get3A_2, %get3A_3] : memref<1000x16xf32, #tpu.memory_space<vmem>>, vector<1000x16xf32>
    %add3A = arith.addf %get3A_1, %get3A_4 : vector<1000x16xf32>
    %get3A_5 = arith.constant 0 : index
    %get3A_6 = arith.constant 0 : index
    %get3A_7 = vector.load %arg2[%get3A_5, %get3A_6] : memref<1000x16xf32, #tpu.memory_space<vmem>>, vector<1000x16xf32>
    %get3A_8 = arith.constant 0 : index
    %get3A_9 = arith.constant 0 : index
    %get3A_10 = vector.load %arg6[%get3A_8, %get3A_9] : memref<1000x16xf32, #tpu.memory_space<vmem>>, vector<1000x16xf32>
    %add3A_11 = arith.addf %get3A_7, %get3A_10 : vector<1000x16xf32>
    %get3A_12 = arith.constant 0 : index
    %get3A_13 = arith.constant 0 : index
    %get3A_14 = vector.load %arg3[%get3A_12, %get3A_13] : memref<1000x16xf32, #tpu.memory_space<vmem>>, vector<1000x16xf32>
    %get3A_15 = arith.constant 0 : index
    %get3A_16 = arith.constant 0 : index
    %get3A_17 = vector.load %arg7[%get3A_15, %get3A_16] : memref<1000x16xf32, #tpu.memory_space<vmem>>, vector<1000x16xf32>
    %add3A_18 = arith.addf %get3A_14, %get3A_17 : vector<1000x16xf32>
    %get3A_19 = arith.constant 0 : index
    %get3A_20 = arith.constant 0 : index
    %get3A_21 = vector.load %arg4[%get3A_19, %get3A_20] : memref<1000x16xf32, #tpu.memory_space<vmem>>, vector<1000x16xf32>
    %get3A_22 = arith.constant 0 : index
    %get3A_23 = arith.constant 0 : index
    %get3A_24 = vector.load %arg8[%get3A_22, %get3A_23] : memref<1000x16xf32, #tpu.memory_space<vmem>>, vector<1000x16xf32>
    %add3A_25 = arith.addf %get3A_21, %get3A_24 : vector<1000x16xf32>
    %concatenate3A = tpu.concatenate %add3A, %add3A_11, %add3A_18, %add3A_25 in 1 : vector<1000x16xf32>, vector<1000x16xf32>, vector<1000x16xf32>, vector<1000x16xf32> -> vector<1000x64xf32>
    %max3A = arith.constant 0.000000e+00 : f32
    %max3A_26 = vector.broadcast %max3A : f32 to vector<1000x64xf32>
    %max3A_27 = arith.maximumf %concatenate3A, %max3A_26 : vector<1000x64xf32>
    %get3A_28 = arith.constant 0 : index
    %get3A_29 = arith.constant 0 : index
    %get3A_30 = vector.load %arg9[%get3A_28, %get3A_29] : memref<1x64xf32, #tpu.memory_space<vmem>>, vector<1x64xf32>
    %get3A_31 = arith.constant 0 : index
    %get3A_32 = arith.constant 0 : index
    %get3A_33 = vector.load %arg10[%get3A_31, %get3A_32] : memref<1x64xf32, #tpu.memory_space<vmem>>, vector<1x64xf32>
    %reduce_sum3A = arith.constant dense<0.000000e+00> : vector<1000xf32>
    %reduce_sum3A_34 = vector.multi_reduction <add>, %max3A_27, %reduce_sum3A [1] : vector<1000x64xf32> to vector<1000xf32>
    %broadcast_in_dim3A = vector.shape_cast %reduce_sum3A_34 : vector<1000xf32> to vector<1000x1xf32>
    %div3A = arith.constant 6.400000e+01 : f32
    %div3A_35 = vector.broadcast %div3A : f32 to vector<1000x1xf32>
    %div3A_36 = arith.divf %broadcast_in_dim3A, %div3A_35 : vector<1000x1xf32>
    %sub3A = vector.broadcast %div3A_36 : vector<1000x1xf32> to vector<1000x64xf32>
    %sub3A_37 = arith.subf %max3A_27, %sub3A : vector<1000x64xf32>
    %mul3A = arith.mulf %sub3A_37, %sub3A_37 : vector<1000x64xf32>
    %reduce_sum3A_38 = arith.constant dense<0.000000e+00> : vector<1000xf32>
    %reduce_sum3A_39 = vector.multi_reduction <add>, %mul3A, %reduce_sum3A_38 [1] : vector<1000x64xf32> to vector<1000xf32>
    %broadcast_in_dim3A_40 = vector.shape_cast %reduce_sum3A_39 : vector<1000xf32> to vector<1000x1xf32>
    %div3A_41 = arith.constant 6.400000e+01 : f32
    %div3A_42 = vector.broadcast %div3A_41 : f32 to vector<1000x1xf32>
    %div3A_43 = arith.divf %broadcast_in_dim3A_40, %div3A_42 : vector<1000x1xf32>
    %add3A_44 = arith.constant 9.99999974E-6 : f32
    %add3A_45 = vector.broadcast %add3A_44 : f32 to vector<1000x1xf32>
    %add3A_46 = arith.addf %div3A_43, %add3A_45 : vector<1000x1xf32>
    %rsqrt3A = math.rsqrt %add3A_46 : vector<1000x1xf32>
    %mul3A_47 = vector.broadcast %rsqrt3A : vector<1000x1xf32> to vector<1000x64xf32>
    %mul3A_48 = arith.mulf %sub3A_37, %mul3A_47 : vector<1000x64xf32>
    %mul3A_49 = vector.broadcast %get3A_30 : vector<1x64xf32> to vector<1000x64xf32>
    %mul3A_50 = arith.mulf %mul3A_48, %mul3A_49 : vector<1000x64xf32>
    %add3A_51 = vector.broadcast %get3A_33 : vector<1x64xf32> to vector<1000x64xf32>
    %add3A_52 = arith.addf %mul3A_50, %add3A_51 : vector<1000x64xf32>
    %get3A_53 = arith.constant 0 : index
    %get3A_54 = arith.constant 0 : index
    %get3A_55 = vector.load %arg11[%get3A_53, %get3A_54] : memref<1x64xf32, #tpu.memory_space<vmem>>, vector<1x64xf32>
    %get3A_56 = arith.constant 0 : index
    %get3A_57 = arith.constant 0 : index
    %get3A_58 = vector.load %arg12[%get3A_56, %get3A_57] : memref<1x64xf32, #tpu.memory_space<vmem>>, vector<1x64xf32>
    %reduce_sum3A_59 = arith.constant dense<0.000000e+00> : vector<1000xf32>
    %reduce_sum3A_60 = vector.multi_reduction <add>, %add3A_52, %reduce_sum3A_59 [1] : vector<1000x64xf32> to vector<1000xf32>
    %broadcast_in_dim3A_61 = vector.shape_cast %reduce_sum3A_60 : vector<1000xf32> to vector<1000x1xf32>
    %div3A_62 = arith.constant 6.400000e+01 : f32
    %div3A_63 = vector.broadcast %div3A_62 : f32 to vector<1000x1xf32>
    %div3A_64 = arith.divf %broadcast_in_dim3A_61, %div3A_63 : vector<1000x1xf32>
    %sub3A_65 = vector.broadcast %div3A_64 : vector<1000x1xf32> to vector<1000x64xf32>
    %sub3A_66 = arith.subf %add3A_52, %sub3A_65 : vector<1000x64xf32>
    %mul3A_67 = arith.mulf %sub3A_66, %sub3A_66 : vector<1000x64xf32>
    %reduce_sum3A_68 = arith.constant dense<0.000000e+00> : vector<1000xf32>
    %reduce_sum3A_69 = vector.multi_reduction <add>, %mul3A_67, %reduce_sum3A_68 [1] : vector<1000x64xf32> to vector<1000xf32>
    %broadcast_in_dim3A_70 = vector.shape_cast %reduce_sum3A_69 : vector<1000xf32> to vector<1000x1xf32>
    %div3A_71 = arith.constant 6.400000e+01 : f32
    %div3A_72 = vector.broadcast %div3A_71 : f32 to vector<1000x1xf32>
    %div3A_73 = arith.divf %broadcast_in_dim3A_70, %div3A_72 : vector<1000x1xf32>
    %add3A_74 = arith.constant 9.99999974E-6 : f32
    %add3A_75 = vector.broadcast %add3A_74 : f32 to vector<1000x1xf32>
    %add3A_76 = arith.addf %div3A_73, %add3A_75 : vector<1000x1xf32>
    %rsqrt3A_77 = math.rsqrt %add3A_76 : vector<1000x1xf32>
    %mul3A_78 = vector.broadcast %rsqrt3A_77 : vector<1000x1xf32> to vector<1000x64xf32>
    %mul3A_79 = arith.mulf %sub3A_66, %mul3A_78 : vector<1000x64xf32>
    %mul3A_80 = vector.broadcast %get3A_55 : vector<1x64xf32> to vector<1000x64xf32>
    %mul3A_81 = arith.mulf %mul3A_79, %mul3A_80 : vector<1000x64xf32>
    %add3A_82 = vector.broadcast %get3A_58 : vector<1x64xf32> to vector<1000x64xf32>
    %add3A_83 = arith.addf %mul3A_81, %add3A_82 : vector<1000x64xf32>
    %swap3A = arith.constant 0 : index
    %swap3A_84 = arith.constant 0 : index
    %swap3A_85 = vector.load %arg13[%swap3A, %swap3A_84] : memref<1000x64xf32, #tpu.memory_space<vmem>>, vector<1000x64xf32>
    tpu.vector_store %arg13[%swap3A, %swap3A_84], %add3A_83 {strides = array<i32>} : memref<1000x64xf32, #tpu.memory_space<vmem>>, vector<1000x64xf32>,
    return
  }
  func.func @transform_0(%arg0: i32) -> (i32, i32) {
    %c0_i32 = arith.constant 0 : i32
    %c0_i32_0 = arith.constant 0 : i32
    return %arg0, %c0_i32 : i32, i32
  }
  func.func @transform_1(%arg0: i32) -> (i32, i32) {
    %c0_i32 = arith.constant 0 : i32
    %c0_i32_0 = arith.constant 0 : i32
    return %arg0, %c0_i32 : i32, i32
  }
  func.func @transform_2(%arg0: i32) -> (i32, i32) {
    %c0_i32 = arith.constant 0 : i32
    %c0_i32_0 = arith.constant 0 : i32
    return %arg0, %c0_i32 : i32, i32
  }
  func.func @transform_3(%arg0: i32) -> (i32, i32) {
    %c0_i32 = arith.constant 0 : i32
    %c0_i32_0 = arith.constant 0 : i32
    return %arg0, %c0_i32 : i32, i32
  }
  func.func @transform_4(%arg0: i32) -> (i32, i32) {
    %c0_i32 = arith.constant 0 : i32
    %c0_i32_0 = arith.constant 0 : i32
    return %arg0, %c0_i32 : i32, i32
  }
  func.func @transform_5(%arg0: i32) -> (i32, i32) {
    %c0_i32 = arith.constant 0 : i32
    %c0_i32_0 = arith.constant 0 : i32
    return %arg0, %c0_i32 : i32, i32
  }
  func.func @transform_6(%arg0: i32) -> (i32, i32) {
    %c0_i32 = arith.constant 0 : i32
    %c0_i32_0 = arith.constant 0 : i32
    return %arg0, %c0_i32 : i32, i32
  }
  func.func @transform_7(%arg0: i32) -> (i32, i32) {
    %c0_i32 = arith.constant 0 : i32
    %c0_i32_0 = arith.constant 0 : i32
    return %arg0, %c0_i32 : i32, i32
  }
  func.func @transform_8(%arg0: i32) -> (i32, i32) {
    %c0_i32 = arith.constant 0 : i32
    %c0_i32_0 = arith.constant 0 : i32
    %c0_i32_1 = arith.constant 0 : i32
    return %c0_i32, %c0_i32_0 : i32, i32
  }
  func.func @transform_9(%arg0: i32) -> (i32, i32) {
    %c0_i32 = arith.constant 0 : i32
    %c0_i32_0 = arith.constant 0 : i32
    %c0_i32_1 = arith.constant 0 : i32
    return %c0_i32, %c0_i32_0 : i32, i32
  }
  func.func @transform_10(%arg0: i32) -> (i32, i32) {
    %c0_i32 = arith.constant 0 : i32
    %c0_i32_0 = arith.constant 0 : i32
    %c0_i32_1 = arith.constant 0 : i32
    return %c0_i32, %c0_i32_0 : i32, i32
  }
  func.func @transform_11(%arg0: i32) -> (i32, i32) {
    %c0_i32 = arith.constant 0 : i32
    %c0_i32_0 = arith.constant 0 : i32
    %c0_i32_1 = arith.constant 0 : i32
    return %c0_i32, %c0_i32_0 : i32, i32
  }
  func.func @transform_12(%arg0: i32) -> (i32, i32) {
    %c0_i32 = arith.constant 0 : i32
    %c0_i32_0 = arith.constant 0 : i32
    return %arg0, %c0_i32 : i32, i32
  }
}

</mosaic_0001>

<sc_bundles>
// kernel: kernel.12.cloned.1.call-start
scs
__scs_entry_jumppad:
0x0: {  	(pc) =	sbr.rel $0x88, $3  }
0x1: {  	(tag) =	ssettag $0x0;
	lr =	simm.s32 $0x1  }
0x2: {  	[smem:$0x3F95] =	sst lr;
	_ =	strace $0xD0000000  }
0x3: {  	_ = 	snop  }
0x4: {  	_ = 	snop  }
0x5: {  	_ = 	snop  }
0x6: {  	_ = 	snop  }
0x7: {  	_ = 	snop  }
__scs_overlays_trampoline_lowered:
0x8: {  	[smem:$0x3FA4] =	sst s0  }
0x9: {  	[smem:$0x3FA5] =	sst s1  }
0xa: {  	[smem:$0x3FA6] =	sst s2  }
0xb: {  	[smem:$0x3FA7] =	sst s3  }
0xc: {  	[smem:$0x3FA8] =	sst s4  }
0xd: {  	[smem:$0x3FA9] =	sst s5  }
0xe: {  	[smem:$0x3FAA] =	sst s6  }
0xf: {  	[smem:$0x3FAB] =	sst s7  }
0x10: {  	[smem:$0x3FAC] =	sst s8  }
0x11: {  	[smem:$0x3FAD] =	sst s9;
	s0 =	simm.s32 @!p0 $0x0  }
0x12: {  	s1 =	sld [smem:$0x3F93];
	s0 =	simm.s32 @p0 $0x1  }
0x13: {  	[smem:$0x3FAE] =	sst s0;
	s0 =	simm.s32 @!p1 $0x0  }
0x14: {  	s2 =	sld [smem:$0x3F92];
	s0 =	simm.s32 @p1 $0x1  }
0x15: {  	[smem:$0x3FAF] =	sst s0;
	s0 =	simm.s32 @!p2 $0x0  }
0x16: {  	s3 =	sld [smem:$0x3FDB];
	s0 =	simm.s32 @p2 $0x1  }
0x17: {  	s4 =	simm.s32 $0x1BF5;
	[smem:$0x3FB1] =	sst s0  }
0x18: {  	s0 =	sld [smem:$0x3F94];
	_ =	swait.ge [sflag:s4], $0x0  }
0x19: {  	s7 =	sld [smem:$0x3F95]  }
0x1a: {  	s8 =	sadd.s32 $0xFFFFE003, lr  }
0x1b: {  	s9 =	sadd.s32 $0xFFFFFEF7, lr;
	s5 =	simm.s32 $0xFFFFFFFF;
	p2 =	slt.u32 s8, $0xFFFFF086  }
0x1c: {  	p1 =	slt.u32 s9, $0xF7A;
	s5 =	simm.s32 @!p2 $0x0  }
0x1d: {  	s5 =	simm.s32 @p1 $0x1;
	p0 =	seq.s32 s7, s2  }
0x1e: {  	s7 =	smul.u32 @!p0 $0xF7A, s2;
	p2 =	seq.s32 @!p0 s5, $0x0  }
0x1f: {  	s9 =	smul.u32 $0xF7A, s1;
	s8 =	simm.s32 @!p0 $0x1BF5;
	p2 =	por !p2, p0  }
0x20: {  	[sflag:s8] =	ssyncset.s32 @!p0 $0xFFFFF086;
	s6 =	sadd.s32 @!p0 s3, s7;
	s7 =	simm.s32 @!p0 $0x108  }
0x21: {  	s3 =	sadd.s32 s3, s9;
	s6 =	sadd.s32 @!p0 $0x88, s6;
	s7 =	simm.s32 @p2 $0x1082  }
0x22: {  	[simem:s7], [sflag:s8] =	dma.local @!p0 [hbm:s6], $0xF7A  }
0x23: {  	s9 =	sor.u32 $0xD0000000, s2;
	s6 =	simm.s32 $0x108;
	_ =	swait.ge @!p0 [sflag:s8], $0x0  }
0x24: {  	s3 =	sadd.s32 $0x88, s3;
	s6 =	simm.s32 @!p1 $0x1082;
	[sflag:s4] =	ssyncset.s32 $0xFFFFF086  }
0x25: {  	[simem:s6], [sflag:s4] =	dma.local [hbm:s3], $0xF7A  }
0x26: {  	[smem:$0x3F95] =	sst s1;
	(tag) =	ssettag s2;
	_ =	strace s9  }
0x27: {  	s1 =	sld [smem:$0x3FA5]  }
0x28: {  	s2 =	sld [smem:$0x3FA6]  }
0x29: {  	s4 =	sld [smem:$0x3FA8]  }
0x2a: {  	p0 =	seq.s32 s5, $0x0;
	s5 =	sld [smem:$0x3FA9]  }
0x2b: {  	s6 =	sld [smem:$0x3FAA]  }
0x2c: {  	s7 =	sld [smem:$0x3FAB]  }
0x2d: {  	s3 =	simm.s32 $0x108;
	s8 =	sld [smem:$0x3FAC]  }
0x2e: {  	s3 =	simm.s32 @!p0 $0x1082;
	s9 =	sld [smem:$0x3FAD]  }
0x2f: {  	lr =	sadd.s32 s0, s3;
	s0 =	sld [smem:$0x3FA4]  }
0x30: {  	s3 =	sld [smem:$0x3FA7]  }
0x31: {  	[smem:$0x3FB0] =	sst s10  }
0x32: {  	s10 =	sld [smem:$0x3FAE];
	_ =	sdelay $0x3  }
0x33: {  	p0 =	seq.s32 s10, $0x1;
	s10 =	sld [smem:$0x3FB0];
	_ =	sdelay $0x3  }
0x34: {  	[smem:$0x3FB0] =	sst s10  }
0x35: {  	s10 =	sld [smem:$0x3FAF];
	_ =	sdelay $0x3  }
0x36: {  	p1 =	seq.s32 s10, $0x1;
	s10 =	sld [smem:$0x3FB0];
	_ =	sdelay $0x3  }
0x37: {  	[smem:$0x3FB0] =	sst s10  }
0x38: {  	s10 =	sld [smem:$0x3FB1]  }
0x39: {  	_ = 	snop;
	(pc) =	sbr.ind lr, $3  }
0x3a: {  	_ = 	snop  }
0x3b: {  	_ = 	snop  }
0x3c: {  	p2 =	seq.s32 s10, $0x1;
	s10 =	sld [smem:$0x3FB0]  }
0x3d: {  	_ =	shalt  }
0x3e: {  	_ =	shalt  }
0x3f: {  	_ =	shalt  }
0x40: {  	_ =	shalt  }
0x41: {  	_ =	shalt  }
0x42: {  	_ =	shalt  }
0x43: {  	_ =	shalt  }
0x44: {  	_ =	shalt  }
0x45: {  	_ =	shalt  }
0x46: {  	_ =	shalt  }
0x47: {  	_ =	shalt  }
0x48: {  	_ =	shalt  }
0x49: {  	_ =	shalt  }
0x4a: {  	_ =	shalt  }
0x4b: {  	_ =	shalt  }
0x4c: {  	_ =	shalt  }
0x4d: {  	_ =	shalt  }
0x4e: {  	_ =	shalt  }
0x4f: {  	_ =	shalt  }
0x50: {  	_ =	shalt  }
0x51: {  	_ =	shalt  }
0x52: {  	_ =	shalt  }
0x53: {  	_ =	shalt  }
0x54: {  	_ =	shalt  }
0x55: {  	_ =	shalt  }
0x56: {  	_ =	shalt  }
0x57: {  	_ =	shalt  }
0x58: {  	_ =	shalt  }
0x59: {  	_ =	shalt  }
0x5a: {  	_ =	shalt  }
0x5b: {  	_ =	shalt  }
0x5c: {  	_ =	shalt  }
0x5d: {  	_ =	shalt  }
0x5e: {  	_ =	shalt  }
0x5f: {  	_ =	shalt  }
0x60: {  	_ =	shalt  }
0x61: {  	_ =	shalt  }
0x62: {  	_ =	shalt  }
0x63: {  	_ =	shalt  }
0x64: {  	_ =	shalt  }
0x65: {  	_ =	shalt  }
0x66: {  	_ =	shalt  }
0x67: {  	_ =	shalt  }
0x68: {  	_ =	shalt  }
0x69: {  	_ =	shalt  }
0x6a: {  	_ =	shalt  }
0x6b: {  	_ =	shalt  }
0x6c: {  	_ =	shalt  }
0x6d: {  	_ =	shalt  }
0x6e: {  	_ =	shalt  }
0x6f: {  	_ =	shalt  }
0x70: {  	_ =	shalt  }
0x71: {  	_ =	shalt  }
0x72: {  	_ =	shalt  }
0x73: {  	_ =	shalt  }
0x74: {  	_ =	shalt  }
0x75: {  	_ =	shalt  }
0x76: {  	_ =	shalt  }
0x77: {  	_ =	shalt  }
0x78: {  	_ =	shalt  }
0x79: {  	_ =	shalt  }
0x7a: {  	_ =	shalt  }
0x7b: {  	_ =	shalt  }
0x7c: {  	_ =	shalt  }
0x7d: {  	_ =	shalt  }
0x7e: {  	_ =	shalt  }
0x7f: {  	_ =	shalt  }
0x80: {  	_ =	shalt  }
0x81: {  	_ =	shalt  }
0x82: {  	_ =	shalt  }
0x83: {  	_ =	shalt  }
0x84: {  	_ =	shalt  }
0x85: {  	_ =	shalt  }
0x86: {  	_ =	shalt  }
0x87: {  	_ =	shalt  }
.Lfunc_end0:
.L_simem_size_0:
called_computation.1_lowered:
.L_overlay_start_0:
0x88: {  	s2 =	sld [smem:$0x3FD9]  }
0x89: {  	s3 =	sld [smem:$0x3FFE];
	_ =	sdelay $0x1  }
0x8a: {  	s1 =	srdreg.scid  }
0x8b: {  	s0 =	sand.u32 $0x1, s1  }
0x8c: {  	s17 =	sshll.u32 s0, $0xA;
	s2 =	sadd.s32 s3, s2  }
0x8d: {  	s2 =	sadd.s32 s2, s17  }
0x8e: {  	[smem:$0x3FBC] =	sst s2  }
0x8f: {  	_ = 	snop  }
0x90: {  	s2 =	sld [smem:$0x3FD0];
	(tm) =	ssettm $0x1  }
0x91: {  	s18 =	sld [smem:$0x3FFB];
	_ =	sdelay $0x3  }
0x92: {  	_ =	strace s18  }
0x93: {  	s3 =	sld [smem:$0x3FFC];
	_ =	sdelay $0x3  }
0x94: {  	_ =	strace s3  }
0x95: {  	s3 =	sld [smem:$0x3FFD];
	_ =	sdelay $0x3  }
0x96: {  	_ =	strace s3  }
0x97: {  	_ =	strace $0x8FFFFFFF  }
0x98: {  	s19 =	sld [smem:$0x3FDB];
	_ =	sdelay $0x1  }
0x99: {  	s4 =	simm.s32 $_scs_section_size  }
0x9a: {  	s5 =	simm.s32 $_size__tile_overlayer_lowered;
	s6 =	simm.s32 $_tile_overlayer_lowered  }
0x9b: {  	s22 =	simm.s32 $0x1BFF;
	s21 =	sshll.u32 s6, $0x1;
	s3 =	sadd.s32 s4, s19  }
0x9c: {  	s7 =	simm.s32 $0x0;
	s20 =	sshll.u32 s5, $0x1;
	s5 =	sadd.s32 s21, s3  }
0x9d: {  	[timem:s7], [sflag:s22] =	dma.local [hbm:s5], s20  }
0x9e: {  	_ =	swait.ge [sflag:s22], s20  }
0x9f: {  	s4 =	ssub.s32 $0x0, s20;
	[sflag:s22] =	ssyncset.done $0x0  }
0xa0: {  	[sflag:s22] =	ssyncadd.s32 s4;
	_ =	sdelay $0x1  }
0xa1: {  	s23 =	simm.s32 $0x1B8B  }
0xa2: {  	_ =	swait.ge [sflag:s23], $0x1  }
0xa3: {  	[sflag:s23] =	ssyncset.done $0x0  }
0xa4: {  	s25 =	simm.s32 $0x1B8E;
	s24 =	sld [smem:$0x3FFE];
	[sflag:s23] =	ssyncadd.s32 $0xFFFFFFFF  }
0xa5: {  	s26 =	simm.s32 $execute0_lowered;
	[smem:$0x3FD2] =	sst s25  }
0xa6: {  	s5 =	sshll.u32 s26, $0x1;
	_ =	strace $0x80000049;
	[dreg:$0x1] =	wrdreg $0xFFFFFFFF  }
0xa7: {  	s28 =	simm.s32 $_size_execute0_lowered;
	s3 =	sadd.s32 s3, s5;
	[dreg:$0x0] =	wrdreg $0x0  }
0xa8: {  	s5 =	sshll.u32 s28, $0x1;
	[dreg:$0x2] =	wrdreg s3  }
0xa9: {  	[dreg:$0x3] =	wrdreg s5  }
0xaa: {  	[dreg:$0x4] =	wrdreg $0xC0  }
0xab: {  	_ =	task [dreg:s7], $0x5FFFF  }
0xac: {  	[dreg:$0x1] =	wrdreg $0xFFFFFFFF  }
0xad: {  	[dreg:$0x0] =	wrdreg $0x60  }
0xae: {  	[dreg:$0x2] =	wrdreg s24  }
0xaf: {  	[dreg:$0x3] =	wrdreg s2  }
0xb0: {  	[dreg:$0x4] =	wrdreg $0x2D000  }
0xb1: {  	[dreg:$0x5] =	wrdreg $0xF0600  }
0xb2: {  	[dreg:$0x6] =	wrdreg $0x9  }
0xb3: {  	_ =	task.clear_ibuf [dreg:s7], $0x7FFFF;
	_ =	strace $0x90000049  }
0xb4: {  	s29 =	simm.s32 $0x9;
	_ =	strace $0x8000004B  }
0xb5: {  	_ =	swait.ge [sflag:s29], $0x1  }
0xb6: {  	[sflag:s29] =	ssyncadd.s32 $0xFFFFFFFF  }
0xb7: {  	_ =	strace $0x9000004B  }
0xb8: {  	_ =	sfence  }
0xb9: {  	s30 =	sld [smem:$0x0];
	_ =	sdelay $0x2  }
0xba: {  	s31 =	sshll.u32 s1, $0xD;
	s1 =	sshrl.u32 s1, $0x2  }
0xbb: {  	s3 =	sand.u32 $0x4000, s31;
	s1 =	sadd.s32 s1, s30  }
0xbc: {  	s0 =	sor.u32 s3, s0;
	s1 =	sshll.u32 s1, $0x11  }
0xbd: {  	s0 =	sor.u32 s1, s0  }
0xbe: {  	s0 =	sadd.s32 $0x8F2B, s0  }
0xbf: {  	[sflag:s0] =	ssyncadd.remote.s32 $0x1  }
0xc0: {  	_ =	sfence.sel $0xFFFF  }
0xc1: {  	[dreg:$0x0] =	wrdreg $0xFFFFFFFF;
	(pc) =	sbr.abs _section_cstart, $3  }
0xc2: {  	[dreg:$0x1] =	wrdreg $0xFFFFFFFF  }
0xc3: {  	_ =	task.clear_ibuf [dreg:s7], $0x2FFFF;
	_ =	strace $0x9FFFFFFF  }
0xc4: {  	(tm) =	ssettm $0x7FFFFFFF  }
0xc5: {  	_ =	shalt  }
tec
execute0_lowered:
.L_overlay_start_1:
0x0: {  	(tag) =	ssettag $0x1  }
0x1: {  	s0 =	rddreg [dreg:$0x0]  }
0x2: {  	s2 =	rddreg [dreg:$0x1]  }
0x3: {  	s3 =	rddreg [dreg:$0x2]  }
0x4: {  	s4 =	rddreg [dreg:$0x3]  }
0x5: {  	s13 =	stileid.u32;
	s5 =	simm.s32 $0x0;
	s7 =	srdreg.scid  }
0x6: {  	s28 =	simm.s32 $0x7;
	s29 =	simm.s32 $0x140;
	s30 =	simm.s32 $0x280  }
0x7: {  	s31 =	simm.s32 $0x3C0;
	s1 =	smul.u32 $0xC350, s13;
	[smem:$0x7FF] =	sst s5  }
0x8: {  	s6 =	smul.u32 $0xC360, s13;
	s9 =	sand.u32 $0x1, s7;
	s7 =	sadd.s32 $0x373C00, s0  }
0x9: {  	s26 =	sadd.s32 $0x66400, s0;
	_ =	strace $0x8000004A;
	s11 =	ssub.s32 $0x2, s9  }
0xa: {  	[dreg:$0x6] =	wrdreg s26;
	p0 =	seq.s32 s9, $0x1;
	s26 =	sshll.u32 s13, $0x6  }
0xb: {  	s9 =	simm.s32 $0x4;
	s8 =	sshrl.u32 s1, $0x3;
	s10 =	sshrl.u32 s6, $0x3  }
0xc: {  	s14 =	sshrl.u32 s11, $0x1;
	s6 =	sadd.s32 s6, s3;
	[dreg:$0x5] =	wrdreg s8  }
0xd: {  	s16 =	sadd.s32 s1, s4;
	s8 =	sadd.s32 s8, s0;
	[dreg:$0x8] =	wrdreg s6  }
0xe: {  	s12 =	sadd.s32 s10, s0;
	s0 =	sadd.s32 $0xAFC00, s0;
	[dreg:$0x9] =	wrdreg s16  }
0xf: {  	s26 =	sor.u32 $0x1C07, s26;
	[dreg:$0x7] =	wrdreg s0;
	s17 =	sadd.s32 $0x4400, s8  }
0x10: {  	s15 =	ssub.s32 s11, s14;
	s20 =	sadd.s32 $0x7EC00, s8;
	[dreg:$0xa] =	wrdreg s17  }
0x11: {  	s10 =	smul.u32 $0xC800, s13;
	s21 =	sadd.s32 $0x1CC00, s8;
	[dreg:$0xc] =	wrdreg s20  }
0x12: {  	s14 =	simm.s32 $0x3;
	s22 =	sadd.s32 $0x35400, s8;
	[dreg:$0xd] =	wrdreg s21  }
0x13: {  	s25 =	sadd.s32 $0x38CC00, s12;
	s23 =	sadd.s32 $0x97400, s8;
	[dreg:$0xe] =	wrdreg s22  }
0x14: {  	s24 =	sadd.s32 $0x4DC00, s8;
	s0 =	smax.u32 s15, $0x1;
	[dreg:$0xf] =	wrdreg s23  }
0x15: {  	s8 =	simm.s32 $0x500;
	s18 =	sshrl.u32 s10, $0x3;
	[dreg:$0x10] =	wrdreg s24  }
.Ltmp0:
0x16: {  	s20 =	sadd.s32 s1, s3;
	[dreg:$0x11] =	wrdreg s0;
	(pc) =	sbr.rel .LBB2_1-.Ltmp0, $4  }
0x17: {  	s0 =	simm.s32 $0x1;
	s1 =	simm.s32 $0x2;
	s21 =	simm.s32 $0x1900  }
0x18: {  	s22 =	simm.s32 $0x6;
	s23 =	simm.s32 $0x0;
	s19 =	sadd.s32 s2, s18  }
0x19: {  	s16 =	sadd.s32 s7, s18;
	s6 =	sor.u32 $0x28, s18;
	[dreg:$0xb] =	wrdreg s19  }
0x1a: {  	s17 =	sadd.s32 s2, s6;
	s18 =	sadd.s32 s7, s6;
	s19 =	simm.s32 $0x5  }
.LBB2_11:
0x1b: {  	[tilespmem:s31], [sflag:$0x4] =	stream.linear.gather [hbm4b:s6+s5], $0x140, $0x38;
	[tilespmem:$0x1B3B0] =	vst v63  }
0x1c: {  	s11 =	rddreg [dreg:$0x7]  }
.LBB2_12:
0x1d: {  	_ =	swait.ge [sflag:s0], $0x140  }
0x1e: {  	[sflag:s0] =	ssyncset.done $0x0  }
0x1f: {  	[sflag:s0] =	ssyncadd.s32 $0xFFFFFEC0  }
0x20: {  	_ =	swait.ge [sflag:s1], $0x140  }
0x21: {  	[sflag:s1] =	ssyncset.done $0x0  }
0x22: {  	[sflag:s1] =	ssyncadd.s32 $0xFFFFFEC0  }
0x23: {  	_ =	swait.ge [sflag:s14], $0x140  }
0x24: {  	[sflag:s14] =	ssyncset.done $0x0  }
0x25: {  	[sflag:s14] =	ssyncadd.s32 $0xFFFFFEC0  }
0x26: {  	_ =	swait.ge [sflag:s9], $0x140  }
0x27: {  	[sflag:s9] =	ssyncset.done $0x0  }
0x28: {  	s6 =	rddreg [dreg:$0x5];
	[sflag:s9] =	ssyncadd.s32 $0xFFFFFEC0  }
0x29: {  	s15 =	sshrl.u32 s20, $0x3;
	s6 =	sadd.s32 s11, s6;
	[bflag:$0x0] =	sbarrier.arrive $0xFFFF  }
0x2a: {  	[hbm:s6], [sflag:s26] =	dma.local [spmem:s15], $0x186A  }
0x2b: {  	_ =	swait.ge [sflag:s28], $0x186A  }
0x2c: {  	s23 =	sadd.s32 $0x1, s23;
	s24 =	rddreg [dreg:$0x11]  }
0x2d: {  	p1 =	sne.s32 s23, s24  }
.Ltmp1:
0x2e: {  	_ = 	snop;
	(pc) =	sbr.rel @!p1 .LBB2_13-.Ltmp1, $3  }
0x2f: {  	[sflag:s28] =	ssyncset.done $0x0  }
0x30: {  	[sflag:s28] =	ssyncadd.s32 $0xFFFFE796  }
0x31: {  	[bflag:$0x0] =	sbarrier.arrive $0xFFFF;
	_ =	sdelay $0x1  }
.LBB2_1:
0x32: {  	s6 =	rddreg [dreg:$0x8]  }
.Ltmp2:
0x33: {  	s11 =	sshrl.u32 s6, $0x3;
	(pc) =	sbr.rel @!p0 .LBB2_2-.Ltmp2, $4  }
0x34: {  	[spmem:s11], [sflag:s26] =	dma.local [hbm:s25], $0x186C  }
0x35: {  	_ =	swait.ge [sflag:s28], $0x186C  }
0x36: {  	s15 =	smov.u32 s25;
	[sflag:s28] =	ssyncset.done $0x0;
	s25 =	rddreg [dreg:$0x9]  }
0x37: {  	[sflag:s28] =	ssyncadd.s32 $0xFFFFE794;
	s24 =	sshrl.u32 s25, $0x3  }
0x38: {  	s6 =	rddreg [dreg:$0xe]  }
0x39: {  	[spmem:s24], [sflag:s26] =	dma.local [hbm:s6], $0x186A  }
0x3a: {  	_ =	swait.ge [sflag:s28], $0x186A  }
0x3b: {  	[sflag:s28] =	ssyncset.done $0x0  }
0x3c: {  	[sflag:s28] =	ssyncadd.s32 $0xFFFFE796  }
0x3d: {  	[bflag:$0x0] =	sbarrier.arrive $0xFFFF  }
0x3e: {  	s13 =	rddreg [dreg:$0xb]  }
0x3f: {  	[tilespmem:s5], [sflag:$0x1] =	stream.linear.gather [hbm4b:s13+s5], $0x140, $0x38;
	[tilespmem:$0x1B3B0] =	vst v63  }
0x40: {  	_ = 	snop  }
0x41: {  	[tilespmem:s29], [sflag:$0x2] =	stream.linear.gather [hbm4b:s16+s5], $0x140, $0x38;
	[tilespmem:$0x1B3B0] =	vst v63  }
0x42: {  	_ = 	snop  }
0x43: {  	[tilespmem:s30], [sflag:$0x3] =	stream.linear.gather [hbm4b:s17+s5], $0x140, $0x38;
	[tilespmem:$0x1B3B0] =	vst v63  }
0x44: {  	_ = 	snop  }
0x45: {  	[tilespmem:s31], [sflag:$0x4] =	stream.linear.gather [hbm4b:s18+s5], $0x140, $0x38;
	[tilespmem:$0x1B3B0] =	vst v63  }
0x46: {  	_ =	swait.ge [sflag:s0], $0x140  }
0x47: {  	[sflag:s0] =	ssyncset.done $0x0  }
0x48: {  	[sflag:s0] =	ssyncadd.s32 $0xFFFFFEC0  }
0x49: {  	_ =	swait.ge [sflag:s1], $0x140  }
0x4a: {  	[sflag:s1] =	ssyncset.done $0x0  }
0x4b: {  	[sflag:s1] =	ssyncadd.s32 $0xFFFFFEC0  }
0x4c: {  	[tilespmem:s8], [sflag:$0x5] =	stream.indirect.gather [spmem:s4], $0x10, s5, s29, $0xb8;
	[tilespmem:$0x1B3B0] =	vst v63  }
0x4d: {  	_ =	swait.ge [sflag:s14], $0x140  }
0x4e: {  	[sflag:s14] =	ssyncset.done $0x0  }
0x4f: {  	[sflag:s14] =	ssyncadd.s32 $0xFFFFFEC0  }
0x50: {  	_ =	swait.ge [sflag:s9], $0x140  }
0x51: {  	[sflag:s9] =	ssyncset.done $0x0  }
0x52: {  	[sflag:s9] =	ssyncadd.s32 $0xFFFFFEC0  }
0x53: {  	_ =	swait.ge [sflag:s19], $0x1400  }
0x54: {  	s25 =	sadd.s32 $0xFFFF3800, s10;
	[sflag:s19] =	ssyncset.done $0x0  }
0x55: {  	s12 =	sadd.s32 $0xCA80, s25;
	[sflag:s19] =	ssyncadd.s32 $0xFFFFEC00  }
0x56: {  	[tilespmem:s21], [sflag:$0x6] =	stream.indirect.gather [spmem:s4], $0x10, s30, s29, $0xb8;
	[tilespmem:$0x1B3B0] =	vst v63  }
0x57: {  	p1 =	slt.s32 s12, $0xC7EC0  }
0x58: {  	[spmem:s3] =	stream.indirect.scatter.add.f32 [tilespmem:s8], [sflag:$0x7], $0x10, s29, s29, $0xb8;
	[tilespmem:$0x1B3B0] =	vst v63  }
0x59: {  	s12 =	simm.s32 @!p1 $0xC7EC0;
	_ =	swait.ge [sflag:s28], $0x1400  }
0x5a: {  	s12 =	sshrl.u32 s12, $0x3;
	[sflag:s28] =	ssyncset.done $0x0  }
0x5b: {  	s13 =	sadd.s32 s2, s12;
	[sflag:s28] =	ssyncadd.s32 $0xFFFFEC00  }
0x5c: {  	[tilespmem:s5], [sflag:$0x1] =	stream.linear.gather [hbm4b:s13+s5], $0x140, $0x38;
	[tilespmem:$0x1B3B0] =	vst v63  }
0x5d: {  	s12 =	sadd.s32 s7, s12  }
0x5e: {  	[tilespmem:s29], [sflag:$0x2] =	stream.linear.gather [hbm4b:s12+s5], $0x140, $0x38;
	[tilespmem:$0x1B3B0] =	vst v63  }
0x5f: {  	s6 =	sadd.s32 $0xCBC0, s25;
	_ =	swait.ge [sflag:s22], $0x1400  }
0x60: {  	p1 =	slt.s32 s6, $0xC7EC0;
	[sflag:s22] =	ssyncset.done $0x0  }
0x61: {  	s6 =	simm.s32 @!p1 $0xC7EC0;
	[sflag:s22] =	ssyncadd.s32 $0xFFFFEC00  }
0x62: {  	[spmem:s3] =	stream.indirect.scatter.add.f32 [tilespmem:s21], [sflag:$0x7], $0x10, s31, s29, $0xb8;
	[tilespmem:$0x1B3B0] =	vst v63  }
0x63: {  	s6 =	sshrl.u32 s6, $0x3;
	_ =	swait.ge [sflag:s28], $0x1400  }
0x64: {  	s25 =	sadd.s32 s2, s6;
	[sflag:s28] =	ssyncset.done $0x0  }
0x65: {  	s6 =	sadd.s32 s7, s6;
	s13 =	simm.s32 $0xFFFF3A80;
	[sflag:s28] =	ssyncadd.s32 $0xFFFFEC00  }
0x66: {  	[tilespmem:s30], [sflag:$0x3] =	stream.linear.gather [hbm4b:s25+s5], $0x140, $0x38;
	[tilespmem:$0x1B3B0] =	vst v63  }
.LBB2_8:
0x67: {  	p1 =	sne.s32 s13, $0xFFFFFD80;
	s12 =	smov.u32 s13;
	s13 =	sadd.s32 $0x280, s13  }
0x68: {  	[tilespmem:s31], [sflag:$0x4] =	stream.linear.gather [hbm4b:s6+s5], $0x140, $0x38;
	[tilespmem:$0x1B3B0] =	vst v63  }
0x69: {  	_ =	swait.ge [sflag:s0], $0x140  }
0x6a: {  	[sflag:s0] =	ssyncset.done $0x0  }
0x6b: {  	[sflag:s0] =	ssyncadd.s32 $0xFFFFFEC0  }
0x6c: {  	_ =	swait.ge [sflag:s1], $0x140  }
0x6d: {  	[sflag:s1] =	ssyncset.done $0x0  }
0x6e: {  	[sflag:s1] =	ssyncadd.s32 $0xFFFFFEC0  }
0x6f: {  	[tilespmem:s8], [sflag:$0x5] =	stream.indirect.gather [spmem:s4], $0x10, s5, s29, $0xb8;
	[tilespmem:$0x1B3B0] =	vst v63  }
0x70: {  	_ =	swait.ge [sflag:s14], $0x140  }
0x71: {  	[sflag:s14] =	ssyncset.done $0x0  }
0x72: {  	[sflag:s14] =	ssyncadd.s32 $0xFFFFFEC0  }
0x73: {  	_ =	swait.ge [sflag:s9], $0x140  }
0x74: {  	[sflag:s9] =	ssyncset.done $0x0  }
0x75: {  	[sflag:s9] =	ssyncadd.s32 $0xFFFFFEC0  }
0x76: {  	_ =	swait.ge [sflag:s19], $0x1400  }
0x77: {  	[sflag:s19] =	ssyncset.done $0x0  }
0x78: {  	s6 =	sadd.s32 s12, s10;
	[sflag:s19] =	ssyncadd.s32 $0xFFFFEC00  }
0x79: {  	[tilespmem:s21], [sflag:$0x6] =	stream.indirect.gather [spmem:s4], $0x10, s30, s29, $0xb8;
	[tilespmem:$0x1B3B0] =	vst v63  }
0x7a: {  	s12 =	sadd.s32 $0xCA80, s6;
	s6 =	sadd.s32 $0xCBC0, s6  }
0x7b: {  	[spmem:s3] =	stream.indirect.scatter.add.f32 [tilespmem:s8], [sflag:$0x7], $0x10, s29, s29, $0xb8;
	[tilespmem:$0x1B3B0] =	vst v63  }
0x7c: {  	p2 =	slt.s32 s12, $0xC7EC0;
	p3 =	slt.s32 s6, $0xC7EC0;
	_ =	swait.ge [sflag:s28], $0x1400  }
0x7d: {  	s12 =	simm.s32 @!p2 $0xC7EC0;
	s6 =	simm.s32 @!p3 $0xC7EC0;
	[sflag:s28] =	ssyncset.done $0x0  }
0x7e: {  	s12 =	sshrl.u32 s12, $0x3;
	s6 =	sshrl.u32 s6, $0x3;
	[sflag:s28] =	ssyncadd.s32 $0xFFFFEC00  }
0x7f: {  	s25 =	sadd.s32 s2, s12;
	s12 =	sadd.s32 s7, s12  }
0x80: {  	[tilespmem:s5], [sflag:$0x1] =	stream.linear.gather [hbm4b:s25+s5], $0x140, $0x38;
	[tilespmem:$0x1B3B0] =	vst v63  }
0x81: {  	_ = 	snop  }
0x82: {  	[tilespmem:s29], [sflag:$0x2] =	stream.linear.gather [hbm4b:s12+s5], $0x140, $0x38;
	[tilespmem:$0x1B3B0] =	vst v63  }
0x83: {  	_ =	swait.ge [sflag:s22], $0x1400  }
0x84: {  	[sflag:s22] =	ssyncset.done $0x0  }
0x85: {  	[sflag:s22] =	ssyncadd.s32 $0xFFFFEC00  }
0x86: {  	[spmem:s3] =	stream.indirect.scatter.add.f32 [tilespmem:s21], [sflag:$0x7], $0x10, s31, s29, $0xb8;
	[tilespmem:$0x1B3B0] =	vst v63  }
.Ltmp3:
0x87: {  	_ = 	snop;
	(pc) =	sbr.rel @p1 .LBB2_8-.Ltmp3, $4  }
0x88: {  	_ =	swait.ge [sflag:s28], $0x1400  }
0x89: {  	s12 =	sadd.s32 s2, s6;
	[sflag:s28] =	ssyncset.done $0x0  }
0x8a: {  	s6 =	sadd.s32 s7, s6;
	[sflag:s28] =	ssyncadd.s32 $0xFFFFEC00  }
0x8b: {  	[tilespmem:s30], [sflag:$0x3] =	stream.linear.gather [hbm4b:s12+s5], $0x140, $0x38;
	[tilespmem:$0x1B3B0] =	vst v63  }
0x8c: {  	[tilespmem:s31], [sflag:$0x4] =	stream.linear.gather [hbm4b:s6+s5], $0x140, $0x38;
	[tilespmem:$0x1B3B0] =	vst v63  }
0x8d: {  	_ =	swait.ge [sflag:s0], $0x140  }
0x8e: {  	[sflag:s0] =	ssyncset.done $0x0  }
0x8f: {  	[sflag:s0] =	ssyncadd.s32 $0xFFFFFEC0  }
0x90: {  	_ =	swait.ge [sflag:s1], $0x140  }
0x91: {  	[sflag:s1] =	ssyncset.done $0x0  }
0x92: {  	[sflag:s1] =	ssyncadd.s32 $0xFFFFFEC0  }
0x93: {  	_ =	swait.ge [sflag:s14], $0x140  }
0x94: {  	[sflag:s14] =	ssyncset.done $0x0  }
0x95: {  	[sflag:s14] =	ssyncadd.s32 $0xFFFFFEC0  }
0x96: {  	_ =	swait.ge [sflag:s9], $0x140  }
0x97: {  	[sflag:s9] =	ssyncset.done $0x0  }
0x98: {  	[sflag:s9] =	ssyncadd.s32 $0xFFFFFEC0  }
0x99: {  	[bflag:$0x0] =	sbarrier.arrive $0xFFFF  }
0x9a: {  	s25 =	sshrl.u32 s20, $0x3;
	s12 =	rddreg [dreg:$0xf]  }
0x9b: {  	[hbm:s12], [sflag:s26] =	dma.local [spmem:s25], $0x186A  }
0x9c: {  	_ =	swait.ge [sflag:s28], $0x186A  }
0x9d: {  	[sflag:s28] =	ssyncset.done $0x0  }
0x9e: {  	[sflag:s28] =	ssyncadd.s32 $0xFFFFE796  }
0x9f: {  	[bflag:$0x0] =	sbarrier.arrive $0xFFFF  }
0xa0: {  	[spmem:s11], [sflag:s26] =	dma.local [hbm:s15], $0x186C  }
0xa1: {  	_ =	swait.ge [sflag:s28], $0x186C  }
0xa2: {  	[sflag:s28] =	ssyncset.done $0x0  }
0xa3: {  	s11 =	rddreg [dreg:$0x10];
	[sflag:s28] =	ssyncadd.s32 $0xFFFFE794  }
0xa4: {  	[spmem:s24], [sflag:s26] =	dma.local [hbm:s11], $0x186A  }
0xa5: {  	_ =	swait.ge [sflag:s28], $0x186A  }
0xa6: {  	[sflag:s28] =	ssyncset.done $0x0  }
0xa7: {  	[sflag:s28] =	ssyncadd.s32 $0xFFFFE796  }
0xa8: {  	[bflag:$0x0] =	sbarrier.arrive $0xFFFF  }
0xa9: {  	s12 =	rddreg [dreg:$0xb]  }
0xaa: {  	[tilespmem:s5], [sflag:$0x1] =	stream.linear.gather [hbm4b:s12+s5], $0x140, $0x38;
	[tilespmem:$0x1B3B0] =	vst v63  }
0xab: {  	_ = 	snop  }
0xac: {  	[tilespmem:s29], [sflag:$0x2] =	stream.linear.gather [hbm4b:s16+s5], $0x140, $0x38;
	[tilespmem:$0x1B3B0] =	vst v63  }
0xad: {  	_ = 	snop  }
0xae: {  	[tilespmem:s30], [sflag:$0x3] =	stream.linear.gather [hbm4b:s17+s5], $0x140, $0x38;
	[tilespmem:$0x1B3B0] =	vst v63  }
0xaf: {  	_ = 	snop  }
0xb0: {  	[tilespmem:s31], [sflag:$0x4] =	stream.linear.gather [hbm4b:s18+s5], $0x140, $0x38;
	[tilespmem:$0x1B3B0] =	vst v63  }
0xb1: {  	_ =	swait.ge [sflag:s0], $0x140  }
0xb2: {  	[sflag:s0] =	ssyncset.done $0x0  }
0xb3: {  	[sflag:s0] =	ssyncadd.s32 $0xFFFFFEC0  }
0xb4: {  	_ =	swait.ge [sflag:s1], $0x140  }
0xb5: {  	[sflag:s1] =	ssyncset.done $0x0  }
0xb6: {  	[sflag:s1] =	ssyncadd.s32 $0xFFFFFEC0  }
0xb7: {  	[tilespmem:s8], [sflag:$0x5] =	stream.indirect.gather [spmem:s4], $0x10, s5, s29, $0xb8;
	[tilespmem:$0x1B3B0] =	vst v63  }
0xb8: {  	_ =	swait.ge [sflag:s14], $0x140  }
0xb9: {  	[sflag:s14] =	ssyncset.done $0x0  }
0xba: {  	[sflag:s14] =	ssyncadd.s32 $0xFFFFFEC0  }
0xbb: {  	_ =	swait.ge [sflag:s9], $0x140  }
0xbc: {  	[sflag:s9] =	ssyncset.done $0x0  }
0xbd: {  	[sflag:s9] =	ssyncadd.s32 $0xFFFFFEC0  }
0xbe: {  	_ =	swait.ge [sflag:s19], $0x1400  }
0xbf: {  	s13 =	sadd.s32 $0xFFFF3800, s10;
	[sflag:s19] =	ssyncset.done $0x0  }
0xc0: {  	s11 =	sadd.s32 $0xCA80, s13;
	[sflag:s19] =	ssyncadd.s32 $0xFFFFEC00  }
0xc1: {  	[tilespmem:s21], [sflag:$0x6] =	stream.indirect.gather [spmem:s4], $0x10, s30, s29, $0xb8;
	[tilespmem:$0x1B3B0] =	vst v63  }
0xc2: {  	p1 =	slt.s32 s11, $0xC7EC0  }
0xc3: {  	[spmem:s3] =	stream.indirect.scatter.add.f32 [tilespmem:s8], [sflag:$0x7], $0x10, s29, s29, $0xb8;
	[tilespmem:$0x1B3B0] =	vst v63  }
0xc4: {  	s11 =	simm.s32 @!p1 $0xC7EC0;
	_ =	swait.ge [sflag:s28], $0x1400  }
0xc5: {  	s11 =	sshrl.u32 s11, $0x3;
	[sflag:s28] =	ssyncset.done $0x0  }
0xc6: {  	s25 =	smov.u32 s15;
	s15 =	sadd.s32 s2, s11;
	[sflag:s28] =	ssyncadd.s32 $0xFFFFEC00  }
0xc7: {  	[tilespmem:s5], [sflag:$0x1] =	stream.linear.gather [hbm4b:s15+s5], $0x140, $0x38;
	[tilespmem:$0x1B3B0] =	vst v63  }
0xc8: {  	s11 =	sadd.s32 s7, s11  }
0xc9: {  	[tilespmem:s29], [sflag:$0x2] =	stream.linear.gather [hbm4b:s11+s5], $0x140, $0x38;
	[tilespmem:$0x1B3B0] =	vst v63  }
0xca: {  	s6 =	sadd.s32 $0xCBC0, s13;
	_ =	swait.ge [sflag:s22], $0x1400  }
0xcb: {  	p1 =	slt.s32 s6, $0xC7EC0;
	[sflag:s22] =	ssyncset.done $0x0  }
0xcc: {  	s6 =	simm.s32 @!p1 $0xC7EC0;
	[sflag:s22] =	ssyncadd.s32 $0xFFFFEC00  }
0xcd: {  	[spmem:s3] =	stream.indirect.scatter.add.f32 [tilespmem:s21], [sflag:$0x7], $0x10, s31, s29, $0xb8;
	[tilespmem:$0x1B3B0] =	vst v63  }
0xce: {  	s6 =	sshrl.u32 s6, $0x3;
	_ =	swait.ge [sflag:s28], $0x1400  }
0xcf: {  	s24 =	sadd.s32 s2, s6;
	[sflag:s28] =	ssyncset.done $0x0  }
0xd0: {  	s6 =	sadd.s32 s7, s6;
	s11 =	simm.s32 $0xFFFF3A80;
	[sflag:s28] =	ssyncadd.s32 $0xFFFFEC00  }
0xd1: {  	[tilespmem:s30], [sflag:$0x3] =	stream.linear.gather [hbm4b:s24+s5], $0x140, $0x38;
	[tilespmem:$0x1B3B0] =	vst v63  }
.LBB2_10:
0xd2: {  	p1 =	sne.s32 s11, $0xFFFFFD80;
	s12 =	smov.u32 s11;
	s11 =	sadd.s32 $0x280, s11  }
0xd3: {  	[tilespmem:s31], [sflag:$0x4] =	stream.linear.gather [hbm4b:s6+s5], $0x140, $0x38;
	[tilespmem:$0x1B3B0] =	vst v63  }
0xd4: {  	_ =	swait.ge [sflag:s0], $0x140  }
0xd5: {  	[sflag:s0] =	ssyncset.done $0x0  }
0xd6: {  	[sflag:s0] =	ssyncadd.s32 $0xFFFFFEC0  }
0xd7: {  	_ =	swait.ge [sflag:s1], $0x140  }
0xd8: {  	[sflag:s1] =	ssyncset.done $0x0  }
0xd9: {  	[sflag:s1] =	ssyncadd.s32 $0xFFFFFEC0  }
0xda: {  	[tilespmem:s8], [sflag:$0x5] =	stream.indirect.gather [spmem:s4], $0x10, s5, s29, $0xb8;
	[tilespmem:$0x1B3B0] =	vst v63  }
0xdb: {  	_ =	swait.ge [sflag:s14], $0x140  }
0xdc: {  	[sflag:s14] =	ssyncset.done $0x0  }
0xdd: {  	[sflag:s14] =	ssyncadd.s32 $0xFFFFFEC0  }
0xde: {  	_ =	swait.ge [sflag:s9], $0x140  }
0xdf: {  	[sflag:s9] =	ssyncset.done $0x0  }
0xe0: {  	[sflag:s9] =	ssyncadd.s32 $0xFFFFFEC0  }
0xe1: {  	_ =	swait.ge [sflag:s19], $0x1400  }
0xe2: {  	[sflag:s19] =	ssyncset.done $0x0  }
0xe3: {  	s6 =	sadd.s32 s12, s10;
	[sflag:s19] =	ssyncadd.s32 $0xFFFFEC00  }
0xe4: {  	[tilespmem:s21], [sflag:$0x6] =	stream.indirect.gather [spmem:s4], $0x10, s30, s29, $0xb8;
	[tilespmem:$0x1B3B0] =	vst v63  }
0xe5: {  	s12 =	sadd.s32 $0xCA80, s6;
	s6 =	sadd.s32 $0xCBC0, s6  }
0xe6: {  	[spmem:s3] =	stream.indirect.scatter.add.f32 [tilespmem:s8], [sflag:$0x7], $0x10, s29, s29, $0xb8;
	[tilespmem:$0x1B3B0] =	vst v63  }
0xe7: {  	p2 =	slt.s32 s12, $0xC7EC0;
	p3 =	slt.s32 s6, $0xC7EC0;
	_ =	swait.ge [sflag:s28], $0x1400  }
0xe8: {  	s12 =	simm.s32 @!p2 $0xC7EC0;
	s6 =	simm.s32 @!p3 $0xC7EC0;
	[sflag:s28] =	ssyncset.done $0x0  }
0xe9: {  	s12 =	sshrl.u32 s12, $0x3;
	s6 =	sshrl.u32 s6, $0x3;
	[sflag:s28] =	ssyncadd.s32 $0xFFFFEC00  }
0xea: {  	s13 =	sadd.s32 s2, s12;
	s12 =	sadd.s32 s7, s12  }
0xeb: {  	[tilespmem:s5], [sflag:$0x1] =	stream.linear.gather [hbm4b:s13+s5], $0x140, $0x38;
	[tilespmem:$0x1B3B0] =	vst v63  }
0xec: {  	_ = 	snop  }
0xed: {  	[tilespmem:s29], [sflag:$0x2] =	stream.linear.gather [hbm4b:s12+s5], $0x140, $0x38;
	[tilespmem:$0x1B3B0] =	vst v63  }
0xee: {  	_ =	swait.ge [sflag:s22], $0x1400  }
0xef: {  	[sflag:s22] =	ssyncset.done $0x0  }
0xf0: {  	[sflag:s22] =	ssyncadd.s32 $0xFFFFEC00  }
0xf1: {  	[spmem:s3] =	stream.indirect.scatter.add.f32 [tilespmem:s21], [sflag:$0x7], $0x10, s31, s29, $0xb8;
	[tilespmem:$0x1B3B0] =	vst v63  }
.Ltmp4:
0xf2: {  	_ = 	snop;
	(pc) =	sbr.rel @p1 .LBB2_10-.Ltmp4, $4  }
0xf3: {  	_ =	swait.ge [sflag:s28], $0x1400  }
0xf4: {  	s12 =	sadd.s32 s2, s6;
	[sflag:s28] =	ssyncset.done $0x0  }
0xf5: {  	s6 =	sadd.s32 s7, s6;
	[sflag:s28] =	ssyncadd.s32 $0xFFFFEC00  }
0xf6: {  	[tilespmem:s30], [sflag:$0x3] =	stream.linear.gather [hbm4b:s12+s5], $0x140, $0x38;
	[tilespmem:$0x1B3B0] =	vst v63  }
.Ltmp5:
0xf7: {  	_ = 	snop;
	(pc) =	sbr.rel .LBB2_11-.Ltmp5, $1  }
0xf8: {  	_ =	sdelay $0x3  }
.LBB2_2:
0xf9: {  	s6 =	rddreg [dreg:$0xa]  }
0xfa: {  	[spmem:s24], [sflag:s26] =	dma.local [hbm:s6], $0x186A  }
0xfb: {  	_ =	swait.ge [sflag:s28], $0x186A  }
0xfc: {  	[sflag:s28] =	ssyncset.done $0x0  }
0xfd: {  	[sflag:s28] =	ssyncadd.s32 $0xFFFFE796  }
0xfe: {  	[bflag:$0x0] =	sbarrier.arrive $0xFFFF  }
0xff: {  	s25 =	rddreg [dreg:$0xb]  }
0x100: {  	[tilespmem:s5], [sflag:$0x1] =	stream.linear.gather [hbm4b:s25+s5], $0x140, $0x38;
	[tilespmem:$0x1B3B0] =	vst v63  }
0x101: {  	_ = 	snop  }
0x102: {  	[tilespmem:s29], [sflag:$0x2] =	stream.linear.gather [hbm4b:s16+s5], $0x140, $0x38;
	[tilespmem:$0x1B3B0] =	vst v63  }
0x103: {  	_ = 	snop  }
0x104: {  	[tilespmem:s30], [sflag:$0x3] =	stream.linear.gather [hbm4b:s17+s5], $0x140, $0x38;
	[tilespmem:$0x1B3B0] =	vst v63  }
0x105: {  	_ = 	snop  }
0x106: {  	[tilespmem:s31], [sflag:$0x4] =	stream.linear.gather [hbm4b:s18+s5], $0x140, $0x38;
	[tilespmem:$0x1B3B0] =	vst v63  }
0x107: {  	_ =	swait.ge [sflag:s0], $0x140  }
0x108: {  	[sflag:s0] =	ssyncset.done $0x0  }
0x109: {  	[sflag:s0] =	ssyncadd.s32 $0xFFFFFEC0  }
0x10a: {  	_ =	swait.ge [sflag:s1], $0x140  }
0x10b: {  	[sflag:s1] =	ssyncset.done $0x0  }
0x10c: {  	[sflag:s1] =	ssyncadd.s32 $0xFFFFFEC0  }
0x10d: {  	[tilespmem:s8], [sflag:$0x5] =	stream.indirect.gather [spmem:s4], $0x10, s5, s29, $0xb8;
	[tilespmem:$0x1B3B0] =	vst v63  }
0x10e: {  	_ =	swait.ge [sflag:s14], $0x140  }
0x10f: {  	[sflag:s14] =	ssyncset.done $0x0  }
0x110: {  	[sflag:s14] =	ssyncadd.s32 $0xFFFFFEC0  }
0x111: {  	_ =	swait.ge [sflag:s9], $0x140  }
0x112: {  	[sflag:s9] =	ssyncset.done $0x0  }
0x113: {  	[sflag:s9] =	ssyncadd.s32 $0xFFFFFEC0  }
0x114: {  	_ =	swait.ge [sflag:s19], $0x1400  }
0x115: {  	s12 =	sadd.s32 $0xFFFF3800, s10;
	[sflag:s19] =	ssyncset.done $0x0  }
0x116: {  	s13 =	sadd.s32 $0xCA80, s12;
	[sflag:s19] =	ssyncadd.s32 $0xFFFFEC00  }
0x117: {  	[tilespmem:s21], [sflag:$0x6] =	stream.indirect.gather [spmem:s4], $0x10, s30, s29, $0xb8;
	[tilespmem:$0x1B3B0] =	vst v63  }
0x118: {  	p1 =	slt.s32 s13, $0xC7EC0  }
0x119: {  	[spmem:s3] =	stream.indirect.scatter.add.f32 [tilespmem:s8], [sflag:$0x7], $0x10, s29, s29, $0xb8;
	[tilespmem:$0x1B3B0] =	vst v63  }
0x11a: {  	s13 =	simm.s32 @!p1 $0xC7EC0;
	_ =	swait.ge [sflag:s28], $0x1400  }
0x11b: {  	s13 =	sshrl.u32 s13, $0x3;
	[sflag:s28] =	ssyncset.done $0x0  }
0x11c: {  	s25 =	sadd.s32 s2, s13;
	[sflag:s28] =	ssyncadd.s32 $0xFFFFEC00  }
0x11d: {  	[tilespmem:s5], [sflag:$0x1] =	stream.linear.gather [hbm4b:s25+s5], $0x140, $0x38;
	[tilespmem:$0x1B3B0] =	vst v63  }
0x11e: {  	s13 =	sadd.s32 s7, s13  }
0x11f: {  	[tilespmem:s29], [sflag:$0x2] =	stream.linear.gather [hbm4b:s13+s5], $0x140, $0x38;
	[tilespmem:$0x1B3B0] =	vst v63  }
0x120: {  	s6 =	sadd.s32 $0xCBC0, s12;
	_ =	swait.ge [sflag:s22], $0x1400  }
0x121: {  	p1 =	slt.s32 s6, $0xC7EC0;
	[sflag:s22] =	ssyncset.done $0x0  }
0x122: {  	s6 =	simm.s32 @!p1 $0xC7EC0;
	[sflag:s22] =	ssyncadd.s32 $0xFFFFEC00  }
0x123: {  	[spmem:s3] =	stream.indirect.scatter.add.f32 [tilespmem:s21], [sflag:$0x7], $0x10, s31, s29, $0xb8;
	[tilespmem:$0x1B3B0] =	vst v63  }
0x124: {  	s6 =	sshrl.u32 s6, $0x3;
	_ =	swait.ge [sflag:s28], $0x1400  }
0x125: {  	s25 =	sadd.s32 s2, s6;
	[sflag:s28] =	ssyncset.done $0x0  }
0x126: {  	s6 =	sadd.s32 s7, s6;
	s13 =	simm.s32 $0xFFFF3A80;
	[sflag:s28] =	ssyncadd.s32 $0xFFFFEC00  }
0x127: {  	[tilespmem:s30], [sflag:$0x3] =	stream.linear.gather [hbm4b:s25+s5], $0x140, $0x38;
	[tilespmem:$0x1B3B0] =	vst v63  }
.LBB2_3:
0x128: {  	p1 =	sne.s32 s13, $0xFFFFFD80;
	s25 =	smov.u32 s13;
	s13 =	sadd.s32 $0x280, s13  }
0x129: {  	[tilespmem:s31], [sflag:$0x4] =	stream.linear.gather [hbm4b:s6+s5], $0x140, $0x38;
	[tilespmem:$0x1B3B0] =	vst v63  }
0x12a: {  	_ =	swait.ge [sflag:s0], $0x140  }
0x12b: {  	[sflag:s0] =	ssyncset.done $0x0  }
0x12c: {  	[sflag:s0] =	ssyncadd.s32 $0xFFFFFEC0  }
0x12d: {  	_ =	swait.ge [sflag:s1], $0x140  }
0x12e: {  	[sflag:s1] =	ssyncset.done $0x0  }
0x12f: {  	[sflag:s1] =	ssyncadd.s32 $0xFFFFFEC0  }
0x130: {  	[tilespmem:s8], [sflag:$0x5] =	stream.indirect.gather [spmem:s4], $0x10, s5, s29, $0xb8;
	[tilespmem:$0x1B3B0] =	vst v63  }
0x131: {  	_ =	swait.ge [sflag:s14], $0x140  }
0x132: {  	[sflag:s14] =	ssyncset.done $0x0  }
0x133: {  	[sflag:s14] =	ssyncadd.s32 $0xFFFFFEC0  }
0x134: {  	_ =	swait.ge [sflag:s9], $0x140  }
0x135: {  	[sflag:s9] =	ssyncset.done $0x0  }
0x136: {  	[sflag:s9] =	ssyncadd.s32 $0xFFFFFEC0  }
0x137: {  	_ =	swait.ge [sflag:s19], $0x1400  }
0x138: {  	[sflag:s19] =	ssyncset.done $0x0  }
0x139: {  	s6 =	sadd.s32 s25, s10;
	[sflag:s19] =	ssyncadd.s32 $0xFFFFEC00  }
0x13a: {  	[tilespmem:s21], [sflag:$0x6] =	stream.indirect.gather [spmem:s4], $0x10, s30, s29, $0xb8;
	[tilespmem:$0x1B3B0] =	vst v63  }
0x13b: {  	s25 =	sadd.s32 $0xCA80, s6;
	s6 =	sadd.s32 $0xCBC0, s6  }
0x13c: {  	[spmem:s3] =	stream.indirect.scatter.add.f32 [tilespmem:s8], [sflag:$0x7], $0x10, s29, s29, $0xb8;
	[tilespmem:$0x1B3B0] =	vst v63  }
0x13d: {  	p2 =	slt.s32 s25, $0xC7EC0;
	p3 =	slt.s32 s6, $0xC7EC0;
	_ =	swait.ge [sflag:s28], $0x1400  }
0x13e: {  	s25 =	simm.s32 @!p2 $0xC7EC0;
	s6 =	simm.s32 @!p3 $0xC7EC0;
	[sflag:s28] =	ssyncset.done $0x0  }
0x13f: {  	s25 =	sshrl.u32 s25, $0x3;
	s6 =	sshrl.u32 s6, $0x3;
	[sflag:s28] =	ssyncadd.s32 $0xFFFFEC00  }
0x140: {  	s12 =	sadd.s32 s2, s25;
	s25 =	sadd.s32 s7, s25  }
0x141: {  	[tilespmem:s5], [sflag:$0x1] =	stream.linear.gather [hbm4b:s12+s5], $0x140, $0x38;
	[tilespmem:$0x1B3B0] =	vst v63  }
0x142: {  	_ = 	snop  }
0x143: {  	[tilespmem:s29], [sflag:$0x2] =	stream.linear.gather [hbm4b:s25+s5], $0x140, $0x38;
	[tilespmem:$0x1B3B0] =	vst v63  }
0x144: {  	_ =	swait.ge [sflag:s22], $0x1400  }
0x145: {  	[sflag:s22] =	ssyncset.done $0x0  }
0x146: {  	[sflag:s22] =	ssyncadd.s32 $0xFFFFEC00  }
0x147: {  	[spmem:s3] =	stream.indirect.scatter.add.f32 [tilespmem:s21], [sflag:$0x7], $0x10, s31, s29, $0xb8;
	[tilespmem:$0x1B3B0] =	vst v63  }
.Ltmp6:
0x148: {  	_ = 	snop;
	(pc) =	sbr.rel @p1 .LBB2_3-.Ltmp6, $4  }
0x149: {  	_ =	swait.ge [sflag:s28], $0x1400  }
0x14a: {  	s12 =	sadd.s32 s2, s6;
	[sflag:s28] =	ssyncset.done $0x0  }
0x14b: {  	s6 =	sadd.s32 s7, s6;
	[sflag:s28] =	ssyncadd.s32 $0xFFFFEC00  }
0x14c: {  	[tilespmem:s30], [sflag:$0x3] =	stream.linear.gather [hbm4b:s12+s5], $0x140, $0x38;
	[tilespmem:$0x1B3B0] =	vst v63  }
0x14d: {  	[tilespmem:s31], [sflag:$0x4] =	stream.linear.gather [hbm4b:s6+s5], $0x140, $0x38;
	[tilespmem:$0x1B3B0] =	vst v63  }
0x14e: {  	_ =	swait.ge [sflag:s0], $0x140  }
0x14f: {  	[sflag:s0] =	ssyncset.done $0x0  }
0x150: {  	[sflag:s0] =	ssyncadd.s32 $0xFFFFFEC0  }
0x151: {  	_ =	swait.ge [sflag:s1], $0x140  }
0x152: {  	[sflag:s1] =	ssyncset.done $0x0  }
0x153: {  	[sflag:s1] =	ssyncadd.s32 $0xFFFFFEC0  }
0x154: {  	_ =	swait.ge [sflag:s14], $0x140  }
0x155: {  	[sflag:s14] =	ssyncset.done $0x0  }
0x156: {  	[sflag:s14] =	ssyncadd.s32 $0xFFFFFEC0  }
0x157: {  	_ =	swait.ge [sflag:s9], $0x140  }
0x158: {  	[sflag:s9] =	ssyncset.done $0x0  }
0x159: {  	[sflag:s9] =	ssyncadd.s32 $0xFFFFFEC0  }
0x15a: {  	[bflag:$0x0] =	sbarrier.arrive $0xFFFF  }
0x15b: {  	s25 =	sshrl.u32 s20, $0x3;
	s12 =	rddreg [dreg:$0xc]  }
0x15c: {  	[hbm:s12], [sflag:s26] =	dma.local [spmem:s25], $0x186A  }
0x15d: {  	_ =	swait.ge [sflag:s28], $0x186A  }
0x15e: {  	[sflag:s28] =	ssyncset.done $0x0  }
0x15f: {  	[sflag:s28] =	ssyncadd.s32 $0xFFFFE796  }
0x160: {  	[bflag:$0x0] =	sbarrier.arrive $0xFFFF  }
0x161: {  	[spmem:s11], [sflag:s26] =	dma.local [hbm:s15], $0x186C  }
0x162: {  	_ =	swait.ge [sflag:s28], $0x186C  }
0x163: {  	[sflag:s28] =	ssyncset.done $0x0  }
0x164: {  	s11 =	rddreg [dreg:$0xd];
	[sflag:s28] =	ssyncadd.s32 $0xFFFFE794  }
0x165: {  	[spmem:s24], [sflag:s26] =	dma.local [hbm:s11], $0x186A  }
0x166: {  	_ =	swait.ge [sflag:s28], $0x186A  }
0x167: {  	[sflag:s28] =	ssyncset.done $0x0  }
0x168: {  	[sflag:s28] =	ssyncadd.s32 $0xFFFFE796  }
0x169: {  	[bflag:$0x0] =	sbarrier.arrive $0xFFFF  }
0x16a: {  	s12 =	rddreg [dreg:$0xb]  }
0x16b: {  	[tilespmem:s5], [sflag:$0x1] =	stream.linear.gather [hbm4b:s12+s5], $0x140, $0x38;
	[tilespmem:$0x1B3B0] =	vst v63  }
0x16c: {  	_ = 	snop  }
0x16d: {  	[tilespmem:s29], [sflag:$0x2] =	stream.linear.gather [hbm4b:s16+s5], $0x140, $0x38;
	[tilespmem:$0x1B3B0] =	vst v63  }
0x16e: {  	_ = 	snop  }
0x16f: {  	[tilespmem:s30], [sflag:$0x3] =	stream.linear.gather [hbm4b:s17+s5], $0x140, $0x38;
	[tilespmem:$0x1B3B0] =	vst v63  }
0x170: {  	_ = 	snop  }
0x171: {  	[tilespmem:s31], [sflag:$0x4] =	stream.linear.gather [hbm4b:s18+s5], $0x140, $0x38;
	[tilespmem:$0x1B3B0] =	vst v63  }
0x172: {  	_ =	swait.ge [sflag:s0], $0x140  }
0x173: {  	[sflag:s0] =	ssyncset.done $0x0  }
0x174: {  	[sflag:s0] =	ssyncadd.s32 $0xFFFFFEC0  }
0x175: {  	_ =	swait.ge [sflag:s1], $0x140  }
0x176: {  	[sflag:s1] =	ssyncset.done $0x0  }
0x177: {  	[sflag:s1] =	ssyncadd.s32 $0xFFFFFEC0  }
0x178: {  	[tilespmem:s8], [sflag:$0x5] =	stream.indirect.gather [spmem:s4], $0x10, s5, s29, $0xb8;
	[tilespmem:$0x1B3B0] =	vst v63  }
0x179: {  	_ =	swait.ge [sflag:s14], $0x140  }
0x17a: {  	[sflag:s14] =	ssyncset.done $0x0  }
0x17b: {  	[sflag:s14] =	ssyncadd.s32 $0xFFFFFEC0  }
0x17c: {  	_ =	swait.ge [sflag:s9], $0x140  }
0x17d: {  	[sflag:s9] =	ssyncset.done $0x0  }
0x17e: {  	[sflag:s9] =	ssyncadd.s32 $0xFFFFFEC0  }
0x17f: {  	_ =	swait.ge [sflag:s19], $0x1400  }
0x180: {  	s13 =	sadd.s32 $0xFFFF3800, s10;
	[sflag:s19] =	ssyncset.done $0x0  }
0x181: {  	s11 =	sadd.s32 $0xCA80, s13;
	[sflag:s19] =	ssyncadd.s32 $0xFFFFEC00  }
0x182: {  	[tilespmem:s21], [sflag:$0x6] =	stream.indirect.gather [spmem:s4], $0x10, s30, s29, $0xb8;
	[tilespmem:$0x1B3B0] =	vst v63  }
0x183: {  	p1 =	slt.s32 s11, $0xC7EC0  }
0x184: {  	[spmem:s3] =	stream.indirect.scatter.add.f32 [tilespmem:s8], [sflag:$0x7], $0x10, s29, s29, $0xb8;
	[tilespmem:$0x1B3B0] =	vst v63  }
0x185: {  	s11 =	simm.s32 @!p1 $0xC7EC0;
	_ =	swait.ge [sflag:s28], $0x1400  }
0x186: {  	s11 =	sshrl.u32 s11, $0x3;
	[sflag:s28] =	ssyncset.done $0x0  }
0x187: {  	s25 =	smov.u32 s15;
	s15 =	sadd.s32 s2, s11;
	[sflag:s28] =	ssyncadd.s32 $0xFFFFEC00  }
0x188: {  	[tilespmem:s5], [sflag:$0x1] =	stream.linear.gather [hbm4b:s15+s5], $0x140, $0x38;
	[tilespmem:$0x1B3B0] =	vst v63  }
0x189: {  	s11 =	sadd.s32 s7, s11  }
0x18a: {  	[tilespmem:s29], [sflag:$0x2] =	stream.linear.gather [hbm4b:s11+s5], $0x140, $0x38;
	[tilespmem:$0x1B3B0] =	vst v63  }
0x18b: {  	s6 =	sadd.s32 $0xCBC0, s13;
	_ =	swait.ge [sflag:s22], $0x1400  }
0x18c: {  	p1 =	slt.s32 s6, $0xC7EC0;
	[sflag:s22] =	ssyncset.done $0x0  }
0x18d: {  	s6 =	simm.s32 @!p1 $0xC7EC0;
	[sflag:s22] =	ssyncadd.s32 $0xFFFFEC00  }
0x18e: {  	[spmem:s3] =	stream.indirect.scatter.add.f32 [tilespmem:s21], [sflag:$0x7], $0x10, s31, s29, $0xb8;
	[tilespmem:$0x1B3B0] =	vst v63  }
0x18f: {  	s6 =	sshrl.u32 s6, $0x3;
	_ =	swait.ge [sflag:s28], $0x1400  }
0x190: {  	s24 =	sadd.s32 s2, s6;
	[sflag:s28] =	ssyncset.done $0x0  }
0x191: {  	s6 =	sadd.s32 s7, s6;
	s11 =	simm.s32 $0xFFFF3A80;
	[sflag:s28] =	ssyncadd.s32 $0xFFFFEC00  }
0x192: {  	[tilespmem:s30], [sflag:$0x3] =	stream.linear.gather [hbm4b:s24+s5], $0x140, $0x38;
	[tilespmem:$0x1B3B0] =	vst v63  }
.LBB2_5:
0x193: {  	p1 =	seq.s32 s11, $0xFFFFFD80;
	s12 =	smov.u32 s11;
	s11 =	sadd.s32 $0x280, s11  }
0x194: {  	[tilespmem:s31], [sflag:$0x4] =	stream.linear.gather [hbm4b:s6+s5], $0x140, $0x38;
	[tilespmem:$0x1B3B0] =	vst v63  }
0x195: {  	_ =	swait.ge [sflag:s0], $0x140  }
0x196: {  	[sflag:s0] =	ssyncset.done $0x0  }
0x197: {  	[sflag:s0] =	ssyncadd.s32 $0xFFFFFEC0  }
0x198: {  	_ =	swait.ge [sflag:s1], $0x140  }
0x199: {  	[sflag:s1] =	ssyncset.done $0x0  }
0x19a: {  	[sflag:s1] =	ssyncadd.s32 $0xFFFFFEC0  }
0x19b: {  	[tilespmem:s8], [sflag:$0x5] =	stream.indirect.gather [spmem:s4], $0x10, s5, s29, $0xb8;
	[tilespmem:$0x1B3B0] =	vst v63  }
0x19c: {  	_ =	swait.ge [sflag:s14], $0x140  }
0x19d: {  	[sflag:s14] =	ssyncset.done $0x0  }
0x19e: {  	[sflag:s14] =	ssyncadd.s32 $0xFFFFFEC0  }
0x19f: {  	_ =	swait.ge [sflag:s9], $0x140  }
0x1a0: {  	[sflag:s9] =	ssyncset.done $0x0  }
0x1a1: {  	[sflag:s9] =	ssyncadd.s32 $0xFFFFFEC0  }
0x1a2: {  	_ =	swait.ge [sflag:s19], $0x1400  }
0x1a3: {  	[sflag:s19] =	ssyncset.done $0x0  }
0x1a4: {  	s6 =	sadd.s32 s12, s10;
	[sflag:s19] =	ssyncadd.s32 $0xFFFFEC00  }
0x1a5: {  	[tilespmem:s21], [sflag:$0x6] =	stream.indirect.gather [spmem:s4], $0x10, s30, s29, $0xb8;
	[tilespmem:$0x1B3B0] =	vst v63  }
0x1a6: {  	s12 =	sadd.s32 $0xCA80, s6;
	s6 =	sadd.s32 $0xCBC0, s6  }
0x1a7: {  	[spmem:s3] =	stream.indirect.scatter.add.f32 [tilespmem:s8], [sflag:$0x7], $0x10, s29, s29, $0xb8;
	[tilespmem:$0x1B3B0] =	vst v63  }
0x1a8: {  	p2 =	slt.s32 s12, $0xC7EC0;
	p3 =	slt.s32 s6, $0xC7EC0;
	_ =	swait.ge [sflag:s28], $0x1400  }
0x1a9: {  	s12 =	simm.s32 @!p2 $0xC7EC0;
	s6 =	simm.s32 @!p3 $0xC7EC0;
	[sflag:s28] =	ssyncset.done $0x0  }
0x1aa: {  	s12 =	sshrl.u32 s12, $0x3;
	s6 =	sshrl.u32 s6, $0x3;
	[sflag:s28] =	ssyncadd.s32 $0xFFFFEC00  }
0x1ab: {  	s13 =	sadd.s32 s2, s12;
	s12 =	sadd.s32 s7, s12  }
0x1ac: {  	[tilespmem:s5], [sflag:$0x1] =	stream.linear.gather [hbm4b:s13+s5], $0x140, $0x38;
	[tilespmem:$0x1B3B0] =	vst v63  }
0x1ad: {  	_ = 	snop  }
0x1ae: {  	[tilespmem:s29], [sflag:$0x2] =	stream.linear.gather [hbm4b:s12+s5], $0x140, $0x38;
	[tilespmem:$0x1B3B0] =	vst v63  }
0x1af: {  	_ =	swait.ge [sflag:s22], $0x1400  }
0x1b0: {  	[sflag:s22] =	ssyncset.done $0x0  }
0x1b1: {  	[sflag:s22] =	ssyncadd.s32 $0xFFFFEC00  }
0x1b2: {  	[spmem:s3] =	stream.indirect.scatter.add.f32 [tilespmem:s21], [sflag:$0x7], $0x10, s31, s29, $0xb8;
	[tilespmem:$0x1B3B0] =	vst v63  }
.Ltmp7:
0x1b3: {  	_ = 	snop;
	(pc) =	sbr.rel @!p1 .LBB2_5-.Ltmp7, $4  }
0x1b4: {  	_ =	swait.ge [sflag:s28], $0x1400  }
0x1b5: {  	s12 =	sadd.s32 s2, s6;
	[sflag:s28] =	ssyncset.done $0x0  }
0x1b6: {  	s6 =	sadd.s32 s7, s6;
	[sflag:s28] =	ssyncadd.s32 $0xFFFFEC00  }
0x1b7: {  	[tilespmem:s30], [sflag:$0x3] =	stream.linear.gather [hbm4b:s12+s5], $0x140, $0x38;
	[tilespmem:$0x1B3B0] =	vst v63  }
.Ltmp8:
0x1b8: {  	(pc) =	sbr.rel .LBB2_12-.Ltmp8, $3  }
0x1b9: {  	_ =	sdelay $0x1  }
0x1ba: {  	[tilespmem:s31], [sflag:$0x4] =	stream.linear.gather [hbm4b:s6+s5], $0x140, $0x38;
	[tilespmem:$0x1B3B0] =	vst v63  }
0x1bb: {  	s11 =	rddreg [dreg:$0x6]  }
.LBB2_13:
0x1bc: {  	_ =	sfence.sel $0x180000  }
0x1bd: {  	[bflag:$0x0] =	sbarrier.arrive $0xFFFF  }
0x1be: {  	_ =	strace $0x9000004A  }
0x1bf: {  	s0 =	stileid.u32;
	[bflag:$0x2] =	sbarrier.arrive $0xFFFF  }
0x1c0: {  	p0 =	sne.s32 s0, $0x0;
	s0 =	rddreg [dreg:$0x4]  }
0x1c1: {  	s0 =	sadd.s32 @!p0 $0x100000, s0  }
0x1c2: {  	[sflag:s0] =	ssyncadd.tile.s32 @!p0 $0x1;
	_ =	shalt  }
.Lfunc_end2:
_tile_overlayer_lowered:
.L_overlay_start_2:
0x1c3: {  	(tag) =	ssettag $0x2  }
0x1c4: {  	s0 =	rddreg [dreg:$0x0];
	s2 =	stileid.u32  }
0x1c5: {  	s1 =	rddreg [dreg:$0x1];
	p0 =	sne.s32 s2, $0x0  }
0x1c6: {  	s3 =	rddreg [dreg:$0x2];
	[bflag:$0x3] =	sbarrier.arrive $0xFFFF;
	s2 =	simm.s32 @!p0 $0x1C07  }
0x1c7: {  	[timem:s3], [sflag:s2] =	dma.local @!p0 [hbm:s0], s1  }
0x1c8: {  	s0 =	simm.s32 @!p0 $0x7  }
0x1c9: {  	_ =	swait.ge @!p0 [sflag:s0], s1  }
0x1ca: {  	s1 =	ssub.s32 @!p0 $0x0, s1;
	[sflag:s0] =	ssyncset.done @!p0 $0x0  }
0x1cb: {  	[sflag:s0] =	ssyncadd.s32 @!p0 s1  }
0x1cc: {  	[bflag:$0x3] =	sbarrier.arrive $0xFFFF  }
0x1cd: {  	_ =	shalt  }

// kernel: kernel.15.cloned.1.call-start
scs
__scs_entry_jumppad:
0x0: {  	(pc) =	sbr.rel $0x88, $3  }
0x1: {  	(tag) =	ssettag $0x0;
	lr =	simm.s32 $0x1  }
0x2: {  	[smem:$0x3F95] =	sst lr;
	_ =	strace $0xD0000000  }
0x3: {  	_ = 	snop  }
0x4: {  	_ = 	snop  }
0x5: {  	_ = 	snop  }
0x6: {  	_ = 	snop  }
0x7: {  	_ = 	snop  }
__scs_overlays_trampoline_lowered:
0x8: {  	[smem:$0x3FA4] =	sst s0  }
0x9: {  	[smem:$0x3FA5] =	sst s1  }
0xa: {  	[smem:$0x3FA6] =	sst s2  }
0xb: {  	[smem:$0x3FA7] =	sst s3  }
0xc: {  	[smem:$0x3FA8] =	sst s4  }
0xd: {  	[smem:$0x3FA9] =	sst s5  }
0xe: {  	[smem:$0x3FAA] =	sst s6  }
0xf: {  	[smem:$0x3FAB] =	sst s7  }
0x10: {  	[smem:$0x3FAC] =	sst s8  }
0x11: {  	[smem:$0x3FAD] =	sst s9;
	s0 =	simm.s32 @!p0 $0x0  }
0x12: {  	s1 =	sld [smem:$0x3F93];
	s0 =	simm.s32 @p0 $0x1  }
0x13: {  	[smem:$0x3FAE] =	sst s0;
	s0 =	simm.s32 @!p1 $0x0  }
0x14: {  	s2 =	sld [smem:$0x3F92];
	s0 =	simm.s32 @p1 $0x1  }
0x15: {  	[smem:$0x3FAF] =	sst s0;
	s0 =	simm.s32 @!p2 $0x0  }
0x16: {  	s3 =	sld [smem:$0x3FDB];
	s0 =	simm.s32 @p2 $0x1  }
0x17: {  	s4 =	simm.s32 $0x1BF5;
	[smem:$0x3FB1] =	sst s0  }
0x18: {  	s0 =	sld [smem:$0x3F94];
	_ =	swait.ge [sflag:s4], $0x0  }
0x19: {  	s7 =	sld [smem:$0x3F95]  }
0x1a: {  	s8 =	sadd.s32 $0xFFFFE003, lr  }
0x1b: {  	s9 =	sadd.s32 $0xFFFFFEF7, lr;
	s5 =	simm.s32 $0xFFFFFFFF;
	p2 =	slt.u32 s8, $0xFFFFF086  }
0x1c: {  	p1 =	slt.u32 s9, $0xF7A;
	s5 =	simm.s32 @!p2 $0x0  }
0x1d: {  	s5 =	simm.s32 @p1 $0x1;
	p0 =	seq.s32 s7, s2  }
0x1e: {  	s7 =	smul.u32 @!p0 $0xF7A, s2;
	p2 =	seq.s32 @!p0 s5, $0x0  }
0x1f: {  	s9 =	smul.u32 $0xF7A, s1;
	s8 =	simm.s32 @!p0 $0x1BF5;
	p2 =	por !p2, p0  }
0x20: {  	[sflag:s8] =	ssyncset.s32 @!p0 $0xFFFFF086;
	s6 =	sadd.s32 @!p0 s3, s7;
	s7 =	simm.s32 @!p0 $0x108  }
0x21: {  	s3 =	sadd.s32 s3, s9;
	s6 =	sadd.s32 @!p0 $0x88, s6;
	s7 =	simm.s32 @p2 $0x1082  }
0x22: {  	[simem:s7], [sflag:s8] =	dma.local @!p0 [hbm:s6], $0xF7A  }
0x23: {  	s9 =	sor.u32 $0xD0000000, s2;
	s6 =	simm.s32 $0x108;
	_ =	swait.ge @!p0 [sflag:s8], $0x0  }
0x24: {  	s3 =	sadd.s32 $0x88, s3;
	s6 =	simm.s32 @!p1 $0x1082;
	[sflag:s4] =	ssyncset.s32 $0xFFFFF086  }
0x25: {  	[simem:s6], [sflag:s4] =	dma.local [hbm:s3], $0xF7A  }
0x26: {  	[smem:$0x3F95] =	sst s1;
	(tag) =	ssettag s2;
	_ =	strace s9  }
0x27: {  	s1 =	sld [smem:$0x3FA5]  }
0x28: {  	s2 =	sld [smem:$0x3FA6]  }
0x29: {  	s4 =	sld [smem:$0x3FA8]  }
0x2a: {  	p0 =	seq.s32 s5, $0x0;
	s5 =	sld [smem:$0x3FA9]  }
0x2b: {  	s6 =	sld [smem:$0x3FAA]  }
0x2c: {  	s7 =	sld [smem:$0x3FAB]  }
0x2d: {  	s3 =	simm.s32 $0x108;
	s8 =	sld [smem:$0x3FAC]  }
0x2e: {  	s3 =	simm.s32 @!p0 $0x1082;
	s9 =	sld [smem:$0x3FAD]  }
0x2f: {  	lr =	sadd.s32 s0, s3;
	s0 =	sld [smem:$0x3FA4]  }
0x30: {  	s3 =	sld [smem:$0x3FA7]  }
0x31: {  	[smem:$0x3FB0] =	sst s10  }
0x32: {  	s10 =	sld [smem:$0x3FAE];
	_ =	sdelay $0x3  }
0x33: {  	p0 =	seq.s32 s10, $0x1;
	s10 =	sld [smem:$0x3FB0];
	_ =	sdelay $0x3  }
0x34: {  	[smem:$0x3FB0] =	sst s10  }
0x35: {  	s10 =	sld [smem:$0x3FAF];
	_ =	sdelay $0x3  }
0x36: {  	p1 =	seq.s32 s10, $0x1;
	s10 =	sld [smem:$0x3FB0];
	_ =	sdelay $0x3  }
0x37: {  	[smem:$0x3FB0] =	sst s10  }
0x38: {  	s10 =	sld [smem:$0x3FB1]  }
0x39: {  	_ = 	snop;
	(pc) =	sbr.ind lr, $3  }
0x3a: {  	_ = 	snop  }
0x3b: {  	_ = 	snop  }
0x3c: {  	p2 =	seq.s32 s10, $0x1;
	s10 =	sld [smem:$0x3FB0]  }
0x3d: {  	_ =	shalt  }
0x3e: {  	_ =	shalt  }
0x3f: {  	_ =	shalt  }
0x40: {  	_ =	shalt  }
0x41: {  	_ =	shalt  }
0x42: {  	_ =	shalt  }
0x43: {  	_ =	shalt  }
0x44: {  	_ =	shalt  }
0x45: {  	_ =	shalt  }
0x46: {  	_ =	shalt  }
0x47: {  	_ =	shalt  }
0x48: {  	_ =	shalt  }
0x49: {  	_ =	shalt  }
0x4a: {  	_ =	shalt  }
0x4b: {  	_ =	shalt  }
0x4c: {  	_ =	shalt  }
0x4d: {  	_ =	shalt  }
0x4e: {  	_ =	shalt  }
0x4f: {  	_ =	shalt  }
0x50: {  	_ =	shalt  }
0x51: {  	_ =	shalt  }
0x52: {  	_ =	shalt  }
0x53: {  	_ =	shalt  }
0x54: {  	_ =	shalt  }
0x55: {  	_ =	shalt  }
0x56: {  	_ =	shalt  }
0x57: {  	_ =	shalt  }
0x58: {  	_ =	shalt  }
0x59: {  	_ =	shalt  }
0x5a: {  	_ =	shalt  }
0x5b: {  	_ =	shalt  }
0x5c: {  	_ =	shalt  }
0x5d: {  	_ =	shalt  }
0x5e: {  	_ =	shalt  }
0x5f: {  	_ =	shalt  }
0x60: {  	_ =	shalt  }
0x61: {  	_ =	shalt  }
0x62: {  	_ =	shalt  }
0x63: {  	_ =	shalt  }
0x64: {  	_ =	shalt  }
0x65: {  	_ =	shalt  }
0x66: {  	_ =	shalt  }
0x67: {  	_ =	shalt  }
0x68: {  	_ =	shalt  }
0x69: {  	_ =	shalt  }
0x6a: {  	_ =	shalt  }
0x6b: {  	_ =	shalt  }
0x6c: {  	_ =	shalt  }
0x6d: {  	_ =	shalt  }
0x6e: {  	_ =	shalt  }
0x6f: {  	_ =	shalt  }
0x70: {  	_ =	shalt  }
0x71: {  	_ =	shalt  }
0x72: {  	_ =	shalt  }
0x73: {  	_ =	shalt  }
0x74: {  	_ =	shalt  }
0x75: {  	_ =	shalt  }
0x76: {  	_ =	shalt  }
0x77: {  	_ =	shalt  }
0x78: {  	_ =	shalt  }
0x79: {  	_ =	shalt  }
0x7a: {  	_ =	shalt  }
0x7b: {  	_ =	shalt  }
0x7c: {  	_ =	shalt  }
0x7d: {  	_ =	shalt  }
0x7e: {  	_ =	shalt  }
0x7f: {  	_ =	shalt  }
0x80: {  	_ =	shalt  }
0x81: {  	_ =	shalt  }
0x82: {  	_ =	shalt  }
0x83: {  	_ =	shalt  }
0x84: {  	_ =	shalt  }
0x85: {  	_ =	shalt  }
0x86: {  	_ =	shalt  }
0x87: {  	_ =	shalt  }
.Lfunc_end0:
.L_simem_size_0:
called_computation.2_lowered:
.L_overlay_start_0:
0x88: {  	s2 =	sld [smem:$0x3FD9]  }
0x89: {  	s3 =	sld [smem:$0x3FFE];
	_ =	sdelay $0x1  }
0x8a: {  	s1 =	srdreg.scid  }
0x8b: {  	s0 =	sand.u32 $0x1, s1  }
0x8c: {  	s17 =	sshll.u32 s0, $0xA;
	s2 =	sadd.s32 s3, s2  }
0x8d: {  	s2 =	sadd.s32 s2, s17  }
0x8e: {  	[smem:$0x3FBC] =	sst s2  }
0x8f: {  	_ = 	snop  }
0x90: {  	s2 =	sld [smem:$0x3FD0];
	(tm) =	ssettm $0x1  }
0x91: {  	s18 =	sld [smem:$0x3FFB];
	_ =	sdelay $0x3  }
0x92: {  	_ =	strace s18  }
0x93: {  	s3 =	sld [smem:$0x3FFC];
	_ =	sdelay $0x3  }
0x94: {  	_ =	strace s3  }
0x95: {  	s3 =	sld [smem:$0x3FFD];
	_ =	sdelay $0x3  }
0x96: {  	_ =	strace s3  }
0x97: {  	_ =	strace $0x8FFFFFFF  }
0x98: {  	s19 =	sld [smem:$0x3FDB];
	_ =	sdelay $0x1  }
0x99: {  	s4 =	simm.s32 $_scs_section_size  }
0x9a: {  	s5 =	simm.s32 $_size__tile_overlayer_lowered;
	s6 =	simm.s32 $_tile_overlayer_lowered  }
0x9b: {  	s22 =	simm.s32 $0x1BFF;
	s21 =	sshll.u32 s6, $0x1;
	s3 =	sadd.s32 s4, s19  }
0x9c: {  	s7 =	simm.s32 $0x0;
	s20 =	sshll.u32 s5, $0x1;
	s5 =	sadd.s32 s21, s3  }
0x9d: {  	[timem:s7], [sflag:s22] =	dma.local [hbm:s5], s20  }
0x9e: {  	_ =	swait.ge [sflag:s22], s20  }
0x9f: {  	s4 =	ssub.s32 $0x0, s20;
	[sflag:s22] =	ssyncset.done $0x0  }
0xa0: {  	[sflag:s22] =	ssyncadd.s32 s4;
	_ =	sdelay $0x1  }
0xa1: {  	s23 =	simm.s32 $0x1B8B  }
0xa2: {  	_ =	swait.ge [sflag:s23], $0x1  }
0xa3: {  	[sflag:s23] =	ssyncset.done $0x0  }
0xa4: {  	s25 =	simm.s32 $0x1B8E;
	s24 =	sld [smem:$0x3FFE];
	[sflag:s23] =	ssyncadd.s32 $0xFFFFFFFF  }
0xa5: {  	s26 =	simm.s32 $execute0_lowered;
	[smem:$0x3FD2] =	sst s25  }
0xa6: {  	s5 =	sshll.u32 s26, $0x1;
	_ =	strace $0x8000004C;
	[dreg:$0x1] =	wrdreg $0xFFFFFFFF  }
0xa7: {  	s28 =	simm.s32 $_size_execute0_lowered;
	s3 =	sadd.s32 s3, s5;
	[dreg:$0x0] =	wrdreg $0x0  }
0xa8: {  	s5 =	sshll.u32 s28, $0x1;
	[dreg:$0x2] =	wrdreg s3  }
0xa9: {  	[dreg:$0x3] =	wrdreg s5  }
0xaa: {  	[dreg:$0x4] =	wrdreg $0xC0  }
0xab: {  	_ =	task [dreg:s7], $0x5FFFF  }
0xac: {  	[dreg:$0x1] =	wrdreg $0xFFFFFFFF  }
0xad: {  	[dreg:$0x0] =	wrdreg $0x60  }
0xae: {  	[dreg:$0x2] =	wrdreg s24  }
0xaf: {  	[dreg:$0x3] =	wrdreg s2  }
0xb0: {  	[dreg:$0x4] =	wrdreg $0x2D000  }
0xb1: {  	[dreg:$0x5] =	wrdreg $0xF0600  }
0xb2: {  	[dreg:$0x6] =	wrdreg $0x9  }
0xb3: {  	_ =	task.clear_ibuf [dreg:s7], $0x7FFFF;
	_ =	strace $0x9000004C  }
0xb4: {  	s29 =	simm.s32 $0x9;
	_ =	strace $0x8000004E  }
0xb5: {  	_ =	swait.ge [sflag:s29], $0x1  }
0xb6: {  	[sflag:s29] =	ssyncadd.s32 $0xFFFFFFFF  }
0xb7: {  	_ =	strace $0x9000004E  }
0xb8: {  	_ =	sfence  }
0xb9: {  	s30 =	sld [smem:$0x0];
	_ =	sdelay $0x2  }
0xba: {  	s31 =	sshll.u32 s1, $0xD;
	s1 =	sshrl.u32 s1, $0x2  }
0xbb: {  	s3 =	sand.u32 $0x4000, s31;
	s1 =	sadd.s32 s1, s30  }
0xbc: {  	s0 =	sor.u32 s3, s0;
	s1 =	sshll.u32 s1, $0x11  }
0xbd: {  	s0 =	sor.u32 s1, s0  }
0xbe: {  	s0 =	sadd.s32 $0x8F2B, s0  }
0xbf: {  	[sflag:s0] =	ssyncadd.remote.s32 $0x1  }
0xc0: {  	_ =	sfence.sel $0xFFFF  }
0xc1: {  	[dreg:$0x0] =	wrdreg $0xFFFFFFFF;
	(pc) =	sbr.abs _section_cstart, $3  }
0xc2: {  	[dreg:$0x1] =	wrdreg $0xFFFFFFFF  }
0xc3: {  	_ =	task.clear_ibuf [dreg:s7], $0x2FFFF;
	_ =	strace $0x9FFFFFFF  }
0xc4: {  	(tm) =	ssettm $0x7FFFFFFF  }
0xc5: {  	_ =	shalt  }
tec
execute0_lowered:
.L_overlay_start_1:
0x0: {  	(tag) =	ssettag $0x1  }
0x1: {  	s0 =	rddreg [dreg:$0x0]  }
0x2: {  	s2 =	rddreg [dreg:$0x1]  }
0x3: {  	s3 =	rddreg [dreg:$0x2]  }
0x4: {  	s4 =	rddreg [dreg:$0x3]  }
0x5: {  	s13 =	stileid.u32;
	s5 =	simm.s32 $0x0;
	s7 =	srdreg.scid  }
0x6: {  	s28 =	simm.s32 $0x7;
	s29 =	simm.s32 $0x140;
	s30 =	simm.s32 $0x280  }
0x7: {  	s31 =	simm.s32 $0x3C0;
	s1 =	smul.u32 $0xC350, s13;
	[smem:$0x7FF] =	sst s5  }
0x8: {  	s6 =	smul.u32 $0xC360, s13;
	s9 =	sand.u32 $0x1, s7;
	s7 =	sadd.s32 $0x373C00, s0  }
0x9: {  	s26 =	sadd.s32 $0x66400, s0;
	_ =	strace $0x8000004D;
	s11 =	ssub.s32 $0x2, s9  }
0xa: {  	[dreg:$0x6] =	wrdreg s26;
	p0 =	seq.s32 s9, $0x1;
	s26 =	sshll.u32 s13, $0x6  }
0xb: {  	s9 =	simm.s32 $0x4;
	s8 =	sshrl.u32 s1, $0x3;
	s10 =	sshrl.u32 s6, $0x3  }
0xc: {  	s14 =	sshrl.u32 s11, $0x1;
	s6 =	sadd.s32 s6, s3;
	[dreg:$0x5] =	wrdreg s8  }
0xd: {  	s16 =	sadd.s32 s1, s4;
	s8 =	sadd.s32 s8, s0;
	[dreg:$0x8] =	wrdreg s6  }
0xe: {  	s12 =	sadd.s32 s10, s0;
	s0 =	sadd.s32 $0xAFC00, s0;
	[dreg:$0x9] =	wrdreg s16  }
0xf: {  	s26 =	sor.u32 $0x1C07, s26;
	[dreg:$0x7] =	wrdreg s0;
	s17 =	sadd.s32 $0x4400, s8  }
0x10: {  	s15 =	ssub.s32 s11, s14;
	s20 =	sadd.s32 $0x7EC00, s8;
	[dreg:$0xa] =	wrdreg s17  }
0x11: {  	s10 =	smul.u32 $0xC800, s13;
	s21 =	sadd.s32 $0x1CC00, s8;
	[dreg:$0xc] =	wrdreg s20  }
0x12: {  	s14 =	simm.s32 $0x3;
	s22 =	sadd.s32 $0x35400, s8;
	[dreg:$0xd] =	wrdreg s21  }
0x13: {  	s25 =	sadd.s32 $0x38CC00, s12;
	s23 =	sadd.s32 $0x97400, s8;
	[dreg:$0xe] =	wrdreg s22  }
0x14: {  	s24 =	sadd.s32 $0x4DC00, s8;
	s0 =	smax.u32 s15, $0x1;
	[dreg:$0xf] =	wrdreg s23  }
0x15: {  	s8 =	simm.s32 $0x500;
	s18 =	sshrl.u32 s10, $0x3;
	[dreg:$0x10] =	wrdreg s24  }
.Ltmp0:
0x16: {  	s20 =	sadd.s32 s1, s3;
	[dreg:$0x11] =	wrdreg s0;
	(pc) =	sbr.rel .LBB2_1-.Ltmp0, $4  }
0x17: {  	s0 =	simm.s32 $0x1;
	s1 =	simm.s32 $0x2;
	s21 =	simm.s32 $0x1900  }
0x18: {  	s22 =	simm.s32 $0x6;
	s23 =	simm.s32 $0x0;
	s19 =	sadd.s32 s2, s18  }
0x19: {  	s16 =	sadd.s32 s7, s18;
	s6 =	sor.u32 $0x28, s18;
	[dreg:$0xb] =	wrdreg s19  }
0x1a: {  	s17 =	sadd.s32 s2, s6;
	s18 =	sadd.s32 s7, s6;
	s19 =	simm.s32 $0x5  }
.LBB2_11:
0x1b: {  	[tilespmem:s31], [sflag:$0x4] =	stream.linear.gather [hbm4b:s6+s5], $0x140, $0x38;
	[tilespmem:$0x1B3B0] =	vst v63  }
0x1c: {  	s11 =	rddreg [dreg:$0x7]  }
.LBB2_12:
0x1d: {  	_ =	swait.ge [sflag:s0], $0x140  }
0x1e: {  	[sflag:s0] =	ssyncset.done $0x0  }
0x1f: {  	[sflag:s0] =	ssyncadd.s32 $0xFFFFFEC0  }
0x20: {  	_ =	swait.ge [sflag:s1], $0x140  }
0x21: {  	[sflag:s1] =	ssyncset.done $0x0  }
0x22: {  	[sflag:s1] =	ssyncadd.s32 $0xFFFFFEC0  }
0x23: {  	_ =	swait.ge [sflag:s14], $0x140  }
0x24: {  	[sflag:s14] =	ssyncset.done $0x0  }
0x25: {  	[sflag:s14] =	ssyncadd.s32 $0xFFFFFEC0  }
0x26: {  	_ =	swait.ge [sflag:s9], $0x140  }
0x27: {  	[sflag:s9] =	ssyncset.done $0x0  }
0x28: {  	s6 =	rddreg [dreg:$0x5];
	[sflag:s9] =	ssyncadd.s32 $0xFFFFFEC0  }
0x29: {  	s15 =	sshrl.u32 s20, $0x3;
	s6 =	sadd.s32 s11, s6;
	[bflag:$0x0] =	sbarrier.arrive $0xFFFF  }
0x2a: {  	[hbm:s6], [sflag:s26] =	dma.local [spmem:s15], $0x186A  }
0x2b: {  	_ =	swait.ge [sflag:s28], $0x186A  }
0x2c: {  	s23 =	sadd.s32 $0x1, s23;
	s24 =	rddreg [dreg:$0x11]  }
0x2d: {  	p1 =	sne.s32 s23, s24  }
.Ltmp1:
0x2e: {  	_ = 	snop;
	(pc) =	sbr.rel @!p1 .LBB2_13-.Ltmp1, $3  }
0x2f: {  	[sflag:s28] =	ssyncset.done $0x0  }
0x30: {  	[sflag:s28] =	ssyncadd.s32 $0xFFFFE796  }
0x31: {  	[bflag:$0x0] =	sbarrier.arrive $0xFFFF;
	_ =	sdelay $0x1  }
.LBB2_1:
0x32: {  	s6 =	rddreg [dreg:$0x8]  }
.Ltmp2:
0x33: {  	s11 =	sshrl.u32 s6, $0x3;
	(pc) =	sbr.rel @!p0 .LBB2_2-.Ltmp2, $4  }
0x34: {  	[spmem:s11], [sflag:s26] =	dma.local [hbm:s25], $0x186C  }
0x35: {  	_ =	swait.ge [sflag:s28], $0x186C  }
0x36: {  	s15 =	smov.u32 s25;
	[sflag:s28] =	ssyncset.done $0x0;
	s25 =	rddreg [dreg:$0x9]  }
0x37: {  	[sflag:s28] =	ssyncadd.s32 $0xFFFFE794;
	s24 =	sshrl.u32 s25, $0x3  }
0x38: {  	s6 =	rddreg [dreg:$0xe]  }
0x39: {  	[spmem:s24], [sflag:s26] =	dma.local [hbm:s6], $0x186A  }
0x3a: {  	_ =	swait.ge [sflag:s28], $0x186A  }
0x3b: {  	[sflag:s28] =	ssyncset.done $0x0  }
0x3c: {  	[sflag:s28] =	ssyncadd.s32 $0xFFFFE796  }
0x3d: {  	[bflag:$0x0] =	sbarrier.arrive $0xFFFF  }
0x3e: {  	s13 =	rddreg [dreg:$0xb]  }
0x3f: {  	[tilespmem:s5], [sflag:$0x1] =	stream.linear.gather [hbm4b:s13+s5], $0x140, $0x38;
	[tilespmem:$0x1B3B0] =	vst v63  }
0x40: {  	_ = 	snop  }
0x41: {  	[tilespmem:s29], [sflag:$0x2] =	stream.linear.gather [hbm4b:s16+s5], $0x140, $0x38;
	[tilespmem:$0x1B3B0] =	vst v63  }
0x42: {  	_ = 	snop  }
0x43: {  	[tilespmem:s30], [sflag:$0x3] =	stream.linear.gather [hbm4b:s17+s5], $0x140, $0x38;
	[tilespmem:$0x1B3B0] =	vst v63  }
0x44: {  	_ = 	snop  }
0x45: {  	[tilespmem:s31], [sflag:$0x4] =	stream.linear.gather [hbm4b:s18+s5], $0x140, $0x38;
	[tilespmem:$0x1B3B0] =	vst v63  }
0x46: {  	_ =	swait.ge [sflag:s0], $0x140  }
0x47: {  	[sflag:s0] =	ssyncset.done $0x0  }
0x48: {  	[sflag:s0] =	ssyncadd.s32 $0xFFFFFEC0  }
0x49: {  	_ =	swait.ge [sflag:s1], $0x140  }
0x4a: {  	[sflag:s1] =	ssyncset.done $0x0  }
0x4b: {  	[sflag:s1] =	ssyncadd.s32 $0xFFFFFEC0  }
0x4c: {  	[tilespmem:s8], [sflag:$0x5] =	stream.indirect.gather [spmem:s4], $0x10, s5, s29, $0xb8;
	[tilespmem:$0x1B3B0] =	vst v63  }
0x4d: {  	_ =	swait.ge [sflag:s14], $0x140  }
0x4e: {  	[sflag:s14] =	ssyncset.done $0x0  }
0x4f: {  	[sflag:s14] =	ssyncadd.s32 $0xFFFFFEC0  }
0x50: {  	_ =	swait.ge [sflag:s9], $0x140  }
0x51: {  	[sflag:s9] =	ssyncset.done $0x0  }
0x52: {  	[sflag:s9] =	ssyncadd.s32 $0xFFFFFEC0  }
0x53: {  	_ =	swait.ge [sflag:s19], $0x1400  }
0x54: {  	s25 =	sadd.s32 $0xFFFF3800, s10;
	[sflag:s19] =	ssyncset.done $0x0  }
0x55: {  	s12 =	sadd.s32 $0xCA80, s25;
	[sflag:s19] =	ssyncadd.s32 $0xFFFFEC00  }
0x56: {  	[tilespmem:s21], [sflag:$0x6] =	stream.indirect.gather [spmem:s4], $0x10, s30, s29, $0xb8;
	[tilespmem:$0x1B3B0] =	vst v63  }
0x57: {  	p1 =	slt.s32 s12, $0xC7EC0  }
0x58: {  	[spmem:s3] =	stream.indirect.scatter.add.f32 [tilespmem:s8], [sflag:$0x7], $0x10, s29, s29, $0xb8;
	[tilespmem:$0x1B3B0] =	vst v63  }
0x59: {  	s12 =	simm.s32 @!p1 $0xC7EC0;
	_ =	swait.ge [sflag:s28], $0x1400  }
0x5a: {  	s12 =	sshrl.u32 s12, $0x3;
	[sflag:s28] =	ssyncset.done $0x0  }
0x5b: {  	s13 =	sadd.s32 s2, s12;
	[sflag:s28] =	ssyncadd.s32 $0xFFFFEC00  }
0x5c: {  	[tilespmem:s5], [sflag:$0x1] =	stream.linear.gather [hbm4b:s13+s5], $0x140, $0x38;
	[tilespmem:$0x1B3B0] =	vst v63  }
0x5d: {  	s12 =	sadd.s32 s7, s12  }
0x5e: {  	[tilespmem:s29], [sflag:$0x2] =	stream.linear.gather [hbm4b:s12+s5], $0x140, $0x38;
	[tilespmem:$0x1B3B0] =	vst v63  }
0x5f: {  	s6 =	sadd.s32 $0xCBC0, s25;
	_ =	swait.ge [sflag:s22], $0x1400  }
0x60: {  	p1 =	slt.s32 s6, $0xC7EC0;
	[sflag:s22] =	ssyncset.done $0x0  }
0x61: {  	s6 =	simm.s32 @!p1 $0xC7EC0;
	[sflag:s22] =	ssyncadd.s32 $0xFFFFEC00  }
0x62: {  	[spmem:s3] =	stream.indirect.scatter.add.f32 [tilespmem:s21], [sflag:$0x7], $0x10, s31, s29, $0xb8;
	[tilespmem:$0x1B3B0] =	vst v63  }
0x63: {  	s6 =	sshrl.u32 s6, $0x3;
	_ =	swait.ge [sflag:s28], $0x1400  }
0x64: {  	s25 =	sadd.s32 s2, s6;
	[sflag:s28] =	ssyncset.done $0x0  }
0x65: {  	s6 =	sadd.s32 s7, s6;
	s13 =	simm.s32 $0xFFFF3A80;
	[sflag:s28] =	ssyncadd.s32 $0xFFFFEC00  }
0x66: {  	[tilespmem:s30], [sflag:$0x3] =	stream.linear.gather [hbm4b:s25+s5], $0x140, $0x38;
	[tilespmem:$0x1B3B0] =	vst v63  }
.LBB2_8:
0x67: {  	p1 =	sne.s32 s13, $0xFFFFFD80;
	s12 =	smov.u32 s13;
	s13 =	sadd.s32 $0x280, s13  }
0x68: {  	[tilespmem:s31], [sflag:$0x4] =	stream.linear.gather [hbm4b:s6+s5], $0x140, $0x38;
	[tilespmem:$0x1B3B0] =	vst v63  }
0x69: {  	_ =	swait.ge [sflag:s0], $0x140  }
0x6a: {  	[sflag:s0] =	ssyncset.done $0x0  }
0x6b: {  	[sflag:s0] =	ssyncadd.s32 $0xFFFFFEC0  }
0x6c: {  	_ =	swait.ge [sflag:s1], $0x140  }
0x6d: {  	[sflag:s1] =	ssyncset.done $0x0  }
0x6e: {  	[sflag:s1] =	ssyncadd.s32 $0xFFFFFEC0  }
0x6f: {  	[tilespmem:s8], [sflag:$0x5] =	stream.indirect.gather [spmem:s4], $0x10, s5, s29, $0xb8;
	[tilespmem:$0x1B3B0] =	vst v63  }
0x70: {  	_ =	swait.ge [sflag:s14], $0x140  }
0x71: {  	[sflag:s14] =	ssyncset.done $0x0  }
0x72: {  	[sflag:s14] =	ssyncadd.s32 $0xFFFFFEC0  }
0x73: {  	_ =	swait.ge [sflag:s9], $0x140  }
0x74: {  	[sflag:s9] =	ssyncset.done $0x0  }
0x75: {  	[sflag:s9] =	ssyncadd.s32 $0xFFFFFEC0  }
0x76: {  	_ =	swait.ge [sflag:s19], $0x1400  }
0x77: {  	[sflag:s19] =	ssyncset.done $0x0  }
0x78: {  	s6 =	sadd.s32 s12, s10;
	[sflag:s19] =	ssyncadd.s32 $0xFFFFEC00  }
0x79: {  	[tilespmem:s21], [sflag:$0x6] =	stream.indirect.gather [spmem:s4], $0x10, s30, s29, $0xb8;
	[tilespmem:$0x1B3B0] =	vst v63  }
0x7a: {  	s12 =	sadd.s32 $0xCA80, s6;
	s6 =	sadd.s32 $0xCBC0, s6  }
0x7b: {  	[spmem:s3] =	stream.indirect.scatter.add.f32 [tilespmem:s8], [sflag:$0x7], $0x10, s29, s29, $0xb8;
	[tilespmem:$0x1B3B0] =	vst v63  }
0x7c: {  	p2 =	slt.s32 s12, $0xC7EC0;
	p3 =	slt.s32 s6, $0xC7EC0;
	_ =	swait.ge [sflag:s28], $0x1400  }
0x7d: {  	s12 =	simm.s32 @!p2 $0xC7EC0;
	s6 =	simm.s32 @!p3 $0xC7EC0;
	[sflag:s28] =	ssyncset.done $0x0  }
0x7e: {  	s12 =	sshrl.u32 s12, $0x3;
	s6 =	sshrl.u32 s6, $0x3;
	[sflag:s28] =	ssyncadd.s32 $0xFFFFEC00  }
0x7f: {  	s25 =	sadd.s32 s2, s12;
	s12 =	sadd.s32 s7, s12  }
0x80: {  	[tilespmem:s5], [sflag:$0x1] =	stream.linear.gather [hbm4b:s25+s5], $0x140, $0x38;
	[tilespmem:$0x1B3B0] =	vst v63  }
0x81: {  	_ = 	snop  }
0x82: {  	[tilespmem:s29], [sflag:$0x2] =	stream.linear.gather [hbm4b:s12+s5], $0x140, $0x38;
	[tilespmem:$0x1B3B0] =	vst v63  }
0x83: {  	_ =	swait.ge [sflag:s22], $0x1400  }
0x84: {  	[sflag:s22] =	ssyncset.done $0x0  }
0x85: {  	[sflag:s22] =	ssyncadd.s32 $0xFFFFEC00  }
0x86: {  	[spmem:s3] =	stream.indirect.scatter.add.f32 [tilespmem:s21], [sflag:$0x7], $0x10, s31, s29, $0xb8;
	[tilespmem:$0x1B3B0] =	vst v63  }
.Ltmp3:
0x87: {  	_ = 	snop;
	(pc) =	sbr.rel @p1 .LBB2_8-.Ltmp3, $4  }
0x88: {  	_ =	swait.ge [sflag:s28], $0x1400  }
0x89: {  	s12 =	sadd.s32 s2, s6;
	[sflag:s28] =	ssyncset.done $0x0  }
0x8a: {  	s6 =	sadd.s32 s7, s6;
	[sflag:s28] =	ssyncadd.s32 $0xFFFFEC00  }
0x8b: {  	[tilespmem:s30], [sflag:$0x3] =	stream.linear.gather [hbm4b:s12+s5], $0x140, $0x38;
	[tilespmem:$0x1B3B0] =	vst v63  }
0x8c: {  	[tilespmem:s31], [sflag:$0x4] =	stream.linear.gather [hbm4b:s6+s5], $0x140, $0x38;
	[tilespmem:$0x1B3B0] =	vst v63  }
0x8d: {  	_ =	swait.ge [sflag:s0], $0x140  }
0x8e: {  	[sflag:s0] =	ssyncset.done $0x0  }
0x8f: {  	[sflag:s0] =	ssyncadd.s32 $0xFFFFFEC0  }
0x90: {  	_ =	swait.ge [sflag:s1], $0x140  }
0x91: {  	[sflag:s1] =	ssyncset.done $0x0  }
0x92: {  	[sflag:s1] =	ssyncadd.s32 $0xFFFFFEC0  }
0x93: {  	_ =	swait.ge [sflag:s14], $0x140  }
0x94: {  	[sflag:s14] =	ssyncset.done $0x0  }
0x95: {  	[sflag:s14] =	ssyncadd.s32 $0xFFFFFEC0  }
0x96: {  	_ =	swait.ge [sflag:s9], $0x140  }
0x97: {  	[sflag:s9] =	ssyncset.done $0x0  }
0x98: {  	[sflag:s9] =	ssyncadd.s32 $0xFFFFFEC0  }
0x99: {  	[bflag:$0x0] =	sbarrier.arrive $0xFFFF  }
0x9a: {  	s25 =	sshrl.u32 s20, $0x3;
	s12 =	rddreg [dreg:$0xf]  }
0x9b: {  	[hbm:s12], [sflag:s26] =	dma.local [spmem:s25], $0x186A  }
0x9c: {  	_ =	swait.ge [sflag:s28], $0x186A  }
0x9d: {  	[sflag:s28] =	ssyncset.done $0x0  }
0x9e: {  	[sflag:s28] =	ssyncadd.s32 $0xFFFFE796  }
0x9f: {  	[bflag:$0x0] =	sbarrier.arrive $0xFFFF  }
0xa0: {  	[spmem:s11], [sflag:s26] =	dma.local [hbm:s15], $0x186C  }
0xa1: {  	_ =	swait.ge [sflag:s28], $0x186C  }
0xa2: {  	[sflag:s28] =	ssyncset.done $0x0  }
0xa3: {  	s11 =	rddreg [dreg:$0x10];
	[sflag:s28] =	ssyncadd.s32 $0xFFFFE794  }
0xa4: {  	[spmem:s24], [sflag:s26] =	dma.local [hbm:s11], $0x186A  }
0xa5: {  	_ =	swait.ge [sflag:s28], $0x186A  }
0xa6: {  	[sflag:s28] =	ssyncset.done $0x0  }
0xa7: {  	[sflag:s28] =	ssyncadd.s32 $0xFFFFE796  }
0xa8: {  	[bflag:$0x0] =	sbarrier.arrive $0xFFFF  }
0xa9: {  	s12 =	rddreg [dreg:$0xb]  }
0xaa: {  	[tilespmem:s5], [sflag:$0x1] =	stream.linear.gather [hbm4b:s12+s5], $0x140, $0x38;
	[tilespmem:$0x1B3B0] =	vst v63  }
0xab: {  	_ = 	snop  }
0xac: {  	[tilespmem:s29], [sflag:$0x2] =	stream.linear.gather [hbm4b:s16+s5], $0x140, $0x38;
	[tilespmem:$0x1B3B0] =	vst v63  }
0xad: {  	_ = 	snop  }
0xae: {  	[tilespmem:s30], [sflag:$0x3] =	stream.linear.gather [hbm4b:s17+s5], $0x140, $0x38;
	[tilespmem:$0x1B3B0] =	vst v63  }
0xaf: {  	_ = 	snop  }
0xb0: {  	[tilespmem:s31], [sflag:$0x4] =	stream.linear.gather [hbm4b:s18+s5], $0x140, $0x38;
	[tilespmem:$0x1B3B0] =	vst v63  }
0xb1: {  	_ =	swait.ge [sflag:s0], $0x140  }
0xb2: {  	[sflag:s0] =	ssyncset.done $0x0  }
0xb3: {  	[sflag:s0] =	ssyncadd.s32 $0xFFFFFEC0  }
0xb4: {  	_ =	swait.ge [sflag:s1], $0x140  }
0xb5: {  	[sflag:s1] =	ssyncset.done $0x0  }
0xb6: {  	[sflag:s1] =	ssyncadd.s32 $0xFFFFFEC0  }
0xb7: {  	[tilespmem:s8], [sflag:$0x5] =	stream.indirect.gather [spmem:s4], $0x10, s5, s29, $0xb8;
	[tilespmem:$0x1B3B0] =	vst v63  }
0xb8: {  	_ =	swait.ge [sflag:s14], $0x140  }
0xb9: {  	[sflag:s14] =	ssyncset.done $0x0  }
0xba: {  	[sflag:s14] =	ssyncadd.s32 $0xFFFFFEC0  }
0xbb: {  	_ =	swait.ge [sflag:s9], $0x140  }
0xbc: {  	[sflag:s9] =	ssyncset.done $0x0  }
0xbd: {  	[sflag:s9] =	ssyncadd.s32 $0xFFFFFEC0  }
0xbe: {  	_ =	swait.ge [sflag:s19], $0x1400  }
0xbf: {  	s13 =	sadd.s32 $0xFFFF3800, s10;
	[sflag:s19] =	ssyncset.done $0x0  }
0xc0: {  	s11 =	sadd.s32 $0xCA80, s13;
	[sflag:s19] =	ssyncadd.s32 $0xFFFFEC00  }
0xc1: {  	[tilespmem:s21], [sflag:$0x6] =	stream.indirect.gather [spmem:s4], $0x10, s30, s29, $0xb8;
	[tilespmem:$0x1B3B0] =	vst v63  }
0xc2: {  	p1 =	slt.s32 s11, $0xC7EC0  }
0xc3: {  	[spmem:s3] =	stream.indirect.scatter.add.f32 [tilespmem:s8], [sflag:$0x7], $0x10, s29, s29, $0xb8;
	[tilespmem:$0x1B3B0] =	vst v63  }
0xc4: {  	s11 =	simm.s32 @!p1 $0xC7EC0;
	_ =	swait.ge [sflag:s28], $0x1400  }
0xc5: {  	s11 =	sshrl.u32 s11, $0x3;
	[sflag:s28] =	ssyncset.done $0x0  }
0xc6: {  	s25 =	smov.u32 s15;
	s15 =	sadd.s32 s2, s11;
	[sflag:s28] =	ssyncadd.s32 $0xFFFFEC00  }
0xc7: {  	[tilespmem:s5], [sflag:$0x1] =	stream.linear.gather [hbm4b:s15+s5], $0x140, $0x38;
	[tilespmem:$0x1B3B0] =	vst v63  }
0xc8: {  	s11 =	sadd.s32 s7, s11  }
0xc9: {  	[tilespmem:s29], [sflag:$0x2] =	stream.linear.gather [hbm4b:s11+s5], $0x140, $0x38;
	[tilespmem:$0x1B3B0] =	vst v63  }
0xca: {  	s6 =	sadd.s32 $0xCBC0, s13;
	_ =	swait.ge [sflag:s22], $0x1400  }
0xcb: {  	p1 =	slt.s32 s6, $0xC7EC0;
	[sflag:s22] =	ssyncset.done $0x0  }
0xcc: {  	s6 =	simm.s32 @!p1 $0xC7EC0;
	[sflag:s22] =	ssyncadd.s32 $0xFFFFEC00  }
0xcd: {  	[spmem:s3] =	stream.indirect.scatter.add.f32 [tilespmem:s21], [sflag:$0x7], $0x10, s31, s29, $0xb8;
	[tilespmem:$0x1B3B0] =	vst v63  }
0xce: {  	s6 =	sshrl.u32 s6, $0x3;
	_ =	swait.ge [sflag:s28], $0x1400  }
0xcf: {  	s24 =	sadd.s32 s2, s6;
	[sflag:s28] =	ssyncset.done $0x0  }
0xd0: {  	s6 =	sadd.s32 s7, s6;
	s11 =	simm.s32 $0xFFFF3A80;
	[sflag:s28] =	ssyncadd.s32 $0xFFFFEC00  }
0xd1: {  	[tilespmem:s30], [sflag:$0x3] =	stream.linear.gather [hbm4b:s24+s5], $0x140, $0x38;
	[tilespmem:$0x1B3B0] =	vst v63  }
.LBB2_10:
0xd2: {  	p1 =	sne.s32 s11, $0xFFFFFD80;
	s12 =	smov.u32 s11;
	s11 =	sadd.s32 $0x280, s11  }
0xd3: {  	[tilespmem:s31], [sflag:$0x4] =	stream.linear.gather [hbm4b:s6+s5], $0x140, $0x38;
	[tilespmem:$0x1B3B0] =	vst v63  }
0xd4: {  	_ =	swait.ge [sflag:s0], $0x140  }
0xd5: {  	[sflag:s0] =	ssyncset.done $0x0  }
0xd6: {  	[sflag:s0] =	ssyncadd.s32 $0xFFFFFEC0  }
0xd7: {  	_ =	swait.ge [sflag:s1], $0x140  }
0xd8: {  	[sflag:s1] =	ssyncset.done $0x0  }
0xd9: {  	[sflag:s1] =	ssyncadd.s32 $0xFFFFFEC0  }
0xda: {  	[tilespmem:s8], [sflag:$0x5] =	stream.indirect.gather [spmem:s4], $0x10, s5, s29, $0xb8;
	[tilespmem:$0x1B3B0] =	vst v63  }
0xdb: {  	_ =	swait.ge [sflag:s14], $0x140  }
0xdc: {  	[sflag:s14] =	ssyncset.done $0x0  }
0xdd: {  	[sflag:s14] =	ssyncadd.s32 $0xFFFFFEC0  }
0xde: {  	_ =	swait.ge [sflag:s9], $0x140  }
0xdf: {  	[sflag:s9] =	ssyncset.done $0x0  }
0xe0: {  	[sflag:s9] =	ssyncadd.s32 $0xFFFFFEC0  }
0xe1: {  	_ =	swait.ge [sflag:s19], $0x1400  }
0xe2: {  	[sflag:s19] =	ssyncset.done $0x0  }
0xe3: {  	s6 =	sadd.s32 s12, s10;
	[sflag:s19] =	ssyncadd.s32 $0xFFFFEC00  }
0xe4: {  	[tilespmem:s21], [sflag:$0x6] =	stream.indirect.gather [spmem:s4], $0x10, s30, s29, $0xb8;
	[tilespmem:$0x1B3B0] =	vst v63  }
0xe5: {  	s12 =	sadd.s32 $0xCA80, s6;
	s6 =	sadd.s32 $0xCBC0, s6  }
0xe6: {  	[spmem:s3] =	stream.indirect.scatter.add.f32 [tilespmem:s8], [sflag:$0x7], $0x10, s29, s29, $0xb8;
	[tilespmem:$0x1B3B0] =	vst v63  }
0xe7: {  	p2 =	slt.s32 s12, $0xC7EC0;
	p3 =	slt.s32 s6, $0xC7EC0;
	_ =	swait.ge [sflag:s28], $0x1400  }
0xe8: {  	s12 =	simm.s32 @!p2 $0xC7EC0;
	s6 =	simm.s32 @!p3 $0xC7EC0;
	[sflag:s28] =	ssyncset.done $0x0  }
0xe9: {  	s12 =	sshrl.u32 s12, $0x3;
	s6 =	sshrl.u32 s6, $0x3;
	[sflag:s28] =	ssyncadd.s32 $0xFFFFEC00  }
0xea: {  	s13 =	sadd.s32 s2, s12;
	s12 =	sadd.s32 s7, s12  }
0xeb: {  	[tilespmem:s5], [sflag:$0x1] =	stream.linear.gather [hbm4b:s13+s5], $0x140, $0x38;
	[tilespmem:$0x1B3B0] =	vst v63  }
0xec: {  	_ = 	snop  }
0xed: {  	[tilespmem:s29], [sflag:$0x2] =	stream.linear.gather [hbm4b:s12+s5], $0x140, $0x38;
	[tilespmem:$0x1B3B0] =	vst v63  }
0xee: {  	_ =	swait.ge [sflag:s22], $0x1400  }
0xef: {  	[sflag:s22] =	ssyncset.done $0x0  }
0xf0: {  	[sflag:s22] =	ssyncadd.s32 $0xFFFFEC00  }
0xf1: {  	[spmem:s3] =	stream.indirect.scatter.add.f32 [tilespmem:s21], [sflag:$0x7], $0x10, s31, s29, $0xb8;
	[tilespmem:$0x1B3B0] =	vst v63  }
.Ltmp4:
0xf2: {  	_ = 	snop;
	(pc) =	sbr.rel @p1 .LBB2_10-.Ltmp4, $4  }
0xf3: {  	_ =	swait.ge [sflag:s28], $0x1400  }
0xf4: {  	s12 =	sadd.s32 s2, s6;
	[sflag:s28] =	ssyncset.done $0x0  }
0xf5: {  	s6 =	sadd.s32 s7, s6;
	[sflag:s28] =	ssyncadd.s32 $0xFFFFEC00  }
0xf6: {  	[tilespmem:s30], [sflag:$0x3] =	stream.linear.gather [hbm4b:s12+s5], $0x140, $0x38;
	[tilespmem:$0x1B3B0] =	vst v63  }
.Ltmp5:
0xf7: {  	_ = 	snop;
	(pc) =	sbr.rel .LBB2_11-.Ltmp5, $1  }
0xf8: {  	_ =	sdelay $0x3  }
.LBB2_2:
0xf9: {  	s6 =	rddreg [dreg:$0xa]  }
0xfa: {  	[spmem:s24], [sflag:s26] =	dma.local [hbm:s6], $0x186A  }
0xfb: {  	_ =	swait.ge [sflag:s28], $0x186A  }
0xfc: {  	[sflag:s28] =	ssyncset.done $0x0  }
0xfd: {  	[sflag:s28] =	ssyncadd.s32 $0xFFFFE796  }
0xfe: {  	[bflag:$0x0] =	sbarrier.arrive $0xFFFF  }
0xff: {  	s25 =	rddreg [dreg:$0xb]  }
0x100: {  	[tilespmem:s5], [sflag:$0x1] =	stream.linear.gather [hbm4b:s25+s5], $0x140, $0x38;
	[tilespmem:$0x1B3B0] =	vst v63  }
0x101: {  	_ = 	snop  }
0x102: {  	[tilespmem:s29], [sflag:$0x2] =	stream.linear.gather [hbm4b:s16+s5], $0x140, $0x38;
	[tilespmem:$0x1B3B0] =	vst v63  }
0x103: {  	_ = 	snop  }
0x104: {  	[tilespmem:s30], [sflag:$0x3] =	stream.linear.gather [hbm4b:s17+s5], $0x140, $0x38;
	[tilespmem:$0x1B3B0] =	vst v63  }
0x105: {  	_ = 	snop  }
0x106: {  	[tilespmem:s31], [sflag:$0x4] =	stream.linear.gather [hbm4b:s18+s5], $0x140, $0x38;
	[tilespmem:$0x1B3B0] =	vst v63  }
0x107: {  	_ =	swait.ge [sflag:s0], $0x140  }
0x108: {  	[sflag:s0] =	ssyncset.done $0x0  }
0x109: {  	[sflag:s0] =	ssyncadd.s32 $0xFFFFFEC0  }
0x10a: {  	_ =	swait.ge [sflag:s1], $0x140  }
0x10b: {  	[sflag:s1] =	ssyncset.done $0x0  }
0x10c: {  	[sflag:s1] =	ssyncadd.s32 $0xFFFFFEC0  }
0x10d: {  	[tilespmem:s8], [sflag:$0x5] =	stream.indirect.gather [spmem:s4], $0x10, s5, s29, $0xb8;
	[tilespmem:$0x1B3B0] =	vst v63  }
0x10e: {  	_ =	swait.ge [sflag:s14], $0x140  }
0x10f: {  	[sflag:s14] =	ssyncset.done $0x0  }
0x110: {  	[sflag:s14] =	ssyncadd.s32 $0xFFFFFEC0  }
0x111: {  	_ =	swait.ge [sflag:s9], $0x140  }
0x112: {  	[sflag:s9] =	ssyncset.done $0x0  }
0x113: {  	[sflag:s9] =	ssyncadd.s32 $0xFFFFFEC0  }
0x114: {  	_ =	swait.ge [sflag:s19], $0x1400  }
0x115: {  	s12 =	sadd.s32 $0xFFFF3800, s10;
	[sflag:s19] =	ssyncset.done $0x0  }
0x116: {  	s13 =	sadd.s32 $0xCA80, s12;
	[sflag:s19] =	ssyncadd.s32 $0xFFFFEC00  }
0x117: {  	[tilespmem:s21], [sflag:$0x6] =	stream.indirect.gather [spmem:s4], $0x10, s30, s29, $0xb8;
	[tilespmem:$0x1B3B0] =	vst v63  }
0x118: {  	p1 =	slt.s32 s13, $0xC7EC0  }
0x119: {  	[spmem:s3] =	stream.indirect.scatter.add.f32 [tilespmem:s8], [sflag:$0x7], $0x10, s29, s29, $0xb8;
	[tilespmem:$0x1B3B0] =	vst v63  }
0x11a: {  	s13 =	simm.s32 @!p1 $0xC7EC0;
	_ =	swait.ge [sflag:s28], $0x1400  }
0x11b: {  	s13 =	sshrl.u32 s13, $0x3;
	[sflag:s28] =	ssyncset.done $0x0  }
0x11c: {  	s25 =	sadd.s32 s2, s13;
	[sflag:s28] =	ssyncadd.s32 $0xFFFFEC00  }
0x11d: {  	[tilespmem:s5], [sflag:$0x1] =	stream.linear.gather [hbm4b:s25+s5], $0x140, $0x38;
	[tilespmem:$0x1B3B0] =	vst v63  }
0x11e: {  	s13 =	sadd.s32 s7, s13  }
0x11f: {  	[tilespmem:s29], [sflag:$0x2] =	stream.linear.gather [hbm4b:s13+s5], $0x140, $0x38;
	[tilespmem:$0x1B3B0] =	vst v63  }
0x120: {  	s6 =	sadd.s32 $0xCBC0, s12;
	_ =	swait.ge [sflag:s22], $0x1400  }
0x121: {  	p1 =	slt.s32 s6, $0xC7EC0;
	[sflag:s22] =	ssyncset.done $0x0  }
0x122: {  	s6 =	simm.s32 @!p1 $0xC7EC0;
	[sflag:s22] =	ssyncadd.s32 $0xFFFFEC00  }
0x123: {  	[spmem:s3] =	stream.indirect.scatter.add.f32 [tilespmem:s21], [sflag:$0x7], $0x10, s31, s29, $0xb8;
	[tilespmem:$0x1B3B0] =	vst v63  }
0x124: {  	s6 =	sshrl.u32 s6, $0x3;
	_ =	swait.ge [sflag:s28], $0x1400  }
0x125: {  	s25 =	sadd.s32 s2, s6;
	[sflag:s28] =	ssyncset.done $0x0  }
0x126: {  	s6 =	sadd.s32 s7, s6;
	s13 =	simm.s32 $0xFFFF3A80;
	[sflag:s28] =	ssyncadd.s32 $0xFFFFEC00  }
0x127: {  	[tilespmem:s30], [sflag:$0x3] =	stream.linear.gather [hbm4b:s25+s5], $0x140, $0x38;
	[tilespmem:$0x1B3B0] =	vst v63  }
.LBB2_3:
0x128: {  	p1 =	sne.s32 s13, $0xFFFFFD80;
	s25 =	smov.u32 s13;
	s13 =	sadd.s32 $0x280, s13  }
0x129: {  	[tilespmem:s31], [sflag:$0x4] =	stream.linear.gather [hbm4b:s6+s5], $0x140, $0x38;
	[tilespmem:$0x1B3B0] =	vst v63  }
0x12a: {  	_ =	swait.ge [sflag:s0], $0x140  }
0x12b: {  	[sflag:s0] =	ssyncset.done $0x0  }
0x12c: {  	[sflag:s0] =	ssyncadd.s32 $0xFFFFFEC0  }
0x12d: {  	_ =	swait.ge [sflag:s1], $0x140  }
0x12e: {  	[sflag:s1] =	ssyncset.done $0x0  }
0x12f: {  	[sflag:s1] =	ssyncadd.s32 $0xFFFFFEC0  }
0x130: {  	[tilespmem:s8], [sflag:$0x5] =	stream.indirect.gather [spmem:s4], $0x10, s5, s29, $0xb8;
	[tilespmem:$0x1B3B0] =	vst v63  }
0x131: {  	_ =	swait.ge [sflag:s14], $0x140  }
0x132: {  	[sflag:s14] =	ssyncset.done $0x0  }
0x133: {  	[sflag:s14] =	ssyncadd.s32 $0xFFFFFEC0  }
0x134: {  	_ =	swait.ge [sflag:s9], $0x140  }
0x135: {  	[sflag:s9] =	ssyncset.done $0x0  }
0x136: {  	[sflag:s9] =	ssyncadd.s32 $0xFFFFFEC0  }
0x137: {  	_ =	swait.ge [sflag:s19], $0x1400  }
0x138: {  	[sflag:s19] =	ssyncset.done $0x0  }
0x139: {  	s6 =	sadd.s32 s25, s10;
	[sflag:s19] =	ssyncadd.s32 $0xFFFFEC00  }
0x13a: {  	[tilespmem:s21], [sflag:$0x6] =	stream.indirect.gather [spmem:s4], $0x10, s30, s29, $0xb8;
	[tilespmem:$0x1B3B0] =	vst v63  }
0x13b: {  	s25 =	sadd.s32 $0xCA80, s6;
	s6 =	sadd.s32 $0xCBC0, s6  }
0x13c: {  	[spmem:s3] =	stream.indirect.scatter.add.f32 [tilespmem:s8], [sflag:$0x7], $0x10, s29, s29, $0xb8;
	[tilespmem:$0x1B3B0] =	vst v63  }
0x13d: {  	p2 =	slt.s32 s25, $0xC7EC0;
	p3 =	slt.s32 s6, $0xC7EC0;
	_ =	swait.ge [sflag:s28], $0x1400  }
0x13e: {  	s25 =	simm.s32 @!p2 $0xC7EC0;
	s6 =	simm.s32 @!p3 $0xC7EC0;
	[sflag:s28] =	ssyncset.done $0x0  }
0x13f: {  	s25 =	sshrl.u32 s25, $0x3;
	s6 =	sshrl.u32 s6, $0x3;
	[sflag:s28] =	ssyncadd.s32 $0xFFFFEC00  }
0x140: {  	s12 =	sadd.s32 s2, s25;
	s25 =	sadd.s32 s7, s25  }
0x141: {  	[tilespmem:s5], [sflag:$0x1] =	stream.linear.gather [hbm4b:s12+s5], $0x140, $0x38;
	[tilespmem:$0x1B3B0] =	vst v63  }
0x142: {  	_ = 	snop  }
0x143: {  	[tilespmem:s29], [sflag:$0x2] =	stream.linear.gather [hbm4b:s25+s5], $0x140, $0x38;
	[tilespmem:$0x1B3B0] =	vst v63  }
0x144: {  	_ =	swait.ge [sflag:s22], $0x1400  }
0x145: {  	[sflag:s22] =	ssyncset.done $0x0  }
0x146: {  	[sflag:s22] =	ssyncadd.s32 $0xFFFFEC00  }
0x147: {  	[spmem:s3] =	stream.indirect.scatter.add.f32 [tilespmem:s21], [sflag:$0x7], $0x10, s31, s29, $0xb8;
	[tilespmem:$0x1B3B0] =	vst v63  }
.Ltmp6:
0x148: {  	_ = 	snop;
	(pc) =	sbr.rel @p1 .LBB2_3-.Ltmp6, $4  }
0x149: {  	_ =	swait.ge [sflag:s28], $0x1400  }
0x14a: {  	s12 =	sadd.s32 s2, s6;
	[sflag:s28] =	ssyncset.done $0x0  }
0x14b: {  	s6 =	sadd.s32 s7, s6;
	[sflag:s28] =	ssyncadd.s32 $0xFFFFEC00  }
0x14c: {  	[tilespmem:s30], [sflag:$0x3] =	stream.linear.gather [hbm4b:s12+s5], $0x140, $0x38;
	[tilespmem:$0x1B3B0] =	vst v63  }
0x14d: {  	[tilespmem:s31], [sflag:$0x4] =	stream.linear.gather [hbm4b:s6+s5], $0x140, $0x38;
	[tilespmem:$0x1B3B0] =	vst v63  }
0x14e: {  	_ =	swait.ge [sflag:s0], $0x140  }
0x14f: {  	[sflag:s0] =	ssyncset.done $0x0  }
0x150: {  	[sflag:s0] =	ssyncadd.s32 $0xFFFFFEC0  }
0x151: {  	_ =	swait.ge [sflag:s1], $0x140  }
0x152: {  	[sflag:s1] =	ssyncset.done $0x0  }
0x153: {  	[sflag:s1] =	ssyncadd.s32 $0xFFFFFEC0  }
0x154: {  	_ =	swait.ge [sflag:s14], $0x140  }
0x155: {  	[sflag:s14] =	ssyncset.done $0x0  }
0x156: {  	[sflag:s14] =	ssyncadd.s32 $0xFFFFFEC0  }
0x157: {  	_ =	swait.ge [sflag:s9], $0x140  }
0x158: {  	[sflag:s9] =	ssyncset.done $0x0  }
0x159: {  	[sflag:s9] =	ssyncadd.s32 $0xFFFFFEC0  }
0x15a: {  	[bflag:$0x0] =	sbarrier.arrive $0xFFFF  }
0x15b: {  	s25 =	sshrl.u32 s20, $0x3;
	s12 =	rddreg [dreg:$0xc]  }
0x15c: {  	[hbm:s12], [sflag:s26] =	dma.local [spmem:s25], $0x186A  }
0x15d: {  	_ =	swait.ge [sflag:s28], $0x186A  }
0x15e: {  	[sflag:s28] =	ssyncset.done $0x0  }
0x15f: {  	[sflag:s28] =	ssyncadd.s32 $0xFFFFE796  }
0x160: {  	[bflag:$0x0] =	sbarrier.arrive $0xFFFF  }
0x161: {  	[spmem:s11], [sflag:s26] =	dma.local [hbm:s15], $0x186C  }
0x162: {  	_ =	swait.ge [sflag:s28], $0x186C  }
0x163: {  	[sflag:s28] =	ssyncset.done $0x0  }
0x164: {  	s11 =	rddreg [dreg:$0xd];
	[sflag:s28] =	ssyncadd.s32 $0xFFFFE794  }
0x165: {  	[spmem:s24], [sflag:s26] =	dma.local [hbm:s11], $0x186A  }
0x166: {  	_ =	swait.ge [sflag:s28], $0x186A  }
0x167: {  	[sflag:s28] =	ssyncset.done $0x0  }
0x168: {  	[sflag:s28] =	ssyncadd.s32 $0xFFFFE796  }
0x169: {  	[bflag:$0x0] =	sbarrier.arrive $0xFFFF  }
0x16a: {  	s12 =	rddreg [dreg:$0xb]  }
0x16b: {  	[tilespmem:s5], [sflag:$0x1] =	stream.linear.gather [hbm4b:s12+s5], $0x140, $0x38;
	[tilespmem:$0x1B3B0] =	vst v63  }
0x16c: {  	_ = 	snop  }
0x16d: {  	[tilespmem:s29], [sflag:$0x2] =	stream.linear.gather [hbm4b:s16+s5], $0x140, $0x38;
	[tilespmem:$0x1B3B0] =	vst v63  }
0x16e: {  	_ = 	snop  }
0x16f: {  	[tilespmem:s30], [sflag:$0x3] =	stream.linear.gather [hbm4b:s17+s5], $0x140, $0x38;
	[tilespmem:$0x1B3B0] =	vst v63  }
0x170: {  	_ = 	snop  }
0x171: {  	[tilespmem:s31], [sflag:$0x4] =	stream.linear.gather [hbm4b:s18+s5], $0x140, $0x38;
	[tilespmem:$0x1B3B0] =	vst v63  }
0x172: {  	_ =	swait.ge [sflag:s0], $0x140  }
0x173: {  	[sflag:s0] =	ssyncset.done $0x0  }
0x174: {  	[sflag:s0] =	ssyncadd.s32 $0xFFFFFEC0  }
0x175: {  	_ =	swait.ge [sflag:s1], $0x140  }
0x176: {  	[sflag:s1] =	ssyncset.done $0x0  }
0x177: {  	[sflag:s1] =	ssyncadd.s32 $0xFFFFFEC0  }
0x178: {  	[tilespmem:s8], [sflag:$0x5] =	stream.indirect.gather [spmem:s4], $0x10, s5, s29, $0xb8;
	[tilespmem:$0x1B3B0] =	vst v63  }
0x179: {  	_ =	swait.ge [sflag:s14], $0x140  }
0x17a: {  	[sflag:s14] =	ssyncset.done $0x0  }
0x17b: {  	[sflag:s14] =	ssyncadd.s32 $0xFFFFFEC0  }
0x17c: {  	_ =	swait.ge [sflag:s9], $0x140  }
0x17d: {  	[sflag:s9] =	ssyncset.done $0x0  }
0x17e: {  	[sflag:s9] =	ssyncadd.s32 $0xFFFFFEC0  }
0x17f: {  	_ =	swait.ge [sflag:s19], $0x1400  }
0x180: {  	s13 =	sadd.s32 $0xFFFF3800, s10;
	[sflag:s19] =	ssyncset.done $0x0  }
0x181: {  	s11 =	sadd.s32 $0xCA80, s13;
	[sflag:s19] =	ssyncadd.s32 $0xFFFFEC00  }
0x182: {  	[tilespmem:s21], [sflag:$0x6] =	stream.indirect.gather [spmem:s4], $0x10, s30, s29, $0xb8;
	[tilespmem:$0x1B3B0] =	vst v63  }
0x183: {  	p1 =	slt.s32 s11, $0xC7EC0  }
0x184: {  	[spmem:s3] =	stream.indirect.scatter.add.f32 [tilespmem:s8], [sflag:$0x7], $0x10, s29, s29, $0xb8;
	[tilespmem:$0x1B3B0] =	vst v63  }
0x185: {  	s11 =	simm.s32 @!p1 $0xC7EC0;
	_ =	swait.ge [sflag:s28], $0x1400  }
0x186: {  	s11 =	sshrl.u32 s11, $0x3;
	[sflag:s28] =	ssyncset.done $0x0  }
0x187: {  	s25 =	smov.u32 s15;
	s15 =	sadd.s32 s2, s11;
	[sflag:s28] =	ssyncadd.s32 $0xFFFFEC00  }
0x188: {  	[tilespmem:s5], [sflag:$0x1] =	stream.linear.gather [hbm4b:s15+s5], $0x140, $0x38;
	[tilespmem:$0x1B3B0] =	vst v63  }
0x189: {  	s11 =	sadd.s32 s7, s11  }
0x18a: {  	[tilespmem:s29], [sflag:$0x2] =	stream.linear.gather [hbm4b:s11+s5], $0x140, $0x38;
	[tilespmem:$0x1B3B0] =	vst v63  }
0x18b: {  	s6 =	sadd.s32 $0xCBC0, s13;
	_ =	swait.ge [sflag:s22], $0x1400  }
0x18c: {  	p1 =	slt.s32 s6, $0xC7EC0;
	[sflag:s22] =	ssyncset.done $0x0  }
0x18d: {  	s6 =	simm.s32 @!p1 $0xC7EC0;
	[sflag:s22] =	ssyncadd.s32 $0xFFFFEC00  }
0x18e: {  	[spmem:s3] =	stream.indirect.scatter.add.f32 [tilespmem:s21], [sflag:$0x7], $0x10, s31, s29, $0xb8;
	[tilespmem:$0x1B3B0] =	vst v63  }
0x18f: {  	s6 =	sshrl.u32 s6, $0x3;
	_ =	swait.ge [sflag:s28], $0x1400  }
0x190: {  	s24 =	sadd.s32 s2, s6;
	[sflag:s28] =	ssyncset.done $0x0  }
0x191: {  	s6 =	sadd.s32 s7, s6;
	s11 =	simm.s32 $0xFFFF3A80;
	[sflag:s28] =	ssyncadd.s32 $0xFFFFEC00  }
0x192: {  	[tilespmem:s30], [sflag:$0x3] =	stream.linear.gather [hbm4b:s24+s5], $0x140, $0x38;
	[tilespmem:$0x1B3B0] =	vst v63  }
.LBB2_5:
0x193: {  	p1 =	seq.s32 s11, $0xFFFFFD80;
	s12 =	smov.u32 s11;
	s11 =	sadd.s32 $0x280, s11  }
0x194: {  	[tilespmem:s31], [sflag:$0x4] =	stream.linear.gather [hbm4b:s6+s5], $0x140, $0x38;
	[tilespmem:$0x1B3B0] =	vst v63  }
0x195: {  	_ =	swait.ge [sflag:s0], $0x140  }
0x196: {  	[sflag:s0] =	ssyncset.done $0x0  }
0x197: {  	[sflag:s0] =	ssyncadd.s32 $0xFFFFFEC0  }
0x198: {  	_ =	swait.ge [sflag:s1], $0x140  }
0x199: {  	[sflag:s1] =	ssyncset.done $0x0  }
0x19a: {  	[sflag:s1] =	ssyncadd.s32 $0xFFFFFEC0  }
0x19b: {  	[tilespmem:s8], [sflag:$0x5] =	stream.indirect.gather [spmem:s4], $0x10, s5, s29, $0xb8;
	[tilespmem:$0x1B3B0] =	vst v63  }
0x19c: {  	_ =	swait.ge [sflag:s14], $0x140  }
0x19d: {  	[sflag:s14] =	ssyncset.done $0x0  }
0x19e: {  	[sflag:s14] =	ssyncadd.s32 $0xFFFFFEC0  }
0x19f: {  	_ =	swait.ge [sflag:s9], $0x140  }
0x1a0: {  	[sflag:s9] =	ssyncset.done $0x0  }
0x1a1: {  	[sflag:s9] =	ssyncadd.s32 $0xFFFFFEC0  }
0x1a2: {  	_ =	swait.ge [sflag:s19], $0x1400  }
0x1a3: {  	[sflag:s19] =	ssyncset.done $0x0  }
0x1a4: {  	s6 =	sadd.s32 s12, s10;
	[sflag:s19] =	ssyncadd.s32 $0xFFFFEC00  }
0x1a5: {  	[tilespmem:s21], [sflag:$0x6] =	stream.indirect.gather [spmem:s4], $0x10, s30, s29, $0xb8;
	[tilespmem:$0x1B3B0] =	vst v63  }
0x1a6: {  	s12 =	sadd.s32 $0xCA80, s6;
	s6 =	sadd.s32 $0xCBC0, s6  }
0x1a7: {  	[spmem:s3] =	stream.indirect.scatter.add.f32 [tilespmem:s8], [sflag:$0x7], $0x10, s29, s29, $0xb8;
	[tilespmem:$0x1B3B0] =	vst v63  }
0x1a8: {  	p2 =	slt.s32 s12, $0xC7EC0;
	p3 =	slt.s32 s6, $0xC7EC0;
	_ =	swait.ge [sflag:s28], $0x1400  }
0x1a9: {  	s12 =	simm.s32 @!p2 $0xC7EC0;
	s6 =	simm.s32 @!p3 $0xC7EC0;
	[sflag:s28] =	ssyncset.done $0x0  }
0x1aa: {  	s12 =	sshrl.u32 s12, $0x3;
	s6 =	sshrl.u32 s6, $0x3;
	[sflag:s28] =	ssyncadd.s32 $0xFFFFEC00  }
0x1ab: {  	s13 =	sadd.s32 s2, s12;
	s12 =	sadd.s32 s7, s12  }
0x1ac: {  	[tilespmem:s5], [sflag:$0x1] =	stream.linear.gather [hbm4b:s13+s5], $0x140, $0x38;
	[tilespmem:$0x1B3B0] =	vst v63  }
0x1ad: {  	_ = 	snop  }
0x1ae: {  	[tilespmem:s29], [sflag:$0x2] =	stream.linear.gather [hbm4b:s12+s5], $0x140, $0x38;
	[tilespmem:$0x1B3B0] =	vst v63  }
0x1af: {  	_ =	swait.ge [sflag:s22], $0x1400  }
0x1b0: {  	[sflag:s22] =	ssyncset.done $0x0  }
0x1b1: {  	[sflag:s22] =	ssyncadd.s32 $0xFFFFEC00  }
0x1b2: {  	[spmem:s3] =	stream.indirect.scatter.add.f32 [tilespmem:s21], [sflag:$0x7], $0x10, s31, s29, $0xb8;
	[tilespmem:$0x1B3B0] =	vst v63  }
.Ltmp7:
0x1b3: {  	_ = 	snop;
	(pc) =	sbr.rel @!p1 .LBB2_5-.Ltmp7, $4  }
0x1b4: {  	_ =	swait.ge [sflag:s28], $0x1400  }
0x1b5: {  	s12 =	sadd.s32 s2, s6;
	[sflag:s28] =	ssyncset.done $0x0  }
0x1b6: {  	s6 =	sadd.s32 s7, s6;
	[sflag:s28] =	ssyncadd.s32 $0xFFFFEC00  }
0x1b7: {  	[tilespmem:s30], [sflag:$0x3] =	stream.linear.gather [hbm4b:s12+s5], $0x140, $0x38;
	[tilespmem:$0x1B3B0] =	vst v63  }
.Ltmp8:
0x1b8: {  	(pc) =	sbr.rel .LBB2_12-.Ltmp8, $3  }
0x1b9: {  	_ =	sdelay $0x1  }
0x1ba: {  	[tilespmem:s31], [sflag:$0x4] =	stream.linear.gather [hbm4b:s6+s5], $0x140, $0x38;
	[tilespmem:$0x1B3B0] =	vst v63  }
0x1bb: {  	s11 =	rddreg [dreg:$0x6]  }
.LBB2_13:
0x1bc: {  	_ =	sfence.sel $0x180000  }
0x1bd: {  	[bflag:$0x0] =	sbarrier.arrive $0xFFFF  }
0x1be: {  	_ =	strace $0x9000004D  }
0x1bf: {  	s0 =	stileid.u32;
	[bflag:$0x2] =	sbarrier.arrive $0xFFFF  }
0x1c0: {  	p0 =	sne.s32 s0, $0x0;
	s0 =	rddreg [dreg:$0x4]  }
0x1c1: {  	s0 =	sadd.s32 @!p0 $0x100000, s0  }
0x1c2: {  	[sflag:s0] =	ssyncadd.tile.s32 @!p0 $0x1;
	_ =	shalt  }
.Lfunc_end2:
_tile_overlayer_lowered:
.L_overlay_start_2:
0x1c3: {  	(tag) =	ssettag $0x2  }
0x1c4: {  	s0 =	rddreg [dreg:$0x0];
	s2 =	stileid.u32  }
0x1c5: {  	s1 =	rddreg [dreg:$0x1];
	p0 =	sne.s32 s2, $0x0  }
0x1c6: {  	s3 =	rddreg [dreg:$0x2];
	[bflag:$0x3] =	sbarrier.arrive $0xFFFF;
	s2 =	simm.s32 @!p0 $0x1C07  }
0x1c7: {  	[timem:s3], [sflag:s2] =	dma.local @!p0 [hbm:s0], s1  }
0x1c8: {  	s0 =	simm.s32 @!p0 $0x7  }
0x1c9: {  	_ =	swait.ge @!p0 [sflag:s0], s1  }
0x1ca: {  	s1 =	ssub.s32 @!p0 $0x0, s1;
	[sflag:s0] =	ssyncset.done @!p0 $0x0  }
0x1cb: {  	[sflag:s0] =	ssyncadd.s32 @!p0 s1  }
0x1cc: {  	[bflag:$0x3] =	sbarrier.arrive $0xFFFF  }
0x1cd: {  	_ =	shalt  }

// kernel: kernel.9.cloned.1.call-start
scs
__scs_entry_jumppad:
0x0: {  	(pc) =	sbr.rel $0x88, $3  }
0x1: {  	(tag) =	ssettag $0x0;
	lr =	simm.s32 $0x1  }
0x2: {  	[smem:$0x3F95] =	sst lr;
	_ =	strace $0xD0000000  }
0x3: {  	_ = 	snop  }
0x4: {  	_ = 	snop  }
0x5: {  	_ = 	snop  }
0x6: {  	_ = 	snop  }
0x7: {  	_ = 	snop  }
__scs_overlays_trampoline_lowered:
0x8: {  	[smem:$0x3FA4] =	sst s0  }
0x9: {  	[smem:$0x3FA5] =	sst s1  }
0xa: {  	[smem:$0x3FA6] =	sst s2  }
0xb: {  	[smem:$0x3FA7] =	sst s3  }
0xc: {  	[smem:$0x3FA8] =	sst s4  }
0xd: {  	[smem:$0x3FA9] =	sst s5  }
0xe: {  	[smem:$0x3FAA] =	sst s6  }
0xf: {  	[smem:$0x3FAB] =	sst s7  }
0x10: {  	[smem:$0x3FAC] =	sst s8  }
0x11: {  	[smem:$0x3FAD] =	sst s9;
	s0 =	simm.s32 @!p0 $0x0  }
0x12: {  	s1 =	sld [smem:$0x3F93];
	s0 =	simm.s32 @p0 $0x1  }
0x13: {  	[smem:$0x3FAE] =	sst s0;
	s0 =	simm.s32 @!p1 $0x0  }
0x14: {  	s2 =	sld [smem:$0x3F92];
	s0 =	simm.s32 @p1 $0x1  }
0x15: {  	[smem:$0x3FAF] =	sst s0;
	s0 =	simm.s32 @!p2 $0x0  }
0x16: {  	s3 =	sld [smem:$0x3FDB];
	s0 =	simm.s32 @p2 $0x1  }
0x17: {  	s4 =	simm.s32 $0x1BF5;
	[smem:$0x3FB1] =	sst s0  }
0x18: {  	s0 =	sld [smem:$0x3F94];
	_ =	swait.ge [sflag:s4], $0x0  }
0x19: {  	s7 =	sld [smem:$0x3F95]  }
0x1a: {  	s8 =	sadd.s32 $0xFFFFE003, lr  }
0x1b: {  	s9 =	sadd.s32 $0xFFFFFEF7, lr;
	s5 =	simm.s32 $0xFFFFFFFF;
	p2 =	slt.u32 s8, $0xFFFFF086  }
0x1c: {  	p1 =	slt.u32 s9, $0xF7A;
	s5 =	simm.s32 @!p2 $0x0  }
0x1d: {  	s5 =	simm.s32 @p1 $0x1;
	p0 =	seq.s32 s7, s2  }
0x1e: {  	s7 =	smul.u32 @!p0 $0xF7A, s2;
	p2 =	seq.s32 @!p0 s5, $0x0  }
0x1f: {  	s9 =	smul.u32 $0xF7A, s1;
	s8 =	simm.s32 @!p0 $0x1BF5;
	p2 =	por !p2, p0  }
0x20: {  	[sflag:s8] =	ssyncset.s32 @!p0 $0xFFFFF086;
	s6 =	sadd.s32 @!p0 s3, s7;
	s7 =	simm.s32 @!p0 $0x108  }
0x21: {  	s3 =	sadd.s32 s3, s9;
	s6 =	sadd.s32 @!p0 $0x88, s6;
	s7 =	simm.s32 @p2 $0x1082  }
0x22: {  	[simem:s7], [sflag:s8] =	dma.local @!p0 [hbm:s6], $0xF7A  }
0x23: {  	s9 =	sor.u32 $0xD0000000, s2;
	s6 =	simm.s32 $0x108;
	_ =	swait.ge @!p0 [sflag:s8], $0x0  }
0x24: {  	s3 =	sadd.s32 $0x88, s3;
	s6 =	simm.s32 @!p1 $0x1082;
	[sflag:s4] =	ssyncset.s32 $0xFFFFF086  }
0x25: {  	[simem:s6], [sflag:s4] =	dma.local [hbm:s3], $0xF7A  }
0x26: {  	[smem:$0x3F95] =	sst s1;
	(tag) =	ssettag s2;
	_ =	strace s9  }
0x27: {  	s1 =	sld [smem:$0x3FA5]  }
0x28: {  	s2 =	sld [smem:$0x3FA6]  }
0x29: {  	s4 =	sld [smem:$0x3FA8]  }
0x2a: {  	p0 =	seq.s32 s5, $0x0;
	s5 =	sld [smem:$0x3FA9]  }
0x2b: {  	s6 =	sld [smem:$0x3FAA]  }
0x2c: {  	s7 =	sld [smem:$0x3FAB]  }
0x2d: {  	s3 =	simm.s32 $0x108;
	s8 =	sld [smem:$0x3FAC]  }
0x2e: {  	s3 =	simm.s32 @!p0 $0x1082;
	s9 =	sld [smem:$0x3FAD]  }
0x2f: {  	lr =	sadd.s32 s0, s3;
	s0 =	sld [smem:$0x3FA4]  }
0x30: {  	s3 =	sld [smem:$0x3FA7]  }
0x31: {  	[smem:$0x3FB0] =	sst s10  }
0x32: {  	s10 =	sld [smem:$0x3FAE];
	_ =	sdelay $0x3  }
0x33: {  	p0 =	seq.s32 s10, $0x1;
	s10 =	sld [smem:$0x3FB0];
	_ =	sdelay $0x3  }
0x34: {  	[smem:$0x3FB0] =	sst s10  }
0x35: {  	s10 =	sld [smem:$0x3FAF];
	_ =	sdelay $0x3  }
0x36: {  	p1 =	seq.s32 s10, $0x1;
	s10 =	sld [smem:$0x3FB0];
	_ =	sdelay $0x3  }
0x37: {  	[smem:$0x3FB0] =	sst s10  }
0x38: {  	s10 =	sld [smem:$0x3FB1]  }
0x39: {  	_ = 	snop;
	(pc) =	sbr.ind lr, $3  }
0x3a: {  	_ = 	snop  }
0x3b: {  	_ = 	snop  }
0x3c: {  	p2 =	seq.s32 s10, $0x1;
	s10 =	sld [smem:$0x3FB0]  }
0x3d: {  	_ =	shalt  }
0x3e: {  	_ =	shalt  }
0x3f: {  	_ =	shalt  }
0x40: {  	_ =	shalt  }
0x41: {  	_ =	shalt  }
0x42: {  	_ =	shalt  }
0x43: {  	_ =	shalt  }
0x44: {  	_ =	shalt  }
0x45: {  	_ =	shalt  }
0x46: {  	_ =	shalt  }
0x47: {  	_ =	shalt  }
0x48: {  	_ =	shalt  }
0x49: {  	_ =	shalt  }
0x4a: {  	_ =	shalt  }
0x4b: {  	_ =	shalt  }
0x4c: {  	_ =	shalt  }
0x4d: {  	_ =	shalt  }
0x4e: {  	_ =	shalt  }
0x4f: {  	_ =	shalt  }
0x50: {  	_ =	shalt  }
0x51: {  	_ =	shalt  }
0x52: {  	_ =	shalt  }
0x53: {  	_ =	shalt  }
0x54: {  	_ =	shalt  }
0x55: {  	_ =	shalt  }
0x56: {  	_ =	shalt  }
0x57: {  	_ =	shalt  }
0x58: {  	_ =	shalt  }
0x59: {  	_ =	shalt  }
0x5a: {  	_ =	shalt  }
0x5b: {  	_ =	shalt  }
0x5c: {  	_ =	shalt  }
0x5d: {  	_ =	shalt  }
0x5e: {  	_ =	shalt  }
0x5f: {  	_ =	shalt  }
0x60: {  	_ =	shalt  }
0x61: {  	_ =	shalt  }
0x62: {  	_ =	shalt  }
0x63: {  	_ =	shalt  }
0x64: {  	_ =	shalt  }
0x65: {  	_ =	shalt  }
0x66: {  	_ =	shalt  }
0x67: {  	_ =	shalt  }
0x68: {  	_ =	shalt  }
0x69: {  	_ =	shalt  }
0x6a: {  	_ =	shalt  }
0x6b: {  	_ =	shalt  }
0x6c: {  	_ =	shalt  }
0x6d: {  	_ =	shalt  }
0x6e: {  	_ =	shalt  }
0x6f: {  	_ =	shalt  }
0x70: {  	_ =	shalt  }
0x71: {  	_ =	shalt  }
0x72: {  	_ =	shalt  }
0x73: {  	_ =	shalt  }
0x74: {  	_ =	shalt  }
0x75: {  	_ =	shalt  }
0x76: {  	_ =	shalt  }
0x77: {  	_ =	shalt  }
0x78: {  	_ =	shalt  }
0x79: {  	_ =	shalt  }
0x7a: {  	_ =	shalt  }
0x7b: {  	_ =	shalt  }
0x7c: {  	_ =	shalt  }
0x7d: {  	_ =	shalt  }
0x7e: {  	_ =	shalt  }
0x7f: {  	_ =	shalt  }
0x80: {  	_ =	shalt  }
0x81: {  	_ =	shalt  }
0x82: {  	_ =	shalt  }
0x83: {  	_ =	shalt  }
0x84: {  	_ =	shalt  }
0x85: {  	_ =	shalt  }
0x86: {  	_ =	shalt  }
0x87: {  	_ =	shalt  }
.Lfunc_end0:
.L_simem_size_0:
called_computation_lowered:
.L_overlay_start_0:
0x88: {  	s2 =	sld [smem:$0x3FD9]  }
0x89: {  	s3 =	sld [smem:$0x3FFE];
	_ =	sdelay $0x1  }
0x8a: {  	s1 =	srdreg.scid  }
0x8b: {  	s0 =	sand.u32 $0x1, s1  }
0x8c: {  	s17 =	sshll.u32 s0, $0xA;
	s2 =	sadd.s32 s3, s2  }
0x8d: {  	s2 =	sadd.s32 s2, s17  }
0x8e: {  	[smem:$0x3FBC] =	sst s2  }
0x8f: {  	_ = 	snop  }
0x90: {  	s2 =	sld [smem:$0x3FD0];
	(tm) =	ssettm $0x1  }
0x91: {  	s18 =	sld [smem:$0x3FFB];
	_ =	sdelay $0x3  }
0x92: {  	_ =	strace s18  }
0x93: {  	s3 =	sld [smem:$0x3FFC];
	_ =	sdelay $0x3  }
0x94: {  	_ =	strace s3  }
0x95: {  	s3 =	sld [smem:$0x3FFD];
	_ =	sdelay $0x3  }
0x96: {  	_ =	strace s3  }
0x97: {  	_ =	strace $0x8FFFFFFF  }
0x98: {  	s19 =	sld [smem:$0x3FDB];
	_ =	sdelay $0x1  }
0x99: {  	s4 =	simm.s32 $_scs_section_size  }
0x9a: {  	s5 =	simm.s32 $_size__tile_overlayer_lowered;
	s6 =	simm.s32 $_tile_overlayer_lowered  }
0x9b: {  	s22 =	simm.s32 $0x1BFF;
	s21 =	sshll.u32 s6, $0x1;
	s3 =	sadd.s32 s4, s19  }
0x9c: {  	s7 =	simm.s32 $0x0;
	s20 =	sshll.u32 s5, $0x1;
	s5 =	sadd.s32 s21, s3  }
0x9d: {  	[timem:s7], [sflag:s22] =	dma.local [hbm:s5], s20  }
0x9e: {  	_ =	swait.ge [sflag:s22], s20  }
0x9f: {  	s4 =	ssub.s32 $0x0, s20;
	[sflag:s22] =	ssyncset.done $0x0  }
0xa0: {  	[sflag:s22] =	ssyncadd.s32 s4;
	_ =	sdelay $0x1  }
0xa1: {  	s23 =	simm.s32 $0x1B8B  }
0xa2: {  	_ =	swait.ge [sflag:s23], $0x1  }
0xa3: {  	[sflag:s23] =	ssyncset.done $0x0  }
0xa4: {  	s25 =	simm.s32 $0x1B8E;
	s24 =	sld [smem:$0x3FFE];
	[sflag:s23] =	ssyncadd.s32 $0xFFFFFFFF  }
0xa5: {  	s26 =	simm.s32 $execute0_lowered;
	[smem:$0x3FD2] =	sst s25  }
0xa6: {  	s5 =	sshll.u32 s26, $0x1;
	_ =	strace $0x80000046;
	[dreg:$0x1] =	wrdreg $0xFFFFFFFF  }
0xa7: {  	s28 =	simm.s32 $_size_execute0_lowered;
	s3 =	sadd.s32 s3, s5;
	[dreg:$0x0] =	wrdreg $0x0  }
0xa8: {  	s5 =	sshll.u32 s28, $0x1;
	[dreg:$0x2] =	wrdreg s3  }
0xa9: {  	[dreg:$0x3] =	wrdreg s5  }
0xaa: {  	[dreg:$0x4] =	wrdreg $0xC0  }
0xab: {  	_ =	task [dreg:s7], $0x5FFFF  }
0xac: {  	[dreg:$0x1] =	wrdreg $0xFFFFFFFF  }
0xad: {  	[dreg:$0x0] =	wrdreg $0x60  }
0xae: {  	[dreg:$0x2] =	wrdreg s24  }
0xaf: {  	[dreg:$0x3] =	wrdreg s2  }
0xb0: {  	[dreg:$0x4] =	wrdreg $0x2D000  }
0xb1: {  	[dreg:$0x5] =	wrdreg $0xF0600  }
0xb2: {  	[dreg:$0x6] =	wrdreg $0x9  }
0xb3: {  	_ =	task.clear_ibuf [dreg:s7], $0x7FFFF;
	_ =	strace $0x90000046  }
0xb4: {  	s29 =	simm.s32 $0x9;
	_ =	strace $0x80000048  }
0xb5: {  	_ =	swait.ge [sflag:s29], $0x1  }
0xb6: {  	[sflag:s29] =	ssyncadd.s32 $0xFFFFFFFF  }
0xb7: {  	_ =	strace $0x90000048  }
0xb8: {  	_ =	sfence  }
0xb9: {  	s30 =	sld [smem:$0x0];
	_ =	sdelay $0x2  }
0xba: {  	s31 =	sshll.u32 s1, $0xD;
	s1 =	sshrl.u32 s1, $0x2  }
0xbb: {  	s3 =	sand.u32 $0x4000, s31;
	s1 =	sadd.s32 s1, s30  }
0xbc: {  	s0 =	sor.u32 s3, s0;
	s1 =	sshll.u32 s1, $0x11  }
0xbd: {  	s0 =	sor.u32 s1, s0  }
0xbe: {  	s0 =	sadd.s32 $0x8F2B, s0  }
0xbf: {  	[sflag:s0] =	ssyncadd.remote.s32 $0x1  }
0xc0: {  	_ =	sfence.sel $0xFFFF  }
0xc1: {  	[dreg:$0x0] =	wrdreg $0xFFFFFFFF;
	(pc) =	sbr.abs _section_cstart, $3  }
0xc2: {  	[dreg:$0x1] =	wrdreg $0xFFFFFFFF  }
0xc3: {  	_ =	task.clear_ibuf [dreg:s7], $0x2FFFF;
	_ =	strace $0x9FFFFFFF  }
0xc4: {  	(tm) =	ssettm $0x7FFFFFFF  }
0xc5: {  	_ =	shalt  }
tec
execute0_lowered:
.L_overlay_start_1:
0x0: {  	(tag) =	ssettag $0x1  }
0x1: {  	s0 =	rddreg [dreg:$0x0]  }
0x2: {  	s2 =	rddreg [dreg:$0x1]  }
0x3: {  	s3 =	rddreg [dreg:$0x2]  }
0x4: {  	s4 =	rddreg [dreg:$0x3]  }
0x5: {  	s13 =	stileid.u32;
	s5 =	simm.s32 $0x0;
	s7 =	srdreg.scid  }
0x6: {  	s28 =	simm.s32 $0x7;
	s29 =	simm.s32 $0x140;
	s30 =	simm.s32 $0x280  }
0x7: {  	s31 =	simm.s32 $0x3C0;
	s1 =	smul.u32 $0xC350, s13;
	[smem:$0x7FF] =	sst s5  }
0x8: {  	s6 =	smul.u32 $0xC360, s13;
	s9 =	sand.u32 $0x1, s7;
	s7 =	sadd.s32 $0x373C00, s0  }
0x9: {  	s26 =	sadd.s32 $0x3A5400, s0;
	_ =	strace $0x80000047;
	s11 =	ssub.s32 $0x2, s9  }
0xa: {  	[dreg:$0x6] =	wrdreg s26;
	p0 =	seq.s32 s9, $0x1;
	s26 =	sshll.u32 s13, $0x6  }
0xb: {  	s9 =	simm.s32 $0x4;
	s8 =	sshrl.u32 s1, $0x3;
	s10 =	sshrl.u32 s6, $0x3  }
0xc: {  	s14 =	sshrl.u32 s11, $0x1;
	s6 =	sadd.s32 s6, s3;
	[dreg:$0x5] =	wrdreg s8  }
0xd: {  	s16 =	sadd.s32 s1, s4;
	s8 =	sadd.s32 s8, s0;
	[dreg:$0x8] =	wrdreg s6  }
0xe: {  	s12 =	sadd.s32 s10, s0;
	s0 =	sadd.s32 $0x3EEC00, s0;
	[dreg:$0x9] =	wrdreg s16  }
0xf: {  	s26 =	sor.u32 $0x1C07, s26;
	[dreg:$0x7] =	wrdreg s0;
	s17 =	sadd.s32 $0x311C00, s8  }
0x10: {  	s15 =	ssub.s32 s11, s14;
	s20 =	sadd.s32 $0x3BDC00, s8;
	[dreg:$0xa] =	wrdreg s17  }
0x11: {  	s10 =	smul.u32 $0xC800, s13;
	s21 =	sadd.s32 $0x32A400, s8;
	[dreg:$0xc] =	wrdreg s20  }
0x12: {  	s14 =	simm.s32 $0x3;
	s22 =	sadd.s32 $0x342C00, s8;
	[dreg:$0xd] =	wrdreg s21  }
0x13: {  	s25 =	sadd.s32 $0x38CC00, s12;
	s23 =	sadd.s32 $0x3D6400, s8;
	[dreg:$0xe] =	wrdreg s22  }
0x14: {  	s24 =	sadd.s32 $0x35B400, s8;
	s0 =	smax.u32 s15, $0x1;
	[dreg:$0xf] =	wrdreg s23  }
0x15: {  	s8 =	simm.s32 $0x500;
	s18 =	sshrl.u32 s10, $0x3;
	[dreg:$0x10] =	wrdreg s24  }
.Ltmp0:
0x16: {  	s20 =	sadd.s32 s1, s3;
	[dreg:$0x11] =	wrdreg s0;
	(pc) =	sbr.rel .LBB2_1-.Ltmp0, $4  }
0x17: {  	s0 =	simm.s32 $0x1;
	s1 =	simm.s32 $0x2;
	s21 =	simm.s32 $0x1900  }
0x18: {  	s22 =	simm.s32 $0x6;
	s23 =	simm.s32 $0x0;
	s19 =	sadd.s32 s2, s18  }
0x19: {  	s16 =	sadd.s32 s7, s18;
	s6 =	sor.u32 $0x28, s18;
	[dreg:$0xb] =	wrdreg s19  }
0x1a: {  	s17 =	sadd.s32 s2, s6;
	s18 =	sadd.s32 s7, s6;
	s19 =	simm.s32 $0x5  }
.LBB2_11:
0x1b: {  	[tilespmem:s31], [sflag:$0x4] =	stream.linear.gather [hbm4b:s6+s5], $0x140, $0x38;
	[tilespmem:$0x1B3B0] =	vst v63  }
0x1c: {  	s11 =	rddreg [dreg:$0x7]  }
.LBB2_12:
0x1d: {  	_ =	swait.ge [sflag:s0], $0x140  }
0x1e: {  	[sflag:s0] =	ssyncset.done $0x0  }
0x1f: {  	[sflag:s0] =	ssyncadd.s32 $0xFFFFFEC0  }
0x20: {  	_ =	swait.ge [sflag:s1], $0x140  }
0x21: {  	[sflag:s1] =	ssyncset.done $0x0  }
0x22: {  	[sflag:s1] =	ssyncadd.s32 $0xFFFFFEC0  }
0x23: {  	_ =	swait.ge [sflag:s14], $0x140  }
0x24: {  	[sflag:s14] =	ssyncset.done $0x0  }
0x25: {  	[sflag:s14] =	ssyncadd.s32 $0xFFFFFEC0  }
0x26: {  	_ =	swait.ge [sflag:s9], $0x140  }
0x27: {  	[sflag:s9] =	ssyncset.done $0x0  }
0x28: {  	s6 =	rddreg [dreg:$0x5];
	[sflag:s9] =	ssyncadd.s32 $0xFFFFFEC0  }
0x29: {  	s15 =	sshrl.u32 s20, $0x3;
	s6 =	sadd.s32 s11, s6;
	[bflag:$0x0] =	sbarrier.arrive $0xFFFF  }
0x2a: {  	[hbm:s6], [sflag:s26] =	dma.local [spmem:s15], $0x186A  }
0x2b: {  	_ =	swait.ge [sflag:s28], $0x186A  }
0x2c: {  	s23 =	sadd.s32 $0x1, s23;
	s24 =	rddreg [dreg:$0x11]  }
0x2d: {  	p1 =	sne.s32 s23, s24  }
.Ltmp1:
0x2e: {  	_ = 	snop;
	(pc) =	sbr.rel @!p1 .LBB2_13-.Ltmp1, $3  }
0x2f: {  	[sflag:s28] =	ssyncset.done $0x0  }
0x30: {  	[sflag:s28] =	ssyncadd.s32 $0xFFFFE796  }
0x31: {  	[bflag:$0x0] =	sbarrier.arrive $0xFFFF;
	_ =	sdelay $0x1  }
.LBB2_1:
0x32: {  	s6 =	rddreg [dreg:$0x8]  }
.Ltmp2:
0x33: {  	s11 =	sshrl.u32 s6, $0x3;
	(pc) =	sbr.rel @!p0 .LBB2_2-.Ltmp2, $4  }
0x34: {  	[spmem:s11], [sflag:s26] =	dma.local [hbm:s25], $0x186C  }
0x35: {  	_ =	swait.ge [sflag:s28], $0x186C  }
0x36: {  	s15 =	smov.u32 s25;
	[sflag:s28] =	ssyncset.done $0x0;
	s25 =	rddreg [dreg:$0x9]  }
0x37: {  	[sflag:s28] =	ssyncadd.s32 $0xFFFFE794;
	s24 =	sshrl.u32 s25, $0x3  }
0x38: {  	s6 =	rddreg [dreg:$0xe]  }
0x39: {  	[spmem:s24], [sflag:s26] =	dma.local [hbm:s6], $0x186A  }
0x3a: {  	_ =	swait.ge [sflag:s28], $0x186A  }
0x3b: {  	[sflag:s28] =	ssyncset.done $0x0  }
0x3c: {  	[sflag:s28] =	ssyncadd.s32 $0xFFFFE796  }
0x3d: {  	[bflag:$0x0] =	sbarrier.arrive $0xFFFF  }
0x3e: {  	s13 =	rddreg [dreg:$0xb]  }
0x3f: {  	[tilespmem:s5], [sflag:$0x1] =	stream.linear.gather [hbm4b:s13+s5], $0x140, $0x38;
	[tilespmem:$0x1B3B0] =	vst v63  }
0x40: {  	_ = 	snop  }
0x41: {  	[tilespmem:s29], [sflag:$0x2] =	stream.linear.gather [hbm4b:s16+s5], $0x140, $0x38;
	[tilespmem:$0x1B3B0] =	vst v63  }
0x42: {  	_ = 	snop  }
0x43: {  	[tilespmem:s30], [sflag:$0x3] =	stream.linear.gather [hbm4b:s17+s5], $0x140, $0x38;
	[tilespmem:$0x1B3B0] =	vst v63  }
0x44: {  	_ = 	snop  }
0x45: {  	[tilespmem:s31], [sflag:$0x4] =	stream.linear.gather [hbm4b:s18+s5], $0x140, $0x38;
	[tilespmem:$0x1B3B0] =	vst v63  }
0x46: {  	_ =	swait.ge [sflag:s0], $0x140  }
0x47: {  	[sflag:s0] =	ssyncset.done $0x0  }
0x48: {  	[sflag:s0] =	ssyncadd.s32 $0xFFFFFEC0  }
0x49: {  	_ =	swait.ge [sflag:s1], $0x140  }
0x4a: {  	[sflag:s1] =	ssyncset.done $0x0  }
0x4b: {  	[sflag:s1] =	ssyncadd.s32 $0xFFFFFEC0  }
0x4c: {  	[tilespmem:s8], [sflag:$0x5] =	stream.indirect.gather [spmem:s4], $0x10, s5, s29, $0xb8;
	[tilespmem:$0x1B3B0] =	vst v63  }
0x4d: {  	_ =	swait.ge [sflag:s14], $0x140  }
0x4e: {  	[sflag:s14] =	ssyncset.done $0x0  }
0x4f: {  	[sflag:s14] =	ssyncadd.s32 $0xFFFFFEC0  }
0x50: {  	_ =	swait.ge [sflag:s9], $0x140  }
0x51: {  	[sflag:s9] =	ssyncset.done $0x0  }
0x52: {  	[sflag:s9] =	ssyncadd.s32 $0xFFFFFEC0  }
0x53: {  	_ =	swait.ge [sflag:s19], $0x1400  }
0x54: {  	s25 =	sadd.s32 $0xFFFF3800, s10;
	[sflag:s19] =	ssyncset.done $0x0  }
0x55: {  	s12 =	sadd.s32 $0xCA80, s25;
	[sflag:s19] =	ssyncadd.s32 $0xFFFFEC00  }
0x56: {  	[tilespmem:s21], [sflag:$0x6] =	stream.indirect.gather [spmem:s4], $0x10, s30, s29, $0xb8;
	[tilespmem:$0x1B3B0] =	vst v63  }
0x57: {  	p1 =	slt.s32 s12, $0xC7EC0  }
0x58: {  	[spmem:s3] =	stream.indirect.scatter.add.f32 [tilespmem:s8], [sflag:$0x7], $0x10, s29, s29, $0xb8;
	[tilespmem:$0x1B3B0] =	vst v63  }
0x59: {  	s12 =	simm.s32 @!p1 $0xC7EC0;
	_ =	swait.ge [sflag:s28], $0x1400  }
0x5a: {  	s12 =	sshrl.u32 s12, $0x3;
	[sflag:s28] =	ssyncset.done $0x0  }
0x5b: {  	s13 =	sadd.s32 s2, s12;
	[sflag:s28] =	ssyncadd.s32 $0xFFFFEC00  }
0x5c: {  	[tilespmem:s5], [sflag:$0x1] =	stream.linear.gather [hbm4b:s13+s5], $0x140, $0x38;
	[tilespmem:$0x1B3B0] =	vst v63  }
0x5d: {  	s12 =	sadd.s32 s7, s12  }
0x5e: {  	[tilespmem:s29], [sflag:$0x2] =	stream.linear.gather [hbm4b:s12+s5], $0x140, $0x38;
	[tilespmem:$0x1B3B0] =	vst v63  }
0x5f: {  	s6 =	sadd.s32 $0xCBC0, s25;
	_ =	swait.ge [sflag:s22], $0x1400  }
0x60: {  	p1 =	slt.s32 s6, $0xC7EC0;
	[sflag:s22] =	ssyncset.done $0x0  }
0x61: {  	s6 =	simm.s32 @!p1 $0xC7EC0;
	[sflag:s22] =	ssyncadd.s32 $0xFFFFEC00  }
0x62: {  	[spmem:s3] =	stream.indirect.scatter.add.f32 [tilespmem:s21], [sflag:$0x7], $0x10, s31, s29, $0xb8;
	[tilespmem:$0x1B3B0] =	vst v63  }
0x63: {  	s6 =	sshrl.u32 s6, $0x3;
	_ =	swait.ge [sflag:s28], $0x1400  }
0x64: {  	s25 =	sadd.s32 s2, s6;
	[sflag:s28] =	ssyncset.done $0x0  }
0x65: {  	s6 =	sadd.s32 s7, s6;
	s13 =	simm.s32 $0xFFFF3A80;
	[sflag:s28] =	ssyncadd.s32 $0xFFFFEC00  }
0x66: {  	[tilespmem:s30], [sflag:$0x3] =	stream.linear.gather [hbm4b:s25+s5], $0x140, $0x38;
	[tilespmem:$0x1B3B0] =	vst v63  }
.LBB2_8:
0x67: {  	p1 =	sne.s32 s13, $0xFFFFFD80;
	s12 =	smov.u32 s13;
	s13 =	sadd.s32 $0x280, s13  }
0x68: {  	[tilespmem:s31], [sflag:$0x4] =	stream.linear.gather [hbm4b:s6+s5], $0x140, $0x38;
	[tilespmem:$0x1B3B0] =	vst v63  }
0x69: {  	_ =	swait.ge [sflag:s0], $0x140  }
0x6a: {  	[sflag:s0] =	ssyncset.done $0x0  }
0x6b: {  	[sflag:s0] =	ssyncadd.s32 $0xFFFFFEC0  }
0x6c: {  	_ =	swait.ge [sflag:s1], $0x140  }
0x6d: {  	[sflag:s1] =	ssyncset.done $0x0  }
0x6e: {  	[sflag:s1] =	ssyncadd.s32 $0xFFFFFEC0  }
0x6f: {  	[tilespmem:s8], [sflag:$0x5] =	stream.indirect.gather [spmem:s4], $0x10, s5, s29, $0xb8;
	[tilespmem:$0x1B3B0] =	vst v63  }
0x70: {  	_ =	swait.ge [sflag:s14], $0x140  }
0x71: {  	[sflag:s14] =	ssyncset.done $0x0  }
0x72: {  	[sflag:s14] =	ssyncadd.s32 $0xFFFFFEC0  }
0x73: {  	_ =	swait.ge [sflag:s9], $0x140  }
0x74: {  	[sflag:s9] =	ssyncset.done $0x0  }
0x75: {  	[sflag:s9] =	ssyncadd.s32 $0xFFFFFEC0  }
0x76: {  	_ =	swait.ge [sflag:s19], $0x1400  }
0x77: {  	[sflag:s19] =	ssyncset.done $0x0  }
0x78: {  	s6 =	sadd.s32 s12, s10;
	[sflag:s19] =	ssyncadd.s32 $0xFFFFEC00  }
0x79: {  	[tilespmem:s21], [sflag:$0x6] =	stream.indirect.gather [spmem:s4], $0x10, s30, s29, $0xb8;
	[tilespmem:$0x1B3B0] =	vst v63  }
0x7a: {  	s12 =	sadd.s32 $0xCA80, s6;
	s6 =	sadd.s32 $0xCBC0, s6  }
0x7b: {  	[spmem:s3] =	stream.indirect.scatter.add.f32 [tilespmem:s8], [sflag:$0x7], $0x10, s29, s29, $0xb8;
	[tilespmem:$0x1B3B0] =	vst v63  }
0x7c: {  	p2 =	slt.s32 s12, $0xC7EC0;
	p3 =	slt.s32 s6, $0xC7EC0;
	_ =	swait.ge [sflag:s28], $0x1400  }
0x7d: {  	s12 =	simm.s32 @!p2 $0xC7EC0;
	s6 =	simm.s32 @!p3 $0xC7EC0;
	[sflag:s28] =	ssyncset.done $0x0  }
0x7e: {  	s12 =	sshrl.u32 s12, $0x3;
	s6 =	sshrl.u32 s6, $0x3;
	[sflag:s28] =	ssyncadd.s32 $0xFFFFEC00  }
0x7f: {  	s25 =	sadd.s32 s2, s12;
	s12 =	sadd.s32 s7, s12  }
0x80: {  	[tilespmem:s5], [sflag:$0x1] =	stream.linear.gather [hbm4b:s25+s5], $0x140, $0x38;
	[tilespmem:$0x1B3B0] =	vst v63  }
0x81: {  	_ = 	snop  }
0x82: {  	[tilespmem:s29], [sflag:$0x2] =	stream.linear.gather [hbm4b:s12+s5], $0x140, $0x38;
	[tilespmem:$0x1B3B0] =	vst v63  }
0x83: {  	_ =	swait.ge [sflag:s22], $0x1400  }
0x84: {  	[sflag:s22] =	ssyncset.done $0x0  }
0x85: {  	[sflag:s22] =	ssyncadd.s32 $0xFFFFEC00  }
0x86: {  	[spmem:s3] =	stream.indirect.scatter.add.f32 [tilespmem:s21], [sflag:$0x7], $0x10, s31, s29, $0xb8;
	[tilespmem:$0x1B3B0] =	vst v63  }
.Ltmp3:
0x87: {  	_ = 	snop;
	(pc) =	sbr.rel @p1 .LBB2_8-.Ltmp3, $4  }
0x88: {  	_ =	swait.ge [sflag:s28], $0x1400  }
0x89: {  	s12 =	sadd.s32 s2, s6;
	[sflag:s28] =	ssyncset.done $0x0  }
0x8a: {  	s6 =	sadd.s32 s7, s6;
	[sflag:s28] =	ssyncadd.s32 $0xFFFFEC00  }
0x8b: {  	[tilespmem:s30], [sflag:$0x3] =	stream.linear.gather [hbm4b:s12+s5], $0x140, $0x38;
	[tilespmem:$0x1B3B0] =	vst v63  }
0x8c: {  	[tilespmem:s31], [sflag:$0x4] =	stream.linear.gather [hbm4b:s6+s5], $0x140, $0x38;
	[tilespmem:$0x1B3B0] =	vst v63  }
0x8d: {  	_ =	swait.ge [sflag:s0], $0x140  }
0x8e: {  	[sflag:s0] =	ssyncset.done $0x0  }
0x8f: {  	[sflag:s0] =	ssyncadd.s32 $0xFFFFFEC0  }
0x90: {  	_ =	swait.ge [sflag:s1], $0x140  }
0x91: {  	[sflag:s1] =	ssyncset.done $0x0  }
0x92: {  	[sflag:s1] =	ssyncadd.s32 $0xFFFFFEC0  }
0x93: {  	_ =	swait.ge [sflag:s14], $0x140  }
0x94: {  	[sflag:s14] =	ssyncset.done $0x0  }
0x95: {  	[sflag:s14] =	ssyncadd.s32 $0xFFFFFEC0  }
0x96: {  	_ =	swait.ge [sflag:s9], $0x140  }
0x97: {  	[sflag:s9] =	ssyncset.done $0x0  }
0x98: {  	[sflag:s9] =	ssyncadd.s32 $0xFFFFFEC0  }
0x99: {  	[bflag:$0x0] =	sbarrier.arrive $0xFFFF  }
0x9a: {  	s25 =	sshrl.u32 s20, $0x3;
	s12 =	rddreg [dreg:$0xf]  }
0x9b: {  	[hbm:s12], [sflag:s26] =	dma.local [spmem:s25], $0x186A  }
0x9c: {  	_ =	swait.ge [sflag:s28], $0x186A  }
0x9d: {  	[sflag:s28] =	ssyncset.done $0x0  }
0x9e: {  	[sflag:s28] =	ssyncadd.s32 $0xFFFFE796  }
0x9f: {  	[bflag:$0x0] =	sbarrier.arrive $0xFFFF  }
0xa0: {  	[spmem:s11], [sflag:s26] =	dma.local [hbm:s15], $0x186C  }
0xa1: {  	_ =	swait.ge [sflag:s28], $0x186C  }
0xa2: {  	[sflag:s28] =	ssyncset.done $0x0  }
0xa3: {  	s11 =	rddreg [dreg:$0x10];
	[sflag:s28] =	ssyncadd.s32 $0xFFFFE794  }
0xa4: {  	[spmem:s24], [sflag:s26] =	dma.local [hbm:s11], $0x186A  }
0xa5: {  	_ =	swait.ge [sflag:s28], $0x186A  }
0xa6: {  	[sflag:s28] =	ssyncset.done $0x0  }
0xa7: {  	[sflag:s28] =	ssyncadd.s32 $0xFFFFE796  }
0xa8: {  	[bflag:$0x0] =	sbarrier.arrive $0xFFFF  }
0xa9: {  	s12 =	rddreg [dreg:$0xb]  }
0xaa: {  	[tilespmem:s5], [sflag:$0x1] =	stream.linear.gather [hbm4b:s12+s5], $0x140, $0x38;
	[tilespmem:$0x1B3B0] =	vst v63  }
0xab: {  	_ = 	snop  }
0xac: {  	[tilespmem:s29], [sflag:$0x2] =	stream.linear.gather [hbm4b:s16+s5], $0x140, $0x38;
	[tilespmem:$0x1B3B0] =	vst v63  }
0xad: {  	_ = 	snop  }
0xae: {  	[tilespmem:s30], [sflag:$0x3] =	stream.linear.gather [hbm4b:s17+s5], $0x140, $0x38;
	[tilespmem:$0x1B3B0] =	vst v63  }
0xaf: {  	_ = 	snop  }
0xb0: {  	[tilespmem:s31], [sflag:$0x4] =	stream.linear.gather [hbm4b:s18+s5], $0x140, $0x38;
	[tilespmem:$0x1B3B0] =	vst v63  }
0xb1: {  	_ =	swait.ge [sflag:s0], $0x140  }
0xb2: {  	[sflag:s0] =	ssyncset.done $0x0  }
0xb3: {  	[sflag:s0] =	ssyncadd.s32 $0xFFFFFEC0  }
0xb4: {  	_ =	swait.ge [sflag:s1], $0x140  }
0xb5: {  	[sflag:s1] =	ssyncset.done $0x0  }
0xb6: {  	[sflag:s1] =	ssyncadd.s32 $0xFFFFFEC0  }
0xb7: {  	[tilespmem:s8], [sflag:$0x5] =	stream.indirect.gather [spmem:s4], $0x10, s5, s29, $0xb8;
	[tilespmem:$0x1B3B0] =	vst v63  }
0xb8: {  	_ =	swait.ge [sflag:s14], $0x140  }
0xb9: {  	[sflag:s14] =	ssyncset.done $0x0  }
0xba: {  	[sflag:s14] =	ssyncadd.s32 $0xFFFFFEC0  }
0xbb: {  	_ =	swait.ge [sflag:s9], $0x140  }
0xbc: {  	[sflag:s9] =	ssyncset.done $0x0  }
0xbd: {  	[sflag:s9] =	ssyncadd.s32 $0xFFFFFEC0  }
0xbe: {  	_ =	swait.ge [sflag:s19], $0x1400  }
0xbf: {  	s13 =	sadd.s32 $0xFFFF3800, s10;
	[sflag:s19] =	ssyncset.done $0x0  }
0xc0: {  	s11 =	sadd.s32 $0xCA80, s13;
	[sflag:s19] =	ssyncadd.s32 $0xFFFFEC00  }
0xc1: {  	[tilespmem:s21], [sflag:$0x6] =	stream.indirect.gather [spmem:s4], $0x10, s30, s29, $0xb8;
	[tilespmem:$0x1B3B0] =	vst v63  }
0xc2: {  	p1 =	slt.s32 s11, $0xC7EC0  }
0xc3: {  	[spmem:s3] =	stream.indirect.scatter.add.f32 [tilespmem:s8], [sflag:$0x7], $0x10, s29, s29, $0xb8;
	[tilespmem:$0x1B3B0] =	vst v63  }
0xc4: {  	s11 =	simm.s32 @!p1 $0xC7EC0;
	_ =	swait.ge [sflag:s28], $0x1400  }
0xc5: {  	s11 =	sshrl.u32 s11, $0x3;
	[sflag:s28] =	ssyncset.done $0x0  }
0xc6: {  	s25 =	smov.u32 s15;
	s15 =	sadd.s32 s2, s11;
	[sflag:s28] =	ssyncadd.s32 $0xFFFFEC00  }
0xc7: {  	[tilespmem:s5], [sflag:$0x1] =	stream.linear.gather [hbm4b:s15+s5], $0x140, $0x38;
	[tilespmem:$0x1B3B0] =	vst v63  }
0xc8: {  	s11 =	sadd.s32 s7, s11  }
0xc9: {  	[tilespmem:s29], [sflag:$0x2] =	stream.linear.gather [hbm4b:s11+s5], $0x140, $0x38;
	[tilespmem:$0x1B3B0] =	vst v63  }
0xca: {  	s6 =	sadd.s32 $0xCBC0, s13;
	_ =	swait.ge [sflag:s22], $0x1400  }
0xcb: {  	p1 =	slt.s32 s6, $0xC7EC0;
	[sflag:s22] =	ssyncset.done $0x0  }
0xcc: {  	s6 =	simm.s32 @!p1 $0xC7EC0;
	[sflag:s22] =	ssyncadd.s32 $0xFFFFEC00  }
0xcd: {  	[spmem:s3] =	stream.indirect.scatter.add.f32 [tilespmem:s21], [sflag:$0x7], $0x10, s31, s29, $0xb8;
	[tilespmem:$0x1B3B0] =	vst v63  }
0xce: {  	s6 =	sshrl.u32 s6, $0x3;
	_ =	swait.ge [sflag:s28], $0x1400  }
0xcf: {  	s24 =	sadd.s32 s2, s6;
	[sflag:s28] =	ssyncset.done $0x0  }
0xd0: {  	s6 =	sadd.s32 s7, s6;
	s11 =	simm.s32 $0xFFFF3A80;
	[sflag:s28] =	ssyncadd.s32 $0xFFFFEC00  }
0xd1: {  	[tilespmem:s30], [sflag:$0x3] =	stream.linear.gather [hbm4b:s24+s5], $0x140, $0x38;
	[tilespmem:$0x1B3B0] =	vst v63  }
.LBB2_10:
0xd2: {  	p1 =	sne.s32 s11, $0xFFFFFD80;
	s12 =	smov.u32 s11;
	s11 =	sadd.s32 $0x280, s11  }
0xd3: {  	[tilespmem:s31], [sflag:$0x4] =	stream.linear.gather [hbm4b:s6+s5], $0x140, $0x38;
	[tilespmem:$0x1B3B0] =	vst v63  }
0xd4: {  	_ =	swait.ge [sflag:s0], $0x140  }
0xd5: {  	[sflag:s0] =	ssyncset.done $0x0  }
0xd6: {  	[sflag:s0] =	ssyncadd.s32 $0xFFFFFEC0  }
0xd7: {  	_ =	swait.ge [sflag:s1], $0x140  }
0xd8: {  	[sflag:s1] =	ssyncset.done $0x0  }
0xd9: {  	[sflag:s1] =	ssyncadd.s32 $0xFFFFFEC0  }
0xda: {  	[tilespmem:s8], [sflag:$0x5] =	stream.indirect.gather [spmem:s4], $0x10, s5, s29, $0xb8;
	[tilespmem:$0x1B3B0] =	vst v63  }
0xdb: {  	_ =	swait.ge [sflag:s14], $0x140  }
0xdc: {  	[sflag:s14] =	ssyncset.done $0x0  }
0xdd: {  	[sflag:s14] =	ssyncadd.s32 $0xFFFFFEC0  }
0xde: {  	_ =	swait.ge [sflag:s9], $0x140  }
0xdf: {  	[sflag:s9] =	ssyncset.done $0x0  }
0xe0: {  	[sflag:s9] =	ssyncadd.s32 $0xFFFFFEC0  }
0xe1: {  	_ =	swait.ge [sflag:s19], $0x1400  }
0xe2: {  	[sflag:s19] =	ssyncset.done $0x0  }
0xe3: {  	s6 =	sadd.s32 s12, s10;
	[sflag:s19] =	ssyncadd.s32 $0xFFFFEC00  }
0xe4: {  	[tilespmem:s21], [sflag:$0x6] =	stream.indirect.gather [spmem:s4], $0x10, s30, s29, $0xb8;
	[tilespmem:$0x1B3B0] =	vst v63  }
0xe5: {  	s12 =	sadd.s32 $0xCA80, s6;
	s6 =	sadd.s32 $0xCBC0, s6  }
0xe6: {  	[spmem:s3] =	stream.indirect.scatter.add.f32 [tilespmem:s8], [sflag:$0x7], $0x10, s29, s29, $0xb8;
	[tilespmem:$0x1B3B0] =	vst v63  }
0xe7: {  	p2 =	slt.s32 s12, $0xC7EC0;
	p3 =	slt.s32 s6, $0xC7EC0;
	_ =	swait.ge [sflag:s28], $0x1400  }
0xe8: {  	s12 =	simm.s32 @!p2 $0xC7EC0;
	s6 =	simm.s32 @!p3 $0xC7EC0;
	[sflag:s28] =	ssyncset.done $0x0  }
0xe9: {  	s12 =	sshrl.u32 s12, $0x3;
	s6 =	sshrl.u32 s6, $0x3;
	[sflag:s28] =	ssyncadd.s32 $0xFFFFEC00  }
0xea: {  	s13 =	sadd.s32 s2, s12;
	s12 =	sadd.s32 s7, s12  }
0xeb: {  	[tilespmem:s5], [sflag:$0x1] =	stream.linear.gather [hbm4b:s13+s5], $0x140, $0x38;
	[tilespmem:$0x1B3B0] =	vst v63  }
0xec: {  	_ = 	snop  }
0xed: {  	[tilespmem:s29], [sflag:$0x2] =	stream.linear.gather [hbm4b:s12+s5], $0x140, $0x38;
	[tilespmem:$0x1B3B0] =	vst v63  }
0xee: {  	_ =	swait.ge [sflag:s22], $0x1400  }
0xef: {  	[sflag:s22] =	ssyncset.done $0x0  }
0xf0: {  	[sflag:s22] =	ssyncadd.s32 $0xFFFFEC00  }
0xf1: {  	[spmem:s3] =	stream.indirect.scatter.add.f32 [tilespmem:s21], [sflag:$0x7], $0x10, s31, s29, $0xb8;
	[tilespmem:$0x1B3B0] =	vst v63  }
.Ltmp4:
0xf2: {  	_ = 	snop;
	(pc) =	sbr.rel @p1 .LBB2_10-.Ltmp4, $4  }
0xf3: {  	_ =	swait.ge [sflag:s28], $0x1400  }
0xf4: {  	s12 =	sadd.s32 s2, s6;
	[sflag:s28] =	ssyncset.done $0x0  }
0xf5: {  	s6 =	sadd.s32 s7, s6;
	[sflag:s28] =	ssyncadd.s32 $0xFFFFEC00  }
0xf6: {  	[tilespmem:s30], [sflag:$0x3] =	stream.linear.gather [hbm4b:s12+s5], $0x140, $0x38;
	[tilespmem:$0x1B3B0] =	vst v63  }
.Ltmp5:
0xf7: {  	_ = 	snop;
	(pc) =	sbr.rel .LBB2_11-.Ltmp5, $1  }
0xf8: {  	_ =	sdelay $0x3  }
.LBB2_2:
0xf9: {  	s6 =	rddreg [dreg:$0xa]  }
0xfa: {  	[spmem:s24], [sflag:s26] =	dma.local [hbm:s6], $0x186A  }
0xfb: {  	_ =	swait.ge [sflag:s28], $0x186A  }
0xfc: {  	[sflag:s28] =	ssyncset.done $0x0  }
0xfd: {  	[sflag:s28] =	ssyncadd.s32 $0xFFFFE796  }
0xfe: {  	[bflag:$0x0] =	sbarrier.arrive $0xFFFF  }
0xff: {  	s25 =	rddreg [dreg:$0xb]  }
0x100: {  	[tilespmem:s5], [sflag:$0x1] =	stream.linear.gather [hbm4b:s25+s5], $0x140, $0x38;
	[tilespmem:$0x1B3B0] =	vst v63  }
0x101: {  	_ = 	snop  }
0x102: {  	[tilespmem:s29], [sflag:$0x2] =	stream.linear.gather [hbm4b:s16+s5], $0x140, $0x38;
	[tilespmem:$0x1B3B0] =	vst v63  }
0x103: {  	_ = 	snop  }
0x104: {  	[tilespmem:s30], [sflag:$0x3] =	stream.linear.gather [hbm4b:s17+s5], $0x140, $0x38;
	[tilespmem:$0x1B3B0] =	vst v63  }
0x105: {  	_ = 	snop  }
0x106: {  	[tilespmem:s31], [sflag:$0x4] =	stream.linear.gather [hbm4b:s18+s5], $0x140, $0x38;
	[tilespmem:$0x1B3B0] =	vst v63  }
0x107: {  	_ =	swait.ge [sflag:s0], $0x140  }
0x108: {  	[sflag:s0] =	ssyncset.done $0x0  }
0x109: {  	[sflag:s0] =	ssyncadd.s32 $0xFFFFFEC0  }
0x10a: {  	_ =	swait.ge [sflag:s1], $0x140  }
0x10b: {  	[sflag:s1] =	ssyncset.done $0x0  }
0x10c: {  	[sflag:s1] =	ssyncadd.s32 $0xFFFFFEC0  }
0x10d: {  	[tilespmem:s8], [sflag:$0x5] =	stream.indirect.gather [spmem:s4], $0x10, s5, s29, $0xb8;
	[tilespmem:$0x1B3B0] =	vst v63  }
0x10e: {  	_ =	swait.ge [sflag:s14], $0x140  }
0x10f: {  	[sflag:s14] =	ssyncset.done $0x0  }
0x110: {  	[sflag:s14] =	ssyncadd.s32 $0xFFFFFEC0  }
0x111: {  	_ =	swait.ge [sflag:s9], $0x140  }
0x112: {  	[sflag:s9] =	ssyncset.done $0x0  }
0x113: {  	[sflag:s9] =	ssyncadd.s32 $0xFFFFFEC0  }
0x114: {  	_ =	swait.ge [sflag:s19], $0x1400  }
0x115: {  	s12 =	sadd.s32 $0xFFFF3800, s10;
	[sflag:s19] =	ssyncset.done $0x0  }
0x116: {  	s13 =	sadd.s32 $0xCA80, s12;
	[sflag:s19] =	ssyncadd.s32 $0xFFFFEC00  }
0x117: {  	[tilespmem:s21], [sflag:$0x6] =	stream.indirect.gather [spmem:s4], $0x10, s30, s29, $0xb8;
	[tilespmem:$0x1B3B0] =	vst v63  }
0x118: {  	p1 =	slt.s32 s13, $0xC7EC0  }
0x119: {  	[spmem:s3] =	stream.indirect.scatter.add.f32 [tilespmem:s8], [sflag:$0x7], $0x10, s29, s29, $0xb8;
	[tilespmem:$0x1B3B0] =	vst v63  }
0x11a: {  	s13 =	simm.s32 @!p1 $0xC7EC0;
	_ =	swait.ge [sflag:s28], $0x1400  }
0x11b: {  	s13 =	sshrl.u32 s13, $0x3;
	[sflag:s28] =	ssyncset.done $0x0  }
0x11c: {  	s25 =	sadd.s32 s2, s13;
	[sflag:s28] =	ssyncadd.s32 $0xFFFFEC00  }
0x11d: {  	[tilespmem:s5], [sflag:$0x1] =	stream.linear.gather [hbm4b:s25+s5], $0x140, $0x38;
	[tilespmem:$0x1B3B0] =	vst v63  }
0x11e: {  	s13 =	sadd.s32 s7, s13  }
0x11f: {  	[tilespmem:s29], [sflag:$0x2] =	stream.linear.gather [hbm4b:s13+s5], $0x140, $0x38;
	[tilespmem:$0x1B3B0] =	vst v63  }
0x120: {  	s6 =	sadd.s32 $0xCBC0, s12;
	_ =	swait.ge [sflag:s22], $0x1400  }
0x121: {  	p1 =	slt.s32 s6, $0xC7EC0;
	[sflag:s22] =	ssyncset.done $0x0  }
0x122: {  	s6 =	simm.s32 @!p1 $0xC7EC0;
	[sflag:s22] =	ssyncadd.s32 $0xFFFFEC00  }
0x123: {  	[spmem:s3] =	stream.indirect.scatter.add.f32 [tilespmem:s21], [sflag:$0x7], $0x10, s31, s29, $0xb8;
	[tilespmem:$0x1B3B0] =	vst v63  }
0x124: {  	s6 =	sshrl.u32 s6, $0x3;
	_ =	swait.ge [sflag:s28], $0x1400  }
0x125: {  	s25 =	sadd.s32 s2, s6;
	[sflag:s28] =	ssyncset.done $0x0  }
0x126: {  	s6 =	sadd.s32 s7, s6;
	s13 =	simm.s32 $0xFFFF3A80;
	[sflag:s28] =	ssyncadd.s32 $0xFFFFEC00  }
0x127: {  	[tilespmem:s30], [sflag:$0x3] =	stream.linear.gather [hbm4b:s25+s5], $0x140, $0x38;
	[tilespmem:$0x1B3B0] =	vst v63  }
.LBB2_3:
0x128: {  	p1 =	sne.s32 s13, $0xFFFFFD80;
	s25 =	smov.u32 s13;
	s13 =	sadd.s32 $0x280, s13  }
0x129: {  	[tilespmem:s31], [sflag:$0x4] =	stream.linear.gather [hbm4b:s6+s5], $0x140, $0x38;
	[tilespmem:$0x1B3B0] =	vst v63  }
0x12a: {  	_ =	swait.ge [sflag:s0], $0x140  }
0x12b: {  	[sflag:s0] =	ssyncset.done $0x0  }
0x12c: {  	[sflag:s0] =	ssyncadd.s32 $0xFFFFFEC0  }
0x12d: {  	_ =	swait.ge [sflag:s1], $0x140  }
0x12e: {  	[sflag:s1] =	ssyncset.done $0x0  }
0x12f: {  	[sflag:s1] =	ssyncadd.s32 $0xFFFFFEC0  }
0x130: {  	[tilespmem:s8], [sflag:$0x5] =	stream.indirect.gather [spmem:s4], $0x10, s5, s29, $0xb8;
	[tilespmem:$0x1B3B0] =	vst v63  }
0x131: {  	_ =	swait.ge [sflag:s14], $0x140  }
0x132: {  	[sflag:s14] =	ssyncset.done $0x0  }
0x133: {  	[sflag:s14] =	ssyncadd.s32 $0xFFFFFEC0  }
0x134: {  	_ =	swait.ge [sflag:s9], $0x140  }
0x135: {  	[sflag:s9] =	ssyncset.done $0x0  }
0x136: {  	[sflag:s9] =	ssyncadd.s32 $0xFFFFFEC0  }
0x137: {  	_ =	swait.ge [sflag:s19], $0x1400  }
0x138: {  	[sflag:s19] =	ssyncset.done $0x0  }
0x139: {  	s6 =	sadd.s32 s25, s10;
	[sflag:s19] =	ssyncadd.s32 $0xFFFFEC00  }
0x13a: {  	[tilespmem:s21], [sflag:$0x6] =	stream.indirect.gather [spmem:s4], $0x10, s30, s29, $0xb8;
	[tilespmem:$0x1B3B0] =	vst v63  }
0x13b: {  	s25 =	sadd.s32 $0xCA80, s6;
	s6 =	sadd.s32 $0xCBC0, s6  }
0x13c: {  	[spmem:s3] =	stream.indirect.scatter.add.f32 [tilespmem:s8], [sflag:$0x7], $0x10, s29, s29, $0xb8;
	[tilespmem:$0x1B3B0] =	vst v63  }
0x13d: {  	p2 =	slt.s32 s25, $0xC7EC0;
	p3 =	slt.s32 s6, $0xC7EC0;
	_ =	swait.ge [sflag:s28], $0x1400  }
0x13e: {  	s25 =	simm.s32 @!p2 $0xC7EC0;
	s6 =	simm.s32 @!p3 $0xC7EC0;
	[sflag:s28] =	ssyncset.done $0x0  }
0x13f: {  	s25 =	sshrl.u32 s25, $0x3;
	s6 =	sshrl.u32 s6, $0x3;
	[sflag:s28] =	ssyncadd.s32 $0xFFFFEC00  }
0x140: {  	s12 =	sadd.s32 s2, s25;
	s25 =	sadd.s32 s7, s25  }
0x141: {  	[tilespmem:s5], [sflag:$0x1] =	stream.linear.gather [hbm4b:s12+s5], $0x140, $0x38;
	[tilespmem:$0x1B3B0] =	vst v63  }
0x142: {  	_ = 	snop  }
0x143: {  	[tilespmem:s29], [sflag:$0x2] =	stream.linear.gather [hbm4b:s25+s5], $0x140, $0x38;
	[tilespmem:$0x1B3B0] =	vst v63  }
0x144: {  	_ =	swait.ge [sflag:s22], $0x1400  }
0x145: {  	[sflag:s22] =	ssyncset.done $0x0  }
0x146: {  	[sflag:s22] =	ssyncadd.s32 $0xFFFFEC00  }
0x147: {  	[spmem:s3] =	stream.indirect.scatter.add.f32 [tilespmem:s21], [sflag:$0x7], $0x10, s31, s29, $0xb8;
	[tilespmem:$0x1B3B0] =	vst v63  }
.Ltmp6:
0x148: {  	_ = 	snop;
	(pc) =	sbr.rel @p1 .LBB2_3-.Ltmp6, $4  }
0x149: {  	_ =	swait.ge [sflag:s28], $0x1400  }
0x14a: {  	s12 =	sadd.s32 s2, s6;
	[sflag:s28] =	ssyncset.done $0x0  }
0x14b: {  	s6 =	sadd.s32 s7, s6;
	[sflag:s28] =	ssyncadd.s32 $0xFFFFEC00  }
0x14c: {  	[tilespmem:s30], [sflag:$0x3] =	stream.linear.gather [hbm4b:s12+s5], $0x140, $0x38;
	[tilespmem:$0x1B3B0] =	vst v63  }
0x14d: {  	[tilespmem:s31], [sflag:$0x4] =	stream.linear.gather [hbm4b:s6+s5], $0x140, $0x38;
	[tilespmem:$0x1B3B0] =	vst v63  }
0x14e: {  	_ =	swait.ge [sflag:s0], $0x140  }
0x14f: {  	[sflag:s0] =	ssyncset.done $0x0  }
0x150: {  	[sflag:s0] =	ssyncadd.s32 $0xFFFFFEC0  }
0x151: {  	_ =	swait.ge [sflag:s1], $0x140  }
0x152: {  	[sflag:s1] =	ssyncset.done $0x0  }
0x153: {  	[sflag:s1] =	ssyncadd.s32 $0xFFFFFEC0  }
0x154: {  	_ =	swait.ge [sflag:s14], $0x140  }
0x155: {  	[sflag:s14] =	ssyncset.done $0x0  }
0x156: {  	[sflag:s14] =	ssyncadd.s32 $0xFFFFFEC0  }
0x157: {  	_ =	swait.ge [sflag:s9], $0x140  }
0x158: {  	[sflag:s9] =	ssyncset.done $0x0  }
0x159: {  	[sflag:s9] =	ssyncadd.s32 $0xFFFFFEC0  }
0x15a: {  	[bflag:$0x0] =	sbarrier.arrive $0xFFFF  }
0x15b: {  	s25 =	sshrl.u32 s20, $0x3;
	s12 =	rddreg [dreg:$0xc]  }
0x15c: {  	[hbm:s12], [sflag:s26] =	dma.local [spmem:s25], $0x186A  }
0x15d: {  	_ =	swait.ge [sflag:s28], $0x186A  }
0x15e: {  	[sflag:s28] =	ssyncset.done $0x0  }
0x15f: {  	[sflag:s28] =	ssyncadd.s32 $0xFFFFE796  }
0x160: {  	[bflag:$0x0] =	sbarrier.arrive $0xFFFF  }
0x161: {  	[spmem:s11], [sflag:s26] =	dma.local [hbm:s15], $0x186C  }
0x162: {  	_ =	swait.ge [sflag:s28], $0x186C  }
0x163: {  	[sflag:s28] =	ssyncset.done $0x0  }
0x164: {  	s11 =	rddreg [dreg:$0xd];
	[sflag:s28] =	ssyncadd.s32 $0xFFFFE794  }
0x165: {  	[spmem:s24], [sflag:s26] =	dma.local [hbm:s11], $0x186A  }
0x166: {  	_ =	swait.ge [sflag:s28], $0x186A  }
0x167: {  	[sflag:s28] =	ssyncset.done $0x0  }
0x168: {  	[sflag:s28] =	ssyncadd.s32 $0xFFFFE796  }
0x169: {  	[bflag:$0x0] =	sbarrier.arrive $0xFFFF  }
0x16a: {  	s12 =	rddreg [dreg:$0xb]  }
0x16b: {  	[tilespmem:s5], [sflag:$0x1] =	stream.linear.gather [hbm4b:s12+s5], $0x140, $0x38;
	[tilespmem:$0x1B3B0] =	vst v63  }
0x16c: {  	_ = 	snop  }
0x16d: {  	[tilespmem:s29], [sflag:$0x2] =	stream.linear.gather [hbm4b:s16+s5], $0x140, $0x38;
	[tilespmem:$0x1B3B0] =	vst v63  }
0x16e: {  	_ = 	snop  }
0x16f: {  	[tilespmem:s30], [sflag:$0x3] =	stream.linear.gather [hbm4b:s17+s5], $0x140, $0x38;
	[tilespmem:$0x1B3B0] =	vst v63  }
0x170: {  	_ = 	snop  }
0x171: {  	[tilespmem:s31], [sflag:$0x4] =	stream.linear.gather [hbm4b:s18+s5], $0x140, $0x38;
	[tilespmem:$0x1B3B0] =	vst v63  }
0x172: {  	_ =	swait.ge [sflag:s0], $0x140  }
0x173: {  	[sflag:s0] =	ssyncset.done $0x0  }
0x174: {  	[sflag:s0] =	ssyncadd.s32 $0xFFFFFEC0  }
0x175: {  	_ =	swait.ge [sflag:s1], $0x140  }
0x176: {  	[sflag:s1] =	ssyncset.done $0x0  }
0x177: {  	[sflag:s1] =	ssyncadd.s32 $0xFFFFFEC0  }
0x178: {  	[tilespmem:s8], [sflag:$0x5] =	stream.indirect.gather [spmem:s4], $0x10, s5, s29, $0xb8;
	[tilespmem:$0x1B3B0] =	vst v63  }
0x179: {  	_ =	swait.ge [sflag:s14], $0x140  }
0x17a: {  	[sflag:s14] =	ssyncset.done $0x0  }
0x17b: {  	[sflag:s14] =	ssyncadd.s32 $0xFFFFFEC0  }
0x17c: {  	_ =	swait.ge [sflag:s9], $0x140  }
0x17d: {  	[sflag:s9] =	ssyncset.done $0x0  }
0x17e: {  	[sflag:s9] =	ssyncadd.s32 $0xFFFFFEC0  }
0x17f: {  	_ =	swait.ge [sflag:s19], $0x1400  }
0x180: {  	s13 =	sadd.s32 $0xFFFF3800, s10;
	[sflag:s19] =	ssyncset.done $0x0  }
0x181: {  	s11 =	sadd.s32 $0xCA80, s13;
	[sflag:s19] =	ssyncadd.s32 $0xFFFFEC00  }
0x182: {  	[tilespmem:s21], [sflag:$0x6] =	stream.indirect.gather [spmem:s4], $0x10, s30, s29, $0xb8;
	[tilespmem:$0x1B3B0] =	vst v63  }
0x183: {  	p1 =	slt.s32 s11, $0xC7EC0  }
0x184: {  	[spmem:s3] =	stream.indirect.scatter.add.f32 [tilespmem:s8], [sflag:$0x7], $0x10, s29, s29, $0xb8;
	[tilespmem:$0x1B3B0] =	vst v63  }
0x185: {  	s11 =	simm.s32 @!p1 $0xC7EC0;
	_ =	swait.ge [sflag:s28], $0x1400  }
0x186: {  	s11 =	sshrl.u32 s11, $0x3;
	[sflag:s28] =	ssyncset.done $0x0  }
0x187: {  	s25 =	smov.u32 s15;
	s15 =	sadd.s32 s2, s11;
	[sflag:s28] =	ssyncadd.s32 $0xFFFFEC00  }
0x188: {  	[tilespmem:s5], [sflag:$0x1] =	stream.linear.gather [hbm4b:s15+s5], $0x140, $0x38;
	[tilespmem:$0x1B3B0] =	vst v63  }
0x189: {  	s11 =	sadd.s32 s7, s11  }
0x18a: {  	[tilespmem:s29], [sflag:$0x2] =	stream.linear.gather [hbm4b:s11+s5], $0x140, $0x38;
	[tilespmem:$0x1B3B0] =	vst v63  }
0x18b: {  	s6 =	sadd.s32 $0xCBC0, s13;
	_ =	swait.ge [sflag:s22], $0x1400  }
0x18c: {  	p1 =	slt.s32 s6, $0xC7EC0;
	[sflag:s22] =	ssyncset.done $0x0  }
0x18d: {  	s6 =	simm.s32 @!p1 $0xC7EC0;
	[sflag:s22] =	ssyncadd.s32 $0xFFFFEC00  }
0x18e: {  	[spmem:s3] =	stream.indirect.scatter.add.f32 [tilespmem:s21], [sflag:$0x7], $0x10, s31, s29, $0xb8;
	[tilespmem:$0x1B3B0] =	vst v63  }
0x18f: {  	s6 =	sshrl.u32 s6, $0x3;
	_ =	swait.ge [sflag:s28], $0x1400  }
0x190: {  	s24 =	sadd.s32 s2, s6;
	[sflag:s28] =	ssyncset.done $0x0  }
0x191: {  	s6 =	sadd.s32 s7, s6;
	s11 =	simm.s32 $0xFFFF3A80;
	[sflag:s28] =	ssyncadd.s32 $0xFFFFEC00  }
0x192: {  	[tilespmem:s30], [sflag:$0x3] =	stream.linear.gather [hbm4b:s24+s5], $0x140, $0x38;
	[tilespmem:$0x1B3B0] =	vst v63  }
.LBB2_5:
0x193: {  	p1 =	seq.s32 s11, $0xFFFFFD80;
	s12 =	smov.u32 s11;
	s11 =	sadd.s32 $0x280, s11  }
0x194: {  	[tilespmem:s31], [sflag:$0x4] =	stream.linear.gather [hbm4b:s6+s5], $0x140, $0x38;
	[tilespmem:$0x1B3B0] =	vst v63  }
0x195: {  	_ =	swait.ge [sflag:s0], $0x140  }
0x196: {  	[sflag:s0] =	ssyncset.done $0x0  }
0x197: {  	[sflag:s0] =	ssyncadd.s32 $0xFFFFFEC0  }
0x198: {  	_ =	swait.ge [sflag:s1], $0x140  }
0x199: {  	[sflag:s1] =	ssyncset.done $0x0  }
0x19a: {  	[sflag:s1] =	ssyncadd.s32 $0xFFFFFEC0  }
0x19b: {  	[tilespmem:s8], [sflag:$0x5] =	stream.indirect.gather [spmem:s4], $0x10, s5, s29, $0xb8;
	[tilespmem:$0x1B3B0] =	vst v63  }
0x19c: {  	_ =	swait.ge [sflag:s14], $0x140  }
0x19d: {  	[sflag:s14] =	ssyncset.done $0x0  }
0x19e: {  	[sflag:s14] =	ssyncadd.s32 $0xFFFFFEC0  }
0x19f: {  	_ =	swait.ge [sflag:s9], $0x140  }
0x1a0: {  	[sflag:s9] =	ssyncset.done $0x0  }
0x1a1: {  	[sflag:s9] =	ssyncadd.s32 $0xFFFFFEC0  }
0x1a2: {  	_ =	swait.ge [sflag:s19], $0x1400  }
0x1a3: {  	[sflag:s19] =	ssyncset.done $0x0  }
0x1a4: {  	s6 =	sadd.s32 s12, s10;
	[sflag:s19] =	ssyncadd.s32 $0xFFFFEC00  }
0x1a5: {  	[tilespmem:s21], [sflag:$0x6] =	stream.indirect.gather [spmem:s4], $0x10, s30, s29, $0xb8;
	[tilespmem:$0x1B3B0] =	vst v63  }
0x1a6: {  	s12 =	sadd.s32 $0xCA80, s6;
	s6 =	sadd.s32 $0xCBC0, s6  }
0x1a7: {  	[spmem:s3] =	stream.indirect.scatter.add.f32 [tilespmem:s8], [sflag:$0x7], $0x10, s29, s29, $0xb8;
	[tilespmem:$0x1B3B0] =	vst v63  }
0x1a8: {  	p2 =	slt.s32 s12, $0xC7EC0;
	p3 =	slt.s32 s6, $0xC7EC0;
	_ =	swait.ge [sflag:s28], $0x1400  }
0x1a9: {  	s12 =	simm.s32 @!p2 $0xC7EC0;
	s6 =	simm.s32 @!p3 $0xC7EC0;
	[sflag:s28] =	ssyncset.done $0x0  }
0x1aa: {  	s12 =	sshrl.u32 s12, $0x3;
	s6 =	sshrl.u32 s6, $0x3;
	[sflag:s28] =	ssyncadd.s32 $0xFFFFEC00  }
0x1ab: {  	s13 =	sadd.s32 s2, s12;
	s12 =	sadd.s32 s7, s12  }
0x1ac: {  	[tilespmem:s5], [sflag:$0x1] =	stream.linear.gather [hbm4b:s13+s5], $0x140, $0x38;
	[tilespmem:$0x1B3B0] =	vst v63  }
0x1ad: {  	_ = 	snop  }
0x1ae: {  	[tilespmem:s29], [sflag:$0x2] =	stream.linear.gather [hbm4b:s12+s5], $0x140, $0x38;
	[tilespmem:$0x1B3B0] =	vst v63  }
0x1af: {  	_ =	swait.ge [sflag:s22], $0x1400  }
0x1b0: {  	[sflag:s22] =	ssyncset.done $0x0  }
0x1b1: {  	[sflag:s22] =	ssyncadd.s32 $0xFFFFEC00  }
0x1b2: {  	[spmem:s3] =	stream.indirect.scatter.add.f32 [tilespmem:s21], [sflag:$0x7], $0x10, s31, s29, $0xb8;
	[tilespmem:$0x1B3B0] =	vst v63  }
.Ltmp7:
0x1b3: {  	_ = 	snop;
	(pc) =	sbr.rel @!p1 .LBB2_5-.Ltmp7, $4  }
0x1b4: {  	_ =	swait.ge [sflag:s28], $0x1400  }
0x1b5: {  	s12 =	sadd.s32 s2, s6;
	[sflag:s28] =	ssyncset.done $0x0  }
0x1b6: {  	s6 =	sadd.s32 s7, s6;
	[sflag:s28] =	ssyncadd.s32 $0xFFFFEC00  }
0x1b7: {  	[tilespmem:s30], [sflag:$0x3] =	stream.linear.gather [hbm4b:s12+s5], $0x140, $0x38;
	[tilespmem:$0x1B3B0] =	vst v63  }
.Ltmp8:
0x1b8: {  	(pc) =	sbr.rel .LBB2_12-.Ltmp8, $3  }
0x1b9: {  	_ =	sdelay $0x1  }
0x1ba: {  	[tilespmem:s31], [sflag:$0x4] =	stream.linear.gather [hbm4b:s6+s5], $0x140, $0x38;
	[tilespmem:$0x1B3B0] =	vst v63  }
0x1bb: {  	s11 =	rddreg [dreg:$0x6]  }
.LBB2_13:
0x1bc: {  	_ =	sfence.sel $0x180000  }
0x1bd: {  	[bflag:$0x0] =	sbarrier.arrive $0xFFFF  }
0x1be: {  	_ =	strace $0x90000047  }
0x1bf: {  	s0 =	stileid.u32;
	[bflag:$0x2] =	sbarrier.arrive $0xFFFF  }
0x1c0: {  	p0 =	sne.s32 s0, $0x0;
	s0 =	rddreg [dreg:$0x4]  }
0x1c1: {  	s0 =	sadd.s32 @!p0 $0x100000, s0  }
0x1c2: {  	[sflag:s0] =	ssyncadd.tile.s32 @!p0 $0x1;
	_ =	shalt  }
.Lfunc_end2:
_tile_overlayer_lowered:
.L_overlay_start_2:
0x1c3: {  	(tag) =	ssettag $0x2  }
0x1c4: {  	s0 =	rddreg [dreg:$0x0];
	s2 =	stileid.u32  }
0x1c5: {  	s1 =	rddreg [dreg:$0x1];
	p0 =	sne.s32 s2, $0x0  }
0x1c6: {  	s3 =	rddreg [dreg:$0x2];
	[bflag:$0x3] =	sbarrier.arrive $0xFFFF;
	s2 =	simm.s32 @!p0 $0x1C07  }
0x1c7: {  	[timem:s3], [sflag:s2] =	dma.local @!p0 [hbm:s0], s1  }
0x1c8: {  	s0 =	simm.s32 @!p0 $0x7  }
0x1c9: {  	_ =	swait.ge @!p0 [sflag:s0], s1  }
0x1ca: {  	s1 =	ssub.s32 @!p0 $0x0, s1;
	[sflag:s0] =	ssyncset.done @!p0 $0x0  }
0x1cb: {  	[sflag:s0] =	ssyncadd.s32 @!p0 s1  }
0x1cc: {  	[bflag:$0x3] =	sbarrier.arrive $0xFFFF  }
0x1cd: {  	_ =	shalt  }

</sc_bundles>
